<compile_context>
chip_gen: v7x
topology: tpu7x:2x2x1
jax: 0.10.2.dev20260603
libtpu: 0.0.44.dev20260713+nightly
codegen_flags: <defaults>
</compile_context>

<pallas_src>
import jax
import jax.numpy as jnp
from jax import lax
from jax.experimental import pallas as pl
from jax.experimental.pallas import tpu as pltpu
from jax.experimental.pallas import tpu_sc as plsc

VOCAB = 50257
SEQ_LEN = 2048
HIDDEN = 1024
BATCH = 4

NC = 2
NS = 16
LANES = 16
NW = NC * NS

TOKENS = BATCH * SEQ_LEN
POSW = SEQ_LEN // NW
CHUNK = 8
NBLK = POSW // CHUNK
VPR = HIDDEN // LANES
DEPTH = 2
NBUF = DEPTH * BATCH


def _body(ids_hbm, wte_hbm, wpe_hbm, out_hbm, idx_v, pa, pb, *rest):
    bufs = rest[:NBUF]
    isem, psem = rest[NBUF], rest[NBUF + 1]
    gsems = rest[NBUF + 2:2 * NBUF + 2]
    ssems = rest[2 * NBUF + 2:]
    posb = (pa, pb)

    wid = lax.axis_index("s") * NC + lax.axis_index("c")
    p0 = wid * POSW

    def g_src(p, b):
        return wte_hbm.at[idx_v.at[b, pl.ds(p * CHUNK, CHUNK)]]

    def out_dst(p, b):
        return out_hbm.at[pl.ds(b * SEQ_LEN + p0 + p * CHUNK, CHUNK)]

    def pos_src(p):
        return wpe_hbm.at[pl.ds(p0 + p * CHUNK, CHUNK)]

    for b in range(BATCH):
        pltpu.async_copy(ids_hbm.at[pl.ds(b * SEQ_LEN + p0, POSW)],
                         idx_v.at[b], isem)
    pltpu.async_copy(pos_src(0), pa, psem)
    for b in range(BATCH):
        pltpu.make_async_copy(ids_hbm.at[pl.ds(b * SEQ_LEN + p0, POSW)],
                              idx_v.at[b], isem).wait()
    for p in range(DEPTH):
        for b in range(BATCH):
            k = (p % DEPTH) * BATCH + b
            pltpu.async_copy(g_src(p, b), bufs[k], gsems[k])

    for p in range(NBLK):
        pos_v = posb[p % 2]
        pltpu.make_async_copy(pos_src(p), pos_v, psem).wait()
        if p < NBLK - 1:
            pltpu.async_copy(pos_src(p + 1), posb[(p + 1) % 2], psem)
        for b in range(BATCH):
            k = (p % DEPTH) * BATCH + b
            pltpu.make_async_copy(g_src(p, b), bufs[k], gsems[k]).wait()

            @plsc.parallel_loop(0, CHUNK * VPR, 1, unroll=2)
            def _add_v(v, k=k, pos_v=pos_v):
                r = v >> 6
                jcol = (v & (VPR - 1)) * LANES
                plsc.addupdate(bufs[k].at[r, pl.ds(jcol, LANES)],
                               pos_v[r, pl.ds(jcol, LANES)])

            pltpu.async_copy(bufs[k], out_dst(p, b), ssems[k])
        for b in range(BATCH):
            k = (p % DEPTH) * BATCH + b
            pltpu.make_async_copy(bufs[k], out_dst(p, b), ssems[k]).wait()
            if p < NBLK - DEPTH:
                pltpu.async_copy(g_src(p + DEPTH, b), bufs[k], gsems[k])


@jax.jit
def _embed(ids, wte, wpe):
    mesh = plsc.VectorSubcoreMesh(core_axis_name="c", subcore_axis_name="s")
    return pl.kernel(
        _body,
        out_type=jax.ShapeDtypeStruct((TOKENS, HIDDEN), jnp.float32),
        mesh=mesh,
        scratch_types=[
            pltpu.VMEM((BATCH, POSW), jnp.int32),
            pltpu.VMEM((CHUNK, HIDDEN), jnp.float32),
            pltpu.VMEM((CHUNK, HIDDEN), jnp.float32),
        ] + [pltpu.VMEM((CHUNK, HIDDEN), jnp.float32)] * NBUF
          + [pltpu.SemaphoreType.DMA] * (2 + 2 * NBUF),
    )(ids, wte, wpe)


def kernel(input_ids, token_embeddings, position_embeddings):
    ids = input_ids.reshape(-1).astype(jnp.int32)
    out = _embed(ids, token_embeddings, position_embeddings)
    return out.reshape(BATCH, SEQ_LEN, HIDDEN)

# --- scband reference (transcript-rebuilt; emitter-appended) ---
"""Pipeline reference for scband-gpt2-embeddings-27041114096451 (READ-ONLY COPY).

The authoritative reference and input builder live on the scoring server;
editing this copy changes nothing except your own understanding.
"""

import jax, jax.numpy as jnp
import numpy as np

VOCAB = 50257
SEQ_LEN = 2048
HIDDEN = 1024
BATCH = 4
INIT_RANGE = 0.02


def setup_inputs(seed: int = 0) -> dict:
    key = jax.random.key(seed)
    k_ids, k_wte, k_wpe = jax.random.split(key, 3)
    input_ids = jax.random.randint(k_ids, (BATCH, SEQ_LEN), 0, VOCAB, dtype=jnp.int64 if jax.config.jax_enable_x64 else jnp.int32)
    token_embeddings = jax.random.normal(k_wte, (VOCAB, HIDDEN), dtype=jnp.float32) * INIT_RANGE
    position_embeddings = jax.random.normal(k_wpe, (SEQ_LEN, HIDDEN), dtype=jnp.float32) * (INIT_RANGE / 2)
    return {"input_ids": input_ids, "token_embeddings": token_embeddings, "position_embeddings": position_embeddings}


def reference(input_ids, token_embeddings, position_embeddings):
    # Gpt2Embeddings.embed: gather token embeddings, add position embeddings.
    # Dropout with pdrop=0.0 (inference) is the identity.
    input_embeds = jnp.take(token_embeddings, input_ids, axis=0)  # [B, S, D]
    x = input_embeds + position_embeddings[None, :, :]            # broadcast over batch
    return x

if __name__ == "__main__":
    import jax
    _d = setup_inputs()
    print(jax.jit(kernel)(*tuple(_d.values())))

</pallas_src>

<mosaic_0001>
#map = affine_map<(d0, d1) -> (0)>
#map1 = affine_map<(d0, d1) -> (0, 0)>
module attributes {stable_mosaic.version = 14 : i64} {
  func.func @_body(%arg0: i32, %arg1: i32, %arg2: memref<8192xi32, #tpu.memory_space<hbm>>, %arg3: memref<50257x1024xf32, #tpu.memory_space<hbm>>, %arg4: memref<2048x1024xf32, #tpu.memory_space<hbm>>, %arg5: memref<8192x1024xf32, #tpu.memory_space<hbm>>, %arg6: memref<4x64xi32, #tpu.memory_space<vmem>>, %arg7: memref<8x1024xf32, #tpu.memory_space<vmem>>, %arg8: memref<8x1024xf32, #tpu.memory_space<vmem>>, %arg9: memref<8x1024xf32, #tpu.memory_space<vmem>>, %arg10: memref<8x1024xf32, #tpu.memory_space<vmem>>, %arg11: memref<8x1024xf32, #tpu.memory_space<vmem>>, %arg12: memref<8x1024xf32, #tpu.memory_space<vmem>>, %arg13: memref<8x1024xf32, #tpu.memory_space<vmem>>, %arg14: memref<8x1024xf32, #tpu.memory_space<vmem>>, %arg15: memref<8x1024xf32, #tpu.memory_space<vmem>>, %arg16: memref<8x1024xf32, #tpu.memory_space<vmem>>, %arg17: memref<!tpu.dma_semaphore, #tpu.memory_space<semaphore_mem>>, %arg18: memref<!tpu.dma_semaphore, #tpu.memory_space<semaphore_mem>>, %arg19: memref<!tpu.dma_semaphore, #tpu.memory_space<semaphore_mem>>, %arg20: memref<!tpu.dma_semaphore, #tpu.memory_space<semaphore_mem>>, %arg21: memref<!tpu.dma_semaphore, #tpu.memory_space<semaphore_mem>>, %arg22: memref<!tpu.dma_semaphore, #tpu.memory_space<semaphore_mem>>, %arg23: memref<!tpu.dma_semaphore, #tpu.memory_space<semaphore_mem>>, %arg24: memref<!tpu.dma_semaphore, #tpu.memory_space<semaphore_mem>>, %arg25: memref<!tpu.dma_semaphore, #tpu.memory_space<semaphore_mem>>, %arg26: memref<!tpu.dma_semaphore, #tpu.memory_space<semaphore_mem>>, %arg27: memref<!tpu.dma_semaphore, #tpu.memory_space<semaphore_mem>>, %arg28: memref<!tpu.dma_semaphore, #tpu.memory_space<semaphore_mem>>, %arg29: memref<!tpu.dma_semaphore, #tpu.memory_space<semaphore_mem>>, %arg30: memref<!tpu.dma_semaphore, #tpu.memory_space<semaphore_mem>>, %arg31: memref<!tpu.dma_semaphore, #tpu.memory_space<semaphore_mem>>, %arg32: memref<!tpu.dma_semaphore, #tpu.memory_space<semaphore_mem>>, %arg33: memref<!tpu.dma_semaphore, #tpu.memory_space<semaphore_mem>>, %arg34: memref<!tpu.dma_semaphore, #tpu.memory_space<semaphore_mem>>) attributes {dimension_semantics = [#tpu.dimension_semantics<core_parallel>, #tpu.dimension_semantics<subcore_parallel>], iteration_bounds = array<i64: 2, 16>, scalar_prefetch = 0 : i64, scratch_operands = 29 : i64, tpu.core_type = #tpu.core_type<sc_vector_subcore>, window_params = [{transform_indices = #map}, {transform_indices = #map1}, {transform_indices = #map1}, {transform_indices = #map1}]} {
    %mul3A = arith.constant 2 : i32
    %mul3A_0 = arith.muli %arg1, %mul3A : i32
    %add3A = arith.addi %mul3A_0, %arg0 : i32
    %mul3A_1 = arith.constant 64 : i32
    %mul3A_2 = arith.muli %add3A, %mul3A_1 : i32
    %add3A_3 = arith.constant 0 : i32
    %add3A_4 = arith.addi %add3A_3, %mul3A_2 : i32
    %dma_start3A = arith.constant 0 : i32
    %dma_start3A_5 = arith.constant 0 : i32
    %dma_start3A_6 = tpu.memref_slice %arg6[%dma_start3A, %dma_start3A_5] : memref<4x64xi32, #tpu.memory_space<vmem>> -> memref<1x64xi32, #tpu.memory_space<vmem>>
    %dma_start3A_7 = tpu.memref_squeeze %dma_start3A_6 : memref<1x64xi32, #tpu.memory_space<vmem>> -> memref<64xi32, #tpu.memory_space<vmem>>
    %dma_start3A_8 = tpu.memref_slice %arg2[%add3A_4] : memref<8192xi32, #tpu.memory_space<hbm>> -> memref<64xi32, #tpu.memory_space<hbm>>
    %dma_start3A_9 = arith.constant 0 : i32
    %dma_start3A_10 = tpu.memref_slice %arg6[%dma_start3A, %dma_start3A_9] : memref<4x64xi32, #tpu.memory_space<vmem>> -> memref<1x64xi32, #tpu.memory_space<vmem>>
    %dma_start3A_11 = tpu.memref_squeeze %dma_start3A_10 : memref<1x64xi32, #tpu.memory_space<vmem>> -> memref<64xi32, #tpu.memory_space<vmem>>
    %dma_start3A_12 = tpu.memref_slice %arg2[%add3A_4] : memref<8192xi32, #tpu.memory_space<hbm>> -> memref<64xi32, #tpu.memory_space<hbm>>
    tpu.enqueue_dma source(%dma_start3A_12 : memref<64xi32, #tpu.memory_space<hbm>>) target(%dma_start3A_11 : memref<64xi32, #tpu.memory_space<vmem>>) target_semaphore(%arg17 : memref<!tpu.dma_semaphore, #tpu.memory_space<semaphore_mem>>)
    %add3A_13 = arith.constant 2048 : i32
    %add3A_14 = arith.addi %add3A_13, %mul3A_2 : i32
    %dma_start3A_15 = arith.constant 1 : i32
    %dma_start3A_16 = arith.constant 0 : i32
    %dma_start3A_17 = tpu.memref_slice %arg6[%dma_start3A_15, %dma_start3A_16] : memref<4x64xi32, #tpu.memory_space<vmem>> -> memref<1x64xi32, #tpu.memory_space<vmem>>
    %dma_start3A_18 = tpu.memref_squeeze %dma_start3A_17 : memref<1x64xi32, #tpu.memory_space<vmem>> -> memref<64xi32, #tpu.memory_space<vmem>>
    %dma_start3A_19 = tpu.memref_slice %arg2[%add3A_14] : memref<8192xi32, #tpu.memory_space<hbm>> -> memref<64xi32, #tpu.memory_space<hbm>>
    %dma_start3A_20 = arith.constant 0 : i32
    %dma_start3A_21 = tpu.memref_slice %arg6[%dma_start3A_15, %dma_start3A_20] : memref<4x64xi32, #tpu.memory_space<vmem>> -> memref<1x64xi32, #tpu.memory_space<vmem>>
    %dma_start3A_22 = tpu.memref_squeeze %dma_start3A_21 : memref<1x64xi32, #tpu.memory_space<vmem>> -> memref<64xi32, #tpu.memory_space<vmem>>
    %dma_start3A_23 = tpu.memref_slice %arg2[%add3A_14] : memref<8192xi32, #tpu.memory_space<hbm>> -> memref<64xi32, #tpu.memory_space<hbm>>
    tpu.enqueue_dma source(%dma_start3A_23 : memref<64xi32, #tpu.memory_space<hbm>>) target(%dma_start3A_22 : memref<64xi32, #tpu.memory_space<vmem>>) target_semaphore(%arg17 : memref<!tpu.dma_semaphore, #tpu.memory_space<semaphore_mem>>)
    %add3A_24 = arith.constant 4096 : i32
    %add3A_25 = arith.addi %add3A_24, %mul3A_2 : i32
    %dma_start3A_26 = arith.constant 2 : i32
    %dma_start3A_27 = arith.constant 0 : i32
    %dma_start3A_28 = tpu.memref_slice %arg6[%dma_start3A_26, %dma_start3A_27] : memref<4x64xi32, #tpu.memory_space<vmem>> -> memref<1x64xi32, #tpu.memory_space<vmem>>
    %dma_start3A_29 = tpu.memref_squeeze %dma_start3A_28 : memref<1x64xi32, #tpu.memory_space<vmem>> -> memref<64xi32, #tpu.memory_space<vmem>>
    %dma_start3A_30 = tpu.memref_slice %arg2[%add3A_25] : memref<8192xi32, #tpu.memory_space<hbm>> -> memref<64xi32, #tpu.memory_space<hbm>>
    %dma_start3A_31 = arith.constant 0 : i32
    %dma_start3A_32 = tpu.memref_slice %arg6[%dma_start3A_26, %dma_start3A_31] : memref<4x64xi32, #tpu.memory_space<vmem>> -> memref<1x64xi32, #tpu.memory_space<vmem>>
    %dma_start3A_33 = tpu.memref_squeeze %dma_start3A_32 : memref<1x64xi32, #tpu.memory_space<vmem>> -> memref<64xi32, #tpu.memory_space<vmem>>
    %dma_start3A_34 = tpu.memref_slice %arg2[%add3A_25] : memref<8192xi32, #tpu.memory_space<hbm>> -> memref<64xi32, #tpu.memory_space<hbm>>
    tpu.enqueue_dma source(%dma_start3A_34 : memref<64xi32, #tpu.memory_space<hbm>>) target(%dma_start3A_33 : memref<64xi32, #tpu.memory_space<vmem>>) target_semaphore(%arg17 : memref<!tpu.dma_semaphore, #tpu.memory_space<semaphore_mem>>)
    %add3A_35 = arith.constant 6144 : i32
    %add3A_36 = arith.addi %add3A_35, %mul3A_2 : i32
    %dma_start3A_37 = arith.constant 3 : i32
    %dma_start3A_38 = arith.constant 0 : i32
    %dma_start3A_39 = tpu.memref_slice %arg6[%dma_start3A_37, %dma_start3A_38] : memref<4x64xi32, #tpu.memory_space<vmem>> -> memref<1x64xi32, #tpu.memory_space<vmem>>
    %dma_start3A_40 = tpu.memref_squeeze %dma_start3A_39 : memref<1x64xi32, #tpu.memory_space<vmem>> -> memref<64xi32, #tpu.memory_space<vmem>>
    %dma_start3A_41 = tpu.memref_slice %arg2[%add3A_36] : memref<8192xi32, #tpu.memory_space<hbm>> -> memref<64xi32, #tpu.memory_space<hbm>>
    %dma_start3A_42 = arith.constant 0 : i32
    %dma_start3A_43 = tpu.memref_slice %arg6[%dma_start3A_37, %dma_start3A_42] : memref<4x64xi32, #tpu.memory_space<vmem>> -> memref<1x64xi32, #tpu.memory_space<vmem>>
    %dma_start3A_44 = tpu.memref_squeeze %dma_start3A_43 : memref<1x64xi32, #tpu.memory_space<vmem>> -> memref<64xi32, #tpu.memory_space<vmem>>
    %dma_start3A_45 = tpu.memref_slice %arg2[%add3A_36] : memref<8192xi32, #tpu.memory_space<hbm>> -> memref<64xi32, #tpu.memory_space<hbm>>
    tpu.enqueue_dma source(%dma_start3A_45 : memref<64xi32, #tpu.memory_space<hbm>>) target(%dma_start3A_44 : memref<64xi32, #tpu.memory_space<vmem>>) target_semaphore(%arg17 : memref<!tpu.dma_semaphore, #tpu.memory_space<semaphore_mem>>)
    %add3A_46 = arith.constant 0 : i32
    %add3A_47 = arith.addi %mul3A_2, %add3A_46 : i32
    %dma_start3A_48 = arith.constant 0 : i32
    %dma_start3A_49 = tpu.memref_slice %arg4[%add3A_47, %dma_start3A_48] : memref<2048x1024xf32, #tpu.memory_space<hbm>> -> memref<8x1024xf32, #tpu.memory_space<hbm>>
    %dma_start3A_50 = arith.constant 0 : i32
    %dma_start3A_51 = tpu.memref_slice %arg4[%add3A_47, %dma_start3A_50] : memref<2048x1024xf32, #tpu.memory_space<hbm>> -> memref<8x1024xf32, #tpu.memory_space<hbm>>
    tpu.enqueue_dma source(%dma_start3A_51 : memref<8x1024xf32, #tpu.memory_space<hbm>>) target(%arg7 : memref<8x1024xf32, #tpu.memory_space<vmem>>) target_semaphore(%arg18 : memref<!tpu.dma_semaphore, #tpu.memory_space<semaphore_mem>>)
    %add3A_52 = arith.constant 0 : i32
    %add3A_53 = arith.addi %add3A_52, %mul3A_2 : i32
    %dma_wait3A = arith.constant 0 : i32
    %dma_wait3A_54 = arith.constant 0 : i32
    %dma_wait3A_55 = tpu.memref_slice %arg6[%dma_wait3A, %dma_wait3A_54] : memref<4x64xi32, #tpu.memory_space<vmem>> -> memref<1x64xi32, #tpu.memory_space<vmem>>
    %dma_wait3A_56 = tpu.memref_squeeze %dma_wait3A_55 : memref<1x64xi32, #tpu.memory_space<vmem>> -> memref<64xi32, #tpu.memory_space<vmem>>
    %dma_wait3A_57 = tpu.memref_slice %arg2[%add3A_53] : memref<8192xi32, #tpu.memory_space<hbm>> -> memref<64xi32, #tpu.memory_space<hbm>>
    %dma_wait3A_58 = arith.constant 0 : i32
    %dma_wait3A_59 = tpu.memref_slice %arg6[%dma_wait3A, %dma_wait3A_58] : memref<4x64xi32, #tpu.memory_space<vmem>> -> memref<1x64xi32, #tpu.memory_space<vmem>>
    %dma_wait3A_60 = tpu.memref_squeeze %dma_wait3A_59 : memref<1x64xi32, #tpu.memory_space<vmem>> -> memref<64xi32, #tpu.memory_space<vmem>>
    %dma_wait3A_61 = tpu.memref_slice %arg2[%add3A_53] : memref<8192xi32, #tpu.memory_space<hbm>> -> memref<64xi32, #tpu.memory_space<hbm>>
    tpu.wait_dma2 semaphore(%arg17 : memref<!tpu.dma_semaphore, #tpu.memory_space<semaphore_mem>>) src(%dma_wait3A_61 : memref<64xi32, #tpu.memory_space<hbm>>) dst(%dma_wait3A_60 : memref<64xi32, #tpu.memory_space<vmem>>)
    %add3A_62 = arith.constant 2048 : i32
    %add3A_63 = arith.addi %add3A_62, %mul3A_2 : i32
    %dma_wait3A_64 = arith.constant 1 : i32
    %dma_wait3A_65 = arith.constant 0 : i32
    %dma_wait3A_66 = tpu.memref_slice %arg6[%dma_wait3A_64, %dma_wait3A_65] : memref<4x64xi32, #tpu.memory_space<vmem>> -> memref<1x64xi32, #tpu.memory_space<vmem>>
    %dma_wait3A_67 = tpu.memref_squeeze %dma_wait3A_66 : memref<1x64xi32, #tpu.memory_space<vmem>> -> memref<64xi32, #tpu.memory_space<vmem>>
    %dma_wait3A_68 = tpu.memref_slice %arg2[%add3A_63] : memref<8192xi32, #tpu.memory_space<hbm>> -> memref<64xi32, #tpu.memory_space<hbm>>
    %dma_wait3A_69 = arith.constant 0 : i32
    %dma_wait3A_70 = tpu.memref_slice %arg6[%dma_wait3A_64, %dma_wait3A_69] : memref<4x64xi32, #tpu.memory_space<vmem>> -> memref<1x64xi32, #tpu.memory_space<vmem>>
    %dma_wait3A_71 = tpu.memref_squeeze %dma_wait3A_70 : memref<1x64xi32, #tpu.memory_space<vmem>> -> memref<64xi32, #tpu.memory_space<vmem>>
    %dma_wait3A_72 = tpu.memref_slice %arg2[%add3A_63] : memref<8192xi32, #tpu.memory_space<hbm>> -> memref<64xi32, #tpu.memory_space<hbm>>
    tpu.wait_dma2 semaphore(%arg17 : memref<!tpu.dma_semaphore, #tpu.memory_space<semaphore_mem>>) src(%dma_wait3A_72 : memref<64xi32, #tpu.memory_space<hbm>>) dst(%dma_wait3A_71 : memref<64xi32, #tpu.memory_space<vmem>>)
    %add3A_73 = arith.constant 4096 : i32
    %add3A_74 = arith.addi %add3A_73, %mul3A_2 : i32
    %dma_wait3A_75 = arith.constant 2 : i32
    %dma_wait3A_76 = arith.constant 0 : i32
    %dma_wait3A_77 = tpu.memref_slice %arg6[%dma_wait3A_75, %dma_wait3A_76] : memref<4x64xi32, #tpu.memory_space<vmem>> -> memref<1x64xi32, #tpu.memory_space<vmem>>
    %dma_wait3A_78 = tpu.memref_squeeze %dma_wait3A_77 : memref<1x64xi32, #tpu.memory_space<vmem>> -> memref<64xi32, #tpu.memory_space<vmem>>
    %dma_wait3A_79 = tpu.memref_slice %arg2[%add3A_74] : memref<8192xi32, #tpu.memory_space<hbm>> -> memref<64xi32, #tpu.memory_space<hbm>>
    %dma_wait3A_80 = arith.constant 0 : i32
    %dma_wait3A_81 = tpu.memref_slice %arg6[%dma_wait3A_75, %dma_wait3A_80] : memref<4x64xi32, #tpu.memory_space<vmem>> -> memref<1x64xi32, #tpu.memory_space<vmem>>
    %dma_wait3A_82 = tpu.memref_squeeze %dma_wait3A_81 : memref<1x64xi32, #tpu.memory_space<vmem>> -> memref<64xi32, #tpu.memory_space<vmem>>
    %dma_wait3A_83 = tpu.memref_slice %arg2[%add3A_74] : memref<8192xi32, #tpu.memory_space<hbm>> -> memref<64xi32, #tpu.memory_space<hbm>>
    tpu.wait_dma2 semaphore(%arg17 : memref<!tpu.dma_semaphore, #tpu.memory_space<semaphore_mem>>) src(%dma_wait3A_83 : memref<64xi32, #tpu.memory_space<hbm>>) dst(%dma_wait3A_82 : memref<64xi32, #tpu.memory_space<vmem>>)
    %add3A_84 = arith.constant 6144 : i32
    %add3A_85 = arith.addi %add3A_84, %mul3A_2 : i32
    %dma_wait3A_86 = arith.constant 3 : i32
    %dma_wait3A_87 = arith.constant 0 : i32
    %dma_wait3A_88 = tpu.memref_slice %arg6[%dma_wait3A_86, %dma_wait3A_87] : memref<4x64xi32, #tpu.memory_space<vmem>> -> memref<1x64xi32, #tpu.memory_space<vmem>>
    %dma_wait3A_89 = tpu.memref_squeeze %dma_wait3A_88 : memref<1x64xi32, #tpu.memory_space<vmem>> -> memref<64xi32, #tpu.memory_space<vmem>>
    %dma_wait3A_90 = tpu.memref_slice %arg2[%add3A_85] : memref<8192xi32, #tpu.memory_space<hbm>> -> memref<64xi32, #tpu.memory_space<hbm>>
    %dma_wait3A_91 = arith.constant 0 : i32
    %dma_wait3A_92 = tpu.memref_slice %arg6[%dma_wait3A_86, %dma_wait3A_91] : memref<4x64xi32, #tpu.memory_space<vmem>> -> memref<1x64xi32, #tpu.memory_space<vmem>>
    %dma_wait3A_93 = tpu.memref_squeeze %dma_wait3A_92 : memref<1x64xi32, #tpu.memory_space<vmem>> -> memref<64xi32, #tpu.memory_space<vmem>>
    %dma_wait3A_94 = tpu.memref_slice %arg2[%add3A_85] : memref<8192xi32, #tpu.memory_space<hbm>> -> memref<64xi32, #tpu.memory_space<hbm>>
    tpu.wait_dma2 semaphore(%arg17 : memref<!tpu.dma_semaphore, #tpu.memory_space<semaphore_mem>>) src(%dma_wait3A_94 : memref<64xi32, #tpu.memory_space<hbm>>) dst(%dma_wait3A_93 : memref<64xi32, #tpu.memory_space<vmem>>)
    %dma_start3A_95 = arith.constant 0 : i32
    %dma_start3A_96 = arith.constant 0 : i32
    %dma_start3A_97 = tpu.memref_slice %arg6[%dma_start3A_95, %dma_start3A_96] : memref<4x64xi32, #tpu.memory_space<vmem>> -> memref<1x8xi32, #tpu.memory_space<vmem>>
    %dma_start3A_98 = tpu.memref_squeeze %dma_start3A_97 : memref<1x8xi32, #tpu.memory_space<vmem>> -> memref<8xi32, #tpu.memory_space<vmem>>
    %dma_start3A_99 = arith.constant 0 : i32
    %dma_start3A_100 = arith.constant 0 : i32
    %dma_start3A_101 = tpu.memref_slice %arg3[%dma_start3A_99, %dma_start3A_100] : memref<50257x1024xf32, #tpu.memory_space<hbm>> -> memref<50257x1024xf32, #tpu.memory_space<hbm>>
    tpu.enqueue_indirect_dma source(%dma_start3A_101 : memref<50257x1024xf32, #tpu.memory_space<hbm>>) target(%arg9 : memref<8x1024xf32, #tpu.memory_space<vmem>>) offsets(%dma_start3A_98 : memref<8xi32, #tpu.memory_space<vmem>>) semaphore(%arg19 : memref<!tpu.dma_semaphore, #tpu.memory_space<semaphore_mem>>)
    %dma_start3A_102 = arith.constant 1 : i32
    %dma_start3A_103 = arith.constant 0 : i32
    %dma_start3A_104 = tpu.memref_slice %arg6[%dma_start3A_102, %dma_start3A_103] : memref<4x64xi32, #tpu.memory_space<vmem>> -> memref<1x8xi32, #tpu.memory_space<vmem>>
    %dma_start3A_105 = tpu.memref_squeeze %dma_start3A_104 : memref<1x8xi32, #tpu.memory_space<vmem>> -> memref<8xi32, #tpu.memory_space<vmem>>
    %dma_start3A_106 = arith.constant 0 : i32
    %dma_start3A_107 = arith.constant 0 : i32
    %dma_start3A_108 = tpu.memref_slice %arg3[%dma_start3A_106, %dma_start3A_107] : memref<50257x1024xf32, #tpu.memory_space<hbm>> -> memref<50257x1024xf32, #tpu.memory_space<hbm>>
    tpu.enqueue_indirect_dma source(%dma_start3A_108 : memref<50257x1024xf32, #tpu.memory_space<hbm>>) target(%arg10 : memref<8x1024xf32, #tpu.memory_space<vmem>>) offsets(%dma_start3A_105 : memref<8xi32, #tpu.memory_space<vmem>>) semaphore(%arg20 : memref<!tpu.dma_semaphore, #tpu.memory_space<semaphore_mem>>)
    %dma_start3A_109 = arith.constant 2 : i32
    %dma_start3A_110 = arith.constant 0 : i32
    %dma_start3A_111 = tpu.memref_slice %arg6[%dma_start3A_109, %dma_start3A_110] : memref<4x64xi32, #tpu.memory_space<vmem>> -> memref<1x8xi32, #tpu.memory_space<vmem>>
    %dma_start3A_112 = tpu.memref_squeeze %dma_start3A_111 : memref<1x8xi32, #tpu.memory_space<vmem>> -> memref<8xi32, #tpu.memory_space<vmem>>
    %dma_start3A_113 = arith.constant 0 : i32
    %dma_start3A_114 = arith.constant 0 : i32
    %dma_start3A_115 = tpu.memref_slice %arg3[%dma_start3A_113, %dma_start3A_114] : memref<50257x1024xf32, #tpu.memory_space<hbm>> -> memref<50257x1024xf32, #tpu.memory_space<hbm>>
    tpu.enqueue_indirect_dma source(%dma_start3A_115 : memref<50257x1024xf32, #tpu.memory_space<hbm>>) target(%arg11 : memref<8x1024xf32, #tpu.memory_space<vmem>>) offsets(%dma_start3A_112 : memref<8xi32, #tpu.memory_space<vmem>>) semaphore(%arg21 : memref<!tpu.dma_semaphore, #tpu.memory_space<semaphore_mem>>)
    %dma_start3A_116 = arith.constant 3 : i32
    %dma_start3A_117 = arith.constant 0 : i32
    %dma_start3A_118 = tpu.memref_slice %arg6[%dma_start3A_116, %dma_start3A_117] : memref<4x64xi32, #tpu.memory_space<vmem>> -> memref<1x8xi32, #tpu.memory_space<vmem>>
    %dma_start3A_119 = tpu.memref_squeeze %dma_start3A_118 : memref<1x8xi32, #tpu.memory_space<vmem>> -> memref<8xi32, #tpu.memory_space<vmem>>
    %dma_start3A_120 = arith.constant 0 : i32
    %dma_start3A_121 = arith.constant 0 : i32
    %dma_start3A_122 = tpu.memref_slice %arg3[%dma_start3A_120, %dma_start3A_121] : memref<50257x1024xf32, #tpu.memory_space<hbm>> -> memref<50257x1024xf32, #tpu.memory_space<hbm>>
    tpu.enqueue_indirect_dma source(%dma_start3A_122 : memref<50257x1024xf32, #tpu.memory_space<hbm>>) target(%arg12 : memref<8x1024xf32, #tpu.memory_space<vmem>>) offsets(%dma_start3A_119 : memref<8xi32, #tpu.memory_space<vmem>>) semaphore(%arg22 : memref<!tpu.dma_semaphore, #tpu.memory_space<semaphore_mem>>)
    %dma_start3A_123 = arith.constant 0 : i32
    %dma_start3A_124 = arith.constant 8 : i32
    %dma_start3A_125 = tpu.memref_slice %arg6[%dma_start3A_123, %dma_start3A_124] : memref<4x64xi32, #tpu.memory_space<vmem>> -> memref<1x8xi32, #tpu.memory_space<vmem>>
    %dma_start3A_126 = tpu.memref_squeeze %dma_start3A_125 : memref<1x8xi32, #tpu.memory_space<vmem>> -> memref<8xi32, #tpu.memory_space<vmem>>
    %dma_start3A_127 = arith.constant 0 : i32
    %dma_start3A_128 = arith.constant 0 : i32
    %dma_start3A_129 = tpu.memref_slice %arg3[%dma_start3A_127, %dma_start3A_128] : memref<50257x1024xf32, #tpu.memory_space<hbm>> -> memref<50257x1024xf32, #tpu.memory_space<hbm>>
    tpu.enqueue_indirect_dma source(%dma_start3A_129 : memref<50257x1024xf32, #tpu.memory_space<hbm>>) target(%arg13 : memref<8x1024xf32, #tpu.memory_space<vmem>>) offsets(%dma_start3A_126 : memref<8xi32, #tpu.memory_space<vmem>>) semaphore(%arg23 : memref<!tpu.dma_semaphore, #tpu.memory_space<semaphore_mem>>)
    %dma_start3A_130 = arith.constant 1 : i32
    %dma_start3A_131 = arith.constant 8 : i32
    %dma_start3A_132 = tpu.memref_slice %arg6[%dma_start3A_130, %dma_start3A_131] : memref<4x64xi32, #tpu.memory_space<vmem>> -> memref<1x8xi32, #tpu.memory_space<vmem>>
    %dma_start3A_133 = tpu.memref_squeeze %dma_start3A_132 : memref<1x8xi32, #tpu.memory_space<vmem>> -> memref<8xi32, #tpu.memory_space<vmem>>
    %dma_start3A_134 = arith.constant 0 : i32
    %dma_start3A_135 = arith.constant 0 : i32
    %dma_start3A_136 = tpu.memref_slice %arg3[%dma_start3A_134, %dma_start3A_135] : memref<50257x1024xf32, #tpu.memory_space<hbm>> -> memref<50257x1024xf32, #tpu.memory_space<hbm>>
    tpu.enqueue_indirect_dma source(%dma_start3A_136 : memref<50257x1024xf32, #tpu.memory_space<hbm>>) target(%arg14 : memref<8x1024xf32, #tpu.memory_space<vmem>>) offsets(%dma_start3A_133 : memref<8xi32, #tpu.memory_space<vmem>>) semaphore(%arg24 : memref<!tpu.dma_semaphore, #tpu.memory_space<semaphore_mem>>)
    %dma_start3A_137 = arith.constant 2 : i32
    %dma_start3A_138 = arith.constant 8 : i32
    %dma_start3A_139 = tpu.memref_slice %arg6[%dma_start3A_137, %dma_start3A_138] : memref<4x64xi32, #tpu.memory_space<vmem>> -> memref<1x8xi32, #tpu.memory_space<vmem>>
    %dma_start3A_140 = tpu.memref_squeeze %dma_start3A_139 : memref<1x8xi32, #tpu.memory_space<vmem>> -> memref<8xi32, #tpu.memory_space<vmem>>
    %dma_start3A_141 = arith.constant 0 : i32
    %dma_start3A_142 = arith.constant 0 : i32
    %dma_start3A_143 = tpu.memref_slice %arg3[%dma_start3A_141, %dma_start3A_142] : memref<50257x1024xf32, #tpu.memory_space<hbm>> -> memref<50257x1024xf32, #tpu.memory_space<hbm>>
    tpu.enqueue_indirect_dma source(%dma_start3A_143 : memref<50257x1024xf32, #tpu.memory_space<hbm>>) target(%arg15 : memref<8x1024xf32, #tpu.memory_space<vmem>>) offsets(%dma_start3A_140 : memref<8xi32, #tpu.memory_space<vmem>>) semaphore(%arg25 : memref<!tpu.dma_semaphore, #tpu.memory_space<semaphore_mem>>)
    %dma_start3A_144 = arith.constant 3 : i32
    %dma_start3A_145 = arith.constant 8 : i32
    %dma_start3A_146 = tpu.memref_slice %arg6[%dma_start3A_144, %dma_start3A_145] : memref<4x64xi32, #tpu.memory_space<vmem>> -> memref<1x8xi32, #tpu.memory_space<vmem>>
    %dma_start3A_147 = tpu.memref_squeeze %dma_start3A_146 : memref<1x8xi32, #tpu.memory_space<vmem>> -> memref<8xi32, #tpu.memory_space<vmem>>
    %dma_start3A_148 = arith.constant 0 : i32
    %dma_start3A_149 = arith.constant 0 : i32
    %dma_start3A_150 = tpu.memref_slice %arg3[%dma_start3A_148, %dma_start3A_149] : memref<50257x1024xf32, #tpu.memory_space<hbm>> -> memref<50257x1024xf32, #tpu.memory_space<hbm>>
    tpu.enqueue_indirect_dma source(%dma_start3A_150 : memref<50257x1024xf32, #tpu.memory_space<hbm>>) target(%arg16 : memref<8x1024xf32, #tpu.memory_space<vmem>>) offsets(%dma_start3A_147 : memref<8xi32, #tpu.memory_space<vmem>>) semaphore(%arg26 : memref<!tpu.dma_semaphore, #tpu.memory_space<semaphore_mem>>)
    %add3A_151 = arith.constant 0 : i32
    %add3A_152 = arith.addi %mul3A_2, %add3A_151 : i32
    %dma_wait3A_153 = arith.constant 0 : i32
    %dma_wait3A_154 = tpu.memref_slice %arg4[%add3A_152, %dma_wait3A_153] : memref<2048x1024xf32, #tpu.memory_space<hbm>> -> memref<8x1024xf32, #tpu.memory_space<hbm>>
    %dma_wait3A_155 = arith.constant 0 : i32
    %dma_wait3A_156 = tpu.memref_slice %arg4[%add3A_152, %dma_wait3A_155] : memref<2048x1024xf32, #tpu.memory_space<hbm>> -> memref<8x1024xf32, #tpu.memory_space<hbm>>
    tpu.wait_dma2 semaphore(%arg18 : memref<!tpu.dma_semaphore, #tpu.memory_space<semaphore_mem>>) src(%dma_wait3A_156 : memref<8x1024xf32, #tpu.memory_space<hbm>>) dst(%arg7 : memref<8x1024xf32, #tpu.memory_space<vmem>>)
    %add3A_157 = arith.constant 8 : i32
    %add3A_158 = arith.addi %mul3A_2, %add3A_157 : i32
    %dma_start3A_159 = arith.constant 0 : i32
    %dma_start3A_160 = tpu.memref_slice %arg4[%add3A_158, %dma_start3A_159] : memref<2048x1024xf32, #tpu.memory_space<hbm>> -> memref<8x1024xf32, #tpu.memory_space<hbm>>
    %dma_start3A_161 = arith.constant 0 : i32
    %dma_start3A_162 = tpu.memref_slice %arg4[%add3A_158, %dma_start3A_161] : memref<2048x1024xf32, #tpu.memory_space<hbm>> -> memref<8x1024xf32, #tpu.memory_space<hbm>>
    tpu.enqueue_dma source(%dma_start3A_162 : memref<8x1024xf32, #tpu.memory_space<hbm>>) target(%arg8 : memref<8x1024xf32, #tpu.memory_space<vmem>>) target_semaphore(%arg18 : memref<!tpu.dma_semaphore, #tpu.memory_space<semaphore_mem>>)
    %dma_wait3A_163 = arith.constant 0 : i32
    %dma_wait3A_164 = arith.constant 0 : i32
    %dma_wait3A_165 = tpu.memref_slice %arg6[%dma_wait3A_163, %dma_wait3A_164] : memref<4x64xi32, #tpu.memory_space<vmem>> -> memref<1x8xi32, #tpu.memory_space<vmem>>
    %dma_wait3A_166 = tpu.memref_squeeze %dma_wait3A_165 : memref<1x8xi32, #tpu.memory_space<vmem>> -> memref<8xi32, #tpu.memory_space<vmem>>
    %dma_wait3A_167 = arith.constant 0 : i32
    %dma_wait3A_168 = arith.constant 0 : i32
    %dma_wait3A_169 = tpu.memref_slice %arg3[%dma_wait3A_167, %dma_wait3A_168] : memref<50257x1024xf32, #tpu.memory_space<hbm>> -> memref<50257x1024xf32, #tpu.memory_space<hbm>>
    tpu.wait_indirect_dma semaphore(%arg19 : memref<!tpu.dma_semaphore, #tpu.memory_space<semaphore_mem>>) src(%dma_wait3A_169 : memref<50257x1024xf32, #tpu.memory_space<hbm>>) dst(%arg9 : memref<8x1024xf32, #tpu.memory_space<vmem>>)
    %parallel_loop3A = arith.constant 0 : i32
    %parallel_loop3A_170 = arith.constant 512 : i32
    %parallel_loop3A_171 = arith.constant 1 : i32
    scf.for %parallel_loop3A_1240 = %parallel_loop3A to %parallel_loop3A_170 step %parallel_loop3A_171  : i32 {
      %parallel_loop3A_1241 = arith.constant 6 : i32
      %parallel_loop3A_1242 = arith.shrsi %parallel_loop3A_1240, %parallel_loop3A_1241 : i32
      %parallel_loop3A_1243 = arith.constant 63 : i32
      %parallel_loop3A_1244 = arith.andi %parallel_loop3A_1240, %parallel_loop3A_1243 : i32
      %parallel_loop3A_1245 = arith.constant 16 : i32
      %parallel_loop3A_1246 = arith.muli %parallel_loop3A_1244, %parallel_loop3A_1245 : i32
      %parallel_loop3A_1247 = arith.index_cast %parallel_loop3A_1242 : i32 to index
      %parallel_loop3A_1248 = arith.index_cast %parallel_loop3A_1246 : i32 to index
      %parallel_loop3A_1249 = tpu.vector_load %arg7[%parallel_loop3A_1247, %parallel_loop3A_1248] {strides = array<i32>} : memref<8x1024xf32, #tpu.memory_space<vmem>>, vector<1x16xf32>,
      %parallel_loop3A_1250 = vector.shape_cast %parallel_loop3A_1249 : vector<1x16xf32> to vector<16xf32>
      %parallel_loop3A_1251 = arith.index_cast %parallel_loop3A_1242 : i32 to index
      %parallel_loop3A_1252 = arith.index_cast %parallel_loop3A_1246 : i32 to index
      %parallel_loop3A_1253 = tpu.vector_load %arg9[%parallel_loop3A_1251, %parallel_loop3A_1252] {strides = array<i32>} : memref<8x1024xf32, #tpu.memory_space<vmem>>, vector<1x16xf32>,
      %parallel_loop3A_1254 = vector.shape_cast %parallel_loop3A_1253 : vector<1x16xf32> to vector<16xf32>
      %parallel_loop3A_1255 = vector.shape_cast %parallel_loop3A_1250 : vector<16xf32> to vector<1x16xf32>
      tpu.vector_store %arg9[%parallel_loop3A_1251, %parallel_loop3A_1252], %parallel_loop3A_1255 {add = true, strides = array<i32>} : memref<8x1024xf32, #tpu.memory_space<vmem>>, vector<1x16xf32>,
    } {sc.loop_unroll_factor = 2 : i64, sc.parallel_access}
    %add3A_172 = arith.constant 0 : i32
    %add3A_173 = arith.addi %add3A_172, %mul3A_2 : i32
    %add3A_174 = arith.constant 0 : i32
    %add3A_175 = arith.addi %add3A_173, %add3A_174 : i32
    %dma_start3A_176 = arith.constant 0 : i32
    %dma_start3A_177 = tpu.memref_slice %arg5[%add3A_175, %dma_start3A_176] : memref<8192x1024xf32, #tpu.memory_space<hbm>> -> memref<8x1024xf32, #tpu.memory_space<hbm>>
    %dma_start3A_178 = arith.constant 0 : i32
    %dma_start3A_179 = tpu.memref_slice %arg5[%add3A_175, %dma_start3A_178] : memref<8192x1024xf32, #tpu.memory_space<hbm>> -> memref<8x1024xf32, #tpu.memory_space<hbm>>
    tpu.enqueue_dma source(%arg9 : memref<8x1024xf32, #tpu.memory_space<vmem>>) target(%dma_start3A_179 : memref<8x1024xf32, #tpu.memory_space<hbm>>) target_semaphore(%arg27 : memref<!tpu.dma_semaphore, #tpu.memory_space<semaphore_mem>>)
    %dma_wait3A_180 = arith.constant 1 : i32
    %dma_wait3A_181 = arith.constant 0 : i32
    %dma_wait3A_182 = tpu.memref_slice %arg6[%dma_wait3A_180, %dma_wait3A_181] : memref<4x64xi32, #tpu.memory_space<vmem>> -> memref<1x8xi32, #tpu.memory_space<vmem>>
    %dma_wait3A_183 = tpu.memref_squeeze %dma_wait3A_182 : memref<1x8xi32, #tpu.memory_space<vmem>> -> memref<8xi32, #tpu.memory_space<vmem>>
    %dma_wait3A_184 = arith.constant 0 : i32
    %dma_wait3A_185 = arith.constant 0 : i32
    %dma_wait3A_186 = tpu.memref_slice %arg3[%dma_wait3A_184, %dma_wait3A_185] : memref<50257x1024xf32, #tpu.memory_space<hbm>> -> memref<50257x1024xf32, #tpu.memory_space<hbm>>
    tpu.wait_indirect_dma semaphore(%arg20 : memref<!tpu.dma_semaphore, #tpu.memory_space<semaphore_mem>>) src(%dma_wait3A_186 : memref<50257x1024xf32, #tpu.memory_space<hbm>>) dst(%arg10 : memref<8x1024xf32, #tpu.memory_space<vmem>>)
    %parallel_loop3A_187 = arith.constant 0 : i32
    %parallel_loop3A_188 = arith.constant 512 : i32
    %parallel_loop3A_189 = arith.constant 1 : i32
    scf.for %parallel_loop3A_1240 = %parallel_loop3A_187 to %parallel_loop3A_188 step %parallel_loop3A_189  : i32 {
      %parallel_loop3A_1241 = arith.constant 6 : i32
      %parallel_loop3A_1242 = arith.shrsi %parallel_loop3A_1240, %parallel_loop3A_1241 : i32
      %parallel_loop3A_1243 = arith.constant 63 : i32
      %parallel_loop3A_1244 = arith.andi %parallel_loop3A_1240, %parallel_loop3A_1243 : i32
      %parallel_loop3A_1245 = arith.constant 16 : i32
      %parallel_loop3A_1246 = arith.muli %parallel_loop3A_1244, %parallel_loop3A_1245 : i32
      %parallel_loop3A_1247 = arith.index_cast %parallel_loop3A_1242 : i32 to index
      %parallel_loop3A_1248 = arith.index_cast %parallel_loop3A_1246 : i32 to index
      %parallel_loop3A_1249 = tpu.vector_load %arg7[%parallel_loop3A_1247, %parallel_loop3A_1248] {strides = array<i32>} : memref<8x1024xf32, #tpu.memory_space<vmem>>, vector<1x16xf32>,
      %parallel_loop3A_1250 = vector.shape_cast %parallel_loop3A_1249 : vector<1x16xf32> to vector<16xf32>
      %parallel_loop3A_1251 = arith.index_cast %parallel_loop3A_1242 : i32 to index
      %parallel_loop3A_1252 = arith.index_cast %parallel_loop3A_1246 : i32 to index
      %parallel_loop3A_1253 = tpu.vector_load %arg10[%parallel_loop3A_1251, %parallel_loop3A_1252] {strides = array<i32>} : memref<8x1024xf32, #tpu.memory_space<vmem>>, vector<1x16xf32>,
      %parallel_loop3A_1254 = vector.shape_cast %parallel_loop3A_1253 : vector<1x16xf32> to vector<16xf32>
      %parallel_loop3A_1255 = vector.shape_cast %parallel_loop3A_1250 : vector<16xf32> to vector<1x16xf32>
      tpu.vector_store %arg10[%parallel_loop3A_1251, %parallel_loop3A_1252], %parallel_loop3A_1255 {add = true, strides = array<i32>} : memref<8x1024xf32, #tpu.memory_space<vmem>>, vector<1x16xf32>,
    } {sc.loop_unroll_factor = 2 : i64, sc.parallel_access}
    %add3A_190 = arith.constant 2048 : i32
    %add3A_191 = arith.addi %add3A_190, %mul3A_2 : i32
    %add3A_192 = arith.constant 0 : i32
    %add3A_193 = arith.addi %add3A_191, %add3A_192 : i32
    %dma_start3A_194 = arith.constant 0 : i32
    %dma_start3A_195 = tpu.memref_slice %arg5[%add3A_193, %dma_start3A_194] : memref<8192x1024xf32, #tpu.memory_space<hbm>> -> memref<8x1024xf32, #tpu.memory_space<hbm>>
    %dma_start3A_196 = arith.constant 0 : i32
    %dma_start3A_197 = tpu.memref_slice %arg5[%add3A_193, %dma_start3A_196] : memref<8192x1024xf32, #tpu.memory_space<hbm>> -> memref<8x1024xf32, #tpu.memory_space<hbm>>
    tpu.enqueue_dma source(%arg10 : memref<8x1024xf32, #tpu.memory_space<vmem>>) target(%dma_start3A_197 : memref<8x1024xf32, #tpu.memory_space<hbm>>) target_semaphore(%arg28 : memref<!tpu.dma_semaphore, #tpu.memory_space<semaphore_mem>>)
    %dma_wait3A_198 = arith.constant 2 : i32
    %dma_wait3A_199 = arith.constant 0 : i32
    %dma_wait3A_200 = tpu.memref_slice %arg6[%dma_wait3A_198, %dma_wait3A_199] : memref<4x64xi32, #tpu.memory_space<vmem>> -> memref<1x8xi32, #tpu.memory_space<vmem>>
    %dma_wait3A_201 = tpu.memref_squeeze %dma_wait3A_200 : memref<1x8xi32, #tpu.memory_space<vmem>> -> memref<8xi32, #tpu.memory_space<vmem>>
    %dma_wait3A_202 = arith.constant 0 : i32
    %dma_wait3A_203 = arith.constant 0 : i32
    %dma_wait3A_204 = tpu.memref_slice %arg3[%dma_wait3A_202, %dma_wait3A_203] : memref<50257x1024xf32, #tpu.memory_space<hbm>> -> memref<50257x1024xf32, #tpu.memory_space<hbm>>
    tpu.wait_indirect_dma semaphore(%arg21 : memref<!tpu.dma_semaphore, #tpu.memory_space<semaphore_mem>>) src(%dma_wait3A_204 : memref<50257x1024xf32, #tpu.memory_space<hbm>>) dst(%arg11 : memref<8x1024xf32, #tpu.memory_space<vmem>>)
    %parallel_loop3A_205 = arith.constant 0 : i32
    %parallel_loop3A_206 = arith.constant 512 : i32
    %parallel_loop3A_207 = arith.constant 1 : i32
    scf.for %parallel_loop3A_1240 = %parallel_loop3A_205 to %parallel_loop3A_206 step %parallel_loop3A_207  : i32 {
      %parallel_loop3A_1241 = arith.constant 6 : i32
      %parallel_loop3A_1242 = arith.shrsi %parallel_loop3A_1240, %parallel_loop3A_1241 : i32
      %parallel_loop3A_1243 = arith.constant 63 : i32
      %parallel_loop3A_1244 = arith.andi %parallel_loop3A_1240, %parallel_loop3A_1243 : i32
      %parallel_loop3A_1245 = arith.constant 16 : i32
      %parallel_loop3A_1246 = arith.muli %parallel_loop3A_1244, %parallel_loop3A_1245 : i32
      %parallel_loop3A_1247 = arith.index_cast %parallel_loop3A_1242 : i32 to index
      %parallel_loop3A_1248 = arith.index_cast %parallel_loop3A_1246 : i32 to index
      %parallel_loop3A_1249 = tpu.vector_load %arg7[%parallel_loop3A_1247, %parallel_loop3A_1248] {strides = array<i32>} : memref<8x1024xf32, #tpu.memory_space<vmem>>, vector<1x16xf32>,
      %parallel_loop3A_1250 = vector.shape_cast %parallel_loop3A_1249 : vector<1x16xf32> to vector<16xf32>
      %parallel_loop3A_1251 = arith.index_cast %parallel_loop3A_1242 : i32 to index
      %parallel_loop3A_1252 = arith.index_cast %parallel_loop3A_1246 : i32 to index
      %parallel_loop3A_1253 = tpu.vector_load %arg11[%parallel_loop3A_1251, %parallel_loop3A_1252] {strides = array<i32>} : memref<8x1024xf32, #tpu.memory_space<vmem>>, vector<1x16xf32>,
      %parallel_loop3A_1254 = vector.shape_cast %parallel_loop3A_1253 : vector<1x16xf32> to vector<16xf32>
      %parallel_loop3A_1255 = vector.shape_cast %parallel_loop3A_1250 : vector<16xf32> to vector<1x16xf32>
      tpu.vector_store %arg11[%parallel_loop3A_1251, %parallel_loop3A_1252], %parallel_loop3A_1255 {add = true, strides = array<i32>} : memref<8x1024xf32, #tpu.memory_space<vmem>>, vector<1x16xf32>,
    } {sc.loop_unroll_factor = 2 : i64, sc.parallel_access}
    %add3A_208 = arith.constant 4096 : i32
    %add3A_209 = arith.addi %add3A_208, %mul3A_2 : i32
    %add3A_210 = arith.constant 0 : i32
    %add3A_211 = arith.addi %add3A_209, %add3A_210 : i32
    %dma_start3A_212 = arith.constant 0 : i32
    %dma_start3A_213 = tpu.memref_slice %arg5[%add3A_211, %dma_start3A_212] : memref<8192x1024xf32, #tpu.memory_space<hbm>> -> memref<8x1024xf32, #tpu.memory_space<hbm>>
    %dma_start3A_214 = arith.constant 0 : i32
    %dma_start3A_215 = tpu.memref_slice %arg5[%add3A_211, %dma_start3A_214] : memref<8192x1024xf32, #tpu.memory_space<hbm>> -> memref<8x1024xf32, #tpu.memory_space<hbm>>
    tpu.enqueue_dma source(%arg11 : memref<8x1024xf32, #tpu.memory_space<vmem>>) target(%dma_start3A_215 : memref<8x1024xf32, #tpu.memory_space<hbm>>) target_semaphore(%arg29 : memref<!tpu.dma_semaphore, #tpu.memory_space<semaphore_mem>>)
    %dma_wait3A_216 = arith.constant 3 : i32
    %dma_wait3A_217 = arith.constant 0 : i32
    %dma_wait3A_218 = tpu.memref_slice %arg6[%dma_wait3A_216, %dma_wait3A_217] : memref<4x64xi32, #tpu.memory_space<vmem>> -> memref<1x8xi32, #tpu.memory_space<vmem>>
    %dma_wait3A_219 = tpu.memref_squeeze %dma_wait3A_218 : memref<1x8xi32, #tpu.memory_space<vmem>> -> memref<8xi32, #tpu.memory_space<vmem>>
    %dma_wait3A_220 = arith.constant 0 : i32
    %dma_wait3A_221 = arith.constant 0 : i32
    %dma_wait3A_222 = tpu.memref_slice %arg3[%dma_wait3A_220, %dma_wait3A_221] : memref<50257x1024xf32, #tpu.memory_space<hbm>> -> memref<50257x1024xf32, #tpu.memory_space<hbm>>
    tpu.wait_indirect_dma semaphore(%arg22 : memref<!tpu.dma_semaphore, #tpu.memory_space<semaphore_mem>>) src(%dma_wait3A_222 : memref<50257x1024xf32, #tpu.memory_space<hbm>>) dst(%arg12 : memref<8x1024xf32, #tpu.memory_space<vmem>>)
    %parallel_loop3A_223 = arith.constant 0 : i32
    %parallel_loop3A_224 = arith.constant 512 : i32
    %parallel_loop3A_225 = arith.constant 1 : i32
    scf.for %parallel_loop3A_1240 = %parallel_loop3A_223 to %parallel_loop3A_224 step %parallel_loop3A_225  : i32 {
      %parallel_loop3A_1241 = arith.constant 6 : i32
      %parallel_loop3A_1242 = arith.shrsi %parallel_loop3A_1240, %parallel_loop3A_1241 : i32
      %parallel_loop3A_1243 = arith.constant 63 : i32
      %parallel_loop3A_1244 = arith.andi %parallel_loop3A_1240, %parallel_loop3A_1243 : i32
      %parallel_loop3A_1245 = arith.constant 16 : i32
      %parallel_loop3A_1246 = arith.muli %parallel_loop3A_1244, %parallel_loop3A_1245 : i32
      %parallel_loop3A_1247 = arith.index_cast %parallel_loop3A_1242 : i32 to index
      %parallel_loop3A_1248 = arith.index_cast %parallel_loop3A_1246 : i32 to index
      %parallel_loop3A_1249 = tpu.vector_load %arg7[%parallel_loop3A_1247, %parallel_loop3A_1248] {strides = array<i32>} : memref<8x1024xf32, #tpu.memory_space<vmem>>, vector<1x16xf32>,
      %parallel_loop3A_1250 = vector.shape_cast %parallel_loop3A_1249 : vector<1x16xf32> to vector<16xf32>
      %parallel_loop3A_1251 = arith.index_cast %parallel_loop3A_1242 : i32 to index
      %parallel_loop3A_1252 = arith.index_cast %parallel_loop3A_1246 : i32 to index
      %parallel_loop3A_1253 = tpu.vector_load %arg12[%parallel_loop3A_1251, %parallel_loop3A_1252] {strides = array<i32>} : memref<8x1024xf32, #tpu.memory_space<vmem>>, vector<1x16xf32>,
      %parallel_loop3A_1254 = vector.shape_cast %parallel_loop3A_1253 : vector<1x16xf32> to vector<16xf32>
      %parallel_loop3A_1255 = vector.shape_cast %parallel_loop3A_1250 : vector<16xf32> to vector<1x16xf32>
      tpu.vector_store %arg12[%parallel_loop3A_1251, %parallel_loop3A_1252], %parallel_loop3A_1255 {add = true, strides = array<i32>} : memref<8x1024xf32, #tpu.memory_space<vmem>>, vector<1x16xf32>,
    } {sc.loop_unroll_factor = 2 : i64, sc.parallel_access}
    %add3A_226 = arith.constant 6144 : i32
    %add3A_227 = arith.addi %add3A_226, %mul3A_2 : i32
    %add3A_228 = arith.constant 0 : i32
    %add3A_229 = arith.addi %add3A_227, %add3A_228 : i32
    %dma_start3A_230 = arith.constant 0 : i32
    %dma_start3A_231 = tpu.memref_slice %arg5[%add3A_229, %dma_start3A_230] : memref<8192x1024xf32, #tpu.memory_space<hbm>> -> memref<8x1024xf32, #tpu.memory_space<hbm>>
    %dma_start3A_232 = arith.constant 0 : i32
    %dma_start3A_233 = tpu.memref_slice %arg5[%add3A_229, %dma_start3A_232] : memref<8192x1024xf32, #tpu.memory_space<hbm>> -> memref<8x1024xf32, #tpu.memory_space<hbm>>
    tpu.enqueue_dma source(%arg12 : memref<8x1024xf32, #tpu.memory_space<vmem>>) target(%dma_start3A_233 : memref<8x1024xf32, #tpu.memory_space<hbm>>) target_semaphore(%arg30 : memref<!tpu.dma_semaphore, #tpu.memory_space<semaphore_mem>>)
    %add3A_234 = arith.constant 0 : i32
    %add3A_235 = arith.addi %add3A_234, %mul3A_2 : i32
    %add3A_236 = arith.constant 0 : i32
    %add3A_237 = arith.addi %add3A_235, %add3A_236 : i32
    %dma_wait3A_238 = arith.constant 0 : i32
    %dma_wait3A_239 = tpu.memref_slice %arg5[%add3A_237, %dma_wait3A_238] : memref<8192x1024xf32, #tpu.memory_space<hbm>> -> memref<8x1024xf32, #tpu.memory_space<hbm>>
    %dma_wait3A_240 = arith.constant 0 : i32
    %dma_wait3A_241 = tpu.memref_slice %arg5[%add3A_237, %dma_wait3A_240] : memref<8192x1024xf32, #tpu.memory_space<hbm>> -> memref<8x1024xf32, #tpu.memory_space<hbm>>
    tpu.wait_dma2 semaphore(%arg27 : memref<!tpu.dma_semaphore, #tpu.memory_space<semaphore_mem>>) src(%arg9 : memref<8x1024xf32, #tpu.memory_space<vmem>>) dst(%dma_wait3A_241 : memref<8x1024xf32, #tpu.memory_space<hbm>>)
    %dma_start3A_242 = arith.constant 0 : i32
    %dma_start3A_243 = arith.constant 16 : i32
    %dma_start3A_244 = tpu.memref_slice %arg6[%dma_start3A_242, %dma_start3A_243] : memref<4x64xi32, #tpu.memory_space<vmem>> -> memref<1x8xi32, #tpu.memory_space<vmem>>
    %dma_start3A_245 = tpu.memref_squeeze %dma_start3A_244 : memref<1x8xi32, #tpu.memory_space<vmem>> -> memref<8xi32, #tpu.memory_space<vmem>>
    %dma_start3A_246 = arith.constant 0 : i32
    %dma_start3A_247 = arith.constant 0 : i32
    %dma_start3A_248 = tpu.memref_slice %arg3[%dma_start3A_246, %dma_start3A_247] : memref<50257x1024xf32, #tpu.memory_space<hbm>> -> memref<50257x1024xf32, #tpu.memory_space<hbm>>
    tpu.enqueue_indirect_dma source(%dma_start3A_248 : memref<50257x1024xf32, #tpu.memory_space<hbm>>) target(%arg9 : memref<8x1024xf32, #tpu.memory_space<vmem>>) offsets(%dma_start3A_245 : memref<8xi32, #tpu.memory_space<vmem>>) semaphore(%arg19 : memref<!tpu.dma_semaphore, #tpu.memory_space<semaphore_mem>>)
    %add3A_249 = arith.constant 2048 : i32
    %add3A_250 = arith.addi %add3A_249, %mul3A_2 : i32
    %add3A_251 = arith.constant 0 : i32
    %add3A_252 = arith.addi %add3A_250, %add3A_251 : i32
    %dma_wait3A_253 = arith.constant 0 : i32
    %dma_wait3A_254 = tpu.memref_slice %arg5[%add3A_252, %dma_wait3A_253] : memref<8192x1024xf32, #tpu.memory_space<hbm>> -> memref<8x1024xf32, #tpu.memory_space<hbm>>
    %dma_wait3A_255 = arith.constant 0 : i32
    %dma_wait3A_256 = tpu.memref_slice %arg5[%add3A_252, %dma_wait3A_255] : memref<8192x1024xf32, #tpu.memory_space<hbm>> -> memref<8x1024xf32, #tpu.memory_space<hbm>>
    tpu.wait_dma2 semaphore(%arg28 : memref<!tpu.dma_semaphore, #tpu.memory_space<semaphore_mem>>) src(%arg10 : memref<8x1024xf32, #tpu.memory_space<vmem>>) dst(%dma_wait3A_256 : memref<8x1024xf32, #tpu.memory_space<hbm>>)
    %dma_start3A_257 = arith.constant 1 : i32
    %dma_start3A_258 = arith.constant 16 : i32
    %dma_start3A_259 = tpu.memref_slice %arg6[%dma_start3A_257, %dma_start3A_258] : memref<4x64xi32, #tpu.memory_space<vmem>> -> memref<1x8xi32, #tpu.memory_space<vmem>>
    %dma_start3A_260 = tpu.memref_squeeze %dma_start3A_259 : memref<1x8xi32, #tpu.memory_space<vmem>> -> memref<8xi32, #tpu.memory_space<vmem>>
    %dma_start3A_261 = arith.constant 0 : i32
    %dma_start3A_262 = arith.constant 0 : i32
    %dma_start3A_263 = tpu.memref_slice %arg3[%dma_start3A_261, %dma_start3A_262] : memref<50257x1024xf32, #tpu.memory_space<hbm>> -> memref<50257x1024xf32, #tpu.memory_space<hbm>>
    tpu.enqueue_indirect_dma source(%dma_start3A_263 : memref<50257x1024xf32, #tpu.memory_space<hbm>>) target(%arg10 : memref<8x1024xf32, #tpu.memory_space<vmem>>) offsets(%dma_start3A_260 : memref<8xi32, #tpu.memory_space<vmem>>) semaphore(%arg20 : memref<!tpu.dma_semaphore, #tpu.memory_space<semaphore_mem>>)
    %add3A_264 = arith.constant 4096 : i32
    %add3A_265 = arith.addi %add3A_264, %mul3A_2 : i32
    %add3A_266 = arith.constant 0 : i32
    %add3A_267 = arith.addi %add3A_265, %add3A_266 : i32
    %dma_wait3A_268 = arith.constant 0 : i32
    %dma_wait3A_269 = tpu.memref_slice %arg5[%add3A_267, %dma_wait3A_268] : memref<8192x1024xf32, #tpu.memory_space<hbm>> -> memref<8x1024xf32, #tpu.memory_space<hbm>>
    %dma_wait3A_270 = arith.constant 0 : i32
    %dma_wait3A_271 = tpu.memref_slice %arg5[%add3A_267, %dma_wait3A_270] : memref<8192x1024xf32, #tpu.memory_space<hbm>> -> memref<8x1024xf32, #tpu.memory_space<hbm>>
    tpu.wait_dma2 semaphore(%arg29 : memref<!tpu.dma_semaphore, #tpu.memory_space<semaphore_mem>>) src(%arg11 : memref<8x1024xf32, #tpu.memory_space<vmem>>) dst(%dma_wait3A_271 : memref<8x1024xf32, #tpu.memory_space<hbm>>)
    %dma_start3A_272 = arith.constant 2 : i32
    %dma_start3A_273 = arith.constant 16 : i32
    %dma_start3A_274 = tpu.memref_slice %arg6[%dma_start3A_272, %dma_start3A_273] : memref<4x64xi32, #tpu.memory_space<vmem>> -> memref<1x8xi32, #tpu.memory_space<vmem>>
    %dma_start3A_275 = tpu.memref_squeeze %dma_start3A_274 : memref<1x8xi32, #tpu.memory_space<vmem>> -> memref<8xi32, #tpu.memory_space<vmem>>
    %dma_start3A_276 = arith.constant 0 : i32
    %dma_start3A_277 = arith.constant 0 : i32
    %dma_start3A_278 = tpu.memref_slice %arg3[%dma_start3A_276, %dma_start3A_277] : memref<50257x1024xf32, #tpu.memory_space<hbm>> -> memref<50257x1024xf32, #tpu.memory_space<hbm>>
    tpu.enqueue_indirect_dma source(%dma_start3A_278 : memref<50257x1024xf32, #tpu.memory_space<hbm>>) target(%arg11 : memref<8x1024xf32, #tpu.memory_space<vmem>>) offsets(%dma_start3A_275 : memref<8xi32, #tpu.memory_space<vmem>>) semaphore(%arg21 : memref<!tpu.dma_semaphore, #tpu.memory_space<semaphore_mem>>)
    %add3A_279 = arith.constant 6144 : i32
    %add3A_280 = arith.addi %add3A_279, %mul3A_2 : i32
    %add3A_281 = arith.constant 0 : i32
    %add3A_282 = arith.addi %add3A_280, %add3A_281 : i32
    %dma_wait3A_283 = arith.constant 0 : i32
    %dma_wait3A_284 = tpu.memref_slice %arg5[%add3A_282, %dma_wait3A_283] : memref<8192x1024xf32, #tpu.memory_space<hbm>> -> memref<8x1024xf32, #tpu.memory_space<hbm>>
    %dma_wait3A_285 = arith.constant 0 : i32
    %dma_wait3A_286 = tpu.memref_slice %arg5[%add3A_282, %dma_wait3A_285] : memref<8192x1024xf32, #tpu.memory_space<hbm>> -> memref<8x1024xf32, #tpu.memory_space<hbm>>
    tpu.wait_dma2 semaphore(%arg30 : memref<!tpu.dma_semaphore, #tpu.memory_space<semaphore_mem>>) src(%arg12 : memref<8x1024xf32, #tpu.memory_space<vmem>>) dst(%dma_wait3A_286 : memref<8x1024xf32, #tpu.memory_space<hbm>>)
    %dma_start3A_287 = arith.constant 3 : i32
    %dma_start3A_288 = arith.constant 16 : i32
    %dma_start3A_289 = tpu.memref_slice %arg6[%dma_start3A_287, %dma_start3A_288] : memref<4x64xi32, #tpu.memory_space<vmem>> -> memref<1x8xi32, #tpu.memory_space<vmem>>
    %dma_start3A_290 = tpu.memref_squeeze %dma_start3A_289 : memref<1x8xi32, #tpu.memory_space<vmem>> -> memref<8xi32, #tpu.memory_space<vmem>>
    %dma_start3A_291 = arith.constant 0 : i32
    %dma_start3A_292 = arith.constant 0 : i32
    %dma_start3A_293 = tpu.memref_slice %arg3[%dma_start3A_291, %dma_start3A_292] : memref<50257x1024xf32, #tpu.memory_space<hbm>> -> memref<50257x1024xf32, #tpu.memory_space<hbm>>
    tpu.enqueue_indirect_dma source(%dma_start3A_293 : memref<50257x1024xf32, #tpu.memory_space<hbm>>) target(%arg12 : memref<8x1024xf32, #tpu.memory_space<vmem>>) offsets(%dma_start3A_290 : memref<8xi32, #tpu.memory_space<vmem>>) semaphore(%arg22 : memref<!tpu.dma_semaphore, #tpu.memory_space<semaphore_mem>>)
    %add3A_294 = arith.constant 8 : i32
    %add3A_295 = arith.addi %mul3A_2, %add3A_294 : i32
    %dma_wait3A_296 = arith.constant 0 : i32
    %dma_wait3A_297 = tpu.memref_slice %arg4[%add3A_295, %dma_wait3A_296] : memref<2048x1024xf32, #tpu.memory_space<hbm>> -> memref<8x1024xf32, #tpu.memory_space<hbm>>
    %dma_wait3A_298 = arith.constant 0 : i32
    %dma_wait3A_299 = tpu.memref_slice %arg4[%add3A_295, %dma_wait3A_298] : memref<2048x1024xf32, #tpu.memory_space<hbm>> -> memref<8x1024xf32, #tpu.memory_space<hbm>>
    tpu.wait_dma2 semaphore(%arg18 : memref<!tpu.dma_semaphore, #tpu.memory_space<semaphore_mem>>) src(%dma_wait3A_299 : memref<8x1024xf32, #tpu.memory_space<hbm>>) dst(%arg8 : memref<8x1024xf32, #tpu.memory_space<vmem>>)
    %add3A_300 = arith.constant 16 : i32
    %add3A_301 = arith.addi %mul3A_2, %add3A_300 : i32
    %dma_start3A_302 = arith.constant 0 : i32
    %dma_start3A_303 = tpu.memref_slice %arg4[%add3A_301, %dma_start3A_302] : memref<2048x1024xf32, #tpu.memory_space<hbm>> -> memref<8x1024xf32, #tpu.memory_space<hbm>>
    %dma_start3A_304 = arith.constant 0 : i32
    %dma_start3A_305 = tpu.memref_slice %arg4[%add3A_301, %dma_start3A_304] : memref<2048x1024xf32, #tpu.memory_space<hbm>> -> memref<8x1024xf32, #tpu.memory_space<hbm>>
    tpu.enqueue_dma source(%dma_start3A_305 : memref<8x1024xf32, #tpu.memory_space<hbm>>) target(%arg7 : memref<8x1024xf32, #tpu.memory_space<vmem>>) target_semaphore(%arg18 : memref<!tpu.dma_semaphore, #tpu.memory_space<semaphore_mem>>)
    %dma_wait3A_306 = arith.constant 0 : i32
    %dma_wait3A_307 = arith.constant 8 : i32
    %dma_wait3A_308 = tpu.memref_slice %arg6[%dma_wait3A_306, %dma_wait3A_307] : memref<4x64xi32, #tpu.memory_space<vmem>> -> memref<1x8xi32, #tpu.memory_space<vmem>>
    %dma_wait3A_309 = tpu.memref_squeeze %dma_wait3A_308 : memref<1x8xi32, #tpu.memory_space<vmem>> -> memref<8xi32, #tpu.memory_space<vmem>>
    %dma_wait3A_310 = arith.constant 0 : i32
    %dma_wait3A_311 = arith.constant 0 : i32
    %dma_wait3A_312 = tpu.memref_slice %arg3[%dma_wait3A_310, %dma_wait3A_311] : memref<50257x1024xf32, #tpu.memory_space<hbm>> -> memref<50257x1024xf32, #tpu.memory_space<hbm>>
    tpu.wait_indirect_dma semaphore(%arg23 : memref<!tpu.dma_semaphore, #tpu.memory_space<semaphore_mem>>) src(%dma_wait3A_312 : memref<50257x1024xf32, #tpu.memory_space<hbm>>) dst(%arg13 : memref<8x1024xf32, #tpu.memory_space<vmem>>)
    %parallel_loop3A_313 = arith.constant 0 : i32
    %parallel_loop3A_314 = arith.constant 512 : i32
    %parallel_loop3A_315 = arith.constant 1 : i32
    scf.for %parallel_loop3A_1240 = %parallel_loop3A_313 to %parallel_loop3A_314 step %parallel_loop3A_315  : i32 {
      %parallel_loop3A_1241 = arith.constant 6 : i32
      %parallel_loop3A_1242 = arith.shrsi %parallel_loop3A_1240, %parallel_loop3A_1241 : i32
      %parallel_loop3A_1243 = arith.constant 63 : i32
      %parallel_loop3A_1244 = arith.andi %parallel_loop3A_1240, %parallel_loop3A_1243 : i32
      %parallel_loop3A_1245 = arith.constant 16 : i32
      %parallel_loop3A_1246 = arith.muli %parallel_loop3A_1244, %parallel_loop3A_1245 : i32
      %parallel_loop3A_1247 = arith.index_cast %parallel_loop3A_1242 : i32 to index
      %parallel_loop3A_1248 = arith.index_cast %parallel_loop3A_1246 : i32 to index
      %parallel_loop3A_1249 = tpu.vector_load %arg8[%parallel_loop3A_1247, %parallel_loop3A_1248] {strides = array<i32>} : memref<8x1024xf32, #tpu.memory_space<vmem>>, vector<1x16xf32>,
      %parallel_loop3A_1250 = vector.shape_cast %parallel_loop3A_1249 : vector<1x16xf32> to vector<16xf32>
      %parallel_loop3A_1251 = arith.index_cast %parallel_loop3A_1242 : i32 to index
      %parallel_loop3A_1252 = arith.index_cast %parallel_loop3A_1246 : i32 to index
      %parallel_loop3A_1253 = tpu.vector_load %arg13[%parallel_loop3A_1251, %parallel_loop3A_1252] {strides = array<i32>} : memref<8x1024xf32, #tpu.memory_space<vmem>>, vector<1x16xf32>,
      %parallel_loop3A_1254 = vector.shape_cast %parallel_loop3A_1253 : vector<1x16xf32> to vector<16xf32>
      %parallel_loop3A_1255 = vector.shape_cast %parallel_loop3A_1250 : vector<16xf32> to vector<1x16xf32>
      tpu.vector_store %arg13[%parallel_loop3A_1251, %parallel_loop3A_1252], %parallel_loop3A_1255 {add = true, strides = array<i32>} : memref<8x1024xf32, #tpu.memory_space<vmem>>, vector<1x16xf32>,
    } {sc.loop_unroll_factor = 2 : i64, sc.parallel_access}
    %add3A_316 = arith.constant 0 : i32
    %add3A_317 = arith.addi %add3A_316, %mul3A_2 : i32
    %add3A_318 = arith.constant 8 : i32
    %add3A_319 = arith.addi %add3A_317, %add3A_318 : i32
    %dma_start3A_320 = arith.constant 0 : i32
    %dma_start3A_321 = tpu.memref_slice %arg5[%add3A_319, %dma_start3A_320] : memref<8192x1024xf32, #tpu.memory_space<hbm>> -> memref<8x1024xf32, #tpu.memory_space<hbm>>
    %dma_start3A_322 = arith.constant 0 : i32
    %dma_start3A_323 = tpu.memref_slice %arg5[%add3A_319, %dma_start3A_322] : memref<8192x1024xf32, #tpu.memory_space<hbm>> -> memref<8x1024xf32, #tpu.memory_space<hbm>>
    tpu.enqueue_dma source(%arg13 : memref<8x1024xf32, #tpu.memory_space<vmem>>) target(%dma_start3A_323 : memref<8x1024xf32, #tpu.memory_space<hbm>>) target_semaphore(%arg31 : memref<!tpu.dma_semaphore, #tpu.memory_space<semaphore_mem>>)
    %dma_wait3A_324 = arith.constant 1 : i32
    %dma_wait3A_325 = arith.constant 8 : i32
    %dma_wait3A_326 = tpu.memref_slice %arg6[%dma_wait3A_324, %dma_wait3A_325] : memref<4x64xi32, #tpu.memory_space<vmem>> -> memref<1x8xi32, #tpu.memory_space<vmem>>
    %dma_wait3A_327 = tpu.memref_squeeze %dma_wait3A_326 : memref<1x8xi32, #tpu.memory_space<vmem>> -> memref<8xi32, #tpu.memory_space<vmem>>
    %dma_wait3A_328 = arith.constant 0 : i32
    %dma_wait3A_329 = arith.constant 0 : i32
    %dma_wait3A_330 = tpu.memref_slice %arg3[%dma_wait3A_328, %dma_wait3A_329] : memref<50257x1024xf32, #tpu.memory_space<hbm>> -> memref<50257x1024xf32, #tpu.memory_space<hbm>>
    tpu.wait_indirect_dma semaphore(%arg24 : memref<!tpu.dma_semaphore, #tpu.memory_space<semaphore_mem>>) src(%dma_wait3A_330 : memref<50257x1024xf32, #tpu.memory_space<hbm>>) dst(%arg14 : memref<8x1024xf32, #tpu.memory_space<vmem>>)
    %parallel_loop3A_331 = arith.constant 0 : i32
    %parallel_loop3A_332 = arith.constant 512 : i32
    %parallel_loop3A_333 = arith.constant 1 : i32
    scf.for %parallel_loop3A_1240 = %parallel_loop3A_331 to %parallel_loop3A_332 step %parallel_loop3A_333  : i32 {
      %parallel_loop3A_1241 = arith.constant 6 : i32
      %parallel_loop3A_1242 = arith.shrsi %parallel_loop3A_1240, %parallel_loop3A_1241 : i32
      %parallel_loop3A_1243 = arith.constant 63 : i32
      %parallel_loop3A_1244 = arith.andi %parallel_loop3A_1240, %parallel_loop3A_1243 : i32
      %parallel_loop3A_1245 = arith.constant 16 : i32
      %parallel_loop3A_1246 = arith.muli %parallel_loop3A_1244, %parallel_loop3A_1245 : i32
      %parallel_loop3A_1247 = arith.index_cast %parallel_loop3A_1242 : i32 to index
      %parallel_loop3A_1248 = arith.index_cast %parallel_loop3A_1246 : i32 to index
      %parallel_loop3A_1249 = tpu.vector_load %arg8[%parallel_loop3A_1247, %parallel_loop3A_1248] {strides = array<i32>} : memref<8x1024xf32, #tpu.memory_space<vmem>>, vector<1x16xf32>,
      %parallel_loop3A_1250 = vector.shape_cast %parallel_loop3A_1249 : vector<1x16xf32> to vector<16xf32>
      %parallel_loop3A_1251 = arith.index_cast %parallel_loop3A_1242 : i32 to index
      %parallel_loop3A_1252 = arith.index_cast %parallel_loop3A_1246 : i32 to index
      %parallel_loop3A_1253 = tpu.vector_load %arg14[%parallel_loop3A_1251, %parallel_loop3A_1252] {strides = array<i32>} : memref<8x1024xf32, #tpu.memory_space<vmem>>, vector<1x16xf32>,
      %parallel_loop3A_1254 = vector.shape_cast %parallel_loop3A_1253 : vector<1x16xf32> to vector<16xf32>
      %parallel_loop3A_1255 = vector.shape_cast %parallel_loop3A_1250 : vector<16xf32> to vector<1x16xf32>
      tpu.vector_store %arg14[%parallel_loop3A_1251, %parallel_loop3A_1252], %parallel_loop3A_1255 {add = true, strides = array<i32>} : memref<8x1024xf32, #tpu.memory_space<vmem>>, vector<1x16xf32>,
    } {sc.loop_unroll_factor = 2 : i64, sc.parallel_access}
    %add3A_334 = arith.constant 2048 : i32
    %add3A_335 = arith.addi %add3A_334, %mul3A_2 : i32
    %add3A_336 = arith.constant 8 : i32
    %add3A_337 = arith.addi %add3A_335, %add3A_336 : i32
    %dma_start3A_338 = arith.constant 0 : i32
    %dma_start3A_339 = tpu.memref_slice %arg5[%add3A_337, %dma_start3A_338] : memref<8192x1024xf32, #tpu.memory_space<hbm>> -> memref<8x1024xf32, #tpu.memory_space<hbm>>
    %dma_start3A_340 = arith.constant 0 : i32
    %dma_start3A_341 = tpu.memref_slice %arg5[%add3A_337, %dma_start3A_340] : memref<8192x1024xf32, #tpu.memory_space<hbm>> -> memref<8x1024xf32, #tpu.memory_space<hbm>>
    tpu.enqueue_dma source(%arg14 : memref<8x1024xf32, #tpu.memory_space<vmem>>) target(%dma_start3A_341 : memref<8x1024xf32, #tpu.memory_space<hbm>>) target_semaphore(%arg32 : memref<!tpu.dma_semaphore, #tpu.memory_space<semaphore_mem>>)
    %dma_wait3A_342 = arith.constant 2 : i32
    %dma_wait3A_343 = arith.constant 8 : i32
    %dma_wait3A_344 = tpu.memref_slice %arg6[%dma_wait3A_342, %dma_wait3A_343] : memref<4x64xi32, #tpu.memory_space<vmem>> -> memref<1x8xi32, #tpu.memory_space<vmem>>
    %dma_wait3A_345 = tpu.memref_squeeze %dma_wait3A_344 : memref<1x8xi32, #tpu.memory_space<vmem>> -> memref<8xi32, #tpu.memory_space<vmem>>
    %dma_wait3A_346 = arith.constant 0 : i32
    %dma_wait3A_347 = arith.constant 0 : i32
    %dma_wait3A_348 = tpu.memref_slice %arg3[%dma_wait3A_346, %dma_wait3A_347] : memref<50257x1024xf32, #tpu.memory_space<hbm>> -> memref<50257x1024xf32, #tpu.memory_space<hbm>>
    tpu.wait_indirect_dma semaphore(%arg25 : memref<!tpu.dma_semaphore, #tpu.memory_space<semaphore_mem>>) src(%dma_wait3A_348 : memref<50257x1024xf32, #tpu.memory_space<hbm>>) dst(%arg15 : memref<8x1024xf32, #tpu.memory_space<vmem>>)
    %parallel_loop3A_349 = arith.constant 0 : i32
    %parallel_loop3A_350 = arith.constant 512 : i32
    %parallel_loop3A_351 = arith.constant 1 : i32
    scf.for %parallel_loop3A_1240 = %parallel_loop3A_349 to %parallel_loop3A_350 step %parallel_loop3A_351  : i32 {
      %parallel_loop3A_1241 = arith.constant 6 : i32
      %parallel_loop3A_1242 = arith.shrsi %parallel_loop3A_1240, %parallel_loop3A_1241 : i32
      %parallel_loop3A_1243 = arith.constant 63 : i32
      %parallel_loop3A_1244 = arith.andi %parallel_loop3A_1240, %parallel_loop3A_1243 : i32
      %parallel_loop3A_1245 = arith.constant 16 : i32
      %parallel_loop3A_1246 = arith.muli %parallel_loop3A_1244, %parallel_loop3A_1245 : i32
      %parallel_loop3A_1247 = arith.index_cast %parallel_loop3A_1242 : i32 to index
      %parallel_loop3A_1248 = arith.index_cast %parallel_loop3A_1246 : i32 to index
      %parallel_loop3A_1249 = tpu.vector_load %arg8[%parallel_loop3A_1247, %parallel_loop3A_1248] {strides = array<i32>} : memref<8x1024xf32, #tpu.memory_space<vmem>>, vector<1x16xf32>,
      %parallel_loop3A_1250 = vector.shape_cast %parallel_loop3A_1249 : vector<1x16xf32> to vector<16xf32>
      %parallel_loop3A_1251 = arith.index_cast %parallel_loop3A_1242 : i32 to index
      %parallel_loop3A_1252 = arith.index_cast %parallel_loop3A_1246 : i32 to index
      %parallel_loop3A_1253 = tpu.vector_load %arg15[%parallel_loop3A_1251, %parallel_loop3A_1252] {strides = array<i32>} : memref<8x1024xf32, #tpu.memory_space<vmem>>, vector<1x16xf32>,
      %parallel_loop3A_1254 = vector.shape_cast %parallel_loop3A_1253 : vector<1x16xf32> to vector<16xf32>
      %parallel_loop3A_1255 = vector.shape_cast %parallel_loop3A_1250 : vector<16xf32> to vector<1x16xf32>
      tpu.vector_store %arg15[%parallel_loop3A_1251, %parallel_loop3A_1252], %parallel_loop3A_1255 {add = true, strides = array<i32>} : memref<8x1024xf32, #tpu.memory_space<vmem>>, vector<1x16xf32>,
    } {sc.loop_unroll_factor = 2 : i64, sc.parallel_access}
    %add3A_352 = arith.constant 4096 : i32
    %add3A_353 = arith.addi %add3A_352, %mul3A_2 : i32
    %add3A_354 = arith.constant 8 : i32
    %add3A_355 = arith.addi %add3A_353, %add3A_354 : i32
    %dma_start3A_356 = arith.constant 0 : i32
    %dma_start3A_357 = tpu.memref_slice %arg5[%add3A_355, %dma_start3A_356] : memref<8192x1024xf32, #tpu.memory_space<hbm>> -> memref<8x1024xf32, #tpu.memory_space<hbm>>
    %dma_start3A_358 = arith.constant 0 : i32
    %dma_start3A_359 = tpu.memref_slice %arg5[%add3A_355, %dma_start3A_358] : memref<8192x1024xf32, #tpu.memory_space<hbm>> -> memref<8x1024xf32, #tpu.memory_space<hbm>>
    tpu.enqueue_dma source(%arg15 : memref<8x1024xf32, #tpu.memory_space<vmem>>) target(%dma_start3A_359 : memref<8x1024xf32, #tpu.memory_space<hbm>>) target_semaphore(%arg33 : memref<!tpu.dma_semaphore, #tpu.memory_space<semaphore_mem>>)
    %dma_wait3A_360 = arith.constant 3 : i32
    %dma_wait3A_361 = arith.constant 8 : i32
    %dma_wait3A_362 = tpu.memref_slice %arg6[%dma_wait3A_360, %dma_wait3A_361] : memref<4x64xi32, #tpu.memory_space<vmem>> -> memref<1x8xi32, #tpu.memory_space<vmem>>
    %dma_wait3A_363 = tpu.memref_squeeze %dma_wait3A_362 : memref<1x8xi32, #tpu.memory_space<vmem>> -> memref<8xi32, #tpu.memory_space<vmem>>
    %dma_wait3A_364 = arith.constant 0 : i32
    %dma_wait3A_365 = arith.constant 0 : i32
    %dma_wait3A_366 = tpu.memref_slice %arg3[%dma_wait3A_364, %dma_wait3A_365] : memref<50257x1024xf32, #tpu.memory_space<hbm>> -> memref<50257x1024xf32, #tpu.memory_space<hbm>>
    tpu.wait_indirect_dma semaphore(%arg26 : memref<!tpu.dma_semaphore, #tpu.memory_space<semaphore_mem>>) src(%dma_wait3A_366 : memref<50257x1024xf32, #tpu.memory_space<hbm>>) dst(%arg16 : memref<8x1024xf32, #tpu.memory_space<vmem>>)
    %parallel_loop3A_367 = arith.constant 0 : i32
    %parallel_loop3A_368 = arith.constant 512 : i32
    %parallel_loop3A_369 = arith.constant 1 : i32
    scf.for %parallel_loop3A_1240 = %parallel_loop3A_367 to %parallel_loop3A_368 step %parallel_loop3A_369  : i32 {
      %parallel_loop3A_1241 = arith.constant 6 : i32
      %parallel_loop3A_1242 = arith.shrsi %parallel_loop3A_1240, %parallel_loop3A_1241 : i32
      %parallel_loop3A_1243 = arith.constant 63 : i32
      %parallel_loop3A_1244 = arith.andi %parallel_loop3A_1240, %parallel_loop3A_1243 : i32
      %parallel_loop3A_1245 = arith.constant 16 : i32
      %parallel_loop3A_1246 = arith.muli %parallel_loop3A_1244, %parallel_loop3A_1245 : i32
      %parallel_loop3A_1247 = arith.index_cast %parallel_loop3A_1242 : i32 to index
      %parallel_loop3A_1248 = arith.index_cast %parallel_loop3A_1246 : i32 to index
      %parallel_loop3A_1249 = tpu.vector_load %arg8[%parallel_loop3A_1247, %parallel_loop3A_1248] {strides = array<i32>} : memref<8x1024xf32, #tpu.memory_space<vmem>>, vector<1x16xf32>,
      %parallel_loop3A_1250 = vector.shape_cast %parallel_loop3A_1249 : vector<1x16xf32> to vector<16xf32>
      %parallel_loop3A_1251 = arith.index_cast %parallel_loop3A_1242 : i32 to index
      %parallel_loop3A_1252 = arith.index_cast %parallel_loop3A_1246 : i32 to index
      %parallel_loop3A_1253 = tpu.vector_load %arg16[%parallel_loop3A_1251, %parallel_loop3A_1252] {strides = array<i32>} : memref<8x1024xf32, #tpu.memory_space<vmem>>, vector<1x16xf32>,
      %parallel_loop3A_1254 = vector.shape_cast %parallel_loop3A_1253 : vector<1x16xf32> to vector<16xf32>
      %parallel_loop3A_1255 = vector.shape_cast %parallel_loop3A_1250 : vector<16xf32> to vector<1x16xf32>
      tpu.vector_store %arg16[%parallel_loop3A_1251, %parallel_loop3A_1252], %parallel_loop3A_1255 {add = true, strides = array<i32>} : memref<8x1024xf32, #tpu.memory_space<vmem>>, vector<1x16xf32>,
    } {sc.loop_unroll_factor = 2 : i64, sc.parallel_access}
    %add3A_370 = arith.constant 6144 : i32
    %add3A_371 = arith.addi %add3A_370, %mul3A_2 : i32
    %add3A_372 = arith.constant 8 : i32
    %add3A_373 = arith.addi %add3A_371, %add3A_372 : i32
    %dma_start3A_374 = arith.constant 0 : i32
    %dma_start3A_375 = tpu.memref_slice %arg5[%add3A_373, %dma_start3A_374] : memref<8192x1024xf32, #tpu.memory_space<hbm>> -> memref<8x1024xf32, #tpu.memory_space<hbm>>
    %dma_start3A_376 = arith.constant 0 : i32
    %dma_start3A_377 = tpu.memref_slice %arg5[%add3A_373, %dma_start3A_376] : memref<8192x1024xf32, #tpu.memory_space<hbm>> -> memref<8x1024xf32, #tpu.memory_space<hbm>>
    tpu.enqueue_dma source(%arg16 : memref<8x1024xf32, #tpu.memory_space<vmem>>) target(%dma_start3A_377 : memref<8x1024xf32, #tpu.memory_space<hbm>>) target_semaphore(%arg34 : memref<!tpu.dma_semaphore, #tpu.memory_space<semaphore_mem>>)
    %add3A_378 = arith.constant 0 : i32
    %add3A_379 = arith.addi %add3A_378, %mul3A_2 : i32
    %add3A_380 = arith.constant 8 : i32
    %add3A_381 = arith.addi %add3A_379, %add3A_380 : i32
    %dma_wait3A_382 = arith.constant 0 : i32
    %dma_wait3A_383 = tpu.memref_slice %arg5[%add3A_381, %dma_wait3A_382] : memref<8192x1024xf32, #tpu.memory_space<hbm>> -> memref<8x1024xf32, #tpu.memory_space<hbm>>
    %dma_wait3A_384 = arith.constant 0 : i32
    %dma_wait3A_385 = tpu.memref_slice %arg5[%add3A_381, %dma_wait3A_384] : memref<8192x1024xf32, #tpu.memory_space<hbm>> -> memref<8x1024xf32, #tpu.memory_space<hbm>>
    tpu.wait_dma2 semaphore(%arg31 : memref<!tpu.dma_semaphore, #tpu.memory_space<semaphore_mem>>) src(%arg13 : memref<8x1024xf32, #tpu.memory_space<vmem>>) dst(%dma_wait3A_385 : memref<8x1024xf32, #tpu.memory_space<hbm>>)
    %dma_start3A_386 = arith.constant 0 : i32
    %dma_start3A_387 = arith.constant 24 : i32
    %dma_start3A_388 = tpu.memref_slice %arg6[%dma_start3A_386, %dma_start3A_387] : memref<4x64xi32, #tpu.memory_space<vmem>> -> memref<1x8xi32, #tpu.memory_space<vmem>>
    %dma_start3A_389 = tpu.memref_squeeze %dma_start3A_388 : memref<1x8xi32, #tpu.memory_space<vmem>> -> memref<8xi32, #tpu.memory_space<vmem>>
    %dma_start3A_390 = arith.constant 0 : i32
    %dma_start3A_391 = arith.constant 0 : i32
    %dma_start3A_392 = tpu.memref_slice %arg3[%dma_start3A_390, %dma_start3A_391] : memref<50257x1024xf32, #tpu.memory_space<hbm>> -> memref<50257x1024xf32, #tpu.memory_space<hbm>>
    tpu.enqueue_indirect_dma source(%dma_start3A_392 : memref<50257x1024xf32, #tpu.memory_space<hbm>>) target(%arg13 : memref<8x1024xf32, #tpu.memory_space<vmem>>) offsets(%dma_start3A_389 : memref<8xi32, #tpu.memory_space<vmem>>) semaphore(%arg23 : memref<!tpu.dma_semaphore, #tpu.memory_space<semaphore_mem>>)
    %add3A_393 = arith.constant 2048 : i32
    %add3A_394 = arith.addi %add3A_393, %mul3A_2 : i32
    %add3A_395 = arith.constant 8 : i32
    %add3A_396 = arith.addi %add3A_394, %add3A_395 : i32
    %dma_wait3A_397 = arith.constant 0 : i32
    %dma_wait3A_398 = tpu.memref_slice %arg5[%add3A_396, %dma_wait3A_397] : memref<8192x1024xf32, #tpu.memory_space<hbm>> -> memref<8x1024xf32, #tpu.memory_space<hbm>>
    %dma_wait3A_399 = arith.constant 0 : i32
    %dma_wait3A_400 = tpu.memref_slice %arg5[%add3A_396, %dma_wait3A_399] : memref<8192x1024xf32, #tpu.memory_space<hbm>> -> memref<8x1024xf32, #tpu.memory_space<hbm>>
    tpu.wait_dma2 semaphore(%arg32 : memref<!tpu.dma_semaphore, #tpu.memory_space<semaphore_mem>>) src(%arg14 : memref<8x1024xf32, #tpu.memory_space<vmem>>) dst(%dma_wait3A_400 : memref<8x1024xf32, #tpu.memory_space<hbm>>)
    %dma_start3A_401 = arith.constant 1 : i32
    %dma_start3A_402 = arith.constant 24 : i32
    %dma_start3A_403 = tpu.memref_slice %arg6[%dma_start3A_401, %dma_start3A_402] : memref<4x64xi32, #tpu.memory_space<vmem>> -> memref<1x8xi32, #tpu.memory_space<vmem>>
    %dma_start3A_404 = tpu.memref_squeeze %dma_start3A_403 : memref<1x8xi32, #tpu.memory_space<vmem>> -> memref<8xi32, #tpu.memory_space<vmem>>
    %dma_start3A_405 = arith.constant 0 : i32
    %dma_start3A_406 = arith.constant 0 : i32
    %dma_start3A_407 = tpu.memref_slice %arg3[%dma_start3A_405, %dma_start3A_406] : memref<50257x1024xf32, #tpu.memory_space<hbm>> -> memref<50257x1024xf32, #tpu.memory_space<hbm>>
    tpu.enqueue_indirect_dma source(%dma_start3A_407 : memref<50257x1024xf32, #tpu.memory_space<hbm>>) target(%arg14 : memref<8x1024xf32, #tpu.memory_space<vmem>>) offsets(%dma_start3A_404 : memref<8xi32, #tpu.memory_space<vmem>>) semaphore(%arg24 : memref<!tpu.dma_semaphore, #tpu.memory_space<semaphore_mem>>)
    %add3A_408 = arith.constant 4096 : i32
    %add3A_409 = arith.addi %add3A_408, %mul3A_2 : i32
    %add3A_410 = arith.constant 8 : i32
    %add3A_411 = arith.addi %add3A_409, %add3A_410 : i32
    %dma_wait3A_412 = arith.constant 0 : i32
    %dma_wait3A_413 = tpu.memref_slice %arg5[%add3A_411, %dma_wait3A_412] : memref<8192x1024xf32, #tpu.memory_space<hbm>> -> memref<8x1024xf32, #tpu.memory_space<hbm>>
    %dma_wait3A_414 = arith.constant 0 : i32
    %dma_wait3A_415 = tpu.memref_slice %arg5[%add3A_411, %dma_wait3A_414] : memref<8192x1024xf32, #tpu.memory_space<hbm>> -> memref<8x1024xf32, #tpu.memory_space<hbm>>
    tpu.wait_dma2 semaphore(%arg33 : memref<!tpu.dma_semaphore, #tpu.memory_space<semaphore_mem>>) src(%arg15 : memref<8x1024xf32, #tpu.memory_space<vmem>>) dst(%dma_wait3A_415 : memref<8x1024xf32, #tpu.memory_space<hbm>>)
    %dma_start3A_416 = arith.constant 2 : i32
    %dma_start3A_417 = arith.constant 24 : i32
    %dma_start3A_418 = tpu.memref_slice %arg6[%dma_start3A_416, %dma_start3A_417] : memref<4x64xi32, #tpu.memory_space<vmem>> -> memref<1x8xi32, #tpu.memory_space<vmem>>
    %dma_start3A_419 = tpu.memref_squeeze %dma_start3A_418 : memref<1x8xi32, #tpu.memory_space<vmem>> -> memref<8xi32, #tpu.memory_space<vmem>>
    %dma_start3A_420 = arith.constant 0 : i32
    %dma_start3A_421 = arith.constant 0 : i32
    %dma_start3A_422 = tpu.memref_slice %arg3[%dma_start3A_420, %dma_start3A_421] : memref<50257x1024xf32, #tpu.memory_space<hbm>> -> memref<50257x1024xf32, #tpu.memory_space<hbm>>
    tpu.enqueue_indirect_dma source(%dma_start3A_422 : memref<50257x1024xf32, #tpu.memory_space<hbm>>) target(%arg15 : memref<8x1024xf32, #tpu.memory_space<vmem>>) offsets(%dma_start3A_419 : memref<8xi32, #tpu.memory_space<vmem>>) semaphore(%arg25 : memref<!tpu.dma_semaphore, #tpu.memory_space<semaphore_mem>>)
    %add3A_423 = arith.constant 6144 : i32
    %add3A_424 = arith.addi %add3A_423, %mul3A_2 : i32
    %add3A_425 = arith.constant 8 : i32
    %add3A_426 = arith.addi %add3A_424, %add3A_425 : i32
    %dma_wait3A_427 = arith.constant 0 : i32
    %dma_wait3A_428 = tpu.memref_slice %arg5[%add3A_426, %dma_wait3A_427] : memref<8192x1024xf32, #tpu.memory_space<hbm>> -> memref<8x1024xf32, #tpu.memory_space<hbm>>
    %dma_wait3A_429 = arith.constant 0 : i32
    %dma_wait3A_430 = tpu.memref_slice %arg5[%add3A_426, %dma_wait3A_429] : memref<8192x1024xf32, #tpu.memory_space<hbm>> -> memref<8x1024xf32, #tpu.memory_space<hbm>>
    tpu.wait_dma2 semaphore(%arg34 : memref<!tpu.dma_semaphore, #tpu.memory_space<semaphore_mem>>) src(%arg16 : memref<8x1024xf32, #tpu.memory_space<vmem>>) dst(%dma_wait3A_430 : memref<8x1024xf32, #tpu.memory_space<hbm>>)
    %dma_start3A_431 = arith.constant 3 : i32
    %dma_start3A_432 = arith.constant 24 : i32
    %dma_start3A_433 = tpu.memref_slice %arg6[%dma_start3A_431, %dma_start3A_432] : memref<4x64xi32, #tpu.memory_space<vmem>> -> memref<1x8xi32, #tpu.memory_space<vmem>>
    %dma_start3A_434 = tpu.memref_squeeze %dma_start3A_433 : memref<1x8xi32, #tpu.memory_space<vmem>> -> memref<8xi32, #tpu.memory_space<vmem>>
    %dma_start3A_435 = arith.constant 0 : i32
    %dma_start3A_436 = arith.constant 0 : i32
    %dma_start3A_437 = tpu.memref_slice %arg3[%dma_start3A_435, %dma_start3A_436] : memref<50257x1024xf32, #tpu.memory_space<hbm>> -> memref<50257x1024xf32, #tpu.memory_space<hbm>>
    tpu.enqueue_indirect_dma source(%dma_start3A_437 : memref<50257x1024xf32, #tpu.memory_space<hbm>>) target(%arg16 : memref<8x1024xf32, #tpu.memory_space<vmem>>) offsets(%dma_start3A_434 : memref<8xi32, #tpu.memory_space<vmem>>) semaphore(%arg26 : memref<!tpu.dma_semaphore, #tpu.memory_space<semaphore_mem>>)
    %add3A_438 = arith.constant 16 : i32
    %add3A_439 = arith.addi %mul3A_2, %add3A_438 : i32
    %dma_wait3A_440 = arith.constant 0 : i32
    %dma_wait3A_441 = tpu.memref_slice %arg4[%add3A_439, %dma_wait3A_440] : memref<2048x1024xf32, #tpu.memory_space<hbm>> -> memref<8x1024xf32, #tpu.memory_space<hbm>>
    %dma_wait3A_442 = arith.constant 0 : i32
    %dma_wait3A_443 = tpu.memref_slice %arg4[%add3A_439, %dma_wait3A_442] : memref<2048x1024xf32, #tpu.memory_space<hbm>> -> memref<8x1024xf32, #tpu.memory_space<hbm>>
    tpu.wait_dma2 semaphore(%arg18 : memref<!tpu.dma_semaphore, #tpu.memory_space<semaphore_mem>>) src(%dma_wait3A_443 : memref<8x1024xf32, #tpu.memory_space<hbm>>) dst(%arg7 : memref<8x1024xf32, #tpu.memory_space<vmem>>)
    %add3A_444 = arith.constant 24 : i32
    %add3A_445 = arith.addi %mul3A_2, %add3A_444 : i32
    %dma_start3A_446 = arith.constant 0 : i32
    %dma_start3A_447 = tpu.memref_slice %arg4[%add3A_445, %dma_start3A_446] : memref<2048x1024xf32, #tpu.memory_space<hbm>> -> memref<8x1024xf32, #tpu.memory_space<hbm>>
    %dma_start3A_448 = arith.constant 0 : i32
    %dma_start3A_449 = tpu.memref_slice %arg4[%add3A_445, %dma_start3A_448] : memref<2048x1024xf32, #tpu.memory_space<hbm>> -> memref<8x1024xf32, #tpu.memory_space<hbm>>
    tpu.enqueue_dma source(%dma_start3A_449 : memref<8x1024xf32, #tpu.memory_space<hbm>>) target(%arg8 : memref<8x1024xf32, #tpu.memory_space<vmem>>) target_semaphore(%arg18 : memref<!tpu.dma_semaphore, #tpu.memory_space<semaphore_mem>>)
    %dma_wait3A_450 = arith.constant 0 : i32
    %dma_wait3A_451 = arith.constant 16 : i32
    %dma_wait3A_452 = tpu.memref_slice %arg6[%dma_wait3A_450, %dma_wait3A_451] : memref<4x64xi32, #tpu.memory_space<vmem>> -> memref<1x8xi32, #tpu.memory_space<vmem>>
    %dma_wait3A_453 = tpu.memref_squeeze %dma_wait3A_452 : memref<1x8xi32, #tpu.memory_space<vmem>> -> memref<8xi32, #tpu.memory_space<vmem>>
    %dma_wait3A_454 = arith.constant 0 : i32
    %dma_wait3A_455 = arith.constant 0 : i32
    %dma_wait3A_456 = tpu.memref_slice %arg3[%dma_wait3A_454, %dma_wait3A_455] : memref<50257x1024xf32, #tpu.memory_space<hbm>> -> memref<50257x1024xf32, #tpu.memory_space<hbm>>
    tpu.wait_indirect_dma semaphore(%arg19 : memref<!tpu.dma_semaphore, #tpu.memory_space<semaphore_mem>>) src(%dma_wait3A_456 : memref<50257x1024xf32, #tpu.memory_space<hbm>>) dst(%arg9 : memref<8x1024xf32, #tpu.memory_space<vmem>>)
    %parallel_loop3A_457 = arith.constant 0 : i32
    %parallel_loop3A_458 = arith.constant 512 : i32
    %parallel_loop3A_459 = arith.constant 1 : i32
    scf.for %parallel_loop3A_1240 = %parallel_loop3A_457 to %parallel_loop3A_458 step %parallel_loop3A_459  : i32 {
      %parallel_loop3A_1241 = arith.constant 6 : i32
      %parallel_loop3A_1242 = arith.shrsi %parallel_loop3A_1240, %parallel_loop3A_1241 : i32
      %parallel_loop3A_1243 = arith.constant 63 : i32
      %parallel_loop3A_1244 = arith.andi %parallel_loop3A_1240, %parallel_loop3A_1243 : i32
      %parallel_loop3A_1245 = arith.constant 16 : i32
      %parallel_loop3A_1246 = arith.muli %parallel_loop3A_1244, %parallel_loop3A_1245 : i32
      %parallel_loop3A_1247 = arith.index_cast %parallel_loop3A_1242 : i32 to index
      %parallel_loop3A_1248 = arith.index_cast %parallel_loop3A_1246 : i32 to index
      %parallel_loop3A_1249 = tpu.vector_load %arg7[%parallel_loop3A_1247, %parallel_loop3A_1248] {strides = array<i32>} : memref<8x1024xf32, #tpu.memory_space<vmem>>, vector<1x16xf32>,
      %parallel_loop3A_1250 = vector.shape_cast %parallel_loop3A_1249 : vector<1x16xf32> to vector<16xf32>
      %parallel_loop3A_1251 = arith.index_cast %parallel_loop3A_1242 : i32 to index
      %parallel_loop3A_1252 = arith.index_cast %parallel_loop3A_1246 : i32 to index
      %parallel_loop3A_1253 = tpu.vector_load %arg9[%parallel_loop3A_1251, %parallel_loop3A_1252] {strides = array<i32>} : memref<8x1024xf32, #tpu.memory_space<vmem>>, vector<1x16xf32>,
      %parallel_loop3A_1254 = vector.shape_cast %parallel_loop3A_1253 : vector<1x16xf32> to vector<16xf32>
      %parallel_loop3A_1255 = vector.shape_cast %parallel_loop3A_1250 : vector<16xf32> to vector<1x16xf32>
      tpu.vector_store %arg9[%parallel_loop3A_1251, %parallel_loop3A_1252], %parallel_loop3A_1255 {add = true, strides = array<i32>} : memref<8x1024xf32, #tpu.memory_space<vmem>>, vector<1x16xf32>,
    } {sc.loop_unroll_factor = 2 : i64, sc.parallel_access}
    %add3A_460 = arith.constant 0 : i32
    %add3A_461 = arith.addi %add3A_460, %mul3A_2 : i32
    %add3A_462 = arith.constant 16 : i32
    %add3A_463 = arith.addi %add3A_461, %add3A_462 : i32
    %dma_start3A_464 = arith.constant 0 : i32
    %dma_start3A_465 = tpu.memref_slice %arg5[%add3A_463, %dma_start3A_464] : memref<8192x1024xf32, #tpu.memory_space<hbm>> -> memref<8x1024xf32, #tpu.memory_space<hbm>>
    %dma_start3A_466 = arith.constant 0 : i32
    %dma_start3A_467 = tpu.memref_slice %arg5[%add3A_463, %dma_start3A_466] : memref<8192x1024xf32, #tpu.memory_space<hbm>> -> memref<8x1024xf32, #tpu.memory_space<hbm>>
    tpu.enqueue_dma source(%arg9 : memref<8x1024xf32, #tpu.memory_space<vmem>>) target(%dma_start3A_467 : memref<8x1024xf32, #tpu.memory_space<hbm>>) target_semaphore(%arg27 : memref<!tpu.dma_semaphore, #tpu.memory_space<semaphore_mem>>)
    %dma_wait3A_468 = arith.constant 1 : i32
    %dma_wait3A_469 = arith.constant 16 : i32
    %dma_wait3A_470 = tpu.memref_slice %arg6[%dma_wait3A_468, %dma_wait3A_469] : memref<4x64xi32, #tpu.memory_space<vmem>> -> memref<1x8xi32, #tpu.memory_space<vmem>>
    %dma_wait3A_471 = tpu.memref_squeeze %dma_wait3A_470 : memref<1x8xi32, #tpu.memory_space<vmem>> -> memref<8xi32, #tpu.memory_space<vmem>>
    %dma_wait3A_472 = arith.constant 0 : i32
    %dma_wait3A_473 = arith.constant 0 : i32
    %dma_wait3A_474 = tpu.memref_slice %arg3[%dma_wait3A_472, %dma_wait3A_473] : memref<50257x1024xf32, #tpu.memory_space<hbm>> -> memref<50257x1024xf32, #tpu.memory_space<hbm>>
    tpu.wait_indirect_dma semaphore(%arg20 : memref<!tpu.dma_semaphore, #tpu.memory_space<semaphore_mem>>) src(%dma_wait3A_474 : memref<50257x1024xf32, #tpu.memory_space<hbm>>) dst(%arg10 : memref<8x1024xf32, #tpu.memory_space<vmem>>)
    %parallel_loop3A_475 = arith.constant 0 : i32
    %parallel_loop3A_476 = arith.constant 512 : i32
    %parallel_loop3A_477 = arith.constant 1 : i32
    scf.for %parallel_loop3A_1240 = %parallel_loop3A_475 to %parallel_loop3A_476 step %parallel_loop3A_477  : i32 {
      %parallel_loop3A_1241 = arith.constant 6 : i32
      %parallel_loop3A_1242 = arith.shrsi %parallel_loop3A_1240, %parallel_loop3A_1241 : i32
      %parallel_loop3A_1243 = arith.constant 63 : i32
      %parallel_loop3A_1244 = arith.andi %parallel_loop3A_1240, %parallel_loop3A_1243 : i32
      %parallel_loop3A_1245 = arith.constant 16 : i32
      %parallel_loop3A_1246 = arith.muli %parallel_loop3A_1244, %parallel_loop3A_1245 : i32
      %parallel_loop3A_1247 = arith.index_cast %parallel_loop3A_1242 : i32 to index
      %parallel_loop3A_1248 = arith.index_cast %parallel_loop3A_1246 : i32 to index
      %parallel_loop3A_1249 = tpu.vector_load %arg7[%parallel_loop3A_1247, %parallel_loop3A_1248] {strides = array<i32>} : memref<8x1024xf32, #tpu.memory_space<vmem>>, vector<1x16xf32>,
      %parallel_loop3A_1250 = vector.shape_cast %parallel_loop3A_1249 : vector<1x16xf32> to vector<16xf32>
      %parallel_loop3A_1251 = arith.index_cast %parallel_loop3A_1242 : i32 to index
      %parallel_loop3A_1252 = arith.index_cast %parallel_loop3A_1246 : i32 to index
      %parallel_loop3A_1253 = tpu.vector_load %arg10[%parallel_loop3A_1251, %parallel_loop3A_1252] {strides = array<i32>} : memref<8x1024xf32, #tpu.memory_space<vmem>>, vector<1x16xf32>,
      %parallel_loop3A_1254 = vector.shape_cast %parallel_loop3A_1253 : vector<1x16xf32> to vector<16xf32>
      %parallel_loop3A_1255 = vector.shape_cast %parallel_loop3A_1250 : vector<16xf32> to vector<1x16xf32>
      tpu.vector_store %arg10[%parallel_loop3A_1251, %parallel_loop3A_1252], %parallel_loop3A_1255 {add = true, strides = array<i32>} : memref<8x1024xf32, #tpu.memory_space<vmem>>, vector<1x16xf32>,
    } {sc.loop_unroll_factor = 2 : i64, sc.parallel_access}
    %add3A_478 = arith.constant 2048 : i32
    %add3A_479 = arith.addi %add3A_478, %mul3A_2 : i32
    %add3A_480 = arith.constant 16 : i32
    %add3A_481 = arith.addi %add3A_479, %add3A_480 : i32
    %dma_start3A_482 = arith.constant 0 : i32
    %dma_start3A_483 = tpu.memref_slice %arg5[%add3A_481, %dma_start3A_482] : memref<8192x1024xf32, #tpu.memory_space<hbm>> -> memref<8x1024xf32, #tpu.memory_space<hbm>>
    %dma_start3A_484 = arith.constant 0 : i32
    %dma_start3A_485 = tpu.memref_slice %arg5[%add3A_481, %dma_start3A_484] : memref<8192x1024xf32, #tpu.memory_space<hbm>> -> memref<8x1024xf32, #tpu.memory_space<hbm>>
    tpu.enqueue_dma source(%arg10 : memref<8x1024xf32, #tpu.memory_space<vmem>>) target(%dma_start3A_485 : memref<8x1024xf32, #tpu.memory_space<hbm>>) target_semaphore(%arg28 : memref<!tpu.dma_semaphore, #tpu.memory_space<semaphore_mem>>)
    %dma_wait3A_486 = arith.constant 2 : i32
    %dma_wait3A_487 = arith.constant 16 : i32
    %dma_wait3A_488 = tpu.memref_slice %arg6[%dma_wait3A_486, %dma_wait3A_487] : memref<4x64xi32, #tpu.memory_space<vmem>> -> memref<1x8xi32, #tpu.memory_space<vmem>>
    %dma_wait3A_489 = tpu.memref_squeeze %dma_wait3A_488 : memref<1x8xi32, #tpu.memory_space<vmem>> -> memref<8xi32, #tpu.memory_space<vmem>>
    %dma_wait3A_490 = arith.constant 0 : i32
    %dma_wait3A_491 = arith.constant 0 : i32
    %dma_wait3A_492 = tpu.memref_slice %arg3[%dma_wait3A_490, %dma_wait3A_491] : memref<50257x1024xf32, #tpu.memory_space<hbm>> -> memref<50257x1024xf32, #tpu.memory_space<hbm>>
    tpu.wait_indirect_dma semaphore(%arg21 : memref<!tpu.dma_semaphore, #tpu.memory_space<semaphore_mem>>) src(%dma_wait3A_492 : memref<50257x1024xf32, #tpu.memory_space<hbm>>) dst(%arg11 : memref<8x1024xf32, #tpu.memory_space<vmem>>)
    %parallel_loop3A_493 = arith.constant 0 : i32
    %parallel_loop3A_494 = arith.constant 512 : i32
    %parallel_loop3A_495 = arith.constant 1 : i32
    scf.for %parallel_loop3A_1240 = %parallel_loop3A_493 to %parallel_loop3A_494 step %parallel_loop3A_495  : i32 {
      %parallel_loop3A_1241 = arith.constant 6 : i32
      %parallel_loop3A_1242 = arith.shrsi %parallel_loop3A_1240, %parallel_loop3A_1241 : i32
      %parallel_loop3A_1243 = arith.constant 63 : i32
      %parallel_loop3A_1244 = arith.andi %parallel_loop3A_1240, %parallel_loop3A_1243 : i32
      %parallel_loop3A_1245 = arith.constant 16 : i32
      %parallel_loop3A_1246 = arith.muli %parallel_loop3A_1244, %parallel_loop3A_1245 : i32
      %parallel_loop3A_1247 = arith.index_cast %parallel_loop3A_1242 : i32 to index
      %parallel_loop3A_1248 = arith.index_cast %parallel_loop3A_1246 : i32 to index
      %parallel_loop3A_1249 = tpu.vector_load %arg7[%parallel_loop3A_1247, %parallel_loop3A_1248] {strides = array<i32>} : memref<8x1024xf32, #tpu.memory_space<vmem>>, vector<1x16xf32>,
      %parallel_loop3A_1250 = vector.shape_cast %parallel_loop3A_1249 : vector<1x16xf32> to vector<16xf32>
      %parallel_loop3A_1251 = arith.index_cast %parallel_loop3A_1242 : i32 to index
      %parallel_loop3A_1252 = arith.index_cast %parallel_loop3A_1246 : i32 to index
      %parallel_loop3A_1253 = tpu.vector_load %arg11[%parallel_loop3A_1251, %parallel_loop3A_1252] {strides = array<i32>} : memref<8x1024xf32, #tpu.memory_space<vmem>>, vector<1x16xf32>,
      %parallel_loop3A_1254 = vector.shape_cast %parallel_loop3A_1253 : vector<1x16xf32> to vector<16xf32>
      %parallel_loop3A_1255 = vector.shape_cast %parallel_loop3A_1250 : vector<16xf32> to vector<1x16xf32>
      tpu.vector_store %arg11[%parallel_loop3A_1251, %parallel_loop3A_1252], %parallel_loop3A_1255 {add = true, strides = array<i32>} : memref<8x1024xf32, #tpu.memory_space<vmem>>, vector<1x16xf32>,
    } {sc.loop_unroll_factor = 2 : i64, sc.parallel_access}
    %add3A_496 = arith.constant 4096 : i32
    %add3A_497 = arith.addi %add3A_496, %mul3A_2 : i32
    %add3A_498 = arith.constant 16 : i32
    %add3A_499 = arith.addi %add3A_497, %add3A_498 : i32
    %dma_start3A_500 = arith.constant 0 : i32
    %dma_start3A_501 = tpu.memref_slice %arg5[%add3A_499, %dma_start3A_500] : memref<8192x1024xf32, #tpu.memory_space<hbm>> -> memref<8x1024xf32, #tpu.memory_space<hbm>>
    %dma_start3A_502 = arith.constant 0 : i32
    %dma_start3A_503 = tpu.memref_slice %arg5[%add3A_499, %dma_start3A_502] : memref<8192x1024xf32, #tpu.memory_space<hbm>> -> memref<8x1024xf32, #tpu.memory_space<hbm>>
    tpu.enqueue_dma source(%arg11 : memref<8x1024xf32, #tpu.memory_space<vmem>>) target(%dma_start3A_503 : memref<8x1024xf32, #tpu.memory_space<hbm>>) target_semaphore(%arg29 : memref<!tpu.dma_semaphore, #tpu.memory_space<semaphore_mem>>)
    %dma_wait3A_504 = arith.constant 3 : i32
    %dma_wait3A_505 = arith.constant 16 : i32
    %dma_wait3A_506 = tpu.memref_slice %arg6[%dma_wait3A_504, %dma_wait3A_505] : memref<4x64xi32, #tpu.memory_space<vmem>> -> memref<1x8xi32, #tpu.memory_space<vmem>>
    %dma_wait3A_507 = tpu.memref_squeeze %dma_wait3A_506 : memref<1x8xi32, #tpu.memory_space<vmem>> -> memref<8xi32, #tpu.memory_space<vmem>>
    %dma_wait3A_508 = arith.constant 0 : i32
    %dma_wait3A_509 = arith.constant 0 : i32
    %dma_wait3A_510 = tpu.memref_slice %arg3[%dma_wait3A_508, %dma_wait3A_509] : memref<50257x1024xf32, #tpu.memory_space<hbm>> -> memref<50257x1024xf32, #tpu.memory_space<hbm>>
    tpu.wait_indirect_dma semaphore(%arg22 : memref<!tpu.dma_semaphore, #tpu.memory_space<semaphore_mem>>) src(%dma_wait3A_510 : memref<50257x1024xf32, #tpu.memory_space<hbm>>) dst(%arg12 : memref<8x1024xf32, #tpu.memory_space<vmem>>)
    %parallel_loop3A_511 = arith.constant 0 : i32
    %parallel_loop3A_512 = arith.constant 512 : i32
    %parallel_loop3A_513 = arith.constant 1 : i32
    scf.for %parallel_loop3A_1240 = %parallel_loop3A_511 to %parallel_loop3A_512 step %parallel_loop3A_513  : i32 {
      %parallel_loop3A_1241 = arith.constant 6 : i32
      %parallel_loop3A_1242 = arith.shrsi %parallel_loop3A_1240, %parallel_loop3A_1241 : i32
      %parallel_loop3A_1243 = arith.constant 63 : i32
      %parallel_loop3A_1244 = arith.andi %parallel_loop3A_1240, %parallel_loop3A_1243 : i32
      %parallel_loop3A_1245 = arith.constant 16 : i32
      %parallel_loop3A_1246 = arith.muli %parallel_loop3A_1244, %parallel_loop3A_1245 : i32
      %parallel_loop3A_1247 = arith.index_cast %parallel_loop3A_1242 : i32 to index
      %parallel_loop3A_1248 = arith.index_cast %parallel_loop3A_1246 : i32 to index
      %parallel_loop3A_1249 = tpu.vector_load %arg7[%parallel_loop3A_1247, %parallel_loop3A_1248] {strides = array<i32>} : memref<8x1024xf32, #tpu.memory_space<vmem>>, vector<1x16xf32>,
      %parallel_loop3A_1250 = vector.shape_cast %parallel_loop3A_1249 : vector<1x16xf32> to vector<16xf32>
      %parallel_loop3A_1251 = arith.index_cast %parallel_loop3A_1242 : i32 to index
      %parallel_loop3A_1252 = arith.index_cast %parallel_loop3A_1246 : i32 to index
      %parallel_loop3A_1253 = tpu.vector_load %arg12[%parallel_loop3A_1251, %parallel_loop3A_1252] {strides = array<i32>} : memref<8x1024xf32, #tpu.memory_space<vmem>>, vector<1x16xf32>,
      %parallel_loop3A_1254 = vector.shape_cast %parallel_loop3A_1253 : vector<1x16xf32> to vector<16xf32>
      %parallel_loop3A_1255 = vector.shape_cast %parallel_loop3A_1250 : vector<16xf32> to vector<1x16xf32>
      tpu.vector_store %arg12[%parallel_loop3A_1251, %parallel_loop3A_1252], %parallel_loop3A_1255 {add = true, strides = array<i32>} : memref<8x1024xf32, #tpu.memory_space<vmem>>, vector<1x16xf32>,
    } {sc.loop_unroll_factor = 2 : i64, sc.parallel_access}
    %add3A_514 = arith.constant 6144 : i32
    %add3A_515 = arith.addi %add3A_514, %mul3A_2 : i32
    %add3A_516 = arith.constant 16 : i32
    %add3A_517 = arith.addi %add3A_515, %add3A_516 : i32
    %dma_start3A_518 = arith.constant 0 : i32
    %dma_start3A_519 = tpu.memref_slice %arg5[%add3A_517, %dma_start3A_518] : memref<8192x1024xf32, #tpu.memory_space<hbm>> -> memref<8x1024xf32, #tpu.memory_space<hbm>>
    %dma_start3A_520 = arith.constant 0 : i32
    %dma_start3A_521 = tpu.memref_slice %arg5[%add3A_517, %dma_start3A_520] : memref<8192x1024xf32, #tpu.memory_space<hbm>> -> memref<8x1024xf32, #tpu.memory_space<hbm>>
    tpu.enqueue_dma source(%arg12 : memref<8x1024xf32, #tpu.memory_space<vmem>>) target(%dma_start3A_521 : memref<8x1024xf32, #tpu.memory_space<hbm>>) target_semaphore(%arg30 : memref<!tpu.dma_semaphore, #tpu.memory_space<semaphore_mem>>)
    %add3A_522 = arith.constant 0 : i32
    %add3A_523 = arith.addi %add3A_522, %mul3A_2 : i32
    %add3A_524 = arith.constant 16 : i32
    %add3A_525 = arith.addi %add3A_523, %add3A_524 : i32
    %dma_wait3A_526 = arith.constant 0 : i32
    %dma_wait3A_527 = tpu.memref_slice %arg5[%add3A_525, %dma_wait3A_526] : memref<8192x1024xf32, #tpu.memory_space<hbm>> -> memref<8x1024xf32, #tpu.memory_space<hbm>>
    %dma_wait3A_528 = arith.constant 0 : i32
    %dma_wait3A_529 = tpu.memref_slice %arg5[%add3A_525, %dma_wait3A_528] : memref<8192x1024xf32, #tpu.memory_space<hbm>> -> memref<8x1024xf32, #tpu.memory_space<hbm>>
    tpu.wait_dma2 semaphore(%arg27 : memref<!tpu.dma_semaphore, #tpu.memory_space<semaphore_mem>>) src(%arg9 : memref<8x1024xf32, #tpu.memory_space<vmem>>) dst(%dma_wait3A_529 : memref<8x1024xf32, #tpu.memory_space<hbm>>)
    %dma_start3A_530 = arith.constant 0 : i32
    %dma_start3A_531 = arith.constant 32 : i32
    %dma_start3A_532 = tpu.memref_slice %arg6[%dma_start3A_530, %dma_start3A_531] : memref<4x64xi32, #tpu.memory_space<vmem>> -> memref<1x8xi32, #tpu.memory_space<vmem>>
    %dma_start3A_533 = tpu.memref_squeeze %dma_start3A_532 : memref<1x8xi32, #tpu.memory_space<vmem>> -> memref<8xi32, #tpu.memory_space<vmem>>
    %dma_start3A_534 = arith.constant 0 : i32
    %dma_start3A_535 = arith.constant 0 : i32
    %dma_start3A_536 = tpu.memref_slice %arg3[%dma_start3A_534, %dma_start3A_535] : memref<50257x1024xf32, #tpu.memory_space<hbm>> -> memref<50257x1024xf32, #tpu.memory_space<hbm>>
    tpu.enqueue_indirect_dma source(%dma_start3A_536 : memref<50257x1024xf32, #tpu.memory_space<hbm>>) target(%arg9 : memref<8x1024xf32, #tpu.memory_space<vmem>>) offsets(%dma_start3A_533 : memref<8xi32, #tpu.memory_space<vmem>>) semaphore(%arg19 : memref<!tpu.dma_semaphore, #tpu.memory_space<semaphore_mem>>)
    %add3A_537 = arith.constant 2048 : i32
    %add3A_538 = arith.addi %add3A_537, %mul3A_2 : i32
    %add3A_539 = arith.constant 16 : i32
    %add3A_540 = arith.addi %add3A_538, %add3A_539 : i32
    %dma_wait3A_541 = arith.constant 0 : i32
    %dma_wait3A_542 = tpu.memref_slice %arg5[%add3A_540, %dma_wait3A_541] : memref<8192x1024xf32, #tpu.memory_space<hbm>> -> memref<8x1024xf32, #tpu.memory_space<hbm>>
    %dma_wait3A_543 = arith.constant 0 : i32
    %dma_wait3A_544 = tpu.memref_slice %arg5[%add3A_540, %dma_wait3A_543] : memref<8192x1024xf32, #tpu.memory_space<hbm>> -> memref<8x1024xf32, #tpu.memory_space<hbm>>
    tpu.wait_dma2 semaphore(%arg28 : memref<!tpu.dma_semaphore, #tpu.memory_space<semaphore_mem>>) src(%arg10 : memref<8x1024xf32, #tpu.memory_space<vmem>>) dst(%dma_wait3A_544 : memref<8x1024xf32, #tpu.memory_space<hbm>>)
    %dma_start3A_545 = arith.constant 1 : i32
    %dma_start3A_546 = arith.constant 32 : i32
    %dma_start3A_547 = tpu.memref_slice %arg6[%dma_start3A_545, %dma_start3A_546] : memref<4x64xi32, #tpu.memory_space<vmem>> -> memref<1x8xi32, #tpu.memory_space<vmem>>
    %dma_start3A_548 = tpu.memref_squeeze %dma_start3A_547 : memref<1x8xi32, #tpu.memory_space<vmem>> -> memref<8xi32, #tpu.memory_space<vmem>>
    %dma_start3A_549 = arith.constant 0 : i32
    %dma_start3A_550 = arith.constant 0 : i32
    %dma_start3A_551 = tpu.memref_slice %arg3[%dma_start3A_549, %dma_start3A_550] : memref<50257x1024xf32, #tpu.memory_space<hbm>> -> memref<50257x1024xf32, #tpu.memory_space<hbm>>
    tpu.enqueue_indirect_dma source(%dma_start3A_551 : memref<50257x1024xf32, #tpu.memory_space<hbm>>) target(%arg10 : memref<8x1024xf32, #tpu.memory_space<vmem>>) offsets(%dma_start3A_548 : memref<8xi32, #tpu.memory_space<vmem>>) semaphore(%arg20 : memref<!tpu.dma_semaphore, #tpu.memory_space<semaphore_mem>>)
    %add3A_552 = arith.constant 4096 : i32
    %add3A_553 = arith.addi %add3A_552, %mul3A_2 : i32
    %add3A_554 = arith.constant 16 : i32
    %add3A_555 = arith.addi %add3A_553, %add3A_554 : i32
    %dma_wait3A_556 = arith.constant 0 : i32
    %dma_wait3A_557 = tpu.memref_slice %arg5[%add3A_555, %dma_wait3A_556] : memref<8192x1024xf32, #tpu.memory_space<hbm>> -> memref<8x1024xf32, #tpu.memory_space<hbm>>
    %dma_wait3A_558 = arith.constant 0 : i32
    %dma_wait3A_559 = tpu.memref_slice %arg5[%add3A_555, %dma_wait3A_558] : memref<8192x1024xf32, #tpu.memory_space<hbm>> -> memref<8x1024xf32, #tpu.memory_space<hbm>>
    tpu.wait_dma2 semaphore(%arg29 : memref<!tpu.dma_semaphore, #tpu.memory_space<semaphore_mem>>) src(%arg11 : memref<8x1024xf32, #tpu.memory_space<vmem>>) dst(%dma_wait3A_559 : memref<8x1024xf32, #tpu.memory_space<hbm>>)
    %dma_start3A_560 = arith.constant 2 : i32
    %dma_start3A_561 = arith.constant 32 : i32
    %dma_start3A_562 = tpu.memref_slice %arg6[%dma_start3A_560, %dma_start3A_561] : memref<4x64xi32, #tpu.memory_space<vmem>> -> memref<1x8xi32, #tpu.memory_space<vmem>>
    %dma_start3A_563 = tpu.memref_squeeze %dma_start3A_562 : memref<1x8xi32, #tpu.memory_space<vmem>> -> memref<8xi32, #tpu.memory_space<vmem>>
    %dma_start3A_564 = arith.constant 0 : i32
    %dma_start3A_565 = arith.constant 0 : i32
    %dma_start3A_566 = tpu.memref_slice %arg3[%dma_start3A_564, %dma_start3A_565] : memref<50257x1024xf32, #tpu.memory_space<hbm>> -> memref<50257x1024xf32, #tpu.memory_space<hbm>>
    tpu.enqueue_indirect_dma source(%dma_start3A_566 : memref<50257x1024xf32, #tpu.memory_space<hbm>>) target(%arg11 : memref<8x1024xf32, #tpu.memory_space<vmem>>) offsets(%dma_start3A_563 : memref<8xi32, #tpu.memory_space<vmem>>) semaphore(%arg21 : memref<!tpu.dma_semaphore, #tpu.memory_space<semaphore_mem>>)
    %add3A_567 = arith.constant 6144 : i32
    %add3A_568 = arith.addi %add3A_567, %mul3A_2 : i32
    %add3A_569 = arith.constant 16 : i32
    %add3A_570 = arith.addi %add3A_568, %add3A_569 : i32
    %dma_wait3A_571 = arith.constant 0 : i32
    %dma_wait3A_572 = tpu.memref_slice %arg5[%add3A_570, %dma_wait3A_571] : memref<8192x1024xf32, #tpu.memory_space<hbm>> -> memref<8x1024xf32, #tpu.memory_space<hbm>>
    %dma_wait3A_573 = arith.constant 0 : i32
    %dma_wait3A_574 = tpu.memref_slice %arg5[%add3A_570, %dma_wait3A_573] : memref<8192x1024xf32, #tpu.memory_space<hbm>> -> memref<8x1024xf32, #tpu.memory_space<hbm>>
    tpu.wait_dma2 semaphore(%arg30 : memref<!tpu.dma_semaphore, #tpu.memory_space<semaphore_mem>>) src(%arg12 : memref<8x1024xf32, #tpu.memory_space<vmem>>) dst(%dma_wait3A_574 : memref<8x1024xf32, #tpu.memory_space<hbm>>)
    %dma_start3A_575 = arith.constant 3 : i32
    %dma_start3A_576 = arith.constant 32 : i32
    %dma_start3A_577 = tpu.memref_slice %arg6[%dma_start3A_575, %dma_start3A_576] : memref<4x64xi32, #tpu.memory_space<vmem>> -> memref<1x8xi32, #tpu.memory_space<vmem>>
    %dma_start3A_578 = tpu.memref_squeeze %dma_start3A_577 : memref<1x8xi32, #tpu.memory_space<vmem>> -> memref<8xi32, #tpu.memory_space<vmem>>
    %dma_start3A_579 = arith.constant 0 : i32
    %dma_start3A_580 = arith.constant 0 : i32
    %dma_start3A_581 = tpu.memref_slice %arg3[%dma_start3A_579, %dma_start3A_580] : memref<50257x1024xf32, #tpu.memory_space<hbm>> -> memref<50257x1024xf32, #tpu.memory_space<hbm>>
    tpu.enqueue_indirect_dma source(%dma_start3A_581 : memref<50257x1024xf32, #tpu.memory_space<hbm>>) target(%arg12 : memref<8x1024xf32, #tpu.memory_space<vmem>>) offsets(%dma_start3A_578 : memref<8xi32, #tpu.memory_space<vmem>>) semaphore(%arg22 : memref<!tpu.dma_semaphore, #tpu.memory_space<semaphore_mem>>)
    %add3A_582 = arith.constant 24 : i32
    %add3A_583 = arith.addi %mul3A_2, %add3A_582 : i32
    %dma_wait3A_584 = arith.constant 0 : i32
    %dma_wait3A_585 = tpu.memref_slice %arg4[%add3A_583, %dma_wait3A_584] : memref<2048x1024xf32, #tpu.memory_space<hbm>> -> memref<8x1024xf32, #tpu.memory_space<hbm>>
    %dma_wait3A_586 = arith.constant 0 : i32
    %dma_wait3A_587 = tpu.memref_slice %arg4[%add3A_583, %dma_wait3A_586] : memref<2048x1024xf32, #tpu.memory_space<hbm>> -> memref<8x1024xf32, #tpu.memory_space<hbm>>
    tpu.wait_dma2 semaphore(%arg18 : memref<!tpu.dma_semaphore, #tpu.memory_space<semaphore_mem>>) src(%dma_wait3A_587 : memref<8x1024xf32, #tpu.memory_space<hbm>>) dst(%arg8 : memref<8x1024xf32, #tpu.memory_space<vmem>>)
    %add3A_588 = arith.constant 32 : i32
    %add3A_589 = arith.addi %mul3A_2, %add3A_588 : i32
    %dma_start3A_590 = arith.constant 0 : i32
    %dma_start3A_591 = tpu.memref_slice %arg4[%add3A_589, %dma_start3A_590] : memref<2048x1024xf32, #tpu.memory_space<hbm>> -> memref<8x1024xf32, #tpu.memory_space<hbm>>
    %dma_start3A_592 = arith.constant 0 : i32
    %dma_start3A_593 = tpu.memref_slice %arg4[%add3A_589, %dma_start3A_592] : memref<2048x1024xf32, #tpu.memory_space<hbm>> -> memref<8x1024xf32, #tpu.memory_space<hbm>>
    tpu.enqueue_dma source(%dma_start3A_593 : memref<8x1024xf32, #tpu.memory_space<hbm>>) target(%arg7 : memref<8x1024xf32, #tpu.memory_space<vmem>>) target_semaphore(%arg18 : memref<!tpu.dma_semaphore, #tpu.memory_space<semaphore_mem>>)
    %dma_wait3A_594 = arith.constant 0 : i32
    %dma_wait3A_595 = arith.constant 24 : i32
    %dma_wait3A_596 = tpu.memref_slice %arg6[%dma_wait3A_594, %dma_wait3A_595] : memref<4x64xi32, #tpu.memory_space<vmem>> -> memref<1x8xi32, #tpu.memory_space<vmem>>
    %dma_wait3A_597 = tpu.memref_squeeze %dma_wait3A_596 : memref<1x8xi32, #tpu.memory_space<vmem>> -> memref<8xi32, #tpu.memory_space<vmem>>
    %dma_wait3A_598 = arith.constant 0 : i32
    %dma_wait3A_599 = arith.constant 0 : i32
    %dma_wait3A_600 = tpu.memref_slice %arg3[%dma_wait3A_598, %dma_wait3A_599] : memref<50257x1024xf32, #tpu.memory_space<hbm>> -> memref<50257x1024xf32, #tpu.memory_space<hbm>>
    tpu.wait_indirect_dma semaphore(%arg23 : memref<!tpu.dma_semaphore, #tpu.memory_space<semaphore_mem>>) src(%dma_wait3A_600 : memref<50257x1024xf32, #tpu.memory_space<hbm>>) dst(%arg13 : memref<8x1024xf32, #tpu.memory_space<vmem>>)
    %parallel_loop3A_601 = arith.constant 0 : i32
    %parallel_loop3A_602 = arith.constant 512 : i32
    %parallel_loop3A_603 = arith.constant 1 : i32
    scf.for %parallel_loop3A_1240 = %parallel_loop3A_601 to %parallel_loop3A_602 step %parallel_loop3A_603  : i32 {
      %parallel_loop3A_1241 = arith.constant 6 : i32
      %parallel_loop3A_1242 = arith.shrsi %parallel_loop3A_1240, %parallel_loop3A_1241 : i32
      %parallel_loop3A_1243 = arith.constant 63 : i32
      %parallel_loop3A_1244 = arith.andi %parallel_loop3A_1240, %parallel_loop3A_1243 : i32
      %parallel_loop3A_1245 = arith.constant 16 : i32
      %parallel_loop3A_1246 = arith.muli %parallel_loop3A_1244, %parallel_loop3A_1245 : i32
      %parallel_loop3A_1247 = arith.index_cast %parallel_loop3A_1242 : i32 to index
      %parallel_loop3A_1248 = arith.index_cast %parallel_loop3A_1246 : i32 to index
      %parallel_loop3A_1249 = tpu.vector_load %arg8[%parallel_loop3A_1247, %parallel_loop3A_1248] {strides = array<i32>} : memref<8x1024xf32, #tpu.memory_space<vmem>>, vector<1x16xf32>,
      %parallel_loop3A_1250 = vector.shape_cast %parallel_loop3A_1249 : vector<1x16xf32> to vector<16xf32>
      %parallel_loop3A_1251 = arith.index_cast %parallel_loop3A_1242 : i32 to index
      %parallel_loop3A_1252 = arith.index_cast %parallel_loop3A_1246 : i32 to index
      %parallel_loop3A_1253 = tpu.vector_load %arg13[%parallel_loop3A_1251, %parallel_loop3A_1252] {strides = array<i32>} : memref<8x1024xf32, #tpu.memory_space<vmem>>, vector<1x16xf32>,
      %parallel_loop3A_1254 = vector.shape_cast %parallel_loop3A_1253 : vector<1x16xf32> to vector<16xf32>
      %parallel_loop3A_1255 = vector.shape_cast %parallel_loop3A_1250 : vector<16xf32> to vector<1x16xf32>
      tpu.vector_store %arg13[%parallel_loop3A_1251, %parallel_loop3A_1252], %parallel_loop3A_1255 {add = true, strides = array<i32>} : memref<8x1024xf32, #tpu.memory_space<vmem>>, vector<1x16xf32>,
    } {sc.loop_unroll_factor = 2 : i64, sc.parallel_access}
    %add3A_604 = arith.constant 0 : i32
    %add3A_605 = arith.addi %add3A_604, %mul3A_2 : i32
    %add3A_606 = arith.constant 24 : i32
    %add3A_607 = arith.addi %add3A_605, %add3A_606 : i32
    %dma_start3A_608 = arith.constant 0 : i32
    %dma_start3A_609 = tpu.memref_slice %arg5[%add3A_607, %dma_start3A_608] : memref<8192x1024xf32, #tpu.memory_space<hbm>> -> memref<8x1024xf32, #tpu.memory_space<hbm>>
    %dma_start3A_610 = arith.constant 0 : i32
    %dma_start3A_611 = tpu.memref_slice %arg5[%add3A_607, %dma_start3A_610] : memref<8192x1024xf32, #tpu.memory_space<hbm>> -> memref<8x1024xf32, #tpu.memory_space<hbm>>
    tpu.enqueue_dma source(%arg13 : memref<8x1024xf32, #tpu.memory_space<vmem>>) target(%dma_start3A_611 : memref<8x1024xf32, #tpu.memory_space<hbm>>) target_semaphore(%arg31 : memref<!tpu.dma_semaphore, #tpu.memory_space<semaphore_mem>>)
    %dma_wait3A_612 = arith.constant 1 : i32
    %dma_wait3A_613 = arith.constant 24 : i32
    %dma_wait3A_614 = tpu.memref_slice %arg6[%dma_wait3A_612, %dma_wait3A_613] : memref<4x64xi32, #tpu.memory_space<vmem>> -> memref<1x8xi32, #tpu.memory_space<vmem>>
    %dma_wait3A_615 = tpu.memref_squeeze %dma_wait3A_614 : memref<1x8xi32, #tpu.memory_space<vmem>> -> memref<8xi32, #tpu.memory_space<vmem>>
    %dma_wait3A_616 = arith.constant 0 : i32
    %dma_wait3A_617 = arith.constant 0 : i32
    %dma_wait3A_618 = tpu.memref_slice %arg3[%dma_wait3A_616, %dma_wait3A_617] : memref<50257x1024xf32, #tpu.memory_space<hbm>> -> memref<50257x1024xf32, #tpu.memory_space<hbm>>
    tpu.wait_indirect_dma semaphore(%arg24 : memref<!tpu.dma_semaphore, #tpu.memory_space<semaphore_mem>>) src(%dma_wait3A_618 : memref<50257x1024xf32, #tpu.memory_space<hbm>>) dst(%arg14 : memref<8x1024xf32, #tpu.memory_space<vmem>>)
    %parallel_loop3A_619 = arith.constant 0 : i32
    %parallel_loop3A_620 = arith.constant 512 : i32
    %parallel_loop3A_621 = arith.constant 1 : i32
    scf.for %parallel_loop3A_1240 = %parallel_loop3A_619 to %parallel_loop3A_620 step %parallel_loop3A_621  : i32 {
      %parallel_loop3A_1241 = arith.constant 6 : i32
      %parallel_loop3A_1242 = arith.shrsi %parallel_loop3A_1240, %parallel_loop3A_1241 : i32
      %parallel_loop3A_1243 = arith.constant 63 : i32
      %parallel_loop3A_1244 = arith.andi %parallel_loop3A_1240, %parallel_loop3A_1243 : i32
      %parallel_loop3A_1245 = arith.constant 16 : i32
      %parallel_loop3A_1246 = arith.muli %parallel_loop3A_1244, %parallel_loop3A_1245 : i32
      %parallel_loop3A_1247 = arith.index_cast %parallel_loop3A_1242 : i32 to index
      %parallel_loop3A_1248 = arith.index_cast %parallel_loop3A_1246 : i32 to index
      %parallel_loop3A_1249 = tpu.vector_load %arg8[%parallel_loop3A_1247, %parallel_loop3A_1248] {strides = array<i32>} : memref<8x1024xf32, #tpu.memory_space<vmem>>, vector<1x16xf32>,
      %parallel_loop3A_1250 = vector.shape_cast %parallel_loop3A_1249 : vector<1x16xf32> to vector<16xf32>
      %parallel_loop3A_1251 = arith.index_cast %parallel_loop3A_1242 : i32 to index
      %parallel_loop3A_1252 = arith.index_cast %parallel_loop3A_1246 : i32 to index
      %parallel_loop3A_1253 = tpu.vector_load %arg14[%parallel_loop3A_1251, %parallel_loop3A_1252] {strides = array<i32>} : memref<8x1024xf32, #tpu.memory_space<vmem>>, vector<1x16xf32>,
      %parallel_loop3A_1254 = vector.shape_cast %parallel_loop3A_1253 : vector<1x16xf32> to vector<16xf32>
      %parallel_loop3A_1255 = vector.shape_cast %parallel_loop3A_1250 : vector<16xf32> to vector<1x16xf32>
      tpu.vector_store %arg14[%parallel_loop3A_1251, %parallel_loop3A_1252], %parallel_loop3A_1255 {add = true, strides = array<i32>} : memref<8x1024xf32, #tpu.memory_space<vmem>>, vector<1x16xf32>,
    } {sc.loop_unroll_factor = 2 : i64, sc.parallel_access}
    %add3A_622 = arith.constant 2048 : i32
    %add3A_623 = arith.addi %add3A_622, %mul3A_2 : i32
    %add3A_624 = arith.constant 24 : i32
    %add3A_625 = arith.addi %add3A_623, %add3A_624 : i32
    %dma_start3A_626 = arith.constant 0 : i32
    %dma_start3A_627 = tpu.memref_slice %arg5[%add3A_625, %dma_start3A_626] : memref<8192x1024xf32, #tpu.memory_space<hbm>> -> memref<8x1024xf32, #tpu.memory_space<hbm>>
    %dma_start3A_628 = arith.constant 0 : i32
    %dma_start3A_629 = tpu.memref_slice %arg5[%add3A_625, %dma_start3A_628] : memref<8192x1024xf32, #tpu.memory_space<hbm>> -> memref<8x1024xf32, #tpu.memory_space<hbm>>
    tpu.enqueue_dma source(%arg14 : memref<8x1024xf32, #tpu.memory_space<vmem>>) target(%dma_start3A_629 : memref<8x1024xf32, #tpu.memory_space<hbm>>) target_semaphore(%arg32 : memref<!tpu.dma_semaphore, #tpu.memory_space<semaphore_mem>>)
    %dma_wait3A_630 = arith.constant 2 : i32
    %dma_wait3A_631 = arith.constant 24 : i32
    %dma_wait3A_632 = tpu.memref_slice %arg6[%dma_wait3A_630, %dma_wait3A_631] : memref<4x64xi32, #tpu.memory_space<vmem>> -> memref<1x8xi32, #tpu.memory_space<vmem>>
    %dma_wait3A_633 = tpu.memref_squeeze %dma_wait3A_632 : memref<1x8xi32, #tpu.memory_space<vmem>> -> memref<8xi32, #tpu.memory_space<vmem>>
    %dma_wait3A_634 = arith.constant 0 : i32
    %dma_wait3A_635 = arith.constant 0 : i32
    %dma_wait3A_636 = tpu.memref_slice %arg3[%dma_wait3A_634, %dma_wait3A_635] : memref<50257x1024xf32, #tpu.memory_space<hbm>> -> memref<50257x1024xf32, #tpu.memory_space<hbm>>
    tpu.wait_indirect_dma semaphore(%arg25 : memref<!tpu.dma_semaphore, #tpu.memory_space<semaphore_mem>>) src(%dma_wait3A_636 : memref<50257x1024xf32, #tpu.memory_space<hbm>>) dst(%arg15 : memref<8x1024xf32, #tpu.memory_space<vmem>>)
    %parallel_loop3A_637 = arith.constant 0 : i32
    %parallel_loop3A_638 = arith.constant 512 : i32
    %parallel_loop3A_639 = arith.constant 1 : i32
    scf.for %parallel_loop3A_1240 = %parallel_loop3A_637 to %parallel_loop3A_638 step %parallel_loop3A_639  : i32 {
      %parallel_loop3A_1241 = arith.constant 6 : i32
      %parallel_loop3A_1242 = arith.shrsi %parallel_loop3A_1240, %parallel_loop3A_1241 : i32
      %parallel_loop3A_1243 = arith.constant 63 : i32
      %parallel_loop3A_1244 = arith.andi %parallel_loop3A_1240, %parallel_loop3A_1243 : i32
      %parallel_loop3A_1245 = arith.constant 16 : i32
      %parallel_loop3A_1246 = arith.muli %parallel_loop3A_1244, %parallel_loop3A_1245 : i32
      %parallel_loop3A_1247 = arith.index_cast %parallel_loop3A_1242 : i32 to index
      %parallel_loop3A_1248 = arith.index_cast %parallel_loop3A_1246 : i32 to index
      %parallel_loop3A_1249 = tpu.vector_load %arg8[%parallel_loop3A_1247, %parallel_loop3A_1248] {strides = array<i32>} : memref<8x1024xf32, #tpu.memory_space<vmem>>, vector<1x16xf32>,
      %parallel_loop3A_1250 = vector.shape_cast %parallel_loop3A_1249 : vector<1x16xf32> to vector<16xf32>
      %parallel_loop3A_1251 = arith.index_cast %parallel_loop3A_1242 : i32 to index
      %parallel_loop3A_1252 = arith.index_cast %parallel_loop3A_1246 : i32 to index
      %parallel_loop3A_1253 = tpu.vector_load %arg15[%parallel_loop3A_1251, %parallel_loop3A_1252] {strides = array<i32>} : memref<8x1024xf32, #tpu.memory_space<vmem>>, vector<1x16xf32>,
      %parallel_loop3A_1254 = vector.shape_cast %parallel_loop3A_1253 : vector<1x16xf32> to vector<16xf32>
      %parallel_loop3A_1255 = vector.shape_cast %parallel_loop3A_1250 : vector<16xf32> to vector<1x16xf32>
      tpu.vector_store %arg15[%parallel_loop3A_1251, %parallel_loop3A_1252], %parallel_loop3A_1255 {add = true, strides = array<i32>} : memref<8x1024xf32, #tpu.memory_space<vmem>>, vector<1x16xf32>,
    } {sc.loop_unroll_factor = 2 : i64, sc.parallel_access}
    %add3A_640 = arith.constant 4096 : i32
    %add3A_641 = arith.addi %add3A_640, %mul3A_2 : i32
    %add3A_642 = arith.constant 24 : i32
    %add3A_643 = arith.addi %add3A_641, %add3A_642 : i32
    %dma_start3A_644 = arith.constant 0 : i32
    %dma_start3A_645 = tpu.memref_slice %arg5[%add3A_643, %dma_start3A_644] : memref<8192x1024xf32, #tpu.memory_space<hbm>> -> memref<8x1024xf32, #tpu.memory_space<hbm>>
    %dma_start3A_646 = arith.constant 0 : i32
    %dma_start3A_647 = tpu.memref_slice %arg5[%add3A_643, %dma_start3A_646] : memref<8192x1024xf32, #tpu.memory_space<hbm>> -> memref<8x1024xf32, #tpu.memory_space<hbm>>
    tpu.enqueue_dma source(%arg15 : memref<8x1024xf32, #tpu.memory_space<vmem>>) target(%dma_start3A_647 : memref<8x1024xf32, #tpu.memory_space<hbm>>) target_semaphore(%arg33 : memref<!tpu.dma_semaphore, #tpu.memory_space<semaphore_mem>>)
    %dma_wait3A_648 = arith.constant 3 : i32
    %dma_wait3A_649 = arith.constant 24 : i32
    %dma_wait3A_650 = tpu.memref_slice %arg6[%dma_wait3A_648, %dma_wait3A_649] : memref<4x64xi32, #tpu.memory_space<vmem>> -> memref<1x8xi32, #tpu.memory_space<vmem>>
    %dma_wait3A_651 = tpu.memref_squeeze %dma_wait3A_650 : memref<1x8xi32, #tpu.memory_space<vmem>> -> memref<8xi32, #tpu.memory_space<vmem>>
    %dma_wait3A_652 = arith.constant 0 : i32
    %dma_wait3A_653 = arith.constant 0 : i32
    %dma_wait3A_654 = tpu.memref_slice %arg3[%dma_wait3A_652, %dma_wait3A_653] : memref<50257x1024xf32, #tpu.memory_space<hbm>> -> memref<50257x1024xf32, #tpu.memory_space<hbm>>
    tpu.wait_indirect_dma semaphore(%arg26 : memref<!tpu.dma_semaphore, #tpu.memory_space<semaphore_mem>>) src(%dma_wait3A_654 : memref<50257x1024xf32, #tpu.memory_space<hbm>>) dst(%arg16 : memref<8x1024xf32, #tpu.memory_space<vmem>>)
    %parallel_loop3A_655 = arith.constant 0 : i32
    %parallel_loop3A_656 = arith.constant 512 : i32
    %parallel_loop3A_657 = arith.constant 1 : i32
    scf.for %parallel_loop3A_1240 = %parallel_loop3A_655 to %parallel_loop3A_656 step %parallel_loop3A_657  : i32 {
      %parallel_loop3A_1241 = arith.constant 6 : i32
      %parallel_loop3A_1242 = arith.shrsi %parallel_loop3A_1240, %parallel_loop3A_1241 : i32
      %parallel_loop3A_1243 = arith.constant 63 : i32
      %parallel_loop3A_1244 = arith.andi %parallel_loop3A_1240, %parallel_loop3A_1243 : i32
      %parallel_loop3A_1245 = arith.constant 16 : i32
      %parallel_loop3A_1246 = arith.muli %parallel_loop3A_1244, %parallel_loop3A_1245 : i32
      %parallel_loop3A_1247 = arith.index_cast %parallel_loop3A_1242 : i32 to index
      %parallel_loop3A_1248 = arith.index_cast %parallel_loop3A_1246 : i32 to index
      %parallel_loop3A_1249 = tpu.vector_load %arg8[%parallel_loop3A_1247, %parallel_loop3A_1248] {strides = array<i32>} : memref<8x1024xf32, #tpu.memory_space<vmem>>, vector<1x16xf32>,
      %parallel_loop3A_1250 = vector.shape_cast %parallel_loop3A_1249 : vector<1x16xf32> to vector<16xf32>
      %parallel_loop3A_1251 = arith.index_cast %parallel_loop3A_1242 : i32 to index
      %parallel_loop3A_1252 = arith.index_cast %parallel_loop3A_1246 : i32 to index
      %parallel_loop3A_1253 = tpu.vector_load %arg16[%parallel_loop3A_1251, %parallel_loop3A_1252] {strides = array<i32>} : memref<8x1024xf32, #tpu.memory_space<vmem>>, vector<1x16xf32>,
      %parallel_loop3A_1254 = vector.shape_cast %parallel_loop3A_1253 : vector<1x16xf32> to vector<16xf32>
      %parallel_loop3A_1255 = vector.shape_cast %parallel_loop3A_1250 : vector<16xf32> to vector<1x16xf32>
      tpu.vector_store %arg16[%parallel_loop3A_1251, %parallel_loop3A_1252], %parallel_loop3A_1255 {add = true, strides = array<i32>} : memref<8x1024xf32, #tpu.memory_space<vmem>>, vector<1x16xf32>,
    } {sc.loop_unroll_factor = 2 : i64, sc.parallel_access}
    %add3A_658 = arith.constant 6144 : i32
    %add3A_659 = arith.addi %add3A_658, %mul3A_2 : i32
    %add3A_660 = arith.constant 24 : i32
    %add3A_661 = arith.addi %add3A_659, %add3A_660 : i32
    %dma_start3A_662 = arith.constant 0 : i32
    %dma_start3A_663 = tpu.memref_slice %arg5[%add3A_661, %dma_start3A_662] : memref<8192x1024xf32, #tpu.memory_space<hbm>> -> memref<8x1024xf32, #tpu.memory_space<hbm>>
    %dma_start3A_664 = arith.constant 0 : i32
    %dma_start3A_665 = tpu.memref_slice %arg5[%add3A_661, %dma_start3A_664] : memref<8192x1024xf32, #tpu.memory_space<hbm>> -> memref<8x1024xf32, #tpu.memory_space<hbm>>
    tpu.enqueue_dma source(%arg16 : memref<8x1024xf32, #tpu.memory_space<vmem>>) target(%dma_start3A_665 : memref<8x1024xf32, #tpu.memory_space<hbm>>) target_semaphore(%arg34 : memref<!tpu.dma_semaphore, #tpu.memory_space<semaphore_mem>>)
    %add3A_666 = arith.constant 0 : i32
    %add3A_667 = arith.addi %add3A_666, %mul3A_2 : i32
    %add3A_668 = arith.constant 24 : i32
    %add3A_669 = arith.addi %add3A_667, %add3A_668 : i32
    %dma_wait3A_670 = arith.constant 0 : i32
    %dma_wait3A_671 = tpu.memref_slice %arg5[%add3A_669, %dma_wait3A_670] : memref<8192x1024xf32, #tpu.memory_space<hbm>> -> memref<8x1024xf32, #tpu.memory_space<hbm>>
    %dma_wait3A_672 = arith.constant 0 : i32
    %dma_wait3A_673 = tpu.memref_slice %arg5[%add3A_669, %dma_wait3A_672] : memref<8192x1024xf32, #tpu.memory_space<hbm>> -> memref<8x1024xf32, #tpu.memory_space<hbm>>
    tpu.wait_dma2 semaphore(%arg31 : memref<!tpu.dma_semaphore, #tpu.memory_space<semaphore_mem>>) src(%arg13 : memref<8x1024xf32, #tpu.memory_space<vmem>>) dst(%dma_wait3A_673 : memref<8x1024xf32, #tpu.memory_space<hbm>>)
    %dma_start3A_674 = arith.constant 0 : i32
    %dma_start3A_675 = arith.constant 40 : i32
    %dma_start3A_676 = tpu.memref_slice %arg6[%dma_start3A_674, %dma_start3A_675] : memref<4x64xi32, #tpu.memory_space<vmem>> -> memref<1x8xi32, #tpu.memory_space<vmem>>
    %dma_start3A_677 = tpu.memref_squeeze %dma_start3A_676 : memref<1x8xi32, #tpu.memory_space<vmem>> -> memref<8xi32, #tpu.memory_space<vmem>>
    %dma_start3A_678 = arith.constant 0 : i32
    %dma_start3A_679 = arith.constant 0 : i32
    %dma_start3A_680 = tpu.memref_slice %arg3[%dma_start3A_678, %dma_start3A_679] : memref<50257x1024xf32, #tpu.memory_space<hbm>> -> memref<50257x1024xf32, #tpu.memory_space<hbm>>
    tpu.enqueue_indirect_dma source(%dma_start3A_680 : memref<50257x1024xf32, #tpu.memory_space<hbm>>) target(%arg13 : memref<8x1024xf32, #tpu.memory_space<vmem>>) offsets(%dma_start3A_677 : memref<8xi32, #tpu.memory_space<vmem>>) semaphore(%arg23 : memref<!tpu.dma_semaphore, #tpu.memory_space<semaphore_mem>>)
    %add3A_681 = arith.constant 2048 : i32
    %add3A_682 = arith.addi %add3A_681, %mul3A_2 : i32
    %add3A_683 = arith.constant 24 : i32
    %add3A_684 = arith.addi %add3A_682, %add3A_683 : i32
    %dma_wait3A_685 = arith.constant 0 : i32
    %dma_wait3A_686 = tpu.memref_slice %arg5[%add3A_684, %dma_wait3A_685] : memref<8192x1024xf32, #tpu.memory_space<hbm>> -> memref<8x1024xf32, #tpu.memory_space<hbm>>
    %dma_wait3A_687 = arith.constant 0 : i32
    %dma_wait3A_688 = tpu.memref_slice %arg5[%add3A_684, %dma_wait3A_687] : memref<8192x1024xf32, #tpu.memory_space<hbm>> -> memref<8x1024xf32, #tpu.memory_space<hbm>>
    tpu.wait_dma2 semaphore(%arg32 : memref<!tpu.dma_semaphore, #tpu.memory_space<semaphore_mem>>) src(%arg14 : memref<8x1024xf32, #tpu.memory_space<vmem>>) dst(%dma_wait3A_688 : memref<8x1024xf32, #tpu.memory_space<hbm>>)
    %dma_start3A_689 = arith.constant 1 : i32
    %dma_start3A_690 = arith.constant 40 : i32
    %dma_start3A_691 = tpu.memref_slice %arg6[%dma_start3A_689, %dma_start3A_690] : memref<4x64xi32, #tpu.memory_space<vmem>> -> memref<1x8xi32, #tpu.memory_space<vmem>>
    %dma_start3A_692 = tpu.memref_squeeze %dma_start3A_691 : memref<1x8xi32, #tpu.memory_space<vmem>> -> memref<8xi32, #tpu.memory_space<vmem>>
    %dma_start3A_693 = arith.constant 0 : i32
    %dma_start3A_694 = arith.constant 0 : i32
    %dma_start3A_695 = tpu.memref_slice %arg3[%dma_start3A_693, %dma_start3A_694] : memref<50257x1024xf32, #tpu.memory_space<hbm>> -> memref<50257x1024xf32, #tpu.memory_space<hbm>>
    tpu.enqueue_indirect_dma source(%dma_start3A_695 : memref<50257x1024xf32, #tpu.memory_space<hbm>>) target(%arg14 : memref<8x1024xf32, #tpu.memory_space<vmem>>) offsets(%dma_start3A_692 : memref<8xi32, #tpu.memory_space<vmem>>) semaphore(%arg24 : memref<!tpu.dma_semaphore, #tpu.memory_space<semaphore_mem>>)
    %add3A_696 = arith.constant 4096 : i32
    %add3A_697 = arith.addi %add3A_696, %mul3A_2 : i32
    %add3A_698 = arith.constant 24 : i32
    %add3A_699 = arith.addi %add3A_697, %add3A_698 : i32
    %dma_wait3A_700 = arith.constant 0 : i32
    %dma_wait3A_701 = tpu.memref_slice %arg5[%add3A_699, %dma_wait3A_700] : memref<8192x1024xf32, #tpu.memory_space<hbm>> -> memref<8x1024xf32, #tpu.memory_space<hbm>>
    %dma_wait3A_702 = arith.constant 0 : i32
    %dma_wait3A_703 = tpu.memref_slice %arg5[%add3A_699, %dma_wait3A_702] : memref<8192x1024xf32, #tpu.memory_space<hbm>> -> memref<8x1024xf32, #tpu.memory_space<hbm>>
    tpu.wait_dma2 semaphore(%arg33 : memref<!tpu.dma_semaphore, #tpu.memory_space<semaphore_mem>>) src(%arg15 : memref<8x1024xf32, #tpu.memory_space<vmem>>) dst(%dma_wait3A_703 : memref<8x1024xf32, #tpu.memory_space<hbm>>)
    %dma_start3A_704 = arith.constant 2 : i32
    %dma_start3A_705 = arith.constant 40 : i32
    %dma_start3A_706 = tpu.memref_slice %arg6[%dma_start3A_704, %dma_start3A_705] : memref<4x64xi32, #tpu.memory_space<vmem>> -> memref<1x8xi32, #tpu.memory_space<vmem>>
    %dma_start3A_707 = tpu.memref_squeeze %dma_start3A_706 : memref<1x8xi32, #tpu.memory_space<vmem>> -> memref<8xi32, #tpu.memory_space<vmem>>
    %dma_start3A_708 = arith.constant 0 : i32
    %dma_start3A_709 = arith.constant 0 : i32
    %dma_start3A_710 = tpu.memref_slice %arg3[%dma_start3A_708, %dma_start3A_709] : memref<50257x1024xf32, #tpu.memory_space<hbm>> -> memref<50257x1024xf32, #tpu.memory_space<hbm>>
    tpu.enqueue_indirect_dma source(%dma_start3A_710 : memref<50257x1024xf32, #tpu.memory_space<hbm>>) target(%arg15 : memref<8x1024xf32, #tpu.memory_space<vmem>>) offsets(%dma_start3A_707 : memref<8xi32, #tpu.memory_space<vmem>>) semaphore(%arg25 : memref<!tpu.dma_semaphore, #tpu.memory_space<semaphore_mem>>)
    %add3A_711 = arith.constant 6144 : i32
    %add3A_712 = arith.addi %add3A_711, %mul3A_2 : i32
    %add3A_713 = arith.constant 24 : i32
    %add3A_714 = arith.addi %add3A_712, %add3A_713 : i32
    %dma_wait3A_715 = arith.constant 0 : i32
    %dma_wait3A_716 = tpu.memref_slice %arg5[%add3A_714, %dma_wait3A_715] : memref<8192x1024xf32, #tpu.memory_space<hbm>> -> memref<8x1024xf32, #tpu.memory_space<hbm>>
    %dma_wait3A_717 = arith.constant 0 : i32
    %dma_wait3A_718 = tpu.memref_slice %arg5[%add3A_714, %dma_wait3A_717] : memref<8192x1024xf32, #tpu.memory_space<hbm>> -> memref<8x1024xf32, #tpu.memory_space<hbm>>
    tpu.wait_dma2 semaphore(%arg34 : memref<!tpu.dma_semaphore, #tpu.memory_space<semaphore_mem>>) src(%arg16 : memref<8x1024xf32, #tpu.memory_space<vmem>>) dst(%dma_wait3A_718 : memref<8x1024xf32, #tpu.memory_space<hbm>>)
    %dma_start3A_719 = arith.constant 3 : i32
    %dma_start3A_720 = arith.constant 40 : i32
    %dma_start3A_721 = tpu.memref_slice %arg6[%dma_start3A_719, %dma_start3A_720] : memref<4x64xi32, #tpu.memory_space<vmem>> -> memref<1x8xi32, #tpu.memory_space<vmem>>
    %dma_start3A_722 = tpu.memref_squeeze %dma_start3A_721 : memref<1x8xi32, #tpu.memory_space<vmem>> -> memref<8xi32, #tpu.memory_space<vmem>>
    %dma_start3A_723 = arith.constant 0 : i32
    %dma_start3A_724 = arith.constant 0 : i32
    %dma_start3A_725 = tpu.memref_slice %arg3[%dma_start3A_723, %dma_start3A_724] : memref<50257x1024xf32, #tpu.memory_space<hbm>> -> memref<50257x1024xf32, #tpu.memory_space<hbm>>
    tpu.enqueue_indirect_dma source(%dma_start3A_725 : memref<50257x1024xf32, #tpu.memory_space<hbm>>) target(%arg16 : memref<8x1024xf32, #tpu.memory_space<vmem>>) offsets(%dma_start3A_722 : memref<8xi32, #tpu.memory_space<vmem>>) semaphore(%arg26 : memref<!tpu.dma_semaphore, #tpu.memory_space<semaphore_mem>>)
    %add3A_726 = arith.constant 32 : i32
    %add3A_727 = arith.addi %mul3A_2, %add3A_726 : i32
    %dma_wait3A_728 = arith.constant 0 : i32
    %dma_wait3A_729 = tpu.memref_slice %arg4[%add3A_727, %dma_wait3A_728] : memref<2048x1024xf32, #tpu.memory_space<hbm>> -> memref<8x1024xf32, #tpu.memory_space<hbm>>
    %dma_wait3A_730 = arith.constant 0 : i32
    %dma_wait3A_731 = tpu.memref_slice %arg4[%add3A_727, %dma_wait3A_730] : memref<2048x1024xf32, #tpu.memory_space<hbm>> -> memref<8x1024xf32, #tpu.memory_space<hbm>>
    tpu.wait_dma2 semaphore(%arg18 : memref<!tpu.dma_semaphore, #tpu.memory_space<semaphore_mem>>) src(%dma_wait3A_731 : memref<8x1024xf32, #tpu.memory_space<hbm>>) dst(%arg7 : memref<8x1024xf32, #tpu.memory_space<vmem>>)
    %add3A_732 = arith.constant 40 : i32
    %add3A_733 = arith.addi %mul3A_2, %add3A_732 : i32
    %dma_start3A_734 = arith.constant 0 : i32
    %dma_start3A_735 = tpu.memref_slice %arg4[%add3A_733, %dma_start3A_734] : memref<2048x1024xf32, #tpu.memory_space<hbm>> -> memref<8x1024xf32, #tpu.memory_space<hbm>>
    %dma_start3A_736 = arith.constant 0 : i32
    %dma_start3A_737 = tpu.memref_slice %arg4[%add3A_733, %dma_start3A_736] : memref<2048x1024xf32, #tpu.memory_space<hbm>> -> memref<8x1024xf32, #tpu.memory_space<hbm>>
    tpu.enqueue_dma source(%dma_start3A_737 : memref<8x1024xf32, #tpu.memory_space<hbm>>) target(%arg8 : memref<8x1024xf32, #tpu.memory_space<vmem>>) target_semaphore(%arg18 : memref<!tpu.dma_semaphore, #tpu.memory_space<semaphore_mem>>)
    %dma_wait3A_738 = arith.constant 0 : i32
    %dma_wait3A_739 = arith.constant 32 : i32
    %dma_wait3A_740 = tpu.memref_slice %arg6[%dma_wait3A_738, %dma_wait3A_739] : memref<4x64xi32, #tpu.memory_space<vmem>> -> memref<1x8xi32, #tpu.memory_space<vmem>>
    %dma_wait3A_741 = tpu.memref_squeeze %dma_wait3A_740 : memref<1x8xi32, #tpu.memory_space<vmem>> -> memref<8xi32, #tpu.memory_space<vmem>>
    %dma_wait3A_742 = arith.constant 0 : i32
    %dma_wait3A_743 = arith.constant 0 : i32
    %dma_wait3A_744 = tpu.memref_slice %arg3[%dma_wait3A_742, %dma_wait3A_743] : memref<50257x1024xf32, #tpu.memory_space<hbm>> -> memref<50257x1024xf32, #tpu.memory_space<hbm>>
    tpu.wait_indirect_dma semaphore(%arg19 : memref<!tpu.dma_semaphore, #tpu.memory_space<semaphore_mem>>) src(%dma_wait3A_744 : memref<50257x1024xf32, #tpu.memory_space<hbm>>) dst(%arg9 : memref<8x1024xf32, #tpu.memory_space<vmem>>)
    %parallel_loop3A_745 = arith.constant 0 : i32
    %parallel_loop3A_746 = arith.constant 512 : i32
    %parallel_loop3A_747 = arith.constant 1 : i32
    scf.for %parallel_loop3A_1240 = %parallel_loop3A_745 to %parallel_loop3A_746 step %parallel_loop3A_747  : i32 {
      %parallel_loop3A_1241 = arith.constant 6 : i32
      %parallel_loop3A_1242 = arith.shrsi %parallel_loop3A_1240, %parallel_loop3A_1241 : i32
      %parallel_loop3A_1243 = arith.constant 63 : i32
      %parallel_loop3A_1244 = arith.andi %parallel_loop3A_1240, %parallel_loop3A_1243 : i32
      %parallel_loop3A_1245 = arith.constant 16 : i32
      %parallel_loop3A_1246 = arith.muli %parallel_loop3A_1244, %parallel_loop3A_1245 : i32
      %parallel_loop3A_1247 = arith.index_cast %parallel_loop3A_1242 : i32 to index
      %parallel_loop3A_1248 = arith.index_cast %parallel_loop3A_1246 : i32 to index
      %parallel_loop3A_1249 = tpu.vector_load %arg7[%parallel_loop3A_1247, %parallel_loop3A_1248] {strides = array<i32>} : memref<8x1024xf32, #tpu.memory_space<vmem>>, vector<1x16xf32>,
      %parallel_loop3A_1250 = vector.shape_cast %parallel_loop3A_1249 : vector<1x16xf32> to vector<16xf32>
      %parallel_loop3A_1251 = arith.index_cast %parallel_loop3A_1242 : i32 to index
      %parallel_loop3A_1252 = arith.index_cast %parallel_loop3A_1246 : i32 to index
      %parallel_loop3A_1253 = tpu.vector_load %arg9[%parallel_loop3A_1251, %parallel_loop3A_1252] {strides = array<i32>} : memref<8x1024xf32, #tpu.memory_space<vmem>>, vector<1x16xf32>,
      %parallel_loop3A_1254 = vector.shape_cast %parallel_loop3A_1253 : vector<1x16xf32> to vector<16xf32>
      %parallel_loop3A_1255 = vector.shape_cast %parallel_loop3A_1250 : vector<16xf32> to vector<1x16xf32>
      tpu.vector_store %arg9[%parallel_loop3A_1251, %parallel_loop3A_1252], %parallel_loop3A_1255 {add = true, strides = array<i32>} : memref<8x1024xf32, #tpu.memory_space<vmem>>, vector<1x16xf32>,
    } {sc.loop_unroll_factor = 2 : i64, sc.parallel_access}
    %add3A_748 = arith.constant 0 : i32
    %add3A_749 = arith.addi %add3A_748, %mul3A_2 : i32
    %add3A_750 = arith.constant 32 : i32
    %add3A_751 = arith.addi %add3A_749, %add3A_750 : i32
    %dma_start3A_752 = arith.constant 0 : i32
    %dma_start3A_753 = tpu.memref_slice %arg5[%add3A_751, %dma_start3A_752] : memref<8192x1024xf32, #tpu.memory_space<hbm>> -> memref<8x1024xf32, #tpu.memory_space<hbm>>
    %dma_start3A_754 = arith.constant 0 : i32
    %dma_start3A_755 = tpu.memref_slice %arg5[%add3A_751, %dma_start3A_754] : memref<8192x1024xf32, #tpu.memory_space<hbm>> -> memref<8x1024xf32, #tpu.memory_space<hbm>>
    tpu.enqueue_dma source(%arg9 : memref<8x1024xf32, #tpu.memory_space<vmem>>) target(%dma_start3A_755 : memref<8x1024xf32, #tpu.memory_space<hbm>>) target_semaphore(%arg27 : memref<!tpu.dma_semaphore, #tpu.memory_space<semaphore_mem>>)
    %dma_wait3A_756 = arith.constant 1 : i32
    %dma_wait3A_757 = arith.constant 32 : i32
    %dma_wait3A_758 = tpu.memref_slice %arg6[%dma_wait3A_756, %dma_wait3A_757] : memref<4x64xi32, #tpu.memory_space<vmem>> -> memref<1x8xi32, #tpu.memory_space<vmem>>
    %dma_wait3A_759 = tpu.memref_squeeze %dma_wait3A_758 : memref<1x8xi32, #tpu.memory_space<vmem>> -> memref<8xi32, #tpu.memory_space<vmem>>
    %dma_wait3A_760 = arith.constant 0 : i32
    %dma_wait3A_761 = arith.constant 0 : i32
    %dma_wait3A_762 = tpu.memref_slice %arg3[%dma_wait3A_760, %dma_wait3A_761] : memref<50257x1024xf32, #tpu.memory_space<hbm>> -> memref<50257x1024xf32, #tpu.memory_space<hbm>>
    tpu.wait_indirect_dma semaphore(%arg20 : memref<!tpu.dma_semaphore, #tpu.memory_space<semaphore_mem>>) src(%dma_wait3A_762 : memref<50257x1024xf32, #tpu.memory_space<hbm>>) dst(%arg10 : memref<8x1024xf32, #tpu.memory_space<vmem>>)
    %parallel_loop3A_763 = arith.constant 0 : i32
    %parallel_loop3A_764 = arith.constant 512 : i32
    %parallel_loop3A_765 = arith.constant 1 : i32
    scf.for %parallel_loop3A_1240 = %parallel_loop3A_763 to %parallel_loop3A_764 step %parallel_loop3A_765  : i32 {
      %parallel_loop3A_1241 = arith.constant 6 : i32
      %parallel_loop3A_1242 = arith.shrsi %parallel_loop3A_1240, %parallel_loop3A_1241 : i32
      %parallel_loop3A_1243 = arith.constant 63 : i32
      %parallel_loop3A_1244 = arith.andi %parallel_loop3A_1240, %parallel_loop3A_1243 : i32
      %parallel_loop3A_1245 = arith.constant 16 : i32
      %parallel_loop3A_1246 = arith.muli %parallel_loop3A_1244, %parallel_loop3A_1245 : i32
      %parallel_loop3A_1247 = arith.index_cast %parallel_loop3A_1242 : i32 to index
      %parallel_loop3A_1248 = arith.index_cast %parallel_loop3A_1246 : i32 to index
      %parallel_loop3A_1249 = tpu.vector_load %arg7[%parallel_loop3A_1247, %parallel_loop3A_1248] {strides = array<i32>} : memref<8x1024xf32, #tpu.memory_space<vmem>>, vector<1x16xf32>,
      %parallel_loop3A_1250 = vector.shape_cast %parallel_loop3A_1249 : vector<1x16xf32> to vector<16xf32>
      %parallel_loop3A_1251 = arith.index_cast %parallel_loop3A_1242 : i32 to index
      %parallel_loop3A_1252 = arith.index_cast %parallel_loop3A_1246 : i32 to index
      %parallel_loop3A_1253 = tpu.vector_load %arg10[%parallel_loop3A_1251, %parallel_loop3A_1252] {strides = array<i32>} : memref<8x1024xf32, #tpu.memory_space<vmem>>, vector<1x16xf32>,
      %parallel_loop3A_1254 = vector.shape_cast %parallel_loop3A_1253 : vector<1x16xf32> to vector<16xf32>
      %parallel_loop3A_1255 = vector.shape_cast %parallel_loop3A_1250 : vector<16xf32> to vector<1x16xf32>
      tpu.vector_store %arg10[%parallel_loop3A_1251, %parallel_loop3A_1252], %parallel_loop3A_1255 {add = true, strides = array<i32>} : memref<8x1024xf32, #tpu.memory_space<vmem>>, vector<1x16xf32>,
    } {sc.loop_unroll_factor = 2 : i64, sc.parallel_access}
    %add3A_766 = arith.constant 2048 : i32
    %add3A_767 = arith.addi %add3A_766, %mul3A_2 : i32
    %add3A_768 = arith.constant 32 : i32
    %add3A_769 = arith.addi %add3A_767, %add3A_768 : i32
    %dma_start3A_770 = arith.constant 0 : i32
    %dma_start3A_771 = tpu.memref_slice %arg5[%add3A_769, %dma_start3A_770] : memref<8192x1024xf32, #tpu.memory_space<hbm>> -> memref<8x1024xf32, #tpu.memory_space<hbm>>
    %dma_start3A_772 = arith.constant 0 : i32
    %dma_start3A_773 = tpu.memref_slice %arg5[%add3A_769, %dma_start3A_772] : memref<8192x1024xf32, #tpu.memory_space<hbm>> -> memref<8x1024xf32, #tpu.memory_space<hbm>>
    tpu.enqueue_dma source(%arg10 : memref<8x1024xf32, #tpu.memory_space<vmem>>) target(%dma_start3A_773 : memref<8x1024xf32, #tpu.memory_space<hbm>>) target_semaphore(%arg28 : memref<!tpu.dma_semaphore, #tpu.memory_space<semaphore_mem>>)
    %dma_wait3A_774 = arith.constant 2 : i32
    %dma_wait3A_775 = arith.constant 32 : i32
    %dma_wait3A_776 = tpu.memref_slice %arg6[%dma_wait3A_774, %dma_wait3A_775] : memref<4x64xi32, #tpu.memory_space<vmem>> -> memref<1x8xi32, #tpu.memory_space<vmem>>
    %dma_wait3A_777 = tpu.memref_squeeze %dma_wait3A_776 : memref<1x8xi32, #tpu.memory_space<vmem>> -> memref<8xi32, #tpu.memory_space<vmem>>
    %dma_wait3A_778 = arith.constant 0 : i32
    %dma_wait3A_779 = arith.constant 0 : i32
    %dma_wait3A_780 = tpu.memref_slice %arg3[%dma_wait3A_778, %dma_wait3A_779] : memref<50257x1024xf32, #tpu.memory_space<hbm>> -> memref<50257x1024xf32, #tpu.memory_space<hbm>>
    tpu.wait_indirect_dma semaphore(%arg21 : memref<!tpu.dma_semaphore, #tpu.memory_space<semaphore_mem>>) src(%dma_wait3A_780 : memref<50257x1024xf32, #tpu.memory_space<hbm>>) dst(%arg11 : memref<8x1024xf32, #tpu.memory_space<vmem>>)
    %parallel_loop3A_781 = arith.constant 0 : i32
    %parallel_loop3A_782 = arith.constant 512 : i32
    %parallel_loop3A_783 = arith.constant 1 : i32
    scf.for %parallel_loop3A_1240 = %parallel_loop3A_781 to %parallel_loop3A_782 step %parallel_loop3A_783  : i32 {
      %parallel_loop3A_1241 = arith.constant 6 : i32
      %parallel_loop3A_1242 = arith.shrsi %parallel_loop3A_1240, %parallel_loop3A_1241 : i32
      %parallel_loop3A_1243 = arith.constant 63 : i32
      %parallel_loop3A_1244 = arith.andi %parallel_loop3A_1240, %parallel_loop3A_1243 : i32
      %parallel_loop3A_1245 = arith.constant 16 : i32
      %parallel_loop3A_1246 = arith.muli %parallel_loop3A_1244, %parallel_loop3A_1245 : i32
      %parallel_loop3A_1247 = arith.index_cast %parallel_loop3A_1242 : i32 to index
      %parallel_loop3A_1248 = arith.index_cast %parallel_loop3A_1246 : i32 to index
      %parallel_loop3A_1249 = tpu.vector_load %arg7[%parallel_loop3A_1247, %parallel_loop3A_1248] {strides = array<i32>} : memref<8x1024xf32, #tpu.memory_space<vmem>>, vector<1x16xf32>,
      %parallel_loop3A_1250 = vector.shape_cast %parallel_loop3A_1249 : vector<1x16xf32> to vector<16xf32>
      %parallel_loop3A_1251 = arith.index_cast %parallel_loop3A_1242 : i32 to index
      %parallel_loop3A_1252 = arith.index_cast %parallel_loop3A_1246 : i32 to index
      %parallel_loop3A_1253 = tpu.vector_load %arg11[%parallel_loop3A_1251, %parallel_loop3A_1252] {strides = array<i32>} : memref<8x1024xf32, #tpu.memory_space<vmem>>, vector<1x16xf32>,
      %parallel_loop3A_1254 = vector.shape_cast %parallel_loop3A_1253 : vector<1x16xf32> to vector<16xf32>
      %parallel_loop3A_1255 = vector.shape_cast %parallel_loop3A_1250 : vector<16xf32> to vector<1x16xf32>
      tpu.vector_store %arg11[%parallel_loop3A_1251, %parallel_loop3A_1252], %parallel_loop3A_1255 {add = true, strides = array<i32>} : memref<8x1024xf32, #tpu.memory_space<vmem>>, vector<1x16xf32>,
    } {sc.loop_unroll_factor = 2 : i64, sc.parallel_access}
    %add3A_784 = arith.constant 4096 : i32
    %add3A_785 = arith.addi %add3A_784, %mul3A_2 : i32
    %add3A_786 = arith.constant 32 : i32
    %add3A_787 = arith.addi %add3A_785, %add3A_786 : i32
    %dma_start3A_788 = arith.constant 0 : i32
    %dma_start3A_789 = tpu.memref_slice %arg5[%add3A_787, %dma_start3A_788] : memref<8192x1024xf32, #tpu.memory_space<hbm>> -> memref<8x1024xf32, #tpu.memory_space<hbm>>
    %dma_start3A_790 = arith.constant 0 : i32
    %dma_start3A_791 = tpu.memref_slice %arg5[%add3A_787, %dma_start3A_790] : memref<8192x1024xf32, #tpu.memory_space<hbm>> -> memref<8x1024xf32, #tpu.memory_space<hbm>>
    tpu.enqueue_dma source(%arg11 : memref<8x1024xf32, #tpu.memory_space<vmem>>) target(%dma_start3A_791 : memref<8x1024xf32, #tpu.memory_space<hbm>>) target_semaphore(%arg29 : memref<!tpu.dma_semaphore, #tpu.memory_space<semaphore_mem>>)
    %dma_wait3A_792 = arith.constant 3 : i32
    %dma_wait3A_793 = arith.constant 32 : i32
    %dma_wait3A_794 = tpu.memref_slice %arg6[%dma_wait3A_792, %dma_wait3A_793] : memref<4x64xi32, #tpu.memory_space<vmem>> -> memref<1x8xi32, #tpu.memory_space<vmem>>
    %dma_wait3A_795 = tpu.memref_squeeze %dma_wait3A_794 : memref<1x8xi32, #tpu.memory_space<vmem>> -> memref<8xi32, #tpu.memory_space<vmem>>
    %dma_wait3A_796 = arith.constant 0 : i32
    %dma_wait3A_797 = arith.constant 0 : i32
    %dma_wait3A_798 = tpu.memref_slice %arg3[%dma_wait3A_796, %dma_wait3A_797] : memref<50257x1024xf32, #tpu.memory_space<hbm>> -> memref<50257x1024xf32, #tpu.memory_space<hbm>>
    tpu.wait_indirect_dma semaphore(%arg22 : memref<!tpu.dma_semaphore, #tpu.memory_space<semaphore_mem>>) src(%dma_wait3A_798 : memref<50257x1024xf32, #tpu.memory_space<hbm>>) dst(%arg12 : memref<8x1024xf32, #tpu.memory_space<vmem>>)
    %parallel_loop3A_799 = arith.constant 0 : i32
    %parallel_loop3A_800 = arith.constant 512 : i32
    %parallel_loop3A_801 = arith.constant 1 : i32
    scf.for %parallel_loop3A_1240 = %parallel_loop3A_799 to %parallel_loop3A_800 step %parallel_loop3A_801  : i32 {
      %parallel_loop3A_1241 = arith.constant 6 : i32
      %parallel_loop3A_1242 = arith.shrsi %parallel_loop3A_1240, %parallel_loop3A_1241 : i32
      %parallel_loop3A_1243 = arith.constant 63 : i32
      %parallel_loop3A_1244 = arith.andi %parallel_loop3A_1240, %parallel_loop3A_1243 : i32
      %parallel_loop3A_1245 = arith.constant 16 : i32
      %parallel_loop3A_1246 = arith.muli %parallel_loop3A_1244, %parallel_loop3A_1245 : i32
      %parallel_loop3A_1247 = arith.index_cast %parallel_loop3A_1242 : i32 to index
      %parallel_loop3A_1248 = arith.index_cast %parallel_loop3A_1246 : i32 to index
      %parallel_loop3A_1249 = tpu.vector_load %arg7[%parallel_loop3A_1247, %parallel_loop3A_1248] {strides = array<i32>} : memref<8x1024xf32, #tpu.memory_space<vmem>>, vector<1x16xf32>,
      %parallel_loop3A_1250 = vector.shape_cast %parallel_loop3A_1249 : vector<1x16xf32> to vector<16xf32>
      %parallel_loop3A_1251 = arith.index_cast %parallel_loop3A_1242 : i32 to index
      %parallel_loop3A_1252 = arith.index_cast %parallel_loop3A_1246 : i32 to index
      %parallel_loop3A_1253 = tpu.vector_load %arg12[%parallel_loop3A_1251, %parallel_loop3A_1252] {strides = array<i32>} : memref<8x1024xf32, #tpu.memory_space<vmem>>, vector<1x16xf32>,
      %parallel_loop3A_1254 = vector.shape_cast %parallel_loop3A_1253 : vector<1x16xf32> to vector<16xf32>
      %parallel_loop3A_1255 = vector.shape_cast %parallel_loop3A_1250 : vector<16xf32> to vector<1x16xf32>
      tpu.vector_store %arg12[%parallel_loop3A_1251, %parallel_loop3A_1252], %parallel_loop3A_1255 {add = true, strides = array<i32>} : memref<8x1024xf32, #tpu.memory_space<vmem>>, vector<1x16xf32>,
    } {sc.loop_unroll_factor = 2 : i64, sc.parallel_access}
    %add3A_802 = arith.constant 6144 : i32
    %add3A_803 = arith.addi %add3A_802, %mul3A_2 : i32
    %add3A_804 = arith.constant 32 : i32
    %add3A_805 = arith.addi %add3A_803, %add3A_804 : i32
    %dma_start3A_806 = arith.constant 0 : i32
    %dma_start3A_807 = tpu.memref_slice %arg5[%add3A_805, %dma_start3A_806] : memref<8192x1024xf32, #tpu.memory_space<hbm>> -> memref<8x1024xf32, #tpu.memory_space<hbm>>
    %dma_start3A_808 = arith.constant 0 : i32
    %dma_start3A_809 = tpu.memref_slice %arg5[%add3A_805, %dma_start3A_808] : memref<8192x1024xf32, #tpu.memory_space<hbm>> -> memref<8x1024xf32, #tpu.memory_space<hbm>>
    tpu.enqueue_dma source(%arg12 : memref<8x1024xf32, #tpu.memory_space<vmem>>) target(%dma_start3A_809 : memref<8x1024xf32, #tpu.memory_space<hbm>>) target_semaphore(%arg30 : memref<!tpu.dma_semaphore, #tpu.memory_space<semaphore_mem>>)
    %add3A_810 = arith.constant 0 : i32
    %add3A_811 = arith.addi %add3A_810, %mul3A_2 : i32
    %add3A_812 = arith.constant 32 : i32
    %add3A_813 = arith.addi %add3A_811, %add3A_812 : i32
    %dma_wait3A_814 = arith.constant 0 : i32
    %dma_wait3A_815 = tpu.memref_slice %arg5[%add3A_813, %dma_wait3A_814] : memref<8192x1024xf32, #tpu.memory_space<hbm>> -> memref<8x1024xf32, #tpu.memory_space<hbm>>
    %dma_wait3A_816 = arith.constant 0 : i32
    %dma_wait3A_817 = tpu.memref_slice %arg5[%add3A_813, %dma_wait3A_816] : memref<8192x1024xf32, #tpu.memory_space<hbm>> -> memref<8x1024xf32, #tpu.memory_space<hbm>>
    tpu.wait_dma2 semaphore(%arg27 : memref<!tpu.dma_semaphore, #tpu.memory_space<semaphore_mem>>) src(%arg9 : memref<8x1024xf32, #tpu.memory_space<vmem>>) dst(%dma_wait3A_817 : memref<8x1024xf32, #tpu.memory_space<hbm>>)
    %dma_start3A_818 = arith.constant 0 : i32
    %dma_start3A_819 = arith.constant 48 : i32
    %dma_start3A_820 = tpu.memref_slice %arg6[%dma_start3A_818, %dma_start3A_819] : memref<4x64xi32, #tpu.memory_space<vmem>> -> memref<1x8xi32, #tpu.memory_space<vmem>>
    %dma_start3A_821 = tpu.memref_squeeze %dma_start3A_820 : memref<1x8xi32, #tpu.memory_space<vmem>> -> memref<8xi32, #tpu.memory_space<vmem>>
    %dma_start3A_822 = arith.constant 0 : i32
    %dma_start3A_823 = arith.constant 0 : i32
    %dma_start3A_824 = tpu.memref_slice %arg3[%dma_start3A_822, %dma_start3A_823] : memref<50257x1024xf32, #tpu.memory_space<hbm>> -> memref<50257x1024xf32, #tpu.memory_space<hbm>>
    tpu.enqueue_indirect_dma source(%dma_start3A_824 : memref<50257x1024xf32, #tpu.memory_space<hbm>>) target(%arg9 : memref<8x1024xf32, #tpu.memory_space<vmem>>) offsets(%dma_start3A_821 : memref<8xi32, #tpu.memory_space<vmem>>) semaphore(%arg19 : memref<!tpu.dma_semaphore, #tpu.memory_space<semaphore_mem>>)
    %add3A_825 = arith.constant 2048 : i32
    %add3A_826 = arith.addi %add3A_825, %mul3A_2 : i32
    %add3A_827 = arith.constant 32 : i32
    %add3A_828 = arith.addi %add3A_826, %add3A_827 : i32
    %dma_wait3A_829 = arith.constant 0 : i32
    %dma_wait3A_830 = tpu.memref_slice %arg5[%add3A_828, %dma_wait3A_829] : memref<8192x1024xf32, #tpu.memory_space<hbm>> -> memref<8x1024xf32, #tpu.memory_space<hbm>>
    %dma_wait3A_831 = arith.constant 0 : i32
    %dma_wait3A_832 = tpu.memref_slice %arg5[%add3A_828, %dma_wait3A_831] : memref<8192x1024xf32, #tpu.memory_space<hbm>> -> memref<8x1024xf32, #tpu.memory_space<hbm>>
    tpu.wait_dma2 semaphore(%arg28 : memref<!tpu.dma_semaphore, #tpu.memory_space<semaphore_mem>>) src(%arg10 : memref<8x1024xf32, #tpu.memory_space<vmem>>) dst(%dma_wait3A_832 : memref<8x1024xf32, #tpu.memory_space<hbm>>)
    %dma_start3A_833 = arith.constant 1 : i32
    %dma_start3A_834 = arith.constant 48 : i32
    %dma_start3A_835 = tpu.memref_slice %arg6[%dma_start3A_833, %dma_start3A_834] : memref<4x64xi32, #tpu.memory_space<vmem>> -> memref<1x8xi32, #tpu.memory_space<vmem>>
    %dma_start3A_836 = tpu.memref_squeeze %dma_start3A_835 : memref<1x8xi32, #tpu.memory_space<vmem>> -> memref<8xi32, #tpu.memory_space<vmem>>
    %dma_start3A_837 = arith.constant 0 : i32
    %dma_start3A_838 = arith.constant 0 : i32
    %dma_start3A_839 = tpu.memref_slice %arg3[%dma_start3A_837, %dma_start3A_838] : memref<50257x1024xf32, #tpu.memory_space<hbm>> -> memref<50257x1024xf32, #tpu.memory_space<hbm>>
    tpu.enqueue_indirect_dma source(%dma_start3A_839 : memref<50257x1024xf32, #tpu.memory_space<hbm>>) target(%arg10 : memref<8x1024xf32, #tpu.memory_space<vmem>>) offsets(%dma_start3A_836 : memref<8xi32, #tpu.memory_space<vmem>>) semaphore(%arg20 : memref<!tpu.dma_semaphore, #tpu.memory_space<semaphore_mem>>)
    %add3A_840 = arith.constant 4096 : i32
    %add3A_841 = arith.addi %add3A_840, %mul3A_2 : i32
    %add3A_842 = arith.constant 32 : i32
    %add3A_843 = arith.addi %add3A_841, %add3A_842 : i32
    %dma_wait3A_844 = arith.constant 0 : i32
    %dma_wait3A_845 = tpu.memref_slice %arg5[%add3A_843, %dma_wait3A_844] : memref<8192x1024xf32, #tpu.memory_space<hbm>> -> memref<8x1024xf32, #tpu.memory_space<hbm>>
    %dma_wait3A_846 = arith.constant 0 : i32
    %dma_wait3A_847 = tpu.memref_slice %arg5[%add3A_843, %dma_wait3A_846] : memref<8192x1024xf32, #tpu.memory_space<hbm>> -> memref<8x1024xf32, #tpu.memory_space<hbm>>
    tpu.wait_dma2 semaphore(%arg29 : memref<!tpu.dma_semaphore, #tpu.memory_space<semaphore_mem>>) src(%arg11 : memref<8x1024xf32, #tpu.memory_space<vmem>>) dst(%dma_wait3A_847 : memref<8x1024xf32, #tpu.memory_space<hbm>>)
    %dma_start3A_848 = arith.constant 2 : i32
    %dma_start3A_849 = arith.constant 48 : i32
    %dma_start3A_850 = tpu.memref_slice %arg6[%dma_start3A_848, %dma_start3A_849] : memref<4x64xi32, #tpu.memory_space<vmem>> -> memref<1x8xi32, #tpu.memory_space<vmem>>
    %dma_start3A_851 = tpu.memref_squeeze %dma_start3A_850 : memref<1x8xi32, #tpu.memory_space<vmem>> -> memref<8xi32, #tpu.memory_space<vmem>>
    %dma_start3A_852 = arith.constant 0 : i32
    %dma_start3A_853 = arith.constant 0 : i32
    %dma_start3A_854 = tpu.memref_slice %arg3[%dma_start3A_852, %dma_start3A_853] : memref<50257x1024xf32, #tpu.memory_space<hbm>> -> memref<50257x1024xf32, #tpu.memory_space<hbm>>
    tpu.enqueue_indirect_dma source(%dma_start3A_854 : memref<50257x1024xf32, #tpu.memory_space<hbm>>) target(%arg11 : memref<8x1024xf32, #tpu.memory_space<vmem>>) offsets(%dma_start3A_851 : memref<8xi32, #tpu.memory_space<vmem>>) semaphore(%arg21 : memref<!tpu.dma_semaphore, #tpu.memory_space<semaphore_mem>>)
    %add3A_855 = arith.constant 6144 : i32
    %add3A_856 = arith.addi %add3A_855, %mul3A_2 : i32
    %add3A_857 = arith.constant 32 : i32
    %add3A_858 = arith.addi %add3A_856, %add3A_857 : i32
    %dma_wait3A_859 = arith.constant 0 : i32
    %dma_wait3A_860 = tpu.memref_slice %arg5[%add3A_858, %dma_wait3A_859] : memref<8192x1024xf32, #tpu.memory_space<hbm>> -> memref<8x1024xf32, #tpu.memory_space<hbm>>
    %dma_wait3A_861 = arith.constant 0 : i32
    %dma_wait3A_862 = tpu.memref_slice %arg5[%add3A_858, %dma_wait3A_861] : memref<8192x1024xf32, #tpu.memory_space<hbm>> -> memref<8x1024xf32, #tpu.memory_space<hbm>>
    tpu.wait_dma2 semaphore(%arg30 : memref<!tpu.dma_semaphore, #tpu.memory_space<semaphore_mem>>) src(%arg12 : memref<8x1024xf32, #tpu.memory_space<vmem>>) dst(%dma_wait3A_862 : memref<8x1024xf32, #tpu.memory_space<hbm>>)
    %dma_start3A_863 = arith.constant 3 : i32
    %dma_start3A_864 = arith.constant 48 : i32
    %dma_start3A_865 = tpu.memref_slice %arg6[%dma_start3A_863, %dma_start3A_864] : memref<4x64xi32, #tpu.memory_space<vmem>> -> memref<1x8xi32, #tpu.memory_space<vmem>>
    %dma_start3A_866 = tpu.memref_squeeze %dma_start3A_865 : memref<1x8xi32, #tpu.memory_space<vmem>> -> memref<8xi32, #tpu.memory_space<vmem>>
    %dma_start3A_867 = arith.constant 0 : i32
    %dma_start3A_868 = arith.constant 0 : i32
    %dma_start3A_869 = tpu.memref_slice %arg3[%dma_start3A_867, %dma_start3A_868] : memref<50257x1024xf32, #tpu.memory_space<hbm>> -> memref<50257x1024xf32, #tpu.memory_space<hbm>>
    tpu.enqueue_indirect_dma source(%dma_start3A_869 : memref<50257x1024xf32, #tpu.memory_space<hbm>>) target(%arg12 : memref<8x1024xf32, #tpu.memory_space<vmem>>) offsets(%dma_start3A_866 : memref<8xi32, #tpu.memory_space<vmem>>) semaphore(%arg22 : memref<!tpu.dma_semaphore, #tpu.memory_space<semaphore_mem>>)
    %add3A_870 = arith.constant 40 : i32
    %add3A_871 = arith.addi %mul3A_2, %add3A_870 : i32
    %dma_wait3A_872 = arith.constant 0 : i32
    %dma_wait3A_873 = tpu.memref_slice %arg4[%add3A_871, %dma_wait3A_872] : memref<2048x1024xf32, #tpu.memory_space<hbm>> -> memref<8x1024xf32, #tpu.memory_space<hbm>>
    %dma_wait3A_874 = arith.constant 0 : i32
    %dma_wait3A_875 = tpu.memref_slice %arg4[%add3A_871, %dma_wait3A_874] : memref<2048x1024xf32, #tpu.memory_space<hbm>> -> memref<8x1024xf32, #tpu.memory_space<hbm>>
    tpu.wait_dma2 semaphore(%arg18 : memref<!tpu.dma_semaphore, #tpu.memory_space<semaphore_mem>>) src(%dma_wait3A_875 : memref<8x1024xf32, #tpu.memory_space<hbm>>) dst(%arg8 : memref<8x1024xf32, #tpu.memory_space<vmem>>)
    %add3A_876 = arith.constant 48 : i32
    %add3A_877 = arith.addi %mul3A_2, %add3A_876 : i32
    %dma_start3A_878 = arith.constant 0 : i32
    %dma_start3A_879 = tpu.memref_slice %arg4[%add3A_877, %dma_start3A_878] : memref<2048x1024xf32, #tpu.memory_space<hbm>> -> memref<8x1024xf32, #tpu.memory_space<hbm>>
    %dma_start3A_880 = arith.constant 0 : i32
    %dma_start3A_881 = tpu.memref_slice %arg4[%add3A_877, %dma_start3A_880] : memref<2048x1024xf32, #tpu.memory_space<hbm>> -> memref<8x1024xf32, #tpu.memory_space<hbm>>
    tpu.enqueue_dma source(%dma_start3A_881 : memref<8x1024xf32, #tpu.memory_space<hbm>>) target(%arg7 : memref<8x1024xf32, #tpu.memory_space<vmem>>) target_semaphore(%arg18 : memref<!tpu.dma_semaphore, #tpu.memory_space<semaphore_mem>>)
    %dma_wait3A_882 = arith.constant 0 : i32
    %dma_wait3A_883 = arith.constant 40 : i32
    %dma_wait3A_884 = tpu.memref_slice %arg6[%dma_wait3A_882, %dma_wait3A_883] : memref<4x64xi32, #tpu.memory_space<vmem>> -> memref<1x8xi32, #tpu.memory_space<vmem>>
    %dma_wait3A_885 = tpu.memref_squeeze %dma_wait3A_884 : memref<1x8xi32, #tpu.memory_space<vmem>> -> memref<8xi32, #tpu.memory_space<vmem>>
    %dma_wait3A_886 = arith.constant 0 : i32
    %dma_wait3A_887 = arith.constant 0 : i32
    %dma_wait3A_888 = tpu.memref_slice %arg3[%dma_wait3A_886, %dma_wait3A_887] : memref<50257x1024xf32, #tpu.memory_space<hbm>> -> memref<50257x1024xf32, #tpu.memory_space<hbm>>
    tpu.wait_indirect_dma semaphore(%arg23 : memref<!tpu.dma_semaphore, #tpu.memory_space<semaphore_mem>>) src(%dma_wait3A_888 : memref<50257x1024xf32, #tpu.memory_space<hbm>>) dst(%arg13 : memref<8x1024xf32, #tpu.memory_space<vmem>>)
    %parallel_loop3A_889 = arith.constant 0 : i32
    %parallel_loop3A_890 = arith.constant 512 : i32
    %parallel_loop3A_891 = arith.constant 1 : i32
    scf.for %parallel_loop3A_1240 = %parallel_loop3A_889 to %parallel_loop3A_890 step %parallel_loop3A_891  : i32 {
      %parallel_loop3A_1241 = arith.constant 6 : i32
      %parallel_loop3A_1242 = arith.shrsi %parallel_loop3A_1240, %parallel_loop3A_1241 : i32
      %parallel_loop3A_1243 = arith.constant 63 : i32
      %parallel_loop3A_1244 = arith.andi %parallel_loop3A_1240, %parallel_loop3A_1243 : i32
      %parallel_loop3A_1245 = arith.constant 16 : i32
      %parallel_loop3A_1246 = arith.muli %parallel_loop3A_1244, %parallel_loop3A_1245 : i32
      %parallel_loop3A_1247 = arith.index_cast %parallel_loop3A_1242 : i32 to index
      %parallel_loop3A_1248 = arith.index_cast %parallel_loop3A_1246 : i32 to index
      %parallel_loop3A_1249 = tpu.vector_load %arg8[%parallel_loop3A_1247, %parallel_loop3A_1248] {strides = array<i32>} : memref<8x1024xf32, #tpu.memory_space<vmem>>, vector<1x16xf32>,
      %parallel_loop3A_1250 = vector.shape_cast %parallel_loop3A_1249 : vector<1x16xf32> to vector<16xf32>
      %parallel_loop3A_1251 = arith.index_cast %parallel_loop3A_1242 : i32 to index
      %parallel_loop3A_1252 = arith.index_cast %parallel_loop3A_1246 : i32 to index
      %parallel_loop3A_1253 = tpu.vector_load %arg13[%parallel_loop3A_1251, %parallel_loop3A_1252] {strides = array<i32>} : memref<8x1024xf32, #tpu.memory_space<vmem>>, vector<1x16xf32>,
      %parallel_loop3A_1254 = vector.shape_cast %parallel_loop3A_1253 : vector<1x16xf32> to vector<16xf32>
      %parallel_loop3A_1255 = vector.shape_cast %parallel_loop3A_1250 : vector<16xf32> to vector<1x16xf32>
      tpu.vector_store %arg13[%parallel_loop3A_1251, %parallel_loop3A_1252], %parallel_loop3A_1255 {add = true, strides = array<i32>} : memref<8x1024xf32, #tpu.memory_space<vmem>>, vector<1x16xf32>,
    } {sc.loop_unroll_factor = 2 : i64, sc.parallel_access}
    %add3A_892 = arith.constant 0 : i32
    %add3A_893 = arith.addi %add3A_892, %mul3A_2 : i32
    %add3A_894 = arith.constant 40 : i32
    %add3A_895 = arith.addi %add3A_893, %add3A_894 : i32
    %dma_start3A_896 = arith.constant 0 : i32
    %dma_start3A_897 = tpu.memref_slice %arg5[%add3A_895, %dma_start3A_896] : memref<8192x1024xf32, #tpu.memory_space<hbm>> -> memref<8x1024xf32, #tpu.memory_space<hbm>>
    %dma_start3A_898 = arith.constant 0 : i32
    %dma_start3A_899 = tpu.memref_slice %arg5[%add3A_895, %dma_start3A_898] : memref<8192x1024xf32, #tpu.memory_space<hbm>> -> memref<8x1024xf32, #tpu.memory_space<hbm>>
    tpu.enqueue_dma source(%arg13 : memref<8x1024xf32, #tpu.memory_space<vmem>>) target(%dma_start3A_899 : memref<8x1024xf32, #tpu.memory_space<hbm>>) target_semaphore(%arg31 : memref<!tpu.dma_semaphore, #tpu.memory_space<semaphore_mem>>)
    %dma_wait3A_900 = arith.constant 1 : i32
    %dma_wait3A_901 = arith.constant 40 : i32
    %dma_wait3A_902 = tpu.memref_slice %arg6[%dma_wait3A_900, %dma_wait3A_901] : memref<4x64xi32, #tpu.memory_space<vmem>> -> memref<1x8xi32, #tpu.memory_space<vmem>>
    %dma_wait3A_903 = tpu.memref_squeeze %dma_wait3A_902 : memref<1x8xi32, #tpu.memory_space<vmem>> -> memref<8xi32, #tpu.memory_space<vmem>>
    %dma_wait3A_904 = arith.constant 0 : i32
    %dma_wait3A_905 = arith.constant 0 : i32
    %dma_wait3A_906 = tpu.memref_slice %arg3[%dma_wait3A_904, %dma_wait3A_905] : memref<50257x1024xf32, #tpu.memory_space<hbm>> -> memref<50257x1024xf32, #tpu.memory_space<hbm>>
    tpu.wait_indirect_dma semaphore(%arg24 : memref<!tpu.dma_semaphore, #tpu.memory_space<semaphore_mem>>) src(%dma_wait3A_906 : memref<50257x1024xf32, #tpu.memory_space<hbm>>) dst(%arg14 : memref<8x1024xf32, #tpu.memory_space<vmem>>)
    %parallel_loop3A_907 = arith.constant 0 : i32
    %parallel_loop3A_908 = arith.constant 512 : i32
    %parallel_loop3A_909 = arith.constant 1 : i32
    scf.for %parallel_loop3A_1240 = %parallel_loop3A_907 to %parallel_loop3A_908 step %parallel_loop3A_909  : i32 {
      %parallel_loop3A_1241 = arith.constant 6 : i32
      %parallel_loop3A_1242 = arith.shrsi %parallel_loop3A_1240, %parallel_loop3A_1241 : i32
      %parallel_loop3A_1243 = arith.constant 63 : i32
      %parallel_loop3A_1244 = arith.andi %parallel_loop3A_1240, %parallel_loop3A_1243 : i32
      %parallel_loop3A_1245 = arith.constant 16 : i32
      %parallel_loop3A_1246 = arith.muli %parallel_loop3A_1244, %parallel_loop3A_1245 : i32
      %parallel_loop3A_1247 = arith.index_cast %parallel_loop3A_1242 : i32 to index
      %parallel_loop3A_1248 = arith.index_cast %parallel_loop3A_1246 : i32 to index
      %parallel_loop3A_1249 = tpu.vector_load %arg8[%parallel_loop3A_1247, %parallel_loop3A_1248] {strides = array<i32>} : memref<8x1024xf32, #tpu.memory_space<vmem>>, vector<1x16xf32>,
      %parallel_loop3A_1250 = vector.shape_cast %parallel_loop3A_1249 : vector<1x16xf32> to vector<16xf32>
      %parallel_loop3A_1251 = arith.index_cast %parallel_loop3A_1242 : i32 to index
      %parallel_loop3A_1252 = arith.index_cast %parallel_loop3A_1246 : i32 to index
      %parallel_loop3A_1253 = tpu.vector_load %arg14[%parallel_loop3A_1251, %parallel_loop3A_1252] {strides = array<i32>} : memref<8x1024xf32, #tpu.memory_space<vmem>>, vector<1x16xf32>,
      %parallel_loop3A_1254 = vector.shape_cast %parallel_loop3A_1253 : vector<1x16xf32> to vector<16xf32>
      %parallel_loop3A_1255 = vector.shape_cast %parallel_loop3A_1250 : vector<16xf32> to vector<1x16xf32>
      tpu.vector_store %arg14[%parallel_loop3A_1251, %parallel_loop3A_1252], %parallel_loop3A_1255 {add = true, strides = array<i32>} : memref<8x1024xf32, #tpu.memory_space<vmem>>, vector<1x16xf32>,
    } {sc.loop_unroll_factor = 2 : i64, sc.parallel_access}
    %add3A_910 = arith.constant 2048 : i32
    %add3A_911 = arith.addi %add3A_910, %mul3A_2 : i32
    %add3A_912 = arith.constant 40 : i32
    %add3A_913 = arith.addi %add3A_911, %add3A_912 : i32
    %dma_start3A_914 = arith.constant 0 : i32
    %dma_start3A_915 = tpu.memref_slice %arg5[%add3A_913, %dma_start3A_914] : memref<8192x1024xf32, #tpu.memory_space<hbm>> -> memref<8x1024xf32, #tpu.memory_space<hbm>>
    %dma_start3A_916 = arith.constant 0 : i32
    %dma_start3A_917 = tpu.memref_slice %arg5[%add3A_913, %dma_start3A_916] : memref<8192x1024xf32, #tpu.memory_space<hbm>> -> memref<8x1024xf32, #tpu.memory_space<hbm>>
    tpu.enqueue_dma source(%arg14 : memref<8x1024xf32, #tpu.memory_space<vmem>>) target(%dma_start3A_917 : memref<8x1024xf32, #tpu.memory_space<hbm>>) target_semaphore(%arg32 : memref<!tpu.dma_semaphore, #tpu.memory_space<semaphore_mem>>)
    %dma_wait3A_918 = arith.constant 2 : i32
    %dma_wait3A_919 = arith.constant 40 : i32
    %dma_wait3A_920 = tpu.memref_slice %arg6[%dma_wait3A_918, %dma_wait3A_919] : memref<4x64xi32, #tpu.memory_space<vmem>> -> memref<1x8xi32, #tpu.memory_space<vmem>>
    %dma_wait3A_921 = tpu.memref_squeeze %dma_wait3A_920 : memref<1x8xi32, #tpu.memory_space<vmem>> -> memref<8xi32, #tpu.memory_space<vmem>>
    %dma_wait3A_922 = arith.constant 0 : i32
    %dma_wait3A_923 = arith.constant 0 : i32
    %dma_wait3A_924 = tpu.memref_slice %arg3[%dma_wait3A_922, %dma_wait3A_923] : memref<50257x1024xf32, #tpu.memory_space<hbm>> -> memref<50257x1024xf32, #tpu.memory_space<hbm>>
    tpu.wait_indirect_dma semaphore(%arg25 : memref<!tpu.dma_semaphore, #tpu.memory_space<semaphore_mem>>) src(%dma_wait3A_924 : memref<50257x1024xf32, #tpu.memory_space<hbm>>) dst(%arg15 : memref<8x1024xf32, #tpu.memory_space<vmem>>)
    %parallel_loop3A_925 = arith.constant 0 : i32
    %parallel_loop3A_926 = arith.constant 512 : i32
    %parallel_loop3A_927 = arith.constant 1 : i32
    scf.for %parallel_loop3A_1240 = %parallel_loop3A_925 to %parallel_loop3A_926 step %parallel_loop3A_927  : i32 {
      %parallel_loop3A_1241 = arith.constant 6 : i32
      %parallel_loop3A_1242 = arith.shrsi %parallel_loop3A_1240, %parallel_loop3A_1241 : i32
      %parallel_loop3A_1243 = arith.constant 63 : i32
      %parallel_loop3A_1244 = arith.andi %parallel_loop3A_1240, %parallel_loop3A_1243 : i32
      %parallel_loop3A_1245 = arith.constant 16 : i32
      %parallel_loop3A_1246 = arith.muli %parallel_loop3A_1244, %parallel_loop3A_1245 : i32
      %parallel_loop3A_1247 = arith.index_cast %parallel_loop3A_1242 : i32 to index
      %parallel_loop3A_1248 = arith.index_cast %parallel_loop3A_1246 : i32 to index
      %parallel_loop3A_1249 = tpu.vector_load %arg8[%parallel_loop3A_1247, %parallel_loop3A_1248] {strides = array<i32>} : memref<8x1024xf32, #tpu.memory_space<vmem>>, vector<1x16xf32>,
      %parallel_loop3A_1250 = vector.shape_cast %parallel_loop3A_1249 : vector<1x16xf32> to vector<16xf32>
      %parallel_loop3A_1251 = arith.index_cast %parallel_loop3A_1242 : i32 to index
      %parallel_loop3A_1252 = arith.index_cast %parallel_loop3A_1246 : i32 to index
      %parallel_loop3A_1253 = tpu.vector_load %arg15[%parallel_loop3A_1251, %parallel_loop3A_1252] {strides = array<i32>} : memref<8x1024xf32, #tpu.memory_space<vmem>>, vector<1x16xf32>,
      %parallel_loop3A_1254 = vector.shape_cast %parallel_loop3A_1253 : vector<1x16xf32> to vector<16xf32>
      %parallel_loop3A_1255 = vector.shape_cast %parallel_loop3A_1250 : vector<16xf32> to vector<1x16xf32>
      tpu.vector_store %arg15[%parallel_loop3A_1251, %parallel_loop3A_1252], %parallel_loop3A_1255 {add = true, strides = array<i32>} : memref<8x1024xf32, #tpu.memory_space<vmem>>, vector<1x16xf32>,
    } {sc.loop_unroll_factor = 2 : i64, sc.parallel_access}
    %add3A_928 = arith.constant 4096 : i32
    %add3A_929 = arith.addi %add3A_928, %mul3A_2 : i32
    %add3A_930 = arith.constant 40 : i32
    %add3A_931 = arith.addi %add3A_929, %add3A_930 : i32
    %dma_start3A_932 = arith.constant 0 : i32
    %dma_start3A_933 = tpu.memref_slice %arg5[%add3A_931, %dma_start3A_932] : memref<8192x1024xf32, #tpu.memory_space<hbm>> -> memref<8x1024xf32, #tpu.memory_space<hbm>>
    %dma_start3A_934 = arith.constant 0 : i32
    %dma_start3A_935 = tpu.memref_slice %arg5[%add3A_931, %dma_start3A_934] : memref<8192x1024xf32, #tpu.memory_space<hbm>> -> memref<8x1024xf32, #tpu.memory_space<hbm>>
    tpu.enqueue_dma source(%arg15 : memref<8x1024xf32, #tpu.memory_space<vmem>>) target(%dma_start3A_935 : memref<8x1024xf32, #tpu.memory_space<hbm>>) target_semaphore(%arg33 : memref<!tpu.dma_semaphore, #tpu.memory_space<semaphore_mem>>)
    %dma_wait3A_936 = arith.constant 3 : i32
    %dma_wait3A_937 = arith.constant 40 : i32
    %dma_wait3A_938 = tpu.memref_slice %arg6[%dma_wait3A_936, %dma_wait3A_937] : memref<4x64xi32, #tpu.memory_space<vmem>> -> memref<1x8xi32, #tpu.memory_space<vmem>>
    %dma_wait3A_939 = tpu.memref_squeeze %dma_wait3A_938 : memref<1x8xi32, #tpu.memory_space<vmem>> -> memref<8xi32, #tpu.memory_space<vmem>>
    %dma_wait3A_940 = arith.constant 0 : i32
    %dma_wait3A_941 = arith.constant 0 : i32
    %dma_wait3A_942 = tpu.memref_slice %arg3[%dma_wait3A_940, %dma_wait3A_941] : memref<50257x1024xf32, #tpu.memory_space<hbm>> -> memref<50257x1024xf32, #tpu.memory_space<hbm>>
    tpu.wait_indirect_dma semaphore(%arg26 : memref<!tpu.dma_semaphore, #tpu.memory_space<semaphore_mem>>) src(%dma_wait3A_942 : memref<50257x1024xf32, #tpu.memory_space<hbm>>) dst(%arg16 : memref<8x1024xf32, #tpu.memory_space<vmem>>)
    %parallel_loop3A_943 = arith.constant 0 : i32
    %parallel_loop3A_944 = arith.constant 512 : i32
    %parallel_loop3A_945 = arith.constant 1 : i32
    scf.for %parallel_loop3A_1240 = %parallel_loop3A_943 to %parallel_loop3A_944 step %parallel_loop3A_945  : i32 {
      %parallel_loop3A_1241 = arith.constant 6 : i32
      %parallel_loop3A_1242 = arith.shrsi %parallel_loop3A_1240, %parallel_loop3A_1241 : i32
      %parallel_loop3A_1243 = arith.constant 63 : i32
      %parallel_loop3A_1244 = arith.andi %parallel_loop3A_1240, %parallel_loop3A_1243 : i32
      %parallel_loop3A_1245 = arith.constant 16 : i32
      %parallel_loop3A_1246 = arith.muli %parallel_loop3A_1244, %parallel_loop3A_1245 : i32
      %parallel_loop3A_1247 = arith.index_cast %parallel_loop3A_1242 : i32 to index
      %parallel_loop3A_1248 = arith.index_cast %parallel_loop3A_1246 : i32 to index
      %parallel_loop3A_1249 = tpu.vector_load %arg8[%parallel_loop3A_1247, %parallel_loop3A_1248] {strides = array<i32>} : memref<8x1024xf32, #tpu.memory_space<vmem>>, vector<1x16xf32>,
      %parallel_loop3A_1250 = vector.shape_cast %parallel_loop3A_1249 : vector<1x16xf32> to vector<16xf32>
      %parallel_loop3A_1251 = arith.index_cast %parallel_loop3A_1242 : i32 to index
      %parallel_loop3A_1252 = arith.index_cast %parallel_loop3A_1246 : i32 to index
      %parallel_loop3A_1253 = tpu.vector_load %arg16[%parallel_loop3A_1251, %parallel_loop3A_1252] {strides = array<i32>} : memref<8x1024xf32, #tpu.memory_space<vmem>>, vector<1x16xf32>,
      %parallel_loop3A_1254 = vector.shape_cast %parallel_loop3A_1253 : vector<1x16xf32> to vector<16xf32>
      %parallel_loop3A_1255 = vector.shape_cast %parallel_loop3A_1250 : vector<16xf32> to vector<1x16xf32>
      tpu.vector_store %arg16[%parallel_loop3A_1251, %parallel_loop3A_1252], %parallel_loop3A_1255 {add = true, strides = array<i32>} : memref<8x1024xf32, #tpu.memory_space<vmem>>, vector<1x16xf32>,
    } {sc.loop_unroll_factor = 2 : i64, sc.parallel_access}
    %add3A_946 = arith.constant 6144 : i32
    %add3A_947 = arith.addi %add3A_946, %mul3A_2 : i32
    %add3A_948 = arith.constant 40 : i32
    %add3A_949 = arith.addi %add3A_947, %add3A_948 : i32
    %dma_start3A_950 = arith.constant 0 : i32
    %dma_start3A_951 = tpu.memref_slice %arg5[%add3A_949, %dma_start3A_950] : memref<8192x1024xf32, #tpu.memory_space<hbm>> -> memref<8x1024xf32, #tpu.memory_space<hbm>>
    %dma_start3A_952 = arith.constant 0 : i32
    %dma_start3A_953 = tpu.memref_slice %arg5[%add3A_949, %dma_start3A_952] : memref<8192x1024xf32, #tpu.memory_space<hbm>> -> memref<8x1024xf32, #tpu.memory_space<hbm>>
    tpu.enqueue_dma source(%arg16 : memref<8x1024xf32, #tpu.memory_space<vmem>>) target(%dma_start3A_953 : memref<8x1024xf32, #tpu.memory_space<hbm>>) target_semaphore(%arg34 : memref<!tpu.dma_semaphore, #tpu.memory_space<semaphore_mem>>)
    %add3A_954 = arith.constant 0 : i32
    %add3A_955 = arith.addi %add3A_954, %mul3A_2 : i32
    %add3A_956 = arith.constant 40 : i32
    %add3A_957 = arith.addi %add3A_955, %add3A_956 : i32
    %dma_wait3A_958 = arith.constant 0 : i32
    %dma_wait3A_959 = tpu.memref_slice %arg5[%add3A_957, %dma_wait3A_958] : memref<8192x1024xf32, #tpu.memory_space<hbm>> -> memref<8x1024xf32, #tpu.memory_space<hbm>>
    %dma_wait3A_960 = arith.constant 0 : i32
    %dma_wait3A_961 = tpu.memref_slice %arg5[%add3A_957, %dma_wait3A_960] : memref<8192x1024xf32, #tpu.memory_space<hbm>> -> memref<8x1024xf32, #tpu.memory_space<hbm>>
    tpu.wait_dma2 semaphore(%arg31 : memref<!tpu.dma_semaphore, #tpu.memory_space<semaphore_mem>>) src(%arg13 : memref<8x1024xf32, #tpu.memory_space<vmem>>) dst(%dma_wait3A_961 : memref<8x1024xf32, #tpu.memory_space<hbm>>)
    %dma_start3A_962 = arith.constant 0 : i32
    %dma_start3A_963 = arith.constant 56 : i32
    %dma_start3A_964 = tpu.memref_slice %arg6[%dma_start3A_962, %dma_start3A_963] : memref<4x64xi32, #tpu.memory_space<vmem>> -> memref<1x8xi32, #tpu.memory_space<vmem>>
    %dma_start3A_965 = tpu.memref_squeeze %dma_start3A_964 : memref<1x8xi32, #tpu.memory_space<vmem>> -> memref<8xi32, #tpu.memory_space<vmem>>
    %dma_start3A_966 = arith.constant 0 : i32
    %dma_start3A_967 = arith.constant 0 : i32
    %dma_start3A_968 = tpu.memref_slice %arg3[%dma_start3A_966, %dma_start3A_967] : memref<50257x1024xf32, #tpu.memory_space<hbm>> -> memref<50257x1024xf32, #tpu.memory_space<hbm>>
    tpu.enqueue_indirect_dma source(%dma_start3A_968 : memref<50257x1024xf32, #tpu.memory_space<hbm>>) target(%arg13 : memref<8x1024xf32, #tpu.memory_space<vmem>>) offsets(%dma_start3A_965 : memref<8xi32, #tpu.memory_space<vmem>>) semaphore(%arg23 : memref<!tpu.dma_semaphore, #tpu.memory_space<semaphore_mem>>)
    %add3A_969 = arith.constant 2048 : i32
    %add3A_970 = arith.addi %add3A_969, %mul3A_2 : i32
    %add3A_971 = arith.constant 40 : i32
    %add3A_972 = arith.addi %add3A_970, %add3A_971 : i32
    %dma_wait3A_973 = arith.constant 0 : i32
    %dma_wait3A_974 = tpu.memref_slice %arg5[%add3A_972, %dma_wait3A_973] : memref<8192x1024xf32, #tpu.memory_space<hbm>> -> memref<8x1024xf32, #tpu.memory_space<hbm>>
    %dma_wait3A_975 = arith.constant 0 : i32
    %dma_wait3A_976 = tpu.memref_slice %arg5[%add3A_972, %dma_wait3A_975] : memref<8192x1024xf32, #tpu.memory_space<hbm>> -> memref<8x1024xf32, #tpu.memory_space<hbm>>
    tpu.wait_dma2 semaphore(%arg32 : memref<!tpu.dma_semaphore, #tpu.memory_space<semaphore_mem>>) src(%arg14 : memref<8x1024xf32, #tpu.memory_space<vmem>>) dst(%dma_wait3A_976 : memref<8x1024xf32, #tpu.memory_space<hbm>>)
    %dma_start3A_977 = arith.constant 1 : i32
    %dma_start3A_978 = arith.constant 56 : i32
    %dma_start3A_979 = tpu.memref_slice %arg6[%dma_start3A_977, %dma_start3A_978] : memref<4x64xi32, #tpu.memory_space<vmem>> -> memref<1x8xi32, #tpu.memory_space<vmem>>
    %dma_start3A_980 = tpu.memref_squeeze %dma_start3A_979 : memref<1x8xi32, #tpu.memory_space<vmem>> -> memref<8xi32, #tpu.memory_space<vmem>>
    %dma_start3A_981 = arith.constant 0 : i32
    %dma_start3A_982 = arith.constant 0 : i32
    %dma_start3A_983 = tpu.memref_slice %arg3[%dma_start3A_981, %dma_start3A_982] : memref<50257x1024xf32, #tpu.memory_space<hbm>> -> memref<50257x1024xf32, #tpu.memory_space<hbm>>
    tpu.enqueue_indirect_dma source(%dma_start3A_983 : memref<50257x1024xf32, #tpu.memory_space<hbm>>) target(%arg14 : memref<8x1024xf32, #tpu.memory_space<vmem>>) offsets(%dma_start3A_980 : memref<8xi32, #tpu.memory_space<vmem>>) semaphore(%arg24 : memref<!tpu.dma_semaphore, #tpu.memory_space<semaphore_mem>>)
    %add3A_984 = arith.constant 4096 : i32
    %add3A_985 = arith.addi %add3A_984, %mul3A_2 : i32
    %add3A_986 = arith.constant 40 : i32
    %add3A_987 = arith.addi %add3A_985, %add3A_986 : i32
    %dma_wait3A_988 = arith.constant 0 : i32
    %dma_wait3A_989 = tpu.memref_slice %arg5[%add3A_987, %dma_wait3A_988] : memref<8192x1024xf32, #tpu.memory_space<hbm>> -> memref<8x1024xf32, #tpu.memory_space<hbm>>
    %dma_wait3A_990 = arith.constant 0 : i32
    %dma_wait3A_991 = tpu.memref_slice %arg5[%add3A_987, %dma_wait3A_990] : memref<8192x1024xf32, #tpu.memory_space<hbm>> -> memref<8x1024xf32, #tpu.memory_space<hbm>>
    tpu.wait_dma2 semaphore(%arg33 : memref<!tpu.dma_semaphore, #tpu.memory_space<semaphore_mem>>) src(%arg15 : memref<8x1024xf32, #tpu.memory_space<vmem>>) dst(%dma_wait3A_991 : memref<8x1024xf32, #tpu.memory_space<hbm>>)
    %dma_start3A_992 = arith.constant 2 : i32
    %dma_start3A_993 = arith.constant 56 : i32
    %dma_start3A_994 = tpu.memref_slice %arg6[%dma_start3A_992, %dma_start3A_993] : memref<4x64xi32, #tpu.memory_space<vmem>> -> memref<1x8xi32, #tpu.memory_space<vmem>>
    %dma_start3A_995 = tpu.memref_squeeze %dma_start3A_994 : memref<1x8xi32, #tpu.memory_space<vmem>> -> memref<8xi32, #tpu.memory_space<vmem>>
    %dma_start3A_996 = arith.constant 0 : i32
    %dma_start3A_997 = arith.constant 0 : i32
    %dma_start3A_998 = tpu.memref_slice %arg3[%dma_start3A_996, %dma_start3A_997] : memref<50257x1024xf32, #tpu.memory_space<hbm>> -> memref<50257x1024xf32, #tpu.memory_space<hbm>>
    tpu.enqueue_indirect_dma source(%dma_start3A_998 : memref<50257x1024xf32, #tpu.memory_space<hbm>>) target(%arg15 : memref<8x1024xf32, #tpu.memory_space<vmem>>) offsets(%dma_start3A_995 : memref<8xi32, #tpu.memory_space<vmem>>) semaphore(%arg25 : memref<!tpu.dma_semaphore, #tpu.memory_space<semaphore_mem>>)
    %add3A_999 = arith.constant 6144 : i32
    %add3A_1000 = arith.addi %add3A_999, %mul3A_2 : i32
    %add3A_1001 = arith.constant 40 : i32
    %add3A_1002 = arith.addi %add3A_1000, %add3A_1001 : i32
    %dma_wait3A_1003 = arith.constant 0 : i32
    %dma_wait3A_1004 = tpu.memref_slice %arg5[%add3A_1002, %dma_wait3A_1003] : memref<8192x1024xf32, #tpu.memory_space<hbm>> -> memref<8x1024xf32, #tpu.memory_space<hbm>>
    %dma_wait3A_1005 = arith.constant 0 : i32
    %dma_wait3A_1006 = tpu.memref_slice %arg5[%add3A_1002, %dma_wait3A_1005] : memref<8192x1024xf32, #tpu.memory_space<hbm>> -> memref<8x1024xf32, #tpu.memory_space<hbm>>
    tpu.wait_dma2 semaphore(%arg34 : memref<!tpu.dma_semaphore, #tpu.memory_space<semaphore_mem>>) src(%arg16 : memref<8x1024xf32, #tpu.memory_space<vmem>>) dst(%dma_wait3A_1006 : memref<8x1024xf32, #tpu.memory_space<hbm>>)
    %dma_start3A_1007 = arith.constant 3 : i32
    %dma_start3A_1008 = arith.constant 56 : i32
    %dma_start3A_1009 = tpu.memref_slice %arg6[%dma_start3A_1007, %dma_start3A_1008] : memref<4x64xi32, #tpu.memory_space<vmem>> -> memref<1x8xi32, #tpu.memory_space<vmem>>
    %dma_start3A_1010 = tpu.memref_squeeze %dma_start3A_1009 : memref<1x8xi32, #tpu.memory_space<vmem>> -> memref<8xi32, #tpu.memory_space<vmem>>
    %dma_start3A_1011 = arith.constant 0 : i32
    %dma_start3A_1012 = arith.constant 0 : i32
    %dma_start3A_1013 = tpu.memref_slice %arg3[%dma_start3A_1011, %dma_start3A_1012] : memref<50257x1024xf32, #tpu.memory_space<hbm>> -> memref<50257x1024xf32, #tpu.memory_space<hbm>>
    tpu.enqueue_indirect_dma source(%dma_start3A_1013 : memref<50257x1024xf32, #tpu.memory_space<hbm>>) target(%arg16 : memref<8x1024xf32, #tpu.memory_space<vmem>>) offsets(%dma_start3A_1010 : memref<8xi32, #tpu.memory_space<vmem>>) semaphore(%arg26 : memref<!tpu.dma_semaphore, #tpu.memory_space<semaphore_mem>>)
    %add3A_1014 = arith.constant 48 : i32
    %add3A_1015 = arith.addi %mul3A_2, %add3A_1014 : i32
    %dma_wait3A_1016 = arith.constant 0 : i32
    %dma_wait3A_1017 = tpu.memref_slice %arg4[%add3A_1015, %dma_wait3A_1016] : memref<2048x1024xf32, #tpu.memory_space<hbm>> -> memref<8x1024xf32, #tpu.memory_space<hbm>>
    %dma_wait3A_1018 = arith.constant 0 : i32
    %dma_wait3A_1019 = tpu.memref_slice %arg4[%add3A_1015, %dma_wait3A_1018] : memref<2048x1024xf32, #tpu.memory_space<hbm>> -> memref<8x1024xf32, #tpu.memory_space<hbm>>
    tpu.wait_dma2 semaphore(%arg18 : memref<!tpu.dma_semaphore, #tpu.memory_space<semaphore_mem>>) src(%dma_wait3A_1019 : memref<8x1024xf32, #tpu.memory_space<hbm>>) dst(%arg7 : memref<8x1024xf32, #tpu.memory_space<vmem>>)
    %add3A_1020 = arith.constant 56 : i32
    %add3A_1021 = arith.addi %mul3A_2, %add3A_1020 : i32
    %dma_start3A_1022 = arith.constant 0 : i32
    %dma_start3A_1023 = tpu.memref_slice %arg4[%add3A_1021, %dma_start3A_1022] : memref<2048x1024xf32, #tpu.memory_space<hbm>> -> memref<8x1024xf32, #tpu.memory_space<hbm>>
    %dma_start3A_1024 = arith.constant 0 : i32
    %dma_start3A_1025 = tpu.memref_slice %arg4[%add3A_1021, %dma_start3A_1024] : memref<2048x1024xf32, #tpu.memory_space<hbm>> -> memref<8x1024xf32, #tpu.memory_space<hbm>>
    tpu.enqueue_dma source(%dma_start3A_1025 : memref<8x1024xf32, #tpu.memory_space<hbm>>) target(%arg8 : memref<8x1024xf32, #tpu.memory_space<vmem>>) target_semaphore(%arg18 : memref<!tpu.dma_semaphore, #tpu.memory_space<semaphore_mem>>)
    %dma_wait3A_1026 = arith.constant 0 : i32
    %dma_wait3A_1027 = arith.constant 48 : i32
    %dma_wait3A_1028 = tpu.memref_slice %arg6[%dma_wait3A_1026, %dma_wait3A_1027] : memref<4x64xi32, #tpu.memory_space<vmem>> -> memref<1x8xi32, #tpu.memory_space<vmem>>
    %dma_wait3A_1029 = tpu.memref_squeeze %dma_wait3A_1028 : memref<1x8xi32, #tpu.memory_space<vmem>> -> memref<8xi32, #tpu.memory_space<vmem>>
    %dma_wait3A_1030 = arith.constant 0 : i32
    %dma_wait3A_1031 = arith.constant 0 : i32
    %dma_wait3A_1032 = tpu.memref_slice %arg3[%dma_wait3A_1030, %dma_wait3A_1031] : memref<50257x1024xf32, #tpu.memory_space<hbm>> -> memref<50257x1024xf32, #tpu.memory_space<hbm>>
    tpu.wait_indirect_dma semaphore(%arg19 : memref<!tpu.dma_semaphore, #tpu.memory_space<semaphore_mem>>) src(%dma_wait3A_1032 : memref<50257x1024xf32, #tpu.memory_space<hbm>>) dst(%arg9 : memref<8x1024xf32, #tpu.memory_space<vmem>>)
    %parallel_loop3A_1033 = arith.constant 0 : i32
    %parallel_loop3A_1034 = arith.constant 512 : i32
    %parallel_loop3A_1035 = arith.constant 1 : i32
    scf.for %parallel_loop3A_1240 = %parallel_loop3A_1033 to %parallel_loop3A_1034 step %parallel_loop3A_1035  : i32 {
      %parallel_loop3A_1241 = arith.constant 6 : i32
      %parallel_loop3A_1242 = arith.shrsi %parallel_loop3A_1240, %parallel_loop3A_1241 : i32
      %parallel_loop3A_1243 = arith.constant 63 : i32
      %parallel_loop3A_1244 = arith.andi %parallel_loop3A_1240, %parallel_loop3A_1243 : i32
      %parallel_loop3A_1245 = arith.constant 16 : i32
      %parallel_loop3A_1246 = arith.muli %parallel_loop3A_1244, %parallel_loop3A_1245 : i32
      %parallel_loop3A_1247 = arith.index_cast %parallel_loop3A_1242 : i32 to index
      %parallel_loop3A_1248 = arith.index_cast %parallel_loop3A_1246 : i32 to index
      %parallel_loop3A_1249 = tpu.vector_load %arg7[%parallel_loop3A_1247, %parallel_loop3A_1248] {strides = array<i32>} : memref<8x1024xf32, #tpu.memory_space<vmem>>, vector<1x16xf32>,
      %parallel_loop3A_1250 = vector.shape_cast %parallel_loop3A_1249 : vector<1x16xf32> to vector<16xf32>
      %parallel_loop3A_1251 = arith.index_cast %parallel_loop3A_1242 : i32 to index
      %parallel_loop3A_1252 = arith.index_cast %parallel_loop3A_1246 : i32 to index
      %parallel_loop3A_1253 = tpu.vector_load %arg9[%parallel_loop3A_1251, %parallel_loop3A_1252] {strides = array<i32>} : memref<8x1024xf32, #tpu.memory_space<vmem>>, vector<1x16xf32>,
      %parallel_loop3A_1254 = vector.shape_cast %parallel_loop3A_1253 : vector<1x16xf32> to vector<16xf32>
      %parallel_loop3A_1255 = vector.shape_cast %parallel_loop3A_1250 : vector<16xf32> to vector<1x16xf32>
      tpu.vector_store %arg9[%parallel_loop3A_1251, %parallel_loop3A_1252], %parallel_loop3A_1255 {add = true, strides = array<i32>} : memref<8x1024xf32, #tpu.memory_space<vmem>>, vector<1x16xf32>,
    } {sc.loop_unroll_factor = 2 : i64, sc.parallel_access}
    %add3A_1036 = arith.constant 0 : i32
    %add3A_1037 = arith.addi %add3A_1036, %mul3A_2 : i32
    %add3A_1038 = arith.constant 48 : i32
    %add3A_1039 = arith.addi %add3A_1037, %add3A_1038 : i32
    %dma_start3A_1040 = arith.constant 0 : i32
    %dma_start3A_1041 = tpu.memref_slice %arg5[%add3A_1039, %dma_start3A_1040] : memref<8192x1024xf32, #tpu.memory_space<hbm>> -> memref<8x1024xf32, #tpu.memory_space<hbm>>
    %dma_start3A_1042 = arith.constant 0 : i32
    %dma_start3A_1043 = tpu.memref_slice %arg5[%add3A_1039, %dma_start3A_1042] : memref<8192x1024xf32, #tpu.memory_space<hbm>> -> memref<8x1024xf32, #tpu.memory_space<hbm>>
    tpu.enqueue_dma source(%arg9 : memref<8x1024xf32, #tpu.memory_space<vmem>>) target(%dma_start3A_1043 : memref<8x1024xf32, #tpu.memory_space<hbm>>) target_semaphore(%arg27 : memref<!tpu.dma_semaphore, #tpu.memory_space<semaphore_mem>>)
    %dma_wait3A_1044 = arith.constant 1 : i32
    %dma_wait3A_1045 = arith.constant 48 : i32
    %dma_wait3A_1046 = tpu.memref_slice %arg6[%dma_wait3A_1044, %dma_wait3A_1045] : memref<4x64xi32, #tpu.memory_space<vmem>> -> memref<1x8xi32, #tpu.memory_space<vmem>>
    %dma_wait3A_1047 = tpu.memref_squeeze %dma_wait3A_1046 : memref<1x8xi32, #tpu.memory_space<vmem>> -> memref<8xi32, #tpu.memory_space<vmem>>
    %dma_wait3A_1048 = arith.constant 0 : i32
    %dma_wait3A_1049 = arith.constant 0 : i32
    %dma_wait3A_1050 = tpu.memref_slice %arg3[%dma_wait3A_1048, %dma_wait3A_1049] : memref<50257x1024xf32, #tpu.memory_space<hbm>> -> memref<50257x1024xf32, #tpu.memory_space<hbm>>
    tpu.wait_indirect_dma semaphore(%arg20 : memref<!tpu.dma_semaphore, #tpu.memory_space<semaphore_mem>>) src(%dma_wait3A_1050 : memref<50257x1024xf32, #tpu.memory_space<hbm>>) dst(%arg10 : memref<8x1024xf32, #tpu.memory_space<vmem>>)
    %parallel_loop3A_1051 = arith.constant 0 : i32
    %parallel_loop3A_1052 = arith.constant 512 : i32
    %parallel_loop3A_1053 = arith.constant 1 : i32
    scf.for %parallel_loop3A_1240 = %parallel_loop3A_1051 to %parallel_loop3A_1052 step %parallel_loop3A_1053  : i32 {
      %parallel_loop3A_1241 = arith.constant 6 : i32
      %parallel_loop3A_1242 = arith.shrsi %parallel_loop3A_1240, %parallel_loop3A_1241 : i32
      %parallel_loop3A_1243 = arith.constant 63 : i32
      %parallel_loop3A_1244 = arith.andi %parallel_loop3A_1240, %parallel_loop3A_1243 : i32
      %parallel_loop3A_1245 = arith.constant 16 : i32
      %parallel_loop3A_1246 = arith.muli %parallel_loop3A_1244, %parallel_loop3A_1245 : i32
      %parallel_loop3A_1247 = arith.index_cast %parallel_loop3A_1242 : i32 to index
      %parallel_loop3A_1248 = arith.index_cast %parallel_loop3A_1246 : i32 to index
      %parallel_loop3A_1249 = tpu.vector_load %arg7[%parallel_loop3A_1247, %parallel_loop3A_1248] {strides = array<i32>} : memref<8x1024xf32, #tpu.memory_space<vmem>>, vector<1x16xf32>,
      %parallel_loop3A_1250 = vector.shape_cast %parallel_loop3A_1249 : vector<1x16xf32> to vector<16xf32>
      %parallel_loop3A_1251 = arith.index_cast %parallel_loop3A_1242 : i32 to index
      %parallel_loop3A_1252 = arith.index_cast %parallel_loop3A_1246 : i32 to index
      %parallel_loop3A_1253 = tpu.vector_load %arg10[%parallel_loop3A_1251, %parallel_loop3A_1252] {strides = array<i32>} : memref<8x1024xf32, #tpu.memory_space<vmem>>, vector<1x16xf32>,
      %parallel_loop3A_1254 = vector.shape_cast %parallel_loop3A_1253 : vector<1x16xf32> to vector<16xf32>
      %parallel_loop3A_1255 = vector.shape_cast %parallel_loop3A_1250 : vector<16xf32> to vector<1x16xf32>
      tpu.vector_store %arg10[%parallel_loop3A_1251, %parallel_loop3A_1252], %parallel_loop3A_1255 {add = true, strides = array<i32>} : memref<8x1024xf32, #tpu.memory_space<vmem>>, vector<1x16xf32>,
    } {sc.loop_unroll_factor = 2 : i64, sc.parallel_access}
    %add3A_1054 = arith.constant 2048 : i32
    %add3A_1055 = arith.addi %add3A_1054, %mul3A_2 : i32
    %add3A_1056 = arith.constant 48 : i32
    %add3A_1057 = arith.addi %add3A_1055, %add3A_1056 : i32
    %dma_start3A_1058 = arith.constant 0 : i32
    %dma_start3A_1059 = tpu.memref_slice %arg5[%add3A_1057, %dma_start3A_1058] : memref<8192x1024xf32, #tpu.memory_space<hbm>> -> memref<8x1024xf32, #tpu.memory_space<hbm>>
    %dma_start3A_1060 = arith.constant 0 : i32
    %dma_start3A_1061 = tpu.memref_slice %arg5[%add3A_1057, %dma_start3A_1060] : memref<8192x1024xf32, #tpu.memory_space<hbm>> -> memref<8x1024xf32, #tpu.memory_space<hbm>>
    tpu.enqueue_dma source(%arg10 : memref<8x1024xf32, #tpu.memory_space<vmem>>) target(%dma_start3A_1061 : memref<8x1024xf32, #tpu.memory_space<hbm>>) target_semaphore(%arg28 : memref<!tpu.dma_semaphore, #tpu.memory_space<semaphore_mem>>)
    %dma_wait3A_1062 = arith.constant 2 : i32
    %dma_wait3A_1063 = arith.constant 48 : i32
    %dma_wait3A_1064 = tpu.memref_slice %arg6[%dma_wait3A_1062, %dma_wait3A_1063] : memref<4x64xi32, #tpu.memory_space<vmem>> -> memref<1x8xi32, #tpu.memory_space<vmem>>
    %dma_wait3A_1065 = tpu.memref_squeeze %dma_wait3A_1064 : memref<1x8xi32, #tpu.memory_space<vmem>> -> memref<8xi32, #tpu.memory_space<vmem>>
    %dma_wait3A_1066 = arith.constant 0 : i32
    %dma_wait3A_1067 = arith.constant 0 : i32
    %dma_wait3A_1068 = tpu.memref_slice %arg3[%dma_wait3A_1066, %dma_wait3A_1067] : memref<50257x1024xf32, #tpu.memory_space<hbm>> -> memref<50257x1024xf32, #tpu.memory_space<hbm>>
    tpu.wait_indirect_dma semaphore(%arg21 : memref<!tpu.dma_semaphore, #tpu.memory_space<semaphore_mem>>) src(%dma_wait3A_1068 : memref<50257x1024xf32, #tpu.memory_space<hbm>>) dst(%arg11 : memref<8x1024xf32, #tpu.memory_space<vmem>>)
    %parallel_loop3A_1069 = arith.constant 0 : i32
    %parallel_loop3A_1070 = arith.constant 512 : i32
    %parallel_loop3A_1071 = arith.constant 1 : i32
    scf.for %parallel_loop3A_1240 = %parallel_loop3A_1069 to %parallel_loop3A_1070 step %parallel_loop3A_1071  : i32 {
      %parallel_loop3A_1241 = arith.constant 6 : i32
      %parallel_loop3A_1242 = arith.shrsi %parallel_loop3A_1240, %parallel_loop3A_1241 : i32
      %parallel_loop3A_1243 = arith.constant 63 : i32
      %parallel_loop3A_1244 = arith.andi %parallel_loop3A_1240, %parallel_loop3A_1243 : i32
      %parallel_loop3A_1245 = arith.constant 16 : i32
      %parallel_loop3A_1246 = arith.muli %parallel_loop3A_1244, %parallel_loop3A_1245 : i32
      %parallel_loop3A_1247 = arith.index_cast %parallel_loop3A_1242 : i32 to index
      %parallel_loop3A_1248 = arith.index_cast %parallel_loop3A_1246 : i32 to index
      %parallel_loop3A_1249 = tpu.vector_load %arg7[%parallel_loop3A_1247, %parallel_loop3A_1248] {strides = array<i32>} : memref<8x1024xf32, #tpu.memory_space<vmem>>, vector<1x16xf32>,
      %parallel_loop3A_1250 = vector.shape_cast %parallel_loop3A_1249 : vector<1x16xf32> to vector<16xf32>
      %parallel_loop3A_1251 = arith.index_cast %parallel_loop3A_1242 : i32 to index
      %parallel_loop3A_1252 = arith.index_cast %parallel_loop3A_1246 : i32 to index
      %parallel_loop3A_1253 = tpu.vector_load %arg11[%parallel_loop3A_1251, %parallel_loop3A_1252] {strides = array<i32>} : memref<8x1024xf32, #tpu.memory_space<vmem>>, vector<1x16xf32>,
      %parallel_loop3A_1254 = vector.shape_cast %parallel_loop3A_1253 : vector<1x16xf32> to vector<16xf32>
      %parallel_loop3A_1255 = vector.shape_cast %parallel_loop3A_1250 : vector<16xf32> to vector<1x16xf32>
      tpu.vector_store %arg11[%parallel_loop3A_1251, %parallel_loop3A_1252], %parallel_loop3A_1255 {add = true, strides = array<i32>} : memref<8x1024xf32, #tpu.memory_space<vmem>>, vector<1x16xf32>,
    } {sc.loop_unroll_factor = 2 : i64, sc.parallel_access}
    %add3A_1072 = arith.constant 4096 : i32
    %add3A_1073 = arith.addi %add3A_1072, %mul3A_2 : i32
    %add3A_1074 = arith.constant 48 : i32
    %add3A_1075 = arith.addi %add3A_1073, %add3A_1074 : i32
    %dma_start3A_1076 = arith.constant 0 : i32
    %dma_start3A_1077 = tpu.memref_slice %arg5[%add3A_1075, %dma_start3A_1076] : memref<8192x1024xf32, #tpu.memory_space<hbm>> -> memref<8x1024xf32, #tpu.memory_space<hbm>>
    %dma_start3A_1078 = arith.constant 0 : i32
    %dma_start3A_1079 = tpu.memref_slice %arg5[%add3A_1075, %dma_start3A_1078] : memref<8192x1024xf32, #tpu.memory_space<hbm>> -> memref<8x1024xf32, #tpu.memory_space<hbm>>
    tpu.enqueue_dma source(%arg11 : memref<8x1024xf32, #tpu.memory_space<vmem>>) target(%dma_start3A_1079 : memref<8x1024xf32, #tpu.memory_space<hbm>>) target_semaphore(%arg29 : memref<!tpu.dma_semaphore, #tpu.memory_space<semaphore_mem>>)
    %dma_wait3A_1080 = arith.constant 3 : i32
    %dma_wait3A_1081 = arith.constant 48 : i32
    %dma_wait3A_1082 = tpu.memref_slice %arg6[%dma_wait3A_1080, %dma_wait3A_1081] : memref<4x64xi32, #tpu.memory_space<vmem>> -> memref<1x8xi32, #tpu.memory_space<vmem>>
    %dma_wait3A_1083 = tpu.memref_squeeze %dma_wait3A_1082 : memref<1x8xi32, #tpu.memory_space<vmem>> -> memref<8xi32, #tpu.memory_space<vmem>>
    %dma_wait3A_1084 = arith.constant 0 : i32
    %dma_wait3A_1085 = arith.constant 0 : i32
    %dma_wait3A_1086 = tpu.memref_slice %arg3[%dma_wait3A_1084, %dma_wait3A_1085] : memref<50257x1024xf32, #tpu.memory_space<hbm>> -> memref<50257x1024xf32, #tpu.memory_space<hbm>>
    tpu.wait_indirect_dma semaphore(%arg22 : memref<!tpu.dma_semaphore, #tpu.memory_space<semaphore_mem>>) src(%dma_wait3A_1086 : memref<50257x1024xf32, #tpu.memory_space<hbm>>) dst(%arg12 : memref<8x1024xf32, #tpu.memory_space<vmem>>)
    %parallel_loop3A_1087 = arith.constant 0 : i32
    %parallel_loop3A_1088 = arith.constant 512 : i32
    %parallel_loop3A_1089 = arith.constant 1 : i32
    scf.for %parallel_loop3A_1240 = %parallel_loop3A_1087 to %parallel_loop3A_1088 step %parallel_loop3A_1089  : i32 {
      %parallel_loop3A_1241 = arith.constant 6 : i32
      %parallel_loop3A_1242 = arith.shrsi %parallel_loop3A_1240, %parallel_loop3A_1241 : i32
      %parallel_loop3A_1243 = arith.constant 63 : i32
      %parallel_loop3A_1244 = arith.andi %parallel_loop3A_1240, %parallel_loop3A_1243 : i32
      %parallel_loop3A_1245 = arith.constant 16 : i32
      %parallel_loop3A_1246 = arith.muli %parallel_loop3A_1244, %parallel_loop3A_1245 : i32
      %parallel_loop3A_1247 = arith.index_cast %parallel_loop3A_1242 : i32 to index
      %parallel_loop3A_1248 = arith.index_cast %parallel_loop3A_1246 : i32 to index
      %parallel_loop3A_1249 = tpu.vector_load %arg7[%parallel_loop3A_1247, %parallel_loop3A_1248] {strides = array<i32>} : memref<8x1024xf32, #tpu.memory_space<vmem>>, vector<1x16xf32>,
      %parallel_loop3A_1250 = vector.shape_cast %parallel_loop3A_1249 : vector<1x16xf32> to vector<16xf32>
      %parallel_loop3A_1251 = arith.index_cast %parallel_loop3A_1242 : i32 to index
      %parallel_loop3A_1252 = arith.index_cast %parallel_loop3A_1246 : i32 to index
      %parallel_loop3A_1253 = tpu.vector_load %arg12[%parallel_loop3A_1251, %parallel_loop3A_1252] {strides = array<i32>} : memref<8x1024xf32, #tpu.memory_space<vmem>>, vector<1x16xf32>,
      %parallel_loop3A_1254 = vector.shape_cast %parallel_loop3A_1253 : vector<1x16xf32> to vector<16xf32>
      %parallel_loop3A_1255 = vector.shape_cast %parallel_loop3A_1250 : vector<16xf32> to vector<1x16xf32>
      tpu.vector_store %arg12[%parallel_loop3A_1251, %parallel_loop3A_1252], %parallel_loop3A_1255 {add = true, strides = array<i32>} : memref<8x1024xf32, #tpu.memory_space<vmem>>, vector<1x16xf32>,
    } {sc.loop_unroll_factor = 2 : i64, sc.parallel_access}
    %add3A_1090 = arith.constant 6144 : i32
    %add3A_1091 = arith.addi %add3A_1090, %mul3A_2 : i32
    %add3A_1092 = arith.constant 48 : i32
    %add3A_1093 = arith.addi %add3A_1091, %add3A_1092 : i32
    %dma_start3A_1094 = arith.constant 0 : i32
    %dma_start3A_1095 = tpu.memref_slice %arg5[%add3A_1093, %dma_start3A_1094] : memref<8192x1024xf32, #tpu.memory_space<hbm>> -> memref<8x1024xf32, #tpu.memory_space<hbm>>
    %dma_start3A_1096 = arith.constant 0 : i32
    %dma_start3A_1097 = tpu.memref_slice %arg5[%add3A_1093, %dma_start3A_1096] : memref<8192x1024xf32, #tpu.memory_space<hbm>> -> memref<8x1024xf32, #tpu.memory_space<hbm>>
    tpu.enqueue_dma source(%arg12 : memref<8x1024xf32, #tpu.memory_space<vmem>>) target(%dma_start3A_1097 : memref<8x1024xf32, #tpu.memory_space<hbm>>) target_semaphore(%arg30 : memref<!tpu.dma_semaphore, #tpu.memory_space<semaphore_mem>>)
    %add3A_1098 = arith.constant 0 : i32
    %add3A_1099 = arith.addi %add3A_1098, %mul3A_2 : i32
    %add3A_1100 = arith.constant 48 : i32
    %add3A_1101 = arith.addi %add3A_1099, %add3A_1100 : i32
    %dma_wait3A_1102 = arith.constant 0 : i32
    %dma_wait3A_1103 = tpu.memref_slice %arg5[%add3A_1101, %dma_wait3A_1102] : memref<8192x1024xf32, #tpu.memory_space<hbm>> -> memref<8x1024xf32, #tpu.memory_space<hbm>>
    %dma_wait3A_1104 = arith.constant 0 : i32
    %dma_wait3A_1105 = tpu.memref_slice %arg5[%add3A_1101, %dma_wait3A_1104] : memref<8192x1024xf32, #tpu.memory_space<hbm>> -> memref<8x1024xf32, #tpu.memory_space<hbm>>
    tpu.wait_dma2 semaphore(%arg27 : memref<!tpu.dma_semaphore, #tpu.memory_space<semaphore_mem>>) src(%arg9 : memref<8x1024xf32, #tpu.memory_space<vmem>>) dst(%dma_wait3A_1105 : memref<8x1024xf32, #tpu.memory_space<hbm>>)
    %add3A_1106 = arith.constant 2048 : i32
    %add3A_1107 = arith.addi %add3A_1106, %mul3A_2 : i32
    %add3A_1108 = arith.constant 48 : i32
    %add3A_1109 = arith.addi %add3A_1107, %add3A_1108 : i32
    %dma_wait3A_1110 = arith.constant 0 : i32
    %dma_wait3A_1111 = tpu.memref_slice %arg5[%add3A_1109, %dma_wait3A_1110] : memref<8192x1024xf32, #tpu.memory_space<hbm>> -> memref<8x1024xf32, #tpu.memory_space<hbm>>
    %dma_wait3A_1112 = arith.constant 0 : i32
    %dma_wait3A_1113 = tpu.memref_slice %arg5[%add3A_1109, %dma_wait3A_1112] : memref<8192x1024xf32, #tpu.memory_space<hbm>> -> memref<8x1024xf32, #tpu.memory_space<hbm>>
    tpu.wait_dma2 semaphore(%arg28 : memref<!tpu.dma_semaphore, #tpu.memory_space<semaphore_mem>>) src(%arg10 : memref<8x1024xf32, #tpu.memory_space<vmem>>) dst(%dma_wait3A_1113 : memref<8x1024xf32, #tpu.memory_space<hbm>>)
    %add3A_1114 = arith.constant 4096 : i32
    %add3A_1115 = arith.addi %add3A_1114, %mul3A_2 : i32
    %add3A_1116 = arith.constant 48 : i32
    %add3A_1117 = arith.addi %add3A_1115, %add3A_1116 : i32
    %dma_wait3A_1118 = arith.constant 0 : i32
    %dma_wait3A_1119 = tpu.memref_slice %arg5[%add3A_1117, %dma_wait3A_1118] : memref<8192x1024xf32, #tpu.memory_space<hbm>> -> memref<8x1024xf32, #tpu.memory_space<hbm>>
    %dma_wait3A_1120 = arith.constant 0 : i32
    %dma_wait3A_1121 = tpu.memref_slice %arg5[%add3A_1117, %dma_wait3A_1120] : memref<8192x1024xf32, #tpu.memory_space<hbm>> -> memref<8x1024xf32, #tpu.memory_space<hbm>>
    tpu.wait_dma2 semaphore(%arg29 : memref<!tpu.dma_semaphore, #tpu.memory_space<semaphore_mem>>) src(%arg11 : memref<8x1024xf32, #tpu.memory_space<vmem>>) dst(%dma_wait3A_1121 : memref<8x1024xf32, #tpu.memory_space<hbm>>)
    %add3A_1122 = arith.constant 6144 : i32
    %add3A_1123 = arith.addi %add3A_1122, %mul3A_2 : i32
    %add3A_1124 = arith.constant 48 : i32
    %add3A_1125 = arith.addi %add3A_1123, %add3A_1124 : i32
    %dma_wait3A_1126 = arith.constant 0 : i32
    %dma_wait3A_1127 = tpu.memref_slice %arg5[%add3A_1125, %dma_wait3A_1126] : memref<8192x1024xf32, #tpu.memory_space<hbm>> -> memref<8x1024xf32, #tpu.memory_space<hbm>>
    %dma_wait3A_1128 = arith.constant 0 : i32
    %dma_wait3A_1129 = tpu.memref_slice %arg5[%add3A_1125, %dma_wait3A_1128] : memref<8192x1024xf32, #tpu.memory_space<hbm>> -> memref<8x1024xf32, #tpu.memory_space<hbm>>
    tpu.wait_dma2 semaphore(%arg30 : memref<!tpu.dma_semaphore, #tpu.memory_space<semaphore_mem>>) src(%arg12 : memref<8x1024xf32, #tpu.memory_space<vmem>>) dst(%dma_wait3A_1129 : memref<8x1024xf32, #tpu.memory_space<hbm>>)
    %add3A_1130 = arith.constant 56 : i32
    %add3A_1131 = arith.addi %mul3A_2, %add3A_1130 : i32
    %dma_wait3A_1132 = arith.constant 0 : i32
    %dma_wait3A_1133 = tpu.memref_slice %arg4[%add3A_1131, %dma_wait3A_1132] : memref<2048x1024xf32, #tpu.memory_space<hbm>> -> memref<8x1024xf32, #tpu.memory_space<hbm>>
    %dma_wait3A_1134 = arith.constant 0 : i32
    %dma_wait3A_1135 = tpu.memref_slice %arg4[%add3A_1131, %dma_wait3A_1134] : memref<2048x1024xf32, #tpu.memory_space<hbm>> -> memref<8x1024xf32, #tpu.memory_space<hbm>>
    tpu.wait_dma2 semaphore(%arg18 : memref<!tpu.dma_semaphore, #tpu.memory_space<semaphore_mem>>) src(%dma_wait3A_1135 : memref<8x1024xf32, #tpu.memory_space<hbm>>) dst(%arg8 : memref<8x1024xf32, #tpu.memory_space<vmem>>)
    %dma_wait3A_1136 = arith.constant 0 : i32
    %dma_wait3A_1137 = arith.constant 56 : i32
    %dma_wait3A_1138 = tpu.memref_slice %arg6[%dma_wait3A_1136, %dma_wait3A_1137] : memref<4x64xi32, #tpu.memory_space<vmem>> -> memref<1x8xi32, #tpu.memory_space<vmem>>
    %dma_wait3A_1139 = tpu.memref_squeeze %dma_wait3A_1138 : memref<1x8xi32, #tpu.memory_space<vmem>> -> memref<8xi32, #tpu.memory_space<vmem>>
    %dma_wait3A_1140 = arith.constant 0 : i32
    %dma_wait3A_1141 = arith.constant 0 : i32
    %dma_wait3A_1142 = tpu.memref_slice %arg3[%dma_wait3A_1140, %dma_wait3A_1141] : memref<50257x1024xf32, #tpu.memory_space<hbm>> -> memref<50257x1024xf32, #tpu.memory_space<hbm>>
    tpu.wait_indirect_dma semaphore(%arg23 : memref<!tpu.dma_semaphore, #tpu.memory_space<semaphore_mem>>) src(%dma_wait3A_1142 : memref<50257x1024xf32, #tpu.memory_space<hbm>>) dst(%arg13 : memref<8x1024xf32, #tpu.memory_space<vmem>>)
    %parallel_loop3A_1143 = arith.constant 0 : i32
    %parallel_loop3A_1144 = arith.constant 512 : i32
    %parallel_loop3A_1145 = arith.constant 1 : i32
    scf.for %parallel_loop3A_1240 = %parallel_loop3A_1143 to %parallel_loop3A_1144 step %parallel_loop3A_1145  : i32 {
      %parallel_loop3A_1241 = arith.constant 6 : i32
      %parallel_loop3A_1242 = arith.shrsi %parallel_loop3A_1240, %parallel_loop3A_1241 : i32
      %parallel_loop3A_1243 = arith.constant 63 : i32
      %parallel_loop3A_1244 = arith.andi %parallel_loop3A_1240, %parallel_loop3A_1243 : i32
      %parallel_loop3A_1245 = arith.constant 16 : i32
      %parallel_loop3A_1246 = arith.muli %parallel_loop3A_1244, %parallel_loop3A_1245 : i32
      %parallel_loop3A_1247 = arith.index_cast %parallel_loop3A_1242 : i32 to index
      %parallel_loop3A_1248 = arith.index_cast %parallel_loop3A_1246 : i32 to index
      %parallel_loop3A_1249 = tpu.vector_load %arg8[%parallel_loop3A_1247, %parallel_loop3A_1248] {strides = array<i32>} : memref<8x1024xf32, #tpu.memory_space<vmem>>, vector<1x16xf32>,
      %parallel_loop3A_1250 = vector.shape_cast %parallel_loop3A_1249 : vector<1x16xf32> to vector<16xf32>
      %parallel_loop3A_1251 = arith.index_cast %parallel_loop3A_1242 : i32 to index
      %parallel_loop3A_1252 = arith.index_cast %parallel_loop3A_1246 : i32 to index
      %parallel_loop3A_1253 = tpu.vector_load %arg13[%parallel_loop3A_1251, %parallel_loop3A_1252] {strides = array<i32>} : memref<8x1024xf32, #tpu.memory_space<vmem>>, vector<1x16xf32>,
      %parallel_loop3A_1254 = vector.shape_cast %parallel_loop3A_1253 : vector<1x16xf32> to vector<16xf32>
      %parallel_loop3A_1255 = vector.shape_cast %parallel_loop3A_1250 : vector<16xf32> to vector<1x16xf32>
      tpu.vector_store %arg13[%parallel_loop3A_1251, %parallel_loop3A_1252], %parallel_loop3A_1255 {add = true, strides = array<i32>} : memref<8x1024xf32, #tpu.memory_space<vmem>>, vector<1x16xf32>,
    } {sc.loop_unroll_factor = 2 : i64, sc.parallel_access}
    %add3A_1146 = arith.constant 0 : i32
    %add3A_1147 = arith.addi %add3A_1146, %mul3A_2 : i32
    %add3A_1148 = arith.constant 56 : i32
    %add3A_1149 = arith.addi %add3A_1147, %add3A_1148 : i32
    %dma_start3A_1150 = arith.constant 0 : i32
    %dma_start3A_1151 = tpu.memref_slice %arg5[%add3A_1149, %dma_start3A_1150] : memref<8192x1024xf32, #tpu.memory_space<hbm>> -> memref<8x1024xf32, #tpu.memory_space<hbm>>
    %dma_start3A_1152 = arith.constant 0 : i32
    %dma_start3A_1153 = tpu.memref_slice %arg5[%add3A_1149, %dma_start3A_1152] : memref<8192x1024xf32, #tpu.memory_space<hbm>> -> memref<8x1024xf32, #tpu.memory_space<hbm>>
    tpu.enqueue_dma source(%arg13 : memref<8x1024xf32, #tpu.memory_space<vmem>>) target(%dma_start3A_1153 : memref<8x1024xf32, #tpu.memory_space<hbm>>) target_semaphore(%arg31 : memref<!tpu.dma_semaphore, #tpu.memory_space<semaphore_mem>>)
    %dma_wait3A_1154 = arith.constant 1 : i32
    %dma_wait3A_1155 = arith.constant 56 : i32
    %dma_wait3A_1156 = tpu.memref_slice %arg6[%dma_wait3A_1154, %dma_wait3A_1155] : memref<4x64xi32, #tpu.memory_space<vmem>> -> memref<1x8xi32, #tpu.memory_space<vmem>>
    %dma_wait3A_1157 = tpu.memref_squeeze %dma_wait3A_1156 : memref<1x8xi32, #tpu.memory_space<vmem>> -> memref<8xi32, #tpu.memory_space<vmem>>
    %dma_wait3A_1158 = arith.constant 0 : i32
    %dma_wait3A_1159 = arith.constant 0 : i32
    %dma_wait3A_1160 = tpu.memref_slice %arg3[%dma_wait3A_1158, %dma_wait3A_1159] : memref<50257x1024xf32, #tpu.memory_space<hbm>> -> memref<50257x1024xf32, #tpu.memory_space<hbm>>
    tpu.wait_indirect_dma semaphore(%arg24 : memref<!tpu.dma_semaphore, #tpu.memory_space<semaphore_mem>>) src(%dma_wait3A_1160 : memref<50257x1024xf32, #tpu.memory_space<hbm>>) dst(%arg14 : memref<8x1024xf32, #tpu.memory_space<vmem>>)
    %parallel_loop3A_1161 = arith.constant 0 : i32
    %parallel_loop3A_1162 = arith.constant 512 : i32
    %parallel_loop3A_1163 = arith.constant 1 : i32
    scf.for %parallel_loop3A_1240 = %parallel_loop3A_1161 to %parallel_loop3A_1162 step %parallel_loop3A_1163  : i32 {
      %parallel_loop3A_1241 = arith.constant 6 : i32
      %parallel_loop3A_1242 = arith.shrsi %parallel_loop3A_1240, %parallel_loop3A_1241 : i32
      %parallel_loop3A_1243 = arith.constant 63 : i32
      %parallel_loop3A_1244 = arith.andi %parallel_loop3A_1240, %parallel_loop3A_1243 : i32
      %parallel_loop3A_1245 = arith.constant 16 : i32
      %parallel_loop3A_1246 = arith.muli %parallel_loop3A_1244, %parallel_loop3A_1245 : i32
      %parallel_loop3A_1247 = arith.index_cast %parallel_loop3A_1242 : i32 to index
      %parallel_loop3A_1248 = arith.index_cast %parallel_loop3A_1246 : i32 to index
      %parallel_loop3A_1249 = tpu.vector_load %arg8[%parallel_loop3A_1247, %parallel_loop3A_1248] {strides = array<i32>} : memref<8x1024xf32, #tpu.memory_space<vmem>>, vector<1x16xf32>,
      %parallel_loop3A_1250 = vector.shape_cast %parallel_loop3A_1249 : vector<1x16xf32> to vector<16xf32>
      %parallel_loop3A_1251 = arith.index_cast %parallel_loop3A_1242 : i32 to index
      %parallel_loop3A_1252 = arith.index_cast %parallel_loop3A_1246 : i32 to index
      %parallel_loop3A_1253 = tpu.vector_load %arg14[%parallel_loop3A_1251, %parallel_loop3A_1252] {strides = array<i32>} : memref<8x1024xf32, #tpu.memory_space<vmem>>, vector<1x16xf32>,
      %parallel_loop3A_1254 = vector.shape_cast %parallel_loop3A_1253 : vector<1x16xf32> to vector<16xf32>
      %parallel_loop3A_1255 = vector.shape_cast %parallel_loop3A_1250 : vector<16xf32> to vector<1x16xf32>
      tpu.vector_store %arg14[%parallel_loop3A_1251, %parallel_loop3A_1252], %parallel_loop3A_1255 {add = true, strides = array<i32>} : memref<8x1024xf32, #tpu.memory_space<vmem>>, vector<1x16xf32>,
    } {sc.loop_unroll_factor = 2 : i64, sc.parallel_access}
    %add3A_1164 = arith.constant 2048 : i32
    %add3A_1165 = arith.addi %add3A_1164, %mul3A_2 : i32
    %add3A_1166 = arith.constant 56 : i32
    %add3A_1167 = arith.addi %add3A_1165, %add3A_1166 : i32
    %dma_start3A_1168 = arith.constant 0 : i32
    %dma_start3A_1169 = tpu.memref_slice %arg5[%add3A_1167, %dma_start3A_1168] : memref<8192x1024xf32, #tpu.memory_space<hbm>> -> memref<8x1024xf32, #tpu.memory_space<hbm>>
    %dma_start3A_1170 = arith.constant 0 : i32
    %dma_start3A_1171 = tpu.memref_slice %arg5[%add3A_1167, %dma_start3A_1170] : memref<8192x1024xf32, #tpu.memory_space<hbm>> -> memref<8x1024xf32, #tpu.memory_space<hbm>>
    tpu.enqueue_dma source(%arg14 : memref<8x1024xf32, #tpu.memory_space<vmem>>) target(%dma_start3A_1171 : memref<8x1024xf32, #tpu.memory_space<hbm>>) target_semaphore(%arg32 : memref<!tpu.dma_semaphore, #tpu.memory_space<semaphore_mem>>)
    %dma_wait3A_1172 = arith.constant 2 : i32
    %dma_wait3A_1173 = arith.constant 56 : i32
    %dma_wait3A_1174 = tpu.memref_slice %arg6[%dma_wait3A_1172, %dma_wait3A_1173] : memref<4x64xi32, #tpu.memory_space<vmem>> -> memref<1x8xi32, #tpu.memory_space<vmem>>
    %dma_wait3A_1175 = tpu.memref_squeeze %dma_wait3A_1174 : memref<1x8xi32, #tpu.memory_space<vmem>> -> memref<8xi32, #tpu.memory_space<vmem>>
    %dma_wait3A_1176 = arith.constant 0 : i32
    %dma_wait3A_1177 = arith.constant 0 : i32
    %dma_wait3A_1178 = tpu.memref_slice %arg3[%dma_wait3A_1176, %dma_wait3A_1177] : memref<50257x1024xf32, #tpu.memory_space<hbm>> -> memref<50257x1024xf32, #tpu.memory_space<hbm>>
    tpu.wait_indirect_dma semaphore(%arg25 : memref<!tpu.dma_semaphore, #tpu.memory_space<semaphore_mem>>) src(%dma_wait3A_1178 : memref<50257x1024xf32, #tpu.memory_space<hbm>>) dst(%arg15 : memref<8x1024xf32, #tpu.memory_space<vmem>>)
    %parallel_loop3A_1179 = arith.constant 0 : i32
    %parallel_loop3A_1180 = arith.constant 512 : i32
    %parallel_loop3A_1181 = arith.constant 1 : i32
    scf.for %parallel_loop3A_1240 = %parallel_loop3A_1179 to %parallel_loop3A_1180 step %parallel_loop3A_1181  : i32 {
      %parallel_loop3A_1241 = arith.constant 6 : i32
      %parallel_loop3A_1242 = arith.shrsi %parallel_loop3A_1240, %parallel_loop3A_1241 : i32
      %parallel_loop3A_1243 = arith.constant 63 : i32
      %parallel_loop3A_1244 = arith.andi %parallel_loop3A_1240, %parallel_loop3A_1243 : i32
      %parallel_loop3A_1245 = arith.constant 16 : i32
      %parallel_loop3A_1246 = arith.muli %parallel_loop3A_1244, %parallel_loop3A_1245 : i32
      %parallel_loop3A_1247 = arith.index_cast %parallel_loop3A_1242 : i32 to index
      %parallel_loop3A_1248 = arith.index_cast %parallel_loop3A_1246 : i32 to index
      %parallel_loop3A_1249 = tpu.vector_load %arg8[%parallel_loop3A_1247, %parallel_loop3A_1248] {strides = array<i32>} : memref<8x1024xf32, #tpu.memory_space<vmem>>, vector<1x16xf32>,
      %parallel_loop3A_1250 = vector.shape_cast %parallel_loop3A_1249 : vector<1x16xf32> to vector<16xf32>
      %parallel_loop3A_1251 = arith.index_cast %parallel_loop3A_1242 : i32 to index
      %parallel_loop3A_1252 = arith.index_cast %parallel_loop3A_1246 : i32 to index
      %parallel_loop3A_1253 = tpu.vector_load %arg15[%parallel_loop3A_1251, %parallel_loop3A_1252] {strides = array<i32>} : memref<8x1024xf32, #tpu.memory_space<vmem>>, vector<1x16xf32>,
      %parallel_loop3A_1254 = vector.shape_cast %parallel_loop3A_1253 : vector<1x16xf32> to vector<16xf32>
      %parallel_loop3A_1255 = vector.shape_cast %parallel_loop3A_1250 : vector<16xf32> to vector<1x16xf32>
      tpu.vector_store %arg15[%parallel_loop3A_1251, %parallel_loop3A_1252], %parallel_loop3A_1255 {add = true, strides = array<i32>} : memref<8x1024xf32, #tpu.memory_space<vmem>>, vector<1x16xf32>,
    } {sc.loop_unroll_factor = 2 : i64, sc.parallel_access}
    %add3A_1182 = arith.constant 4096 : i32
    %add3A_1183 = arith.addi %add3A_1182, %mul3A_2 : i32
    %add3A_1184 = arith.constant 56 : i32
    %add3A_1185 = arith.addi %add3A_1183, %add3A_1184 : i32
    %dma_start3A_1186 = arith.constant 0 : i32
    %dma_start3A_1187 = tpu.memref_slice %arg5[%add3A_1185, %dma_start3A_1186] : memref<8192x1024xf32, #tpu.memory_space<hbm>> -> memref<8x1024xf32, #tpu.memory_space<hbm>>
    %dma_start3A_1188 = arith.constant 0 : i32
    %dma_start3A_1189 = tpu.memref_slice %arg5[%add3A_1185, %dma_start3A_1188] : memref<8192x1024xf32, #tpu.memory_space<hbm>> -> memref<8x1024xf32, #tpu.memory_space<hbm>>
    tpu.enqueue_dma source(%arg15 : memref<8x1024xf32, #tpu.memory_space<vmem>>) target(%dma_start3A_1189 : memref<8x1024xf32, #tpu.memory_space<hbm>>) target_semaphore(%arg33 : memref<!tpu.dma_semaphore, #tpu.memory_space<semaphore_mem>>)
    %dma_wait3A_1190 = arith.constant 3 : i32
    %dma_wait3A_1191 = arith.constant 56 : i32
    %dma_wait3A_1192 = tpu.memref_slice %arg6[%dma_wait3A_1190, %dma_wait3A_1191] : memref<4x64xi32, #tpu.memory_space<vmem>> -> memref<1x8xi32, #tpu.memory_space<vmem>>
    %dma_wait3A_1193 = tpu.memref_squeeze %dma_wait3A_1192 : memref<1x8xi32, #tpu.memory_space<vmem>> -> memref<8xi32, #tpu.memory_space<vmem>>
    %dma_wait3A_1194 = arith.constant 0 : i32
    %dma_wait3A_1195 = arith.constant 0 : i32
    %dma_wait3A_1196 = tpu.memref_slice %arg3[%dma_wait3A_1194, %dma_wait3A_1195] : memref<50257x1024xf32, #tpu.memory_space<hbm>> -> memref<50257x1024xf32, #tpu.memory_space<hbm>>
    tpu.wait_indirect_dma semaphore(%arg26 : memref<!tpu.dma_semaphore, #tpu.memory_space<semaphore_mem>>) src(%dma_wait3A_1196 : memref<50257x1024xf32, #tpu.memory_space<hbm>>) dst(%arg16 : memref<8x1024xf32, #tpu.memory_space<vmem>>)
    %parallel_loop3A_1197 = arith.constant 0 : i32
    %parallel_loop3A_1198 = arith.constant 512 : i32
    %parallel_loop3A_1199 = arith.constant 1 : i32
    scf.for %parallel_loop3A_1240 = %parallel_loop3A_1197 to %parallel_loop3A_1198 step %parallel_loop3A_1199  : i32 {
      %parallel_loop3A_1241 = arith.constant 6 : i32
      %parallel_loop3A_1242 = arith.shrsi %parallel_loop3A_1240, %parallel_loop3A_1241 : i32
      %parallel_loop3A_1243 = arith.constant 63 : i32
      %parallel_loop3A_1244 = arith.andi %parallel_loop3A_1240, %parallel_loop3A_1243 : i32
      %parallel_loop3A_1245 = arith.constant 16 : i32
      %parallel_loop3A_1246 = arith.muli %parallel_loop3A_1244, %parallel_loop3A_1245 : i32
      %parallel_loop3A_1247 = arith.index_cast %parallel_loop3A_1242 : i32 to index
      %parallel_loop3A_1248 = arith.index_cast %parallel_loop3A_1246 : i32 to index
      %parallel_loop3A_1249 = tpu.vector_load %arg8[%parallel_loop3A_1247, %parallel_loop3A_1248] {strides = array<i32>} : memref<8x1024xf32, #tpu.memory_space<vmem>>, vector<1x16xf32>,
      %parallel_loop3A_1250 = vector.shape_cast %parallel_loop3A_1249 : vector<1x16xf32> to vector<16xf32>
      %parallel_loop3A_1251 = arith.index_cast %parallel_loop3A_1242 : i32 to index
      %parallel_loop3A_1252 = arith.index_cast %parallel_loop3A_1246 : i32 to index
      %parallel_loop3A_1253 = tpu.vector_load %arg16[%parallel_loop3A_1251, %parallel_loop3A_1252] {strides = array<i32>} : memref<8x1024xf32, #tpu.memory_space<vmem>>, vector<1x16xf32>,
      %parallel_loop3A_1254 = vector.shape_cast %parallel_loop3A_1253 : vector<1x16xf32> to vector<16xf32>
      %parallel_loop3A_1255 = vector.shape_cast %parallel_loop3A_1250 : vector<16xf32> to vector<1x16xf32>
      tpu.vector_store %arg16[%parallel_loop3A_1251, %parallel_loop3A_1252], %parallel_loop3A_1255 {add = true, strides = array<i32>} : memref<8x1024xf32, #tpu.memory_space<vmem>>, vector<1x16xf32>,
    } {sc.loop_unroll_factor = 2 : i64, sc.parallel_access}
    %add3A_1200 = arith.constant 6144 : i32
    %add3A_1201 = arith.addi %add3A_1200, %mul3A_2 : i32
    %add3A_1202 = arith.constant 56 : i32
    %add3A_1203 = arith.addi %add3A_1201, %add3A_1202 : i32
    %dma_start3A_1204 = arith.constant 0 : i32
    %dma_start3A_1205 = tpu.memref_slice %arg5[%add3A_1203, %dma_start3A_1204] : memref<8192x1024xf32, #tpu.memory_space<hbm>> -> memref<8x1024xf32, #tpu.memory_space<hbm>>
    %dma_start3A_1206 = arith.constant 0 : i32
    %dma_start3A_1207 = tpu.memref_slice %arg5[%add3A_1203, %dma_start3A_1206] : memref<8192x1024xf32, #tpu.memory_space<hbm>> -> memref<8x1024xf32, #tpu.memory_space<hbm>>
    tpu.enqueue_dma source(%arg16 : memref<8x1024xf32, #tpu.memory_space<vmem>>) target(%dma_start3A_1207 : memref<8x1024xf32, #tpu.memory_space<hbm>>) target_semaphore(%arg34 : memref<!tpu.dma_semaphore, #tpu.memory_space<semaphore_mem>>)
    %add3A_1208 = arith.constant 0 : i32
    %add3A_1209 = arith.addi %add3A_1208, %mul3A_2 : i32
    %add3A_1210 = arith.constant 56 : i32
    %add3A_1211 = arith.addi %add3A_1209, %add3A_1210 : i32
    %dma_wait3A_1212 = arith.constant 0 : i32
    %dma_wait3A_1213 = tpu.memref_slice %arg5[%add3A_1211, %dma_wait3A_1212] : memref<8192x1024xf32, #tpu.memory_space<hbm>> -> memref<8x1024xf32, #tpu.memory_space<hbm>>
    %dma_wait3A_1214 = arith.constant 0 : i32
    %dma_wait3A_1215 = tpu.memref_slice %arg5[%add3A_1211, %dma_wait3A_1214] : memref<8192x1024xf32, #tpu.memory_space<hbm>> -> memref<8x1024xf32, #tpu.memory_space<hbm>>
    tpu.wait_dma2 semaphore(%arg31 : memref<!tpu.dma_semaphore, #tpu.memory_space<semaphore_mem>>) src(%arg13 : memref<8x1024xf32, #tpu.memory_space<vmem>>) dst(%dma_wait3A_1215 : memref<8x1024xf32, #tpu.memory_space<hbm>>)
    %add3A_1216 = arith.constant 2048 : i32
    %add3A_1217 = arith.addi %add3A_1216, %mul3A_2 : i32
    %add3A_1218 = arith.constant 56 : i32
    %add3A_1219 = arith.addi %add3A_1217, %add3A_1218 : i32
    %dma_wait3A_1220 = arith.constant 0 : i32
    %dma_wait3A_1221 = tpu.memref_slice %arg5[%add3A_1219, %dma_wait3A_1220] : memref<8192x1024xf32, #tpu.memory_space<hbm>> -> memref<8x1024xf32, #tpu.memory_space<hbm>>
    %dma_wait3A_1222 = arith.constant 0 : i32
    %dma_wait3A_1223 = tpu.memref_slice %arg5[%add3A_1219, %dma_wait3A_1222] : memref<8192x1024xf32, #tpu.memory_space<hbm>> -> memref<8x1024xf32, #tpu.memory_space<hbm>>
    tpu.wait_dma2 semaphore(%arg32 : memref<!tpu.dma_semaphore, #tpu.memory_space<semaphore_mem>>) src(%arg14 : memref<8x1024xf32, #tpu.memory_space<vmem>>) dst(%dma_wait3A_1223 : memref<8x1024xf32, #tpu.memory_space<hbm>>)
    %add3A_1224 = arith.constant 4096 : i32
    %add3A_1225 = arith.addi %add3A_1224, %mul3A_2 : i32
    %add3A_1226 = arith.constant 56 : i32
    %add3A_1227 = arith.addi %add3A_1225, %add3A_1226 : i32
    %dma_wait3A_1228 = arith.constant 0 : i32
    %dma_wait3A_1229 = tpu.memref_slice %arg5[%add3A_1227, %dma_wait3A_1228] : memref<8192x1024xf32, #tpu.memory_space<hbm>> -> memref<8x1024xf32, #tpu.memory_space<hbm>>
    %dma_wait3A_1230 = arith.constant 0 : i32
    %dma_wait3A_1231 = tpu.memref_slice %arg5[%add3A_1227, %dma_wait3A_1230] : memref<8192x1024xf32, #tpu.memory_space<hbm>> -> memref<8x1024xf32, #tpu.memory_space<hbm>>
    tpu.wait_dma2 semaphore(%arg33 : memref<!tpu.dma_semaphore, #tpu.memory_space<semaphore_mem>>) src(%arg15 : memref<8x1024xf32, #tpu.memory_space<vmem>>) dst(%dma_wait3A_1231 : memref<8x1024xf32, #tpu.memory_space<hbm>>)
    %add3A_1232 = arith.constant 6144 : i32
    %add3A_1233 = arith.addi %add3A_1232, %mul3A_2 : i32
    %add3A_1234 = arith.constant 56 : i32
    %add3A_1235 = arith.addi %add3A_1233, %add3A_1234 : i32
    %dma_wait3A_1236 = arith.constant 0 : i32
    %dma_wait3A_1237 = tpu.memref_slice %arg5[%add3A_1235, %dma_wait3A_1236] : memref<8192x1024xf32, #tpu.memory_space<hbm>> -> memref<8x1024xf32, #tpu.memory_space<hbm>>
    %dma_wait3A_1238 = arith.constant 0 : i32
    %dma_wait3A_1239 = tpu.memref_slice %arg5[%add3A_1235, %dma_wait3A_1238] : memref<8192x1024xf32, #tpu.memory_space<hbm>> -> memref<8x1024xf32, #tpu.memory_space<hbm>>
    tpu.wait_dma2 semaphore(%arg34 : memref<!tpu.dma_semaphore, #tpu.memory_space<semaphore_mem>>) src(%arg16 : memref<8x1024xf32, #tpu.memory_space<vmem>>) dst(%dma_wait3A_1239 : memref<8x1024xf32, #tpu.memory_space<hbm>>)
    return
  }
}

</mosaic_0001>

<sc_bundles>
// kernel: _embed.3.cloned.1.call-start
scs
__scs_entry_jumppad:
0x0: {  	(pc) =	sbr.rel $0x88, $3  }
0x1: {  	(tag) =	ssettag $0x0;
	lr =	simm.s32 $0x1  }
0x2: {  	[smem:$0x3F9E] =	sst lr;
	_ =	strace $0xD0000000  }
0x3: {  	_ = 	snop  }
0x4: {  	_ = 	snop  }
0x5: {  	_ = 	snop  }
0x6: {  	_ = 	snop  }
0x7: {  	_ = 	snop  }
__scs_overlays_trampoline_lowered:
0x8: {  	[smem:$0x3FAD] =	sst s0  }
0x9: {  	[smem:$0x3FAE] =	sst s1  }
0xa: {  	[smem:$0x3FAF] =	sst s2  }
0xb: {  	[smem:$0x3FB0] =	sst s3  }
0xc: {  	[smem:$0x3FB1] =	sst s4  }
0xd: {  	[smem:$0x3FB2] =	sst s5  }
0xe: {  	[smem:$0x3FB3] =	sst s6  }
0xf: {  	[smem:$0x3FB4] =	sst s7  }
0x10: {  	[smem:$0x3FB5] =	sst s8  }
0x11: {  	[smem:$0x3FB6] =	sst s9;
	s0 =	simm.s32 @!p0 $0x0  }
0x12: {  	s1 =	sld [smem:$0x3F9C];
	s0 =	simm.s32 @p0 $0x1  }
0x13: {  	[smem:$0x3FB7] =	sst s0;
	s0 =	simm.s32 @!p1 $0x0  }
0x14: {  	s2 =	sld [smem:$0x3F9B];
	s0 =	simm.s32 @p1 $0x1  }
0x15: {  	[smem:$0x3FB8] =	sst s0;
	s0 =	simm.s32 @!p2 $0x0  }
0x16: {  	s3 =	sld [smem:$0x3FDB];
	s0 =	simm.s32 @p2 $0x1  }
0x17: {  	s4 =	simm.s32 $0x1BF5;
	[smem:$0x3FBA] =	sst s0  }
0x18: {  	s0 =	sld [smem:$0x3F9D];
	_ =	swait.ge [sflag:s4], $0x0  }
0x19: {  	s7 =	sld [smem:$0x3F9E]  }
0x1a: {  	s8 =	sadd.s32 $0xFFFFE003, lr  }
0x1b: {  	s9 =	sadd.s32 $0xFFFFFEF7, lr;
	s5 =	simm.s32 $0xFFFFFFFF;
	p2 =	slt.u32 s8, $0xFFFFF086  }
0x1c: {  	p1 =	slt.u32 s9, $0xF7A;
	s5 =	simm.s32 @!p2 $0x0  }
0x1d: {  	s5 =	simm.s32 @p1 $0x1;
	p0 =	seq.s32 s7, s2  }
0x1e: {  	s7 =	smul.u32 @!p0 $0xF7A, s2;
	p2 =	seq.s32 @!p0 s5, $0x0  }
0x1f: {  	s9 =	smul.u32 $0xF7A, s1;
	s8 =	simm.s32 @!p0 $0x1BF5;
	p2 =	por !p2, p0  }
0x20: {  	[sflag:s8] =	ssyncset.s32 @!p0 $0xFFFFF086;
	s6 =	sadd.s32 @!p0 s3, s7;
	s7 =	simm.s32 @!p0 $0x108  }
0x21: {  	s3 =	sadd.s32 s3, s9;
	s6 =	sadd.s32 @!p0 $0x88, s6;
	s7 =	simm.s32 @p2 $0x1082  }
0x22: {  	[simem:s7], [sflag:s8] =	dma.local @!p0 [hbm:s6], $0xF7A  }
0x23: {  	s9 =	sor.u32 $0xD0000000, s2;
	s6 =	simm.s32 $0x108;
	_ =	swait.ge @!p0 [sflag:s8], $0x0  }
0x24: {  	s3 =	sadd.s32 $0x88, s3;
	s6 =	simm.s32 @!p1 $0x1082;
	[sflag:s4] =	ssyncset.s32 $0xFFFFF086  }
0x25: {  	[simem:s6], [sflag:s4] =	dma.local [hbm:s3], $0xF7A  }
0x26: {  	[smem:$0x3F9E] =	sst s1;
	(tag) =	ssettag s2;
	_ =	strace s9  }
0x27: {  	s1 =	sld [smem:$0x3FAE]  }
0x28: {  	s2 =	sld [smem:$0x3FAF]  }
0x29: {  	s4 =	sld [smem:$0x3FB1]  }
0x2a: {  	p0 =	seq.s32 s5, $0x0;
	s5 =	sld [smem:$0x3FB2]  }
0x2b: {  	s6 =	sld [smem:$0x3FB3]  }
0x2c: {  	s7 =	sld [smem:$0x3FB4]  }
0x2d: {  	s3 =	simm.s32 $0x108;
	s8 =	sld [smem:$0x3FB5]  }
0x2e: {  	s3 =	simm.s32 @!p0 $0x1082;
	s9 =	sld [smem:$0x3FB6]  }
0x2f: {  	lr =	sadd.s32 s0, s3;
	s0 =	sld [smem:$0x3FAD]  }
0x30: {  	s3 =	sld [smem:$0x3FB0]  }
0x31: {  	[smem:$0x3FB9] =	sst s10  }
0x32: {  	s10 =	sld [smem:$0x3FB7];
	_ =	sdelay $0x3  }
0x33: {  	p0 =	seq.s32 s10, $0x1;
	s10 =	sld [smem:$0x3FB9];
	_ =	sdelay $0x3  }
0x34: {  	[smem:$0x3FB9] =	sst s10  }
0x35: {  	s10 =	sld [smem:$0x3FB8];
	_ =	sdelay $0x3  }
0x36: {  	p1 =	seq.s32 s10, $0x1;
	s10 =	sld [smem:$0x3FB9];
	_ =	sdelay $0x3  }
0x37: {  	[smem:$0x3FB9] =	sst s10  }
0x38: {  	s10 =	sld [smem:$0x3FBA]  }
0x39: {  	_ = 	snop;
	(pc) =	sbr.ind lr, $3  }
0x3a: {  	_ = 	snop  }
0x3b: {  	_ = 	snop  }
0x3c: {  	p2 =	seq.s32 s10, $0x1;
	s10 =	sld [smem:$0x3FB9]  }
0x3d: {  	_ =	shalt  }
0x3e: {  	_ =	shalt  }
0x3f: {  	_ =	shalt  }
0x40: {  	_ =	shalt  }
0x41: {  	_ =	shalt  }
0x42: {  	_ =	shalt  }
0x43: {  	_ =	shalt  }
0x44: {  	_ =	shalt  }
0x45: {  	_ =	shalt  }
0x46: {  	_ =	shalt  }
0x47: {  	_ =	shalt  }
0x48: {  	_ =	shalt  }
0x49: {  	_ =	shalt  }
0x4a: {  	_ =	shalt  }
0x4b: {  	_ =	shalt  }
0x4c: {  	_ =	shalt  }
0x4d: {  	_ =	shalt  }
0x4e: {  	_ =	shalt  }
0x4f: {  	_ =	shalt  }
0x50: {  	_ =	shalt  }
0x51: {  	_ =	shalt  }
0x52: {  	_ =	shalt  }
0x53: {  	_ =	shalt  }
0x54: {  	_ =	shalt  }
0x55: {  	_ =	shalt  }
0x56: {  	_ =	shalt  }
0x57: {  	_ =	shalt  }
0x58: {  	_ =	shalt  }
0x59: {  	_ =	shalt  }
0x5a: {  	_ =	shalt  }
0x5b: {  	_ =	shalt  }
0x5c: {  	_ =	shalt  }
0x5d: {  	_ =	shalt  }
0x5e: {  	_ =	shalt  }
0x5f: {  	_ =	shalt  }
0x60: {  	_ =	shalt  }
0x61: {  	_ =	shalt  }
0x62: {  	_ =	shalt  }
0x63: {  	_ =	shalt  }
0x64: {  	_ =	shalt  }
0x65: {  	_ =	shalt  }
0x66: {  	_ =	shalt  }
0x67: {  	_ =	shalt  }
0x68: {  	_ =	shalt  }
0x69: {  	_ =	shalt  }
0x6a: {  	_ =	shalt  }
0x6b: {  	_ =	shalt  }
0x6c: {  	_ =	shalt  }
0x6d: {  	_ =	shalt  }
0x6e: {  	_ =	shalt  }
0x6f: {  	_ =	shalt  }
0x70: {  	_ =	shalt  }
0x71: {  	_ =	shalt  }
0x72: {  	_ =	shalt  }
0x73: {  	_ =	shalt  }
0x74: {  	_ =	shalt  }
0x75: {  	_ =	shalt  }
0x76: {  	_ =	shalt  }
0x77: {  	_ =	shalt  }
0x78: {  	_ =	shalt  }
0x79: {  	_ =	shalt  }
0x7a: {  	_ =	shalt  }
0x7b: {  	_ =	shalt  }
0x7c: {  	_ =	shalt  }
0x7d: {  	_ =	shalt  }
0x7e: {  	_ =	shalt  }
0x7f: {  	_ =	shalt  }
0x80: {  	_ =	shalt  }
0x81: {  	_ =	shalt  }
0x82: {  	_ =	shalt  }
0x83: {  	_ =	shalt  }
0x84: {  	_ =	shalt  }
0x85: {  	_ =	shalt  }
0x86: {  	_ =	shalt  }
0x87: {  	_ =	shalt  }
.Lfunc_end0:
.L_simem_size_0:
called_computation_lowered:
.L_overlay_start_0:
0x88: {  	s2 =	sld [smem:$0x3FD9]  }
0x89: {  	s3 =	sld [smem:$0x3FFE];
	_ =	sdelay $0x1  }
0x8a: {  	s1 =	srdreg.scid  }
0x8b: {  	s0 =	sand.u32 $0x1, s1  }
0x8c: {  	s18 =	sshll.u32 s0, $0xA;
	s2 =	sadd.s32 s3, s2  }
0x8d: {  	s2 =	sadd.s32 s2, s18  }
0x8e: {  	[smem:$0x3FC5] =	sst s2  }
0x8f: {  	_ = 	snop  }
0x90: {  	s2 =	sld [smem:$0x3FC9]  }
0x91: {  	s19 =	sld [smem:$0x3FC8]  }
0x92: {  	s4 =	sld [smem:$0x3FC7]  }
0x93: {  	s5 =	sld [smem:$0x3FD0];
	(tm) =	ssettm $0x1  }
0x94: {  	s6 =	sld [smem:$0x3FFB];
	_ =	sdelay $0x3  }
0x95: {  	_ =	strace s6  }
0x96: {  	s6 =	sld [smem:$0x3FFC];
	_ =	sdelay $0x3  }
0x97: {  	_ =	strace s6  }
0x98: {  	s6 =	sld [smem:$0x3FFD];
	_ =	sdelay $0x3  }
0x99: {  	_ =	strace s6  }
0x9a: {  	_ =	strace $0x8FFFFFFF  }
0x9b: {  	s20 =	sld [smem:$0x3FDB];
	_ =	sdelay $0x1  }
0x9c: {  	s7 =	simm.s32 $_scs_section_size  }
0x9d: {  	s8 =	simm.s32 $_size__tile_overlayer_lowered;
	s9 =	simm.s32 $_tile_overlayer_lowered  }
0x9e: {  	s23 =	simm.s32 $0x1BFF;
	s22 =	sshll.u32 s9, $0x1;
	s6 =	sadd.s32 s7, s20  }
0x9f: {  	s10 =	simm.s32 $0x0;
	s21 =	sshll.u32 s8, $0x1;
	s8 =	sadd.s32 s22, s6  }
0xa0: {  	[timem:s10], [sflag:s23] =	dma.local [hbm:s8], s21  }
0xa1: {  	_ =	swait.ge [sflag:s23], s21  }
0xa2: {  	s7 =	ssub.s32 $0x0, s21;
	[sflag:s23] =	ssyncset.done $0x0  }
0xa3: {  	[sflag:s23] =	ssyncadd.s32 s7;
	_ =	sdelay $0x1  }
0xa4: {  	s24 =	simm.s32 $0x1B8B  }
0xa5: {  	_ =	swait.ge [sflag:s24], $0x1  }
0xa6: {  	[sflag:s24] =	ssyncset.done $0x0  }
0xa7: {  	s25 =	simm.s32 $0x1B8E;
	[sflag:s24] =	ssyncadd.s32 $0xFFFFFFFF  }
0xa8: {  	s26 =	simm.s32 $execute0_lowered;
	[smem:$0x3FD2] =	sst s25  }
0xa9: {  	s7 =	sshll.u32 s26, $0x1;
	_ =	strace $0x80000046;
	[dreg:$0x1] =	wrdreg $0xFFFFFFFF  }
0xaa: {  	s28 =	simm.s32 $_size_execute0_lowered;
	s6 =	sadd.s32 s6, s7;
	[dreg:$0x0] =	wrdreg $0x0  }
0xab: {  	s7 =	sshll.u32 s28, $0x1;
	[dreg:$0x2] =	wrdreg s6  }
0xac: {  	[dreg:$0x3] =	wrdreg s7  }
0xad: {  	[dreg:$0x4] =	wrdreg $0xC0  }
0xae: {  	_ =	task [dreg:s10], $0x5FFFF  }
0xaf: {  	[dreg:$0x1] =	wrdreg $0xFFFFFFFF  }
0xb0: {  	[dreg:$0x0] =	wrdreg $0x60  }
0xb1: {  	[dreg:$0x2] =	wrdreg s2  }
0xb2: {  	[dreg:$0x3] =	wrdreg s19  }
0xb3: {  	[dreg:$0x4] =	wrdreg s4  }
0xb4: {  	[dreg:$0x5] =	wrdreg s5  }
0xb5: {  	[dreg:$0x6] =	wrdreg $0x9  }
0xb6: {  	_ =	task.clear_ibuf [dreg:s10], $0x7FFFF;
	_ =	strace $0x90000046  }
0xb7: {  	s29 =	simm.s32 $0x9;
	_ =	strace $0x80000048  }
0xb8: {  	_ =	swait.ge [sflag:s29], $0x1  }
0xb9: {  	[sflag:s29] =	ssyncadd.s32 $0xFFFFFFFF  }
0xba: {  	_ =	strace $0x90000048  }
0xbb: {  	_ =	sfence  }
0xbc: {  	s30 =	sld [smem:$0x0];
	_ =	sdelay $0x2  }
0xbd: {  	s31 =	sshll.u32 s1, $0xD;
	s1 =	sshrl.u32 s1, $0x2  }
0xbe: {  	s3 =	sand.u32 $0x4000, s31;
	s1 =	sadd.s32 s1, s30  }
0xbf: {  	s0 =	sor.u32 s3, s0;
	s1 =	sshll.u32 s1, $0x11  }
0xc0: {  	s0 =	sor.u32 s1, s0  }
0xc1: {  	s0 =	sadd.s32 $0x8F2B, s0  }
0xc2: {  	[sflag:s0] =	ssyncadd.remote.s32 $0x1  }
0xc3: {  	_ =	sfence.sel $0xFFFF  }
0xc4: {  	[dreg:$0x0] =	wrdreg $0xFFFFFFFF;
	(pc) =	sbr.abs _section_cstart, $3  }
0xc5: {  	[dreg:$0x1] =	wrdreg $0xFFFFFFFF  }
0xc6: {  	_ =	task.clear_ibuf [dreg:s10], $0x2FFFF;
	_ =	strace $0x9FFFFFFF  }
0xc7: {  	(tm) =	ssettm $0x7FFFFFFF  }
tec
execute0_lowered:
.L_overlay_start_1:
0x0: {  	(tag) =	ssettag $0x1  }
0x1: {  	s0 =	rddreg [dreg:$0x0];
	s4 =	srdreg.scid  }
0x2: {  	s2 =	rddreg [dreg:$0x2];
	s6 =	stileid.u32;
	s4 =	sand.u32 $0x1, s4  }
0x3: {  	s6 =	sshll.u32 s6, $0x7;
	s5 =	ssub.s32 $0x2, s4;
	s4 =	sshll.u32 s4, $0x6  }
0x4: {  	s3 =	rddreg [dreg:$0x3];
	s1 =	simm.s32 $0x0;
	s4 =	sor.u32 s4, s6  }
0x5: {  	[smem:$0x7FF] =	sst s1;
	s6 =	sshrl.u32 s4, $0x3  }
0x6: {  	s21 =	sor.u32 $0x800, s4;
	s8 =	sor.u32 $0x1000, s4;
	s9 =	sor.u32 $0x1800, s4  }
0x7: {  	s4 =	sshll.u32 s4, $0x7;
	s6 =	sadd.s32 s0, s6;
	s22 =	sshrl.u32 s21, $0x3  }
0x8: {  	s25 =	sadd.s32 s2, s4;
	s26 =	sor.u32 $0x400, s4;
	[dreg:$0x5] =	wrdreg s6  }
0x9: {  	s11 =	sshll.u32 s21, $0x7;
	s6 =	sadd.s32 s0, s22;
	[dreg:$0x9] =	wrdreg s25  }
0xa: {  	s13 =	sshll.u32 s9, $0x7;
	s10 =	sadd.s32 s2, s26;
	[dreg:$0x6] =	wrdreg s6  }
0xb: {  	s15 =	sor.u32 $0x800, s4;
	s14 =	sadd.s32 s3, s13;
	[dreg:$0xa] =	wrdreg s10  }
0xc: {  	s17 =	sor.u32 $0xC00, s4;
	s16 =	sadd.s32 s2, s15;
	[dreg:$0xe] =	wrdreg s14  }
0xd: {  	s19 =	sor.u32 $0x1000, s4;
	s18 =	sadd.s32 s2, s17;
	[dreg:$0xf] =	wrdreg s16  }
0xe: {  	s21 =	sor.u32 $0x1400, s4;
	s20 =	sadd.s32 s2, s19;
	[dreg:$0x11] =	wrdreg s18  }
0xf: {  	s22 =	sadd.s32 s2, s21;
	[dreg:$0x13] =	wrdreg s20  }
0x10: {  	s23 =	sshrl.u32 s8, $0x3;
	[dreg:$0x15] =	wrdreg s22  }
0x11: {  	s24 =	sshrl.u32 s9, $0x3;
	s6 =	sadd.s32 s0, s23;
	s22 =	rddreg [dreg:$0x1]  }
0x12: {  	s0 =	sadd.s32 s0, s24;
	[dreg:$0x7] =	wrdreg s6  }
0x13: {  	[dreg:$0x8] =	wrdreg s0;
	s6 =	sadd.s32 s3, s11  }
0x14: {  	s23 =	sor.u32 $0x1800, s4;
	s0 =	sadd.s32 s3, s26;
	[dreg:$0xc] =	wrdreg s6  }
0x15: {  	s24 =	sor.u32 $0x1C00, s4;
	s25 =	sadd.s32 s2, s23;
	[dreg:$0x10] =	wrdreg s0  }
0x16: {  	s2 =	sadd.s32 s2, s24;
	[dreg:$0x18] =	wrdreg s25  }
0x17: {  	s12 =	sshll.u32 s8, $0x7;
	s26 =	sadd.s32 s3, s23;
	[dreg:$0x19] =	wrdreg s2  }
0x18: {  	s6 =	sadd.s32 s3, s12;
	[dreg:$0x1a] =	wrdreg s26  }
0x19: {  	s0 =	sadd.s32 s3, s17;
	[dreg:$0xd] =	wrdreg s6  }
0x1a: {  	s6 =	sadd.s32 s3, s15;
	[dreg:$0x14] =	wrdreg s0  }
0x1b: {  	s0 =	sadd.s32 s3, s21;
	[dreg:$0x12] =	wrdreg s6  }
0x1c: {  	s7 =	sshrl.u32 s5, $0x1;
	s6 =	sadd.s32 s3, s19;
	[dreg:$0x17] =	wrdreg s0  }
0x1d: {  	s5 =	ssub.s32 s5, s7;
	s0 =	sadd.s32 s3, s24;
	[dreg:$0x16] =	wrdreg s6  }
0x1e: {  	s10 =	sadd.s32 s3, s4;
	s3 =	smax.u32 s5, $0x1;
	[dreg:$0x1b] =	wrdreg s0  }
0x1f: {  	s4 =	sadd.s32 $0x40400, s10;
	_ =	strace $0x80000047;
	[dreg:$0x1c] =	wrdreg s3  }
0x20: {  	s5 =	sadd.s32 $0x80400, s10;
	[dreg:$0x1d] =	wrdreg s4  }
0x21: {  	s6 =	sadd.s32 $0xC0400, s10;
	[dreg:$0x1e] =	wrdreg s5  }
0x22: {  	s7 =	sadd.s32 $0x40800, s10;
	[dreg:$0x1f] =	wrdreg s6  }
0x23: {  	s8 =	sadd.s32 $0x80800, s10;
	[smem:$0x7EC] =	sst s7  }
0x24: {  	s9 =	sadd.s32 $0xC0800, s10;
	[smem:$0x7ED] =	sst s8  }
0x25: {  	s11 =	sadd.s32 $0x40C00, s10;
	[smem:$0x7EE] =	sst s9  }
0x26: {  	s12 =	sadd.s32 $0x80C00, s10;
	[smem:$0x7EF] =	sst s11  }
0x27: {  	s13 =	sadd.s32 $0xC0C00, s10;
	[smem:$0x7F0] =	sst s12  }
0x28: {  	s14 =	sadd.s32 $0x41000, s10;
	[smem:$0x7F1] =	sst s13  }
0x29: {  	s15 =	sadd.s32 $0x81000, s10;
	[smem:$0x7F2] =	sst s14  }
0x2a: {  	s16 =	sadd.s32 $0xC1000, s10;
	[smem:$0x7F3] =	sst s15  }
0x2b: {  	s17 =	sadd.s32 $0x41400, s10;
	[smem:$0x7F4] =	sst s16  }
0x2c: {  	s18 =	sadd.s32 $0x81400, s10;
	[smem:$0x7F5] =	sst s17  }
0x2d: {  	s19 =	sadd.s32 $0xC1400, s10;
	[smem:$0x7F6] =	sst s18  }
0x2e: {  	s20 =	sadd.s32 $0x41800, s10;
	[smem:$0x7F7] =	sst s19  }
0x2f: {  	s21 =	sadd.s32 $0x81800, s10;
	[smem:$0x7F8] =	sst s20  }
0x30: {  	s23 =	sadd.s32 $0xC1800, s10;
	[smem:$0x7F9] =	sst s21  }
0x31: {  	s28 =	simm.s32 $0x8;
	s24 =	sadd.s32 $0x41C00, s10;
	[smem:$0x7FA] =	sst s23  }
0x32: {  	s29 =	sadd.s32 $0x100, s22;
	s25 =	sadd.s32 $0x81C00, s10;
	[smem:$0x7FB] =	sst s24  }
0x33: {  	s30 =	sadd.s32 $0x200, s22;
	s31 =	sadd.s32 $0x300, s22;
	[smem:$0x7FC] =	sst s25  }
0x34: {  	s26 =	sadd.s32 $0xC1C00, s10;
	s0 =	simm.s32 $0xA;
	[dreg:$0xb] =	wrdreg s10  }
0x35: {  	[smem:$0x7FD] =	sst s26;
	s12 =	simm.s32 $0xA200;
	s6 =	simm.s32 $0x12200  }
0x36: {  	s9 =	simm.s32 $0x2;
	s13 =	simm.s32 $0x4;
	s14 =	simm.s32 $0x5  }
0x37: {  	s16 =	simm.s32 $0x6;
	s17 =	simm.s32 $0xB;
	s18 =	simm.s32 $0xC  }
0x38: {  	v0 =	vlaneseq.u32;
	s21 =	simm.s32 $0xD;
	s23 =	simm.s32 $0xE;
	s8 =	simm.s32 $0x7  }
0x39: {  	v1 =	vshrl.u32 v0, $0x3;
	s20 =	simm.s32 $0x9;
	s4 =	simm.s32 $0xF;
	s5 =	simm.s32 $0x10  }
0x3a: {  	vm0 =	vmmov $0xffff;
	v0 =	vand.u32 $0x7, v0;
	v1 =	vmul.u32 $0x8, v1;
	s7 =	simm.s32 $0x11;
	s10 =	simm.s32 $0x12;
	s26 =	simm.s32 $0x0  }
.LBB2_1:
0x3b: {  	s2 =	rddreg [dreg:$0x5]  }
0x3c: {  	[tilespmem:s1], [sflag:$0x1] =	stream.linear.gather [hbm4b:s2+s1], $0x40, $0x38;
	[tilespmem:$0x14200] =	vst v63  }
0x3d: {  	s11 =	rddreg [dreg:$0x6];
	s3 =	simm.s32 $0x80  }
0x3e: {  	[tilespmem:s3], [sflag:$0x1] =	stream.linear.gather [hbm4b:s11+s1], $0x40, $0x38;
	[tilespmem:$0x14200] =	vst v63  }
0x3f: {  	s15 =	rddreg [dreg:$0x7];
	s19 =	simm.s32 $0x100  }
0x40: {  	[tilespmem:s19], [sflag:$0x1] =	stream.linear.gather [hbm4b:s15+s1], $0x40, $0x38;
	[tilespmem:$0x14200] =	vst v63  }
0x41: {  	s24 =	rddreg [dreg:$0x8];
	s25 =	simm.s32 $0x180  }
0x42: {  	[tilespmem:s25], [sflag:$0x1] =	stream.linear.gather [hbm4b:s24+s1], $0x40, $0x38;
	[tilespmem:$0x14200] =	vst v63  }
0x43: {  	s3 =	rddreg [dreg:$0x9];
	s11 =	simm.s32 $0x200;
	s15 =	simm.s32 $0x1  }
0x44: {  	[tilespmem:s11], [sflag:$0x2] =	stream.linear.gather [hbm4b:s3+s1], $0x2000, $0x38;
	[tilespmem:$0x14200] =	vst v63  }
0x45: {  	_ =	swait.ge [sflag:s15], $0x40  }
0x46: {  	[sflag:s15] =	ssyncset.done $0x0  }
0x47: {  	[sflag:s15] =	ssyncadd.s32 $0xFFFFFFC0  }
0x48: {  	_ =	swait.ge [sflag:s15], $0x40  }
0x49: {  	[sflag:s15] =	ssyncset.done $0x0  }
0x4a: {  	[sflag:s15] =	ssyncadd.s32 $0xFFFFFFC0  }
0x4b: {  	_ =	swait.ge [sflag:s15], $0x40  }
0x4c: {  	[sflag:s15] =	ssyncset.done $0x0  }
0x4d: {  	[sflag:s15] =	ssyncadd.s32 $0xFFFFFFC0  }
0x4e: {  	_ =	swait.ge [sflag:s15], $0x40  }
0x4f: {  	[sflag:s15] =	ssyncset.done $0x0  }
0x50: {  	[sflag:s15] =	ssyncadd.s32 $0xFFFFFFC0  }
0x51: {  	v2 =	vld.msk [tilespmem:$0x0], $0xff;
	_ =	sdelay $0x4  }
0x52: {  	v3 =	vshll.u32 v2, $0x3  }
0x53: {  	v2 =	vand.u32 $0x7, v2;
	v3 =	vand.u32 $0xFFFFFFC0, v3  }
0x54: {  	v2 =	vor.u32 v2, v3  }
0x55: {  	v2 =	vperm.xlane v2, v0;
	_ =	sdelay $0x1  }
0x56: {  	v2 =	vadd.s32 v1, v2;
	_ =	sdelay $0x3  }
0x57: {  	s19 =	simm.s32 $0x4200  }
0x58: {  	[tilespmem:s19], [sflag:$0x3] =	stream.indirect_vreg.gather [hbm4b:s22+s1], $0x80, v2, vm0, $0xb8;
	[tilespmem:$0x14200] =	vst v63  }
0x59: {  	s24 =	simm.s32 $0x4A00  }
0x5a: {  	[tilespmem:s24], [sflag:$0x3] =	stream.indirect_vreg.gather [hbm4b:s29+s1], $0x80, v2, vm0, $0xb8;
	[tilespmem:$0x14200] =	vst v63  }
0x5b: {  	s25 =	simm.s32 $0x5200  }
0x5c: {  	[tilespmem:s25], [sflag:$0x3] =	stream.indirect_vreg.gather [hbm4b:s30+s1], $0x80, v2, vm0, $0xb8;
	[tilespmem:$0x14200] =	vst v63  }
0x5d: {  	s3 =	simm.s32 $0x5A00  }
0x5e: {  	[tilespmem:s3], [sflag:$0x3] =	stream.indirect_vreg.gather [hbm4b:s31+s1], $0x80, v2, vm0, $0xb8;
	[tilespmem:$0x14200] =	vst v63  }
0x5f: {  	v2 =	vld.msk [tilespmem:$0x80], $0xff;
	_ =	sdelay $0x4  }
0x60: {  	v3 =	vshll.u32 v2, $0x3  }
0x61: {  	v2 =	vand.u32 $0x7, v2;
	v3 =	vand.u32 $0xFFFFFFC0, v3  }
0x62: {  	v2 =	vor.u32 v2, v3  }
0x63: {  	v2 =	vperm.xlane v2, v0;
	_ =	sdelay $0x1  }
0x64: {  	v2 =	vadd.s32 v1, v2;
	_ =	sdelay $0x3  }
0x65: {  	s11 =	simm.s32 $0x6200  }
0x66: {  	[tilespmem:s11], [sflag:$0x4] =	stream.indirect_vreg.gather [hbm4b:s22+s1], $0x80, v2, vm0, $0xb8;
	[tilespmem:$0x14200] =	vst v63  }
0x67: {  	s15 =	simm.s32 $0x6A00  }
0x68: {  	[tilespmem:s15], [sflag:$0x4] =	stream.indirect_vreg.gather [hbm4b:s29+s1], $0x80, v2, vm0, $0xb8;
	[tilespmem:$0x14200] =	vst v63  }
0x69: {  	s19 =	simm.s32 $0x7200  }
0x6a: {  	[tilespmem:s19], [sflag:$0x4] =	stream.indirect_vreg.gather [hbm4b:s30+s1], $0x80, v2, vm0, $0xb8;
	[tilespmem:$0x14200] =	vst v63  }
0x6b: {  	s24 =	simm.s32 $0x7A00  }
0x6c: {  	[tilespmem:s24], [sflag:$0x4] =	stream.indirect_vreg.gather [hbm4b:s31+s1], $0x80, v2, vm0, $0xb8;
	[tilespmem:$0x14200] =	vst v63  }
0x6d: {  	v2 =	vld.msk [tilespmem:$0x100], $0xff;
	_ =	sdelay $0x4  }
0x6e: {  	v3 =	vshll.u32 v2, $0x3  }
0x6f: {  	v2 =	vand.u32 $0x7, v2;
	v3 =	vand.u32 $0xFFFFFFC0, v3  }
0x70: {  	v2 =	vor.u32 v2, v3  }
0x71: {  	v2 =	vperm.xlane v2, v0;
	_ =	sdelay $0x1  }
0x72: {  	v2 =	vadd.s32 v1, v2;
	_ =	sdelay $0x3  }
0x73: {  	s25 =	simm.s32 $0x8200  }
0x74: {  	[tilespmem:s25], [sflag:$0x5] =	stream.indirect_vreg.gather [hbm4b:s22+s1], $0x80, v2, vm0, $0xb8;
	[tilespmem:$0x14200] =	vst v63  }
0x75: {  	s3 =	simm.s32 $0x8A00  }
0x76: {  	[tilespmem:s3], [sflag:$0x5] =	stream.indirect_vreg.gather [hbm4b:s29+s1], $0x80, v2, vm0, $0xb8;
	[tilespmem:$0x14200] =	vst v63  }
0x77: {  	s11 =	simm.s32 $0x9200  }
0x78: {  	[tilespmem:s11], [sflag:$0x5] =	stream.indirect_vreg.gather [hbm4b:s30+s1], $0x80, v2, vm0, $0xb8;
	[tilespmem:$0x14200] =	vst v63  }
0x79: {  	s15 =	simm.s32 $0x9A00  }
0x7a: {  	[tilespmem:s15], [sflag:$0x5] =	stream.indirect_vreg.gather [hbm4b:s31+s1], $0x80, v2, vm0, $0xb8;
	[tilespmem:$0x14200] =	vst v63  }
0x7b: {  	v2 =	vld.msk [tilespmem:$0x180], $0xff;
	_ =	sdelay $0x4  }
0x7c: {  	v3 =	vshll.u32 v2, $0x3  }
0x7d: {  	v2 =	vand.u32 $0x7, v2;
	v3 =	vand.u32 $0xFFFFFFC0, v3  }
0x7e: {  	v2 =	vor.u32 v2, v3  }
0x7f: {  	v2 =	vperm.xlane v2, v0;
	_ =	sdelay $0x1  }
0x80: {  	v2 =	vadd.s32 v1, v2;
	_ =	sdelay $0x4  }
0x81: {  	[tilespmem:s12], [sflag:$0x6] =	stream.indirect_vreg.gather [hbm4b:s22+s1], $0x80, v2, vm0, $0xb8;
	[tilespmem:$0x14200] =	vst v63  }
0x82: {  	s19 =	simm.s32 $0xAA00  }
0x83: {  	[tilespmem:s19], [sflag:$0x6] =	stream.indirect_vreg.gather [hbm4b:s29+s1], $0x80, v2, vm0, $0xb8;
	[tilespmem:$0x14200] =	vst v63  }
0x84: {  	s24 =	simm.s32 $0xB200  }
0x85: {  	[tilespmem:s24], [sflag:$0x6] =	stream.indirect_vreg.gather [hbm4b:s30+s1], $0x80, v2, vm0, $0xb8;
	[tilespmem:$0x14200] =	vst v63  }
0x86: {  	s25 =	simm.s32 $0xBA00  }
0x87: {  	[tilespmem:s25], [sflag:$0x6] =	stream.indirect_vreg.gather [hbm4b:s31+s1], $0x80, v2, vm0, $0xb8;
	[tilespmem:$0x14200] =	vst v63  }
0x88: {  	v2 =	vld.msk [tilespmem:$0x8], $0xff;
	_ =	sdelay $0x4  }
0x89: {  	v3 =	vshll.u32 v2, $0x3  }
0x8a: {  	v2 =	vand.u32 $0x7, v2;
	v3 =	vand.u32 $0xFFFFFFC0, v3  }
0x8b: {  	v2 =	vor.u32 v2, v3  }
0x8c: {  	v2 =	vperm.xlane v2, v0;
	_ =	sdelay $0x1  }
0x8d: {  	v2 =	vadd.s32 v1, v2;
	_ =	sdelay $0x3  }
0x8e: {  	s3 =	simm.s32 $0xC200  }
0x8f: {  	[tilespmem:s3], [sflag:$0x7] =	stream.indirect_vreg.gather [hbm4b:s22+s1], $0x80, v2, vm0, $0xb8;
	[tilespmem:$0x14200] =	vst v63  }
0x90: {  	s11 =	simm.s32 $0xCA00  }
0x91: {  	[tilespmem:s11], [sflag:$0x7] =	stream.indirect_vreg.gather [hbm4b:s29+s1], $0x80, v2, vm0, $0xb8;
	[tilespmem:$0x14200] =	vst v63  }
0x92: {  	s12 =	simm.s32 $0xD200  }
0x93: {  	[tilespmem:s12], [sflag:$0x7] =	stream.indirect_vreg.gather [hbm4b:s30+s1], $0x80, v2, vm0, $0xb8;
	[tilespmem:$0x14200] =	vst v63  }
0x94: {  	s15 =	simm.s32 $0xDA00  }
0x95: {  	[tilespmem:s15], [sflag:$0x7] =	stream.indirect_vreg.gather [hbm4b:s31+s1], $0x80, v2, vm0, $0xb8;
	[tilespmem:$0x14200] =	vst v63  }
0x96: {  	v2 =	vld.msk [tilespmem:$0x88], $0xff;
	_ =	sdelay $0x4  }
0x97: {  	v3 =	vshll.u32 v2, $0x3  }
0x98: {  	v2 =	vand.u32 $0x7, v2;
	v3 =	vand.u32 $0xFFFFFFC0, v3  }
0x99: {  	v2 =	vor.u32 v2, v3  }
0x9a: {  	v2 =	vperm.xlane v2, v0;
	_ =	sdelay $0x1  }
0x9b: {  	v2 =	vadd.s32 v1, v2;
	_ =	sdelay $0x3  }
0x9c: {  	s19 =	simm.s32 $0xE200  }
0x9d: {  	[tilespmem:s19], [sflag:$0x8] =	stream.indirect_vreg.gather [hbm4b:s22+s1], $0x80, v2, vm0, $0xb8;
	[tilespmem:$0x14200] =	vst v63  }
0x9e: {  	s24 =	simm.s32 $0xEA00  }
0x9f: {  	[tilespmem:s24], [sflag:$0x8] =	stream.indirect_vreg.gather [hbm4b:s29+s1], $0x80, v2, vm0, $0xb8;
	[tilespmem:$0x14200] =	vst v63  }
0xa0: {  	s25 =	simm.s32 $0xF200  }
0xa1: {  	[tilespmem:s25], [sflag:$0x8] =	stream.indirect_vreg.gather [hbm4b:s30+s1], $0x80, v2, vm0, $0xb8;
	[tilespmem:$0x14200] =	vst v63  }
0xa2: {  	s3 =	simm.s32 $0xFA00  }
0xa3: {  	[tilespmem:s3], [sflag:$0x8] =	stream.indirect_vreg.gather [hbm4b:s31+s1], $0x80, v2, vm0, $0xb8;
	[tilespmem:$0x14200] =	vst v63  }
0xa4: {  	v2 =	vld.msk [tilespmem:$0x108], $0xff;
	_ =	sdelay $0x4  }
0xa5: {  	v3 =	vshll.u32 v2, $0x3  }
0xa6: {  	v2 =	vand.u32 $0x7, v2;
	v3 =	vand.u32 $0xFFFFFFC0, v3  }
0xa7: {  	v2 =	vor.u32 v2, v3  }
0xa8: {  	v2 =	vperm.xlane v2, v0;
	_ =	sdelay $0x1  }
0xa9: {  	v2 =	vadd.s32 v1, v2;
	_ =	sdelay $0x3  }
0xaa: {  	s11 =	simm.s32 $0x10200  }
0xab: {  	[tilespmem:s11], [sflag:$0x9] =	stream.indirect_vreg.gather [hbm4b:s22+s1], $0x80, v2, vm0, $0xb8;
	[tilespmem:$0x14200] =	vst v63  }
0xac: {  	s12 =	simm.s32 $0x10A00  }
0xad: {  	[tilespmem:s12], [sflag:$0x9] =	stream.indirect_vreg.gather [hbm4b:s29+s1], $0x80, v2, vm0, $0xb8;
	[tilespmem:$0x14200] =	vst v63  }
0xae: {  	s15 =	simm.s32 $0x11200  }
0xaf: {  	[tilespmem:s15], [sflag:$0x9] =	stream.indirect_vreg.gather [hbm4b:s30+s1], $0x80, v2, vm0, $0xb8;
	[tilespmem:$0x14200] =	vst v63  }
0xb0: {  	s19 =	simm.s32 $0x11A00  }
0xb1: {  	[tilespmem:s19], [sflag:$0x9] =	stream.indirect_vreg.gather [hbm4b:s31+s1], $0x80, v2, vm0, $0xb8;
	[tilespmem:$0x14200] =	vst v63  }
0xb2: {  	v2 =	vld.msk [tilespmem:$0x188], $0xff;
	_ =	sdelay $0x4  }
0xb3: {  	v3 =	vshll.u32 v2, $0x3  }
0xb4: {  	v2 =	vand.u32 $0x7, v2;
	v3 =	vand.u32 $0xFFFFFFC0, v3  }
0xb5: {  	v2 =	vor.u32 v2, v3  }
0xb6: {  	v2 =	vperm.xlane v2, v0;
	_ =	sdelay $0x1  }
0xb7: {  	v2 =	vadd.s32 v1, v2;
	_ =	sdelay $0x4  }
0xb8: {  	[tilespmem:s6], [sflag:$0xA] =	stream.indirect_vreg.gather [hbm4b:s22+s1], $0x80, v2, vm0, $0xb8;
	[tilespmem:$0x14200] =	vst v63  }
0xb9: {  	s24 =	simm.s32 $0x12A00  }
0xba: {  	[tilespmem:s24], [sflag:$0xA] =	stream.indirect_vreg.gather [hbm4b:s29+s1], $0x80, v2, vm0, $0xb8;
	[tilespmem:$0x14200] =	vst v63  }
0xbb: {  	s25 =	simm.s32 $0x13200  }
0xbc: {  	[tilespmem:s25], [sflag:$0xA] =	stream.indirect_vreg.gather [hbm4b:s30+s1], $0x80, v2, vm0, $0xb8;
	[tilespmem:$0x14200] =	vst v63  }
0xbd: {  	s3 =	simm.s32 $0x13A00  }
0xbe: {  	[tilespmem:s3], [sflag:$0xA] =	stream.indirect_vreg.gather [hbm4b:s31+s1], $0x80, v2, vm0, $0xb8;
	[tilespmem:$0x14200] =	vst v63  }
0xbf: {  	_ =	swait.ge [sflag:s9], $0x2000  }
0xc0: {  	s11 =	simm.s32 $0x2200;
	[sflag:s9] =	ssyncset.done $0x0  }
0xc1: {  	s12 =	simm.s32 $0x3;
	s6 =	rddreg [dreg:$0xa];
	[sflag:s9] =	ssyncadd.s32 $0xFFFFE000  }
0xc2: {  	[tilespmem:s11], [sflag:$0x2] =	stream.linear.gather [hbm4b:s6+s1], $0x2000, $0x38;
	[tilespmem:$0x14200] =	vst v63  }
0xc3: {  	s15 =	sand.u32 $0x1C00, s1;
	s19 =	sand.u32 $0x380, s1;
	_ =	swait.ge [sflag:s12], $0x2000  }
0xc4: {  	s2 =	sor.u32 s19, s15;
	s24 =	sand.u32 $0x60, s1;
	[sflag:s12] =	ssyncset.done $0x0  }
0xc5: {  	s2 =	sor.u32 s24, s2;
	[sflag:s12] =	ssyncadd.s32 $0xFFFFE000  }
0xc6: {  	v2 =	vld [tilespmem:s2+$0x200]  }
0xc7: {  	s15 =	simm.s32 $0x20;
	s6 =	simm.s32 $0x100;
	s11 =	simm.s32 $0x4  }
0xc8: {  	s19 =	simm.s32 $0x2;
	s25 =	sand.u32 $0x1C00, s6;
	s24 =	sand.u32 $0x380, s11;
	v3 =	vld [tilespmem:s2+$0x210]  }
0xc9: {  	s3 =	sand.u32 $0x60, s15;
	s24 =	sor.u32 s24, s25;
	s12 =	simm.s32 $0x12200  }
.LBB2_2:
0xca: {  	s19 =	sadd.s32 $0x2, s19  }
0xcb: {  	s3 =	sor.u32 s3, s24;
	[tilespmem:s2+$0x4200] =	vst.add.f32.msk $0xffff, v2;
	p0 =	slt.u32 s19, $0x1FE  }
.Ltmp0:
0xcc: {  	v2 =	vld [tilespmem:s3+$0x200];
	(pc) =	sbr.rel @p0 .LBB2_2-.Ltmp0, $4  }
0xcd: {  	[tilespmem:s2+$0x4210] =	vst.add.f32.msk $0xffff, v3;
	s2 =	smov.u32 s3  }
0xce: {  	s6 =	sadd.s32 $0x100, s6;
	s11 =	sadd.s32 $0x4, s11;
	v3 =	vld [tilespmem:s2+$0x210]  }
0xcf: {  	s15 =	sadd.s32 $0x20, s15;
	s24 =	sand.u32 $0x1C00, s6;
	s25 =	sand.u32 $0x380, s11  }
0xd0: {  	s3 =	sand.u32 $0x60, s15;
	s24 =	sor.u32 s25, s24  }
0xd1: {  	s3 =	sor.u32 s3, s24  }
0xd2: {  	v4 =	vld [tilespmem:s3+$0x200]  }
0xd3: {  	v5 =	vld [tilespmem:s3+$0x210];
	_ =	sdelay $0x1  }
0xd4: {  	[tilespmem:s2+$0x4200] =	vst.add.f32.msk $0xffff, v2  }
0xd5: {  	[tilespmem:s2+$0x4210] =	vst.add.f32.msk $0xffff, v3  }
0xd6: {  	[tilespmem:s3+$0x4200] =	vst.add.f32.msk $0xffff, v4  }
0xd7: {  	[tilespmem:s3+$0x4210] =	vst.add.f32.msk $0xffff, v5  }
0xd8: {  	s19 =	simm.s32 $0x0;
	s6 =	simm.s32 $0x4200;
	s3 =	rddreg [dreg:$0xb]  }
0xd9: {  	[hbm4b:s3+s19] =	stream.linear.scatter [tilespmem:s6], [sflag:$0xB], $0x2000, $0x38;
	[tilespmem:$0x14200] =	vst v63  }
0xda: {  	s24 =	sand.u32 $0x1C00, s19;
	s25 =	sand.u32 $0x380, s19;
	_ =	swait.ge [sflag:s13], $0x2000  }
0xdb: {  	s2 =	sand.u32 $0x60, s19;
	s3 =	sor.u32 s25, s24;
	[sflag:s13] =	ssyncset.done $0x0  }
0xdc: {  	s2 =	sor.u32 s2, s3;
	[sflag:s13] =	ssyncadd.s32 $0xFFFFE000  }
0xdd: {  	v2 =	vld [tilespmem:s2+$0x200]  }
0xde: {  	s11 =	simm.s32 $0x4;
	s6 =	simm.s32 $0x100  }
0xdf: {  	s15 =	simm.s32 $0x20;
	s25 =	sand.u32 $0x380, s11;
	s3 =	sand.u32 $0x1C00, s6;
	v3 =	vld [tilespmem:s2+$0x210]  }
0xe0: {  	s19 =	simm.s32 $0x2;
	s24 =	sand.u32 $0x60, s15;
	s3 =	sor.u32 s25, s3  }
.LBB2_4:
0xe1: {  	s19 =	sadd.s32 $0x2, s19  }
0xe2: {  	s3 =	sor.u32 s24, s3;
	[tilespmem:s2+$0x6200] =	vst.add.f32.msk $0xffff, v2;
	p0 =	slt.u32 s19, $0x1FE  }
.Ltmp1:
0xe3: {  	v2 =	vld [tilespmem:s3+$0x200];
	(pc) =	sbr.rel @p0 .LBB2_4-.Ltmp1, $4  }
0xe4: {  	[tilespmem:s2+$0x6210] =	vst.add.f32.msk $0xffff, v3;
	s2 =	smov.u32 s3  }
0xe5: {  	s6 =	sadd.s32 $0x100, s6;
	s11 =	sadd.s32 $0x4, s11;
	v3 =	vld [tilespmem:s2+$0x210]  }
0xe6: {  	s15 =	sadd.s32 $0x20, s15;
	s25 =	sand.u32 $0x380, s11;
	s3 =	sand.u32 $0x1C00, s6  }
0xe7: {  	s24 =	sand.u32 $0x60, s15;
	s3 =	sor.u32 s25, s3  }
0xe8: {  	s3 =	sor.u32 s24, s3  }
0xe9: {  	v4 =	vld [tilespmem:s3+$0x200]  }
0xea: {  	v5 =	vld [tilespmem:s3+$0x210];
	_ =	sdelay $0x1  }
0xeb: {  	[tilespmem:s2+$0x6200] =	vst.add.f32.msk $0xffff, v2  }
0xec: {  	[tilespmem:s2+$0x6210] =	vst.add.f32.msk $0xffff, v3  }
0xed: {  	[tilespmem:s3+$0x6200] =	vst.add.f32.msk $0xffff, v4  }
0xee: {  	[tilespmem:s3+$0x6210] =	vst.add.f32.msk $0xffff, v5  }
0xef: {  	s19 =	simm.s32 $0x0;
	s6 =	simm.s32 $0x6200;
	s3 =	rddreg [dreg:$0xc]  }
0xf0: {  	[hbm4b:s3+s19] =	stream.linear.scatter [tilespmem:s6], [sflag:$0xC], $0x2000, $0x38;
	[tilespmem:$0x14200] =	vst v63  }
0xf1: {  	s24 =	sand.u32 $0x1C00, s19;
	s25 =	sand.u32 $0x380, s19;
	_ =	swait.ge [sflag:s14], $0x2000  }
0xf2: {  	s2 =	sand.u32 $0x60, s19;
	s3 =	sor.u32 s25, s24;
	[sflag:s14] =	ssyncset.done $0x0  }
0xf3: {  	s2 =	sor.u32 s2, s3;
	[sflag:s14] =	ssyncadd.s32 $0xFFFFE000  }
0xf4: {  	v2 =	vld [tilespmem:s2+$0x200]  }
0xf5: {  	s11 =	simm.s32 $0x4;
	s6 =	simm.s32 $0x100  }
0xf6: {  	s15 =	simm.s32 $0x20;
	s25 =	sand.u32 $0x380, s11;
	s3 =	sand.u32 $0x1C00, s6;
	v3 =	vld [tilespmem:s2+$0x210]  }
0xf7: {  	s19 =	simm.s32 $0x2;
	s24 =	sand.u32 $0x60, s15;
	s3 =	sor.u32 s25, s3  }
.LBB2_6:
0xf8: {  	s19 =	sadd.s32 $0x2, s19  }
0xf9: {  	s3 =	sor.u32 s24, s3;
	[tilespmem:s2+$0x8200] =	vst.add.f32.msk $0xffff, v2;
	p0 =	slt.u32 s19, $0x1FE  }
.Ltmp2:
0xfa: {  	v2 =	vld [tilespmem:s3+$0x200];
	(pc) =	sbr.rel @p0 .LBB2_6-.Ltmp2, $4  }
0xfb: {  	[tilespmem:s2+$0x8210] =	vst.add.f32.msk $0xffff, v3;
	s2 =	smov.u32 s3  }
0xfc: {  	s6 =	sadd.s32 $0x100, s6;
	s11 =	sadd.s32 $0x4, s11;
	v3 =	vld [tilespmem:s2+$0x210]  }
0xfd: {  	s15 =	sadd.s32 $0x20, s15;
	s25 =	sand.u32 $0x380, s11;
	s3 =	sand.u32 $0x1C00, s6  }
0xfe: {  	s24 =	sand.u32 $0x60, s15;
	s3 =	sor.u32 s25, s3  }
0xff: {  	s3 =	sor.u32 s24, s3  }
0x100: {  	v4 =	vld [tilespmem:s3+$0x200]  }
0x101: {  	v5 =	vld [tilespmem:s3+$0x210];
	_ =	sdelay $0x1  }
0x102: {  	[tilespmem:s2+$0x8200] =	vst.add.f32.msk $0xffff, v2  }
0x103: {  	[tilespmem:s2+$0x8210] =	vst.add.f32.msk $0xffff, v3  }
0x104: {  	[tilespmem:s3+$0x8200] =	vst.add.f32.msk $0xffff, v4  }
0x105: {  	[tilespmem:s3+$0x8210] =	vst.add.f32.msk $0xffff, v5  }
0x106: {  	s19 =	simm.s32 $0x0;
	s6 =	simm.s32 $0x8200;
	s3 =	rddreg [dreg:$0xd]  }
0x107: {  	[hbm4b:s3+s19] =	stream.linear.scatter [tilespmem:s6], [sflag:$0xD], $0x2000, $0x38;
	[tilespmem:$0x14200] =	vst v63  }
0x108: {  	s24 =	sand.u32 $0x1C00, s19;
	s25 =	sand.u32 $0x380, s19;
	_ =	swait.ge [sflag:s16], $0x2000  }
0x109: {  	s2 =	sand.u32 $0x60, s19;
	s3 =	sor.u32 s25, s24;
	[sflag:s16] =	ssyncset.done $0x0  }
0x10a: {  	s2 =	sor.u32 s2, s3;
	[sflag:s16] =	ssyncadd.s32 $0xFFFFE000  }
0x10b: {  	v2 =	vld [tilespmem:s2+$0x200]  }
0x10c: {  	s11 =	simm.s32 $0x4;
	s6 =	simm.s32 $0x100  }
0x10d: {  	s15 =	simm.s32 $0x20;
	s25 =	sand.u32 $0x380, s11;
	s3 =	sand.u32 $0x1C00, s6;
	v3 =	vld [tilespmem:s2+$0x210]  }
0x10e: {  	s19 =	simm.s32 $0x2;
	s24 =	sand.u32 $0x60, s15;
	s3 =	sor.u32 s25, s3  }
.LBB2_8:
0x10f: {  	s19 =	sadd.s32 $0x2, s19  }
0x110: {  	s3 =	sor.u32 s24, s3;
	[tilespmem:s2+$0xA200] =	vst.add.f32.msk $0xffff, v2;
	p0 =	slt.u32 s19, $0x1FE  }
.Ltmp3:
0x111: {  	v2 =	vld [tilespmem:s3+$0x200];
	(pc) =	sbr.rel @p0 .LBB2_8-.Ltmp3, $4  }
0x112: {  	[tilespmem:s2+$0xA210] =	vst.add.f32.msk $0xffff, v3;
	s2 =	smov.u32 s3  }
0x113: {  	s6 =	sadd.s32 $0x100, s6;
	s11 =	sadd.s32 $0x4, s11;
	v3 =	vld [tilespmem:s2+$0x210]  }
0x114: {  	s15 =	sadd.s32 $0x20, s15;
	s25 =	sand.u32 $0x380, s11;
	s3 =	sand.u32 $0x1C00, s6  }
0x115: {  	s24 =	sand.u32 $0x60, s15;
	s3 =	sor.u32 s25, s3  }
0x116: {  	s3 =	sor.u32 s24, s3  }
0x117: {  	v4 =	vld [tilespmem:s3+$0x200]  }
0x118: {  	v5 =	vld [tilespmem:s3+$0x210];
	_ =	sdelay $0x1  }
0x119: {  	[tilespmem:s2+$0xA200] =	vst.add.f32.msk $0xffff, v2  }
0x11a: {  	[tilespmem:s2+$0xA210] =	vst.add.f32.msk $0xffff, v3  }
0x11b: {  	[tilespmem:s3+$0xA200] =	vst.add.f32.msk $0xffff, v4  }
0x11c: {  	[tilespmem:s3+$0xA210] =	vst.add.f32.msk $0xffff, v5  }
0x11d: {  	s6 =	simm.s32 $0xA200;
	s2 =	simm.s32 $0x0;
	s3 =	rddreg [dreg:$0xe]  }
0x11e: {  	[hbm4b:s3+s2] =	stream.linear.scatter [tilespmem:s6], [sflag:$0xE], $0x2000, $0x38;
	[tilespmem:$0x14200] =	vst v63  }
0x11f: {  	_ =	swait.ge [sflag:s17], $0x2000  }
0x120: {  	[sflag:s17] =	ssyncset.done $0x0  }
0x121: {  	[sflag:s17] =	ssyncadd.s32 $0xFFFFE000  }
0x122: {  	v2 =	vld.msk [tilespmem:$0x10], $0xff;
	_ =	sdelay $0x4  }
0x123: {  	v3 =	vshll.u32 v2, $0x3  }
0x124: {  	v2 =	vand.u32 $0x7, v2;
	v3 =	vand.u32 $0xFFFFFFC0, v3  }
0x125: {  	v2 =	vor.u32 v2, v3  }
0x126: {  	v2 =	vperm.xlane v2, v0;
	_ =	sdelay $0x1  }
0x127: {  	v2 =	vadd.s32 v1, v2;
	_ =	sdelay $0x3  }
0x128: {  	s11 =	simm.s32 $0x4200  }
0x129: {  	[tilespmem:s11], [sflag:$0x3] =	stream.indirect_vreg.gather [hbm4b:s22+s2], $0x80, v2, vm0, $0xb8;
	[tilespmem:$0x14200] =	vst v63  }
0x12a: {  	s15 =	simm.s32 $0x4A00  }
0x12b: {  	[tilespmem:s15], [sflag:$0x3] =	stream.indirect_vreg.gather [hbm4b:s29+s2], $0x80, v2, vm0, $0xb8;
	[tilespmem:$0x14200] =	vst v63  }
0x12c: {  	s19 =	simm.s32 $0x5200  }
0x12d: {  	[tilespmem:s19], [sflag:$0x3] =	stream.indirect_vreg.gather [hbm4b:s30+s2], $0x80, v2, vm0, $0xb8;
	[tilespmem:$0x14200] =	vst v63  }
0x12e: {  	s24 =	simm.s32 $0x5A00  }
0x12f: {  	[tilespmem:s24], [sflag:$0x3] =	stream.indirect_vreg.gather [hbm4b:s31+s2], $0x80, v2, vm0, $0xb8;
	[tilespmem:$0x14200] =	vst v63  }
0x130: {  	_ =	swait.ge [sflag:s18], $0x2000  }
0x131: {  	[sflag:s18] =	ssyncset.done $0x0  }
0x132: {  	[sflag:s18] =	ssyncadd.s32 $0xFFFFE000  }
0x133: {  	v2 =	vld.msk [tilespmem:$0x90], $0xff;
	_ =	sdelay $0x4  }
0x134: {  	v3 =	vshll.u32 v2, $0x3  }
0x135: {  	v2 =	vand.u32 $0x7, v2;
	v3 =	vand.u32 $0xFFFFFFC0, v3  }
0x136: {  	v2 =	vor.u32 v2, v3  }
0x137: {  	v2 =	vperm.xlane v2, v0;
	_ =	sdelay $0x1  }
0x138: {  	v2 =	vadd.s32 v1, v2;
	_ =	sdelay $0x3  }
0x139: {  	s25 =	simm.s32 $0x6200  }
0x13a: {  	[tilespmem:s25], [sflag:$0x4] =	stream.indirect_vreg.gather [hbm4b:s22+s2], $0x80, v2, vm0, $0xb8;
	[tilespmem:$0x14200] =	vst v63  }
0x13b: {  	s11 =	simm.s32 $0x6A00  }
0x13c: {  	[tilespmem:s11], [sflag:$0x4] =	stream.indirect_vreg.gather [hbm4b:s29+s2], $0x80, v2, vm0, $0xb8;
	[tilespmem:$0x14200] =	vst v63  }
0x13d: {  	s15 =	simm.s32 $0x7200  }
0x13e: {  	[tilespmem:s15], [sflag:$0x4] =	stream.indirect_vreg.gather [hbm4b:s30+s2], $0x80, v2, vm0, $0xb8;
	[tilespmem:$0x14200] =	vst v63  }
0x13f: {  	s19 =	simm.s32 $0x7A00  }
0x140: {  	[tilespmem:s19], [sflag:$0x4] =	stream.indirect_vreg.gather [hbm4b:s31+s2], $0x80, v2, vm0, $0xb8;
	[tilespmem:$0x14200] =	vst v63  }
0x141: {  	_ =	swait.ge [sflag:s21], $0x2000  }
0x142: {  	[sflag:s21] =	ssyncset.done $0x0  }
0x143: {  	[sflag:s21] =	ssyncadd.s32 $0xFFFFE000  }
0x144: {  	v2 =	vld.msk [tilespmem:$0x110], $0xff;
	_ =	sdelay $0x4  }
0x145: {  	v3 =	vshll.u32 v2, $0x3  }
0x146: {  	v2 =	vand.u32 $0x7, v2;
	v3 =	vand.u32 $0xFFFFFFC0, v3  }
0x147: {  	v2 =	vor.u32 v2, v3  }
0x148: {  	v2 =	vperm.xlane v2, v0;
	_ =	sdelay $0x1  }
0x149: {  	v2 =	vadd.s32 v1, v2;
	_ =	sdelay $0x3  }
0x14a: {  	s24 =	simm.s32 $0x8200  }
0x14b: {  	[tilespmem:s24], [sflag:$0x5] =	stream.indirect_vreg.gather [hbm4b:s22+s2], $0x80, v2, vm0, $0xb8;
	[tilespmem:$0x14200] =	vst v63  }
0x14c: {  	s25 =	simm.s32 $0x8A00  }
0x14d: {  	[tilespmem:s25], [sflag:$0x5] =	stream.indirect_vreg.gather [hbm4b:s29+s2], $0x80, v2, vm0, $0xb8;
	[tilespmem:$0x14200] =	vst v63  }
0x14e: {  	s11 =	simm.s32 $0x9200  }
0x14f: {  	[tilespmem:s11], [sflag:$0x5] =	stream.indirect_vreg.gather [hbm4b:s30+s2], $0x80, v2, vm0, $0xb8;
	[tilespmem:$0x14200] =	vst v63  }
0x150: {  	s15 =	simm.s32 $0x9A00  }
0x151: {  	[tilespmem:s15], [sflag:$0x5] =	stream.indirect_vreg.gather [hbm4b:s31+s2], $0x80, v2, vm0, $0xb8;
	[tilespmem:$0x14200] =	vst v63  }
0x152: {  	_ =	swait.ge [sflag:s23], $0x2000  }
0x153: {  	[sflag:s23] =	ssyncset.done $0x0  }
0x154: {  	[sflag:s23] =	ssyncadd.s32 $0xFFFFE000  }
0x155: {  	v2 =	vld.msk [tilespmem:$0x190], $0xff;
	_ =	sdelay $0x4  }
0x156: {  	v3 =	vshll.u32 v2, $0x3  }
0x157: {  	v2 =	vand.u32 $0x7, v2;
	v3 =	vand.u32 $0xFFFFFFC0, v3  }
0x158: {  	v2 =	vor.u32 v2, v3  }
0x159: {  	v2 =	vperm.xlane v2, v0;
	_ =	sdelay $0x1  }
0x15a: {  	v2 =	vadd.s32 v1, v2;
	_ =	sdelay $0x4  }
0x15b: {  	[tilespmem:s6], [sflag:$0x6] =	stream.indirect_vreg.gather [hbm4b:s22+s2], $0x80, v2, vm0, $0xb8;
	[tilespmem:$0x14200] =	vst v63  }
0x15c: {  	s19 =	simm.s32 $0xAA00  }
0x15d: {  	[tilespmem:s19], [sflag:$0x6] =	stream.indirect_vreg.gather [hbm4b:s29+s2], $0x80, v2, vm0, $0xb8;
	[tilespmem:$0x14200] =	vst v63  }
0x15e: {  	s24 =	simm.s32 $0xB200  }
0x15f: {  	[tilespmem:s24], [sflag:$0x6] =	stream.indirect_vreg.gather [hbm4b:s30+s2], $0x80, v2, vm0, $0xb8;
	[tilespmem:$0x14200] =	vst v63  }
0x160: {  	s25 =	simm.s32 $0xBA00  }
0x161: {  	[tilespmem:s25], [sflag:$0x6] =	stream.indirect_vreg.gather [hbm4b:s31+s2], $0x80, v2, vm0, $0xb8;
	[tilespmem:$0x14200] =	vst v63  }
0x162: {  	_ =	swait.ge [sflag:s9], $0x2000  }
0x163: {  	[sflag:s9] =	ssyncset.done $0x0  }
0x164: {  	s11 =	simm.s32 $0x200;
	s6 =	rddreg [dreg:$0xf];
	[sflag:s9] =	ssyncadd.s32 $0xFFFFE000  }
0x165: {  	[tilespmem:s11], [sflag:$0x2] =	stream.linear.gather [hbm4b:s6+s2], $0x2000, $0x38;
	[tilespmem:$0x14200] =	vst v63  }
0x166: {  	s15 =	sand.u32 $0x1C00, s2;
	s19 =	sand.u32 $0x380, s2;
	_ =	swait.ge [sflag:s8], $0x2000  }
0x167: {  	s3 =	sor.u32 s19, s15;
	s2 =	sand.u32 $0x60, s2;
	[sflag:s8] =	ssyncset.done $0x0  }
0x168: {  	s2 =	sor.u32 s2, s3;
	[sflag:s8] =	ssyncadd.s32 $0xFFFFE000  }
0x169: {  	v2 =	vld [tilespmem:s2+$0x2200]  }
0x16a: {  	s6 =	simm.s32 $0x100;
	s11 =	simm.s32 $0x4  }
0x16b: {  	s15 =	simm.s32 $0x20;
	s24 =	sand.u32 $0x1C00, s6;
	s25 =	sand.u32 $0x380, s11;
	v3 =	vld [tilespmem:s2+$0x2210]  }
0x16c: {  	s19 =	simm.s32 $0x2;
	s3 =	sor.u32 s25, s24;
	s24 =	sand.u32 $0x60, s15  }
.LBB2_10:
0x16d: {  	s19 =	sadd.s32 $0x2, s19  }
0x16e: {  	s3 =	sor.u32 s24, s3;
	[tilespmem:s2+$0xC200] =	vst.add.f32.msk $0xffff, v2;
	p0 =	slt.u32 s19, $0x1FE  }
.Ltmp4:
0x16f: {  	v2 =	vld [tilespmem:s3+$0x2200];
	(pc) =	sbr.rel @p0 .LBB2_10-.Ltmp4, $4  }
0x170: {  	[tilespmem:s2+$0xC210] =	vst.add.f32.msk $0xffff, v3;
	s2 =	smov.u32 s3  }
0x171: {  	s6 =	sadd.s32 $0x100, s6;
	s11 =	sadd.s32 $0x4, s11;
	v3 =	vld [tilespmem:s2+$0x2210]  }
0x172: {  	s15 =	sadd.s32 $0x20, s15;
	s25 =	sand.u32 $0x380, s11;
	s3 =	sand.u32 $0x1C00, s6  }
0x173: {  	s24 =	sand.u32 $0x60, s15;
	s3 =	sor.u32 s25, s3  }
0x174: {  	s3 =	sor.u32 s24, s3  }
0x175: {  	v4 =	vld [tilespmem:s3+$0x2200]  }
0x176: {  	v5 =	vld [tilespmem:s3+$0x2210];
	_ =	sdelay $0x1  }
0x177: {  	[tilespmem:s2+$0xC200] =	vst.add.f32.msk $0xffff, v2  }
0x178: {  	[tilespmem:s2+$0xC210] =	vst.add.f32.msk $0xffff, v3  }
0x179: {  	[tilespmem:s3+$0xC200] =	vst.add.f32.msk $0xffff, v4  }
0x17a: {  	[tilespmem:s3+$0xC210] =	vst.add.f32.msk $0xffff, v5  }
0x17b: {  	s19 =	simm.s32 $0x0;
	s6 =	simm.s32 $0xC200;
	s3 =	rddreg [dreg:$0x10]  }
0x17c: {  	[hbm4b:s3+s19] =	stream.linear.scatter [tilespmem:s6], [sflag:$0xF], $0x2000, $0x38;
	[tilespmem:$0x14200] =	vst v63  }
0x17d: {  	s24 =	sand.u32 $0x1C00, s19;
	s25 =	sand.u32 $0x380, s19;
	_ =	swait.ge [sflag:s28], $0x2000  }
0x17e: {  	s2 =	sand.u32 $0x60, s19;
	s3 =	sor.u32 s25, s24;
	[sflag:s28] =	ssyncset.done $0x0  }
0x17f: {  	s2 =	sor.u32 s2, s3;
	[sflag:s28] =	ssyncadd.s32 $0xFFFFE000  }
0x180: {  	v2 =	vld [tilespmem:s2+$0x2200]  }
0x181: {  	s11 =	simm.s32 $0x4;
	s6 =	simm.s32 $0x100  }
0x182: {  	s15 =	simm.s32 $0x20;
	s25 =	sand.u32 $0x380, s11;
	s3 =	sand.u32 $0x1C00, s6;
	v3 =	vld [tilespmem:s2+$0x2210]  }
0x183: {  	s19 =	simm.s32 $0x2;
	s24 =	sand.u32 $0x60, s15;
	s3 =	sor.u32 s25, s3  }
.LBB2_12:
0x184: {  	s19 =	sadd.s32 $0x2, s19  }
0x185: {  	s3 =	sor.u32 s24, s3;
	[tilespmem:s2+$0xE200] =	vst.add.f32.msk $0xffff, v2;
	p0 =	slt.u32 s19, $0x1FE  }
.Ltmp5:
0x186: {  	v2 =	vld [tilespmem:s3+$0x2200];
	(pc) =	sbr.rel @p0 .LBB2_12-.Ltmp5, $4  }
0x187: {  	[tilespmem:s2+$0xE210] =	vst.add.f32.msk $0xffff, v3;
	s2 =	smov.u32 s3  }
0x188: {  	s6 =	sadd.s32 $0x100, s6;
	s11 =	sadd.s32 $0x4, s11;
	v3 =	vld [tilespmem:s2+$0x2210]  }
0x189: {  	s15 =	sadd.s32 $0x20, s15;
	s25 =	sand.u32 $0x380, s11;
	s3 =	sand.u32 $0x1C00, s6  }
0x18a: {  	s24 =	sand.u32 $0x60, s15;
	s3 =	sor.u32 s25, s3  }
0x18b: {  	s3 =	sor.u32 s24, s3  }
0x18c: {  	v4 =	vld [tilespmem:s3+$0x2200]  }
0x18d: {  	v5 =	vld [tilespmem:s3+$0x2210];
	_ =	sdelay $0x1  }
0x18e: {  	[tilespmem:s2+$0xE200] =	vst.add.f32.msk $0xffff, v2  }
0x18f: {  	[tilespmem:s2+$0xE210] =	vst.add.f32.msk $0xffff, v3  }
0x190: {  	[tilespmem:s3+$0xE200] =	vst.add.f32.msk $0xffff, v4  }
0x191: {  	[tilespmem:s3+$0xE210] =	vst.add.f32.msk $0xffff, v5  }
0x192: {  	s19 =	simm.s32 $0x0;
	s6 =	simm.s32 $0xE200;
	s3 =	rddreg [dreg:$0x1d]  }
0x193: {  	[hbm4b:s3+s19] =	stream.linear.scatter [tilespmem:s6], [sflag:$0x10], $0x2000, $0x38;
	[tilespmem:$0x14200] =	vst v63  }
0x194: {  	s24 =	sand.u32 $0x1C00, s19;
	s25 =	sand.u32 $0x380, s19;
	_ =	swait.ge [sflag:s20], $0x2000  }
0x195: {  	s2 =	sand.u32 $0x60, s19;
	s3 =	sor.u32 s25, s24;
	[sflag:s20] =	ssyncset.done $0x0  }
0x196: {  	s2 =	sor.u32 s2, s3;
	[sflag:s20] =	ssyncadd.s32 $0xFFFFE000  }
0x197: {  	v2 =	vld [tilespmem:s2+$0x2200]  }
0x198: {  	s11 =	simm.s32 $0x4;
	s6 =	simm.s32 $0x100  }
0x199: {  	s15 =	simm.s32 $0x20;
	s25 =	sand.u32 $0x380, s11;
	s3 =	sand.u32 $0x1C00, s6;
	v3 =	vld [tilespmem:s2+$0x2210]  }
0x19a: {  	s19 =	simm.s32 $0x2;
	s24 =	sand.u32 $0x60, s15;
	s3 =	sor.u32 s25, s3  }
.LBB2_14:
0x19b: {  	s19 =	sadd.s32 $0x2, s19  }
0x19c: {  	s3 =	sor.u32 s24, s3;
	[tilespmem:s2+$0x10200] =	vst.add.f32.msk $0xffff, v2;
	p0 =	slt.u32 s19, $0x1FE  }
.Ltmp6:
0x19d: {  	v2 =	vld [tilespmem:s3+$0x2200];
	(pc) =	sbr.rel @p0 .LBB2_14-.Ltmp6, $4  }
0x19e: {  	[tilespmem:s2+$0x10210] =	vst.add.f32.msk $0xffff, v3;
	s2 =	smov.u32 s3  }
0x19f: {  	s6 =	sadd.s32 $0x100, s6;
	s11 =	sadd.s32 $0x4, s11;
	v3 =	vld [tilespmem:s2+$0x2210]  }
0x1a0: {  	s15 =	sadd.s32 $0x20, s15;
	s25 =	sand.u32 $0x380, s11;
	s3 =	sand.u32 $0x1C00, s6  }
0x1a1: {  	s24 =	sand.u32 $0x60, s15;
	s3 =	sor.u32 s25, s3  }
0x1a2: {  	s3 =	sor.u32 s24, s3  }
0x1a3: {  	v4 =	vld [tilespmem:s3+$0x2200]  }
0x1a4: {  	v5 =	vld [tilespmem:s3+$0x2210];
	_ =	sdelay $0x1  }
0x1a5: {  	[tilespmem:s2+$0x10200] =	vst.add.f32.msk $0xffff, v2  }
0x1a6: {  	[tilespmem:s2+$0x10210] =	vst.add.f32.msk $0xffff, v3  }
0x1a7: {  	[tilespmem:s3+$0x10200] =	vst.add.f32.msk $0xffff, v4  }
0x1a8: {  	[tilespmem:s3+$0x10210] =	vst.add.f32.msk $0xffff, v5  }
0x1a9: {  	s19 =	simm.s32 $0x0;
	s6 =	simm.s32 $0x10200;
	s3 =	rddreg [dreg:$0x1e]  }
0x1aa: {  	[hbm4b:s3+s19] =	stream.linear.scatter [tilespmem:s6], [sflag:$0x11], $0x2000, $0x38;
	[tilespmem:$0x14200] =	vst v63  }
0x1ab: {  	s24 =	sand.u32 $0x1C00, s19;
	s25 =	sand.u32 $0x380, s19;
	_ =	swait.ge [sflag:s0], $0x2000  }
0x1ac: {  	s2 =	sand.u32 $0x60, s19;
	s3 =	sor.u32 s25, s24;
	[sflag:s0] =	ssyncset.done $0x0  }
0x1ad: {  	s2 =	sor.u32 s2, s3;
	[sflag:s0] =	ssyncadd.s32 $0xFFFFE000  }
0x1ae: {  	v2 =	vld [tilespmem:s2+$0x2200]  }
0x1af: {  	s11 =	simm.s32 $0x4;
	s6 =	simm.s32 $0x100  }
0x1b0: {  	s15 =	simm.s32 $0x20;
	s25 =	sand.u32 $0x380, s11;
	s3 =	sand.u32 $0x1C00, s6;
	v3 =	vld [tilespmem:s2+$0x2210]  }
0x1b1: {  	s19 =	simm.s32 $0x2;
	s24 =	sand.u32 $0x60, s15;
	s3 =	sor.u32 s25, s3  }
.LBB2_16:
0x1b2: {  	s19 =	sadd.s32 $0x2, s19  }
0x1b3: {  	s3 =	sor.u32 s24, s3;
	[tilespmem:s2+$0x12200] =	vst.add.f32.msk $0xffff, v2;
	p0 =	slt.u32 s19, $0x1FE  }
.Ltmp7:
0x1b4: {  	v2 =	vld [tilespmem:s3+$0x2200];
	(pc) =	sbr.rel @p0 .LBB2_16-.Ltmp7, $4  }
0x1b5: {  	[tilespmem:s2+$0x12210] =	vst.add.f32.msk $0xffff, v3;
	s2 =	smov.u32 s3  }
0x1b6: {  	s6 =	sadd.s32 $0x100, s6;
	s11 =	sadd.s32 $0x4, s11;
	v3 =	vld [tilespmem:s2+$0x2210]  }
0x1b7: {  	s15 =	sadd.s32 $0x20, s15;
	s25 =	sand.u32 $0x380, s11;
	s3 =	sand.u32 $0x1C00, s6  }
0x1b8: {  	s24 =	sand.u32 $0x60, s15;
	s3 =	sor.u32 s25, s3  }
0x1b9: {  	s3 =	sor.u32 s24, s3  }
0x1ba: {  	v4 =	vld [tilespmem:s3+$0x2200]  }
0x1bb: {  	v5 =	vld [tilespmem:s3+$0x2210];
	_ =	sdelay $0x1  }
0x1bc: {  	[tilespmem:s2+$0x12200] =	vst.add.f32.msk $0xffff, v2  }
0x1bd: {  	[tilespmem:s2+$0x12210] =	vst.add.f32.msk $0xffff, v3  }
0x1be: {  	[tilespmem:s3+$0x12200] =	vst.add.f32.msk $0xffff, v4  }
0x1bf: {  	[tilespmem:s3+$0x12210] =	vst.add.f32.msk $0xffff, v5  }
0x1c0: {  	s2 =	simm.s32 $0x0;
	s3 =	rddreg [dreg:$0x1f]  }
0x1c1: {  	[hbm4b:s3+s2] =	stream.linear.scatter [tilespmem:s12], [sflag:$0x12], $0x2000, $0x38;
	[tilespmem:$0x14200] =	vst v63  }
0x1c2: {  	_ =	swait.ge [sflag:s4], $0x2000  }
0x1c3: {  	[sflag:s4] =	ssyncset.done $0x0  }
0x1c4: {  	[sflag:s4] =	ssyncadd.s32 $0xFFFFE000  }
0x1c5: {  	v2 =	vld.msk [tilespmem:$0x18], $0xff;
	_ =	sdelay $0x4  }
0x1c6: {  	v3 =	vshll.u32 v2, $0x3  }
0x1c7: {  	v2 =	vand.u32 $0x7, v2;
	v3 =	vand.u32 $0xFFFFFFC0, v3  }
0x1c8: {  	v2 =	vor.u32 v2, v3  }
0x1c9: {  	v2 =	vperm.xlane v2, v0;
	_ =	sdelay $0x1  }
0x1ca: {  	v2 =	vadd.s32 v1, v2;
	_ =	sdelay $0x3  }
0x1cb: {  	s24 =	simm.s32 $0xC200  }
0x1cc: {  	[tilespmem:s24], [sflag:$0x7] =	stream.indirect_vreg.gather [hbm4b:s22+s2], $0x80, v2, vm0, $0xb8;
	[tilespmem:$0x14200] =	vst v63  }
0x1cd: {  	s25 =	simm.s32 $0xCA00  }
0x1ce: {  	[tilespmem:s25], [sflag:$0x7] =	stream.indirect_vreg.gather [hbm4b:s29+s2], $0x80, v2, vm0, $0xb8;
	[tilespmem:$0x14200] =	vst v63  }
0x1cf: {  	s6 =	simm.s32 $0xD200  }
0x1d0: {  	[tilespmem:s6], [sflag:$0x7] =	stream.indirect_vreg.gather [hbm4b:s30+s2], $0x80, v2, vm0, $0xb8;
	[tilespmem:$0x14200] =	vst v63  }
0x1d1: {  	s11 =	simm.s32 $0xDA00  }
0x1d2: {  	[tilespmem:s11], [sflag:$0x7] =	stream.indirect_vreg.gather [hbm4b:s31+s2], $0x80, v2, vm0, $0xb8;
	[tilespmem:$0x14200] =	vst v63  }
0x1d3: {  	_ =	swait.ge [sflag:s5], $0x2000  }
0x1d4: {  	[sflag:s5] =	ssyncset.done $0x0  }
0x1d5: {  	[sflag:s5] =	ssyncadd.s32 $0xFFFFE000  }
0x1d6: {  	v2 =	vld.msk [tilespmem:$0x98], $0xff;
	_ =	sdelay $0x4  }
0x1d7: {  	v3 =	vshll.u32 v2, $0x3  }
0x1d8: {  	v2 =	vand.u32 $0x7, v2;
	v3 =	vand.u32 $0xFFFFFFC0, v3  }
0x1d9: {  	v2 =	vor.u32 v2, v3  }
0x1da: {  	v2 =	vperm.xlane v2, v0;
	_ =	sdelay $0x1  }
0x1db: {  	v2 =	vadd.s32 v1, v2;
	_ =	sdelay $0x3  }
0x1dc: {  	s15 =	simm.s32 $0xE200  }
0x1dd: {  	[tilespmem:s15], [sflag:$0x8] =	stream.indirect_vreg.gather [hbm4b:s22+s2], $0x80, v2, vm0, $0xb8;
	[tilespmem:$0x14200] =	vst v63  }
0x1de: {  	s19 =	simm.s32 $0xEA00  }
0x1df: {  	[tilespmem:s19], [sflag:$0x8] =	stream.indirect_vreg.gather [hbm4b:s29+s2], $0x80, v2, vm0, $0xb8;
	[tilespmem:$0x14200] =	vst v63  }
0x1e0: {  	s24 =	simm.s32 $0xF200  }
0x1e1: {  	[tilespmem:s24], [sflag:$0x8] =	stream.indirect_vreg.gather [hbm4b:s30+s2], $0x80, v2, vm0, $0xb8;
	[tilespmem:$0x14200] =	vst v63  }
0x1e2: {  	s25 =	simm.s32 $0xFA00  }
0x1e3: {  	[tilespmem:s25], [sflag:$0x8] =	stream.indirect_vreg.gather [hbm4b:s31+s2], $0x80, v2, vm0, $0xb8;
	[tilespmem:$0x14200] =	vst v63  }
0x1e4: {  	_ =	swait.ge [sflag:s7], $0x2000  }
0x1e5: {  	[sflag:s7] =	ssyncset.done $0x0  }
0x1e6: {  	[sflag:s7] =	ssyncadd.s32 $0xFFFFE000  }
0x1e7: {  	v2 =	vld.msk [tilespmem:$0x118], $0xff;
	_ =	sdelay $0x4  }
0x1e8: {  	v3 =	vshll.u32 v2, $0x3  }
0x1e9: {  	v2 =	vand.u32 $0x7, v2;
	v3 =	vand.u32 $0xFFFFFFC0, v3  }
0x1ea: {  	v2 =	vor.u32 v2, v3  }
0x1eb: {  	v2 =	vperm.xlane v2, v0;
	_ =	sdelay $0x1  }
0x1ec: {  	v2 =	vadd.s32 v1, v2;
	_ =	sdelay $0x3  }
0x1ed: {  	s6 =	simm.s32 $0x10200  }
0x1ee: {  	[tilespmem:s6], [sflag:$0x9] =	stream.indirect_vreg.gather [hbm4b:s22+s2], $0x80, v2, vm0, $0xb8;
	[tilespmem:$0x14200] =	vst v63  }
0x1ef: {  	s11 =	simm.s32 $0x10A00  }
0x1f0: {  	[tilespmem:s11], [sflag:$0x9] =	stream.indirect_vreg.gather [hbm4b:s29+s2], $0x80, v2, vm0, $0xb8;
	[tilespmem:$0x14200] =	vst v63  }
0x1f1: {  	s15 =	simm.s32 $0x11200  }
0x1f2: {  	[tilespmem:s15], [sflag:$0x9] =	stream.indirect_vreg.gather [hbm4b:s30+s2], $0x80, v2, vm0, $0xb8;
	[tilespmem:$0x14200] =	vst v63  }
0x1f3: {  	s19 =	simm.s32 $0x11A00  }
0x1f4: {  	[tilespmem:s19], [sflag:$0x9] =	stream.indirect_vreg.gather [hbm4b:s31+s2], $0x80, v2, vm0, $0xb8;
	[tilespmem:$0x14200] =	vst v63  }
0x1f5: {  	_ =	swait.ge [sflag:s10], $0x2000  }
0x1f6: {  	[sflag:s10] =	ssyncset.done $0x0  }
0x1f7: {  	[sflag:s10] =	ssyncadd.s32 $0xFFFFE000  }
0x1f8: {  	v2 =	vld.msk [tilespmem:$0x198], $0xff;
	_ =	sdelay $0x4  }
0x1f9: {  	v3 =	vshll.u32 v2, $0x3  }
0x1fa: {  	v2 =	vand.u32 $0x7, v2;
	v3 =	vand.u32 $0xFFFFFFC0, v3  }
0x1fb: {  	v2 =	vor.u32 v2, v3  }
0x1fc: {  	v2 =	vperm.xlane v2, v0;
	_ =	sdelay $0x1  }
0x1fd: {  	v2 =	vadd.s32 v1, v2;
	_ =	sdelay $0x4  }
0x1fe: {  	[tilespmem:s12], [sflag:$0xA] =	stream.indirect_vreg.gather [hbm4b:s22+s2], $0x80, v2, vm0, $0xb8;
	[tilespmem:$0x14200] =	vst v63  }
0x1ff: {  	s24 =	simm.s32 $0x12A00  }
0x200: {  	[tilespmem:s24], [sflag:$0xA] =	stream.indirect_vreg.gather [hbm4b:s29+s2], $0x80, v2, vm0, $0xb8;
	[tilespmem:$0x14200] =	vst v63  }
0x201: {  	s25 =	simm.s32 $0x13200  }
0x202: {  	[tilespmem:s25], [sflag:$0xA] =	stream.indirect_vreg.gather [hbm4b:s30+s2], $0x80, v2, vm0, $0xb8;
	[tilespmem:$0x14200] =	vst v63  }
0x203: {  	s6 =	simm.s32 $0x13A00  }
0x204: {  	[tilespmem:s6], [sflag:$0xA] =	stream.indirect_vreg.gather [hbm4b:s31+s2], $0x80, v2, vm0, $0xb8;
	[tilespmem:$0x14200] =	vst v63  }
0x205: {  	_ =	swait.ge [sflag:s9], $0x2000  }
0x206: {  	[sflag:s9] =	ssyncset.done $0x0  }
0x207: {  	s6 =	simm.s32 $0x2200;
	s11 =	rddreg [dreg:$0x11];
	[sflag:s9] =	ssyncadd.s32 $0xFFFFE000  }
0x208: {  	[tilespmem:s6], [sflag:$0x2] =	stream.linear.gather [hbm4b:s11+s2], $0x2000, $0x38;
	[tilespmem:$0x14200] =	vst v63  }
0x209: {  	s11 =	simm.s32 $0x3  }
0x20a: {  	s15 =	sand.u32 $0x1C00, s2;
	s19 =	sand.u32 $0x380, s2;
	_ =	swait.ge [sflag:s11], $0x2000  }
0x20b: {  	s3 =	sor.u32 s19, s15;
	s2 =	sand.u32 $0x60, s2;
	[sflag:s11] =	ssyncset.done $0x0  }
0x20c: {  	s2 =	sor.u32 s2, s3;
	[sflag:s11] =	ssyncadd.s32 $0xFFFFE000  }
0x20d: {  	v2 =	vld [tilespmem:s2+$0x200]  }
0x20e: {  	s6 =	simm.s32 $0x100;
	s11 =	simm.s32 $0x4  }
0x20f: {  	s15 =	simm.s32 $0x20;
	s24 =	sand.u32 $0x1C00, s6;
	s25 =	sand.u32 $0x380, s11;
	v3 =	vld [tilespmem:s2+$0x210]  }
0x210: {  	s19 =	simm.s32 $0x2;
	s3 =	sor.u32 s25, s24;
	s24 =	sand.u32 $0x60, s15  }
.LBB2_18:
0x211: {  	s19 =	sadd.s32 $0x2, s19  }
0x212: {  	s3 =	sor.u32 s24, s3;
	[tilespmem:s2+$0x4200] =	vst.add.f32.msk $0xffff, v2;
	p0 =	slt.u32 s19, $0x1FE  }
.Ltmp8:
0x213: {  	v2 =	vld [tilespmem:s3+$0x200];
	(pc) =	sbr.rel @p0 .LBB2_18-.Ltmp8, $4  }
0x214: {  	[tilespmem:s2+$0x4210] =	vst.add.f32.msk $0xffff, v3;
	s2 =	smov.u32 s3  }
0x215: {  	s6 =	sadd.s32 $0x100, s6;
	s11 =	sadd.s32 $0x4, s11;
	v3 =	vld [tilespmem:s2+$0x210]  }
0x216: {  	s15 =	sadd.s32 $0x20, s15;
	s25 =	sand.u32 $0x380, s11;
	s3 =	sand.u32 $0x1C00, s6  }
0x217: {  	s24 =	sand.u32 $0x60, s15;
	s3 =	sor.u32 s25, s3  }
0x218: {  	s3 =	sor.u32 s24, s3  }
0x219: {  	v4 =	vld [tilespmem:s3+$0x200]  }
0x21a: {  	v5 =	vld [tilespmem:s3+$0x210];
	_ =	sdelay $0x1  }
0x21b: {  	[tilespmem:s2+$0x4200] =	vst.add.f32.msk $0xffff, v2  }
0x21c: {  	[tilespmem:s2+$0x4210] =	vst.add.f32.msk $0xffff, v3  }
0x21d: {  	[tilespmem:s3+$0x4200] =	vst.add.f32.msk $0xffff, v4  }
0x21e: {  	[tilespmem:s3+$0x4210] =	vst.add.f32.msk $0xffff, v5  }
0x21f: {  	s19 =	simm.s32 $0x0;
	s6 =	simm.s32 $0x4200;
	s3 =	rddreg [dreg:$0x12]  }
0x220: {  	[hbm4b:s3+s19] =	stream.linear.scatter [tilespmem:s6], [sflag:$0xB], $0x2000, $0x38;
	[tilespmem:$0x14200] =	vst v63  }
0x221: {  	s24 =	sand.u32 $0x1C00, s19;
	s25 =	sand.u32 $0x380, s19;
	_ =	swait.ge [sflag:s13], $0x2000  }
0x222: {  	s2 =	sand.u32 $0x60, s19;
	s3 =	sor.u32 s25, s24;
	[sflag:s13] =	ssyncset.done $0x0  }
0x223: {  	s2 =	sor.u32 s2, s3;
	[sflag:s13] =	ssyncadd.s32 $0xFFFFE000  }
0x224: {  	v2 =	vld [tilespmem:s2+$0x200]  }
0x225: {  	s11 =	simm.s32 $0x4;
	s6 =	simm.s32 $0x100  }
0x226: {  	s15 =	simm.s32 $0x20;
	s25 =	sand.u32 $0x380, s11;
	s3 =	sand.u32 $0x1C00, s6;
	v3 =	vld [tilespmem:s2+$0x210]  }
0x227: {  	s19 =	simm.s32 $0x2;
	s24 =	sand.u32 $0x60, s15;
	s3 =	sor.u32 s25, s3  }
.LBB2_20:
0x228: {  	s19 =	sadd.s32 $0x2, s19  }
0x229: {  	s3 =	sor.u32 s24, s3;
	[tilespmem:s2+$0x6200] =	vst.add.f32.msk $0xffff, v2;
	p0 =	slt.u32 s19, $0x1FE  }
.Ltmp9:
0x22a: {  	v2 =	vld [tilespmem:s3+$0x200];
	(pc) =	sbr.rel @p0 .LBB2_20-.Ltmp9, $4  }
0x22b: {  	[tilespmem:s2+$0x6210] =	vst.add.f32.msk $0xffff, v3;
	s2 =	smov.u32 s3  }
0x22c: {  	s6 =	sadd.s32 $0x100, s6;
	s11 =	sadd.s32 $0x4, s11;
	v3 =	vld [tilespmem:s2+$0x210]  }
0x22d: {  	s15 =	sadd.s32 $0x20, s15;
	s25 =	sand.u32 $0x380, s11;
	s3 =	sand.u32 $0x1C00, s6  }
0x22e: {  	s24 =	sand.u32 $0x60, s15;
	s3 =	sor.u32 s25, s3  }
0x22f: {  	s3 =	sor.u32 s24, s3  }
0x230: {  	v4 =	vld [tilespmem:s3+$0x200]  }
0x231: {  	v5 =	vld [tilespmem:s3+$0x210];
	_ =	sdelay $0x1  }
0x232: {  	[tilespmem:s2+$0x6200] =	vst.add.f32.msk $0xffff, v2  }
0x233: {  	[tilespmem:s2+$0x6210] =	vst.add.f32.msk $0xffff, v3  }
0x234: {  	[tilespmem:s3+$0x6200] =	vst.add.f32.msk $0xffff, v4  }
0x235: {  	[tilespmem:s3+$0x6210] =	vst.add.f32.msk $0xffff, v5  }
0x236: {  	s3 =	sld [smem:$0x7EC];
	_ =	sdelay $0x1  }
0x237: {  	s19 =	simm.s32 $0x0;
	s6 =	simm.s32 $0x6200  }
0x238: {  	[hbm4b:s3+s19] =	stream.linear.scatter [tilespmem:s6], [sflag:$0xC], $0x2000, $0x38;
	[tilespmem:$0x14200] =	vst v63  }
0x239: {  	s24 =	sand.u32 $0x1C00, s19;
	s25 =	sand.u32 $0x380, s19;
	_ =	swait.ge [sflag:s14], $0x2000  }
0x23a: {  	s2 =	sand.u32 $0x60, s19;
	s3 =	sor.u32 s25, s24;
	[sflag:s14] =	ssyncset.done $0x0  }
0x23b: {  	s2 =	sor.u32 s2, s3;
	[sflag:s14] =	ssyncadd.s32 $0xFFFFE000  }
0x23c: {  	v2 =	vld [tilespmem:s2+$0x200]  }
0x23d: {  	s11 =	simm.s32 $0x4;
	s6 =	simm.s32 $0x100  }
0x23e: {  	s15 =	simm.s32 $0x20;
	s25 =	sand.u32 $0x380, s11;
	s3 =	sand.u32 $0x1C00, s6;
	v3 =	vld [tilespmem:s2+$0x210]  }
0x23f: {  	s19 =	simm.s32 $0x2;
	s24 =	sand.u32 $0x60, s15;
	s3 =	sor.u32 s25, s3  }
.LBB2_22:
0x240: {  	s19 =	sadd.s32 $0x2, s19  }
0x241: {  	s3 =	sor.u32 s24, s3;
	[tilespmem:s2+$0x8200] =	vst.add.f32.msk $0xffff, v2;
	p0 =	slt.u32 s19, $0x1FE  }
.Ltmp10:
0x242: {  	v2 =	vld [tilespmem:s3+$0x200];
	(pc) =	sbr.rel @p0 .LBB2_22-.Ltmp10, $4  }
0x243: {  	[tilespmem:s2+$0x8210] =	vst.add.f32.msk $0xffff, v3;
	s2 =	smov.u32 s3  }
0x244: {  	s6 =	sadd.s32 $0x100, s6;
	s11 =	sadd.s32 $0x4, s11;
	v3 =	vld [tilespmem:s2+$0x210]  }
0x245: {  	s15 =	sadd.s32 $0x20, s15;
	s25 =	sand.u32 $0x380, s11;
	s3 =	sand.u32 $0x1C00, s6  }
0x246: {  	s24 =	sand.u32 $0x60, s15;
	s3 =	sor.u32 s25, s3  }
0x247: {  	s3 =	sor.u32 s24, s3  }
0x248: {  	v4 =	vld [tilespmem:s3+$0x200]  }
0x249: {  	v5 =	vld [tilespmem:s3+$0x210];
	_ =	sdelay $0x1  }
0x24a: {  	[tilespmem:s2+$0x8200] =	vst.add.f32.msk $0xffff, v2  }
0x24b: {  	[tilespmem:s2+$0x8210] =	vst.add.f32.msk $0xffff, v3  }
0x24c: {  	[tilespmem:s3+$0x8200] =	vst.add.f32.msk $0xffff, v4  }
0x24d: {  	[tilespmem:s3+$0x8210] =	vst.add.f32.msk $0xffff, v5  }
0x24e: {  	s3 =	sld [smem:$0x7ED];
	_ =	sdelay $0x1  }
0x24f: {  	s19 =	simm.s32 $0x0;
	s6 =	simm.s32 $0x8200  }
0x250: {  	[hbm4b:s3+s19] =	stream.linear.scatter [tilespmem:s6], [sflag:$0xD], $0x2000, $0x38;
	[tilespmem:$0x14200] =	vst v63  }
0x251: {  	s24 =	sand.u32 $0x1C00, s19;
	s25 =	sand.u32 $0x380, s19;
	_ =	swait.ge [sflag:s16], $0x2000  }
0x252: {  	s2 =	sand.u32 $0x60, s19;
	s3 =	sor.u32 s25, s24;
	[sflag:s16] =	ssyncset.done $0x0  }
0x253: {  	s2 =	sor.u32 s2, s3;
	[sflag:s16] =	ssyncadd.s32 $0xFFFFE000  }
0x254: {  	v2 =	vld [tilespmem:s2+$0x200]  }
0x255: {  	s11 =	simm.s32 $0x4;
	s6 =	simm.s32 $0x100  }
0x256: {  	s15 =	simm.s32 $0x20;
	s25 =	sand.u32 $0x380, s11;
	s3 =	sand.u32 $0x1C00, s6;
	v3 =	vld [tilespmem:s2+$0x210]  }
0x257: {  	s19 =	simm.s32 $0x2;
	s24 =	sand.u32 $0x60, s15;
	s3 =	sor.u32 s25, s3  }
.LBB2_24:
0x258: {  	s19 =	sadd.s32 $0x2, s19  }
0x259: {  	s3 =	sor.u32 s24, s3;
	[tilespmem:s2+$0xA200] =	vst.add.f32.msk $0xffff, v2;
	p0 =	slt.u32 s19, $0x1FE  }
.Ltmp11:
0x25a: {  	v2 =	vld [tilespmem:s3+$0x200];
	(pc) =	sbr.rel @p0 .LBB2_24-.Ltmp11, $4  }
0x25b: {  	[tilespmem:s2+$0xA210] =	vst.add.f32.msk $0xffff, v3;
	s2 =	smov.u32 s3  }
0x25c: {  	s6 =	sadd.s32 $0x100, s6;
	s11 =	sadd.s32 $0x4, s11;
	v3 =	vld [tilespmem:s2+$0x210]  }
0x25d: {  	s15 =	sadd.s32 $0x20, s15;
	s25 =	sand.u32 $0x380, s11;
	s3 =	sand.u32 $0x1C00, s6  }
0x25e: {  	s24 =	sand.u32 $0x60, s15;
	s3 =	sor.u32 s25, s3  }
0x25f: {  	s3 =	sor.u32 s24, s3  }
0x260: {  	v4 =	vld [tilespmem:s3+$0x200]  }
0x261: {  	v5 =	vld [tilespmem:s3+$0x210];
	_ =	sdelay $0x1  }
0x262: {  	[tilespmem:s2+$0xA200] =	vst.add.f32.msk $0xffff, v2  }
0x263: {  	[tilespmem:s2+$0xA210] =	vst.add.f32.msk $0xffff, v3  }
0x264: {  	[tilespmem:s3+$0xA200] =	vst.add.f32.msk $0xffff, v4  }
0x265: {  	[tilespmem:s3+$0xA210] =	vst.add.f32.msk $0xffff, v5  }
0x266: {  	s3 =	sld [smem:$0x7EE];
	_ =	sdelay $0x1  }
0x267: {  	s6 =	simm.s32 $0xA200;
	s2 =	simm.s32 $0x0  }
0x268: {  	[hbm4b:s3+s2] =	stream.linear.scatter [tilespmem:s6], [sflag:$0xE], $0x2000, $0x38;
	[tilespmem:$0x14200] =	vst v63  }
0x269: {  	_ =	swait.ge [sflag:s17], $0x2000  }
0x26a: {  	[sflag:s17] =	ssyncset.done $0x0  }
0x26b: {  	[sflag:s17] =	ssyncadd.s32 $0xFFFFE000  }
0x26c: {  	v2 =	vld.msk [tilespmem:$0x20], $0xff;
	_ =	sdelay $0x4  }
0x26d: {  	v3 =	vshll.u32 v2, $0x3  }
0x26e: {  	v2 =	vand.u32 $0x7, v2;
	v3 =	vand.u32 $0xFFFFFFC0, v3  }
0x26f: {  	v2 =	vor.u32 v2, v3  }
0x270: {  	v2 =	vperm.xlane v2, v0;
	_ =	sdelay $0x1  }
0x271: {  	v2 =	vadd.s32 v1, v2;
	_ =	sdelay $0x3  }
0x272: {  	s11 =	simm.s32 $0x4200  }
0x273: {  	[tilespmem:s11], [sflag:$0x3] =	stream.indirect_vreg.gather [hbm4b:s22+s2], $0x80, v2, vm0, $0xb8;
	[tilespmem:$0x14200] =	vst v63  }
0x274: {  	s15 =	simm.s32 $0x4A00  }
0x275: {  	[tilespmem:s15], [sflag:$0x3] =	stream.indirect_vreg.gather [hbm4b:s29+s2], $0x80, v2, vm0, $0xb8;
	[tilespmem:$0x14200] =	vst v63  }
0x276: {  	s19 =	simm.s32 $0x5200  }
0x277: {  	[tilespmem:s19], [sflag:$0x3] =	stream.indirect_vreg.gather [hbm4b:s30+s2], $0x80, v2, vm0, $0xb8;
	[tilespmem:$0x14200] =	vst v63  }
0x278: {  	s24 =	simm.s32 $0x5A00  }
0x279: {  	[tilespmem:s24], [sflag:$0x3] =	stream.indirect_vreg.gather [hbm4b:s31+s2], $0x80, v2, vm0, $0xb8;
	[tilespmem:$0x14200] =	vst v63  }
0x27a: {  	_ =	swait.ge [sflag:s18], $0x2000  }
0x27b: {  	[sflag:s18] =	ssyncset.done $0x0  }
0x27c: {  	[sflag:s18] =	ssyncadd.s32 $0xFFFFE000  }
0x27d: {  	v2 =	vld.msk [tilespmem:$0xA0], $0xff;
	_ =	sdelay $0x4  }
0x27e: {  	v3 =	vshll.u32 v2, $0x3  }
0x27f: {  	v2 =	vand.u32 $0x7, v2;
	v3 =	vand.u32 $0xFFFFFFC0, v3  }
0x280: {  	v2 =	vor.u32 v2, v3  }
0x281: {  	v2 =	vperm.xlane v2, v0;
	_ =	sdelay $0x1  }
0x282: {  	v2 =	vadd.s32 v1, v2;
	_ =	sdelay $0x3  }
0x283: {  	s25 =	simm.s32 $0x6200  }
0x284: {  	[tilespmem:s25], [sflag:$0x4] =	stream.indirect_vreg.gather [hbm4b:s22+s2], $0x80, v2, vm0, $0xb8;
	[tilespmem:$0x14200] =	vst v63  }
0x285: {  	s11 =	simm.s32 $0x6A00  }
0x286: {  	[tilespmem:s11], [sflag:$0x4] =	stream.indirect_vreg.gather [hbm4b:s29+s2], $0x80, v2, vm0, $0xb8;
	[tilespmem:$0x14200] =	vst v63  }
0x287: {  	s15 =	simm.s32 $0x7200  }
0x288: {  	[tilespmem:s15], [sflag:$0x4] =	stream.indirect_vreg.gather [hbm4b:s30+s2], $0x80, v2, vm0, $0xb8;
	[tilespmem:$0x14200] =	vst v63  }
0x289: {  	s19 =	simm.s32 $0x7A00  }
0x28a: {  	[tilespmem:s19], [sflag:$0x4] =	stream.indirect_vreg.gather [hbm4b:s31+s2], $0x80, v2, vm0, $0xb8;
	[tilespmem:$0x14200] =	vst v63  }
0x28b: {  	_ =	swait.ge [sflag:s21], $0x2000  }
0x28c: {  	[sflag:s21] =	ssyncset.done $0x0  }
0x28d: {  	[sflag:s21] =	ssyncadd.s32 $0xFFFFE000  }
0x28e: {  	v2 =	vld.msk [tilespmem:$0x120], $0xff;
	_ =	sdelay $0x4  }
0x28f: {  	v3 =	vshll.u32 v2, $0x3  }
0x290: {  	v2 =	vand.u32 $0x7, v2;
	v3 =	vand.u32 $0xFFFFFFC0, v3  }
0x291: {  	v2 =	vor.u32 v2, v3  }
0x292: {  	v2 =	vperm.xlane v2, v0;
	_ =	sdelay $0x1  }
0x293: {  	v2 =	vadd.s32 v1, v2;
	_ =	sdelay $0x3  }
0x294: {  	s24 =	simm.s32 $0x8200  }
0x295: {  	[tilespmem:s24], [sflag:$0x5] =	stream.indirect_vreg.gather [hbm4b:s22+s2], $0x80, v2, vm0, $0xb8;
	[tilespmem:$0x14200] =	vst v63  }
0x296: {  	s25 =	simm.s32 $0x8A00  }
0x297: {  	[tilespmem:s25], [sflag:$0x5] =	stream.indirect_vreg.gather [hbm4b:s29+s2], $0x80, v2, vm0, $0xb8;
	[tilespmem:$0x14200] =	vst v63  }
0x298: {  	s11 =	simm.s32 $0x9200  }
0x299: {  	[tilespmem:s11], [sflag:$0x5] =	stream.indirect_vreg.gather [hbm4b:s30+s2], $0x80, v2, vm0, $0xb8;
	[tilespmem:$0x14200] =	vst v63  }
0x29a: {  	s15 =	simm.s32 $0x9A00  }
0x29b: {  	[tilespmem:s15], [sflag:$0x5] =	stream.indirect_vreg.gather [hbm4b:s31+s2], $0x80, v2, vm0, $0xb8;
	[tilespmem:$0x14200] =	vst v63  }
0x29c: {  	_ =	swait.ge [sflag:s23], $0x2000  }
0x29d: {  	[sflag:s23] =	ssyncset.done $0x0  }
0x29e: {  	[sflag:s23] =	ssyncadd.s32 $0xFFFFE000  }
0x29f: {  	v2 =	vld.msk [tilespmem:$0x1A0], $0xff;
	_ =	sdelay $0x4  }
0x2a0: {  	v3 =	vshll.u32 v2, $0x3  }
0x2a1: {  	v2 =	vand.u32 $0x7, v2;
	v3 =	vand.u32 $0xFFFFFFC0, v3  }
0x2a2: {  	v2 =	vor.u32 v2, v3  }
0x2a3: {  	v2 =	vperm.xlane v2, v0;
	_ =	sdelay $0x1  }
0x2a4: {  	v2 =	vadd.s32 v1, v2;
	_ =	sdelay $0x4  }
0x2a5: {  	[tilespmem:s6], [sflag:$0x6] =	stream.indirect_vreg.gather [hbm4b:s22+s2], $0x80, v2, vm0, $0xb8;
	[tilespmem:$0x14200] =	vst v63  }
0x2a6: {  	s19 =	simm.s32 $0xAA00  }
0x2a7: {  	[tilespmem:s19], [sflag:$0x6] =	stream.indirect_vreg.gather [hbm4b:s29+s2], $0x80, v2, vm0, $0xb8;
	[tilespmem:$0x14200] =	vst v63  }
0x2a8: {  	s24 =	simm.s32 $0xB200  }
0x2a9: {  	[tilespmem:s24], [sflag:$0x6] =	stream.indirect_vreg.gather [hbm4b:s30+s2], $0x80, v2, vm0, $0xb8;
	[tilespmem:$0x14200] =	vst v63  }
0x2aa: {  	s25 =	simm.s32 $0xBA00  }
0x2ab: {  	[tilespmem:s25], [sflag:$0x6] =	stream.indirect_vreg.gather [hbm4b:s31+s2], $0x80, v2, vm0, $0xb8;
	[tilespmem:$0x14200] =	vst v63  }
0x2ac: {  	_ =	swait.ge [sflag:s9], $0x2000  }
0x2ad: {  	[sflag:s9] =	ssyncset.done $0x0  }
0x2ae: {  	s11 =	simm.s32 $0x200;
	s6 =	rddreg [dreg:$0x13];
	[sflag:s9] =	ssyncadd.s32 $0xFFFFE000  }
0x2af: {  	[tilespmem:s11], [sflag:$0x2] =	stream.linear.gather [hbm4b:s6+s2], $0x2000, $0x38;
	[tilespmem:$0x14200] =	vst v63  }
0x2b0: {  	s15 =	sand.u32 $0x1C00, s2;
	s19 =	sand.u32 $0x380, s2;
	_ =	swait.ge [sflag:s8], $0x2000  }
0x2b1: {  	s3 =	sor.u32 s19, s15;
	s2 =	sand.u32 $0x60, s2;
	[sflag:s8] =	ssyncset.done $0x0  }
0x2b2: {  	s2 =	sor.u32 s2, s3;
	[sflag:s8] =	ssyncadd.s32 $0xFFFFE000  }
0x2b3: {  	v2 =	vld [tilespmem:s2+$0x2200]  }
0x2b4: {  	s6 =	simm.s32 $0x100;
	s11 =	simm.s32 $0x4  }
0x2b5: {  	s15 =	simm.s32 $0x20;
	s24 =	sand.u32 $0x1C00, s6;
	s25 =	sand.u32 $0x380, s11;
	v3 =	vld [tilespmem:s2+$0x2210]  }
0x2b6: {  	s19 =	simm.s32 $0x2;
	s3 =	sor.u32 s25, s24;
	s24 =	sand.u32 $0x60, s15  }
.LBB2_26:
0x2b7: {  	s19 =	sadd.s32 $0x2, s19  }
0x2b8: {  	s3 =	sor.u32 s24, s3;
	[tilespmem:s2+$0xC200] =	vst.add.f32.msk $0xffff, v2;
	p0 =	slt.u32 s19, $0x1FE  }
.Ltmp12:
0x2b9: {  	v2 =	vld [tilespmem:s3+$0x2200];
	(pc) =	sbr.rel @p0 .LBB2_26-.Ltmp12, $4  }
0x2ba: {  	[tilespmem:s2+$0xC210] =	vst.add.f32.msk $0xffff, v3;
	s2 =	smov.u32 s3  }
0x2bb: {  	s6 =	sadd.s32 $0x100, s6;
	s11 =	sadd.s32 $0x4, s11;
	v3 =	vld [tilespmem:s2+$0x2210]  }
0x2bc: {  	s15 =	sadd.s32 $0x20, s15;
	s25 =	sand.u32 $0x380, s11;
	s3 =	sand.u32 $0x1C00, s6  }
0x2bd: {  	s24 =	sand.u32 $0x60, s15;
	s3 =	sor.u32 s25, s3  }
0x2be: {  	s3 =	sor.u32 s24, s3  }
0x2bf: {  	v4 =	vld [tilespmem:s3+$0x2200]  }
0x2c0: {  	v5 =	vld [tilespmem:s3+$0x2210];
	_ =	sdelay $0x1  }
0x2c1: {  	[tilespmem:s2+$0xC200] =	vst.add.f32.msk $0xffff, v2  }
0x2c2: {  	[tilespmem:s2+$0xC210] =	vst.add.f32.msk $0xffff, v3  }
0x2c3: {  	[tilespmem:s3+$0xC200] =	vst.add.f32.msk $0xffff, v4  }
0x2c4: {  	[tilespmem:s3+$0xC210] =	vst.add.f32.msk $0xffff, v5  }
0x2c5: {  	s19 =	simm.s32 $0x0;
	s6 =	simm.s32 $0xC200;
	s3 =	rddreg [dreg:$0x14]  }
0x2c6: {  	[hbm4b:s3+s19] =	stream.linear.scatter [tilespmem:s6], [sflag:$0xF], $0x2000, $0x38;
	[tilespmem:$0x14200] =	vst v63  }
0x2c7: {  	s24 =	sand.u32 $0x1C00, s19;
	s25 =	sand.u32 $0x380, s19;
	_ =	swait.ge [sflag:s28], $0x2000  }
0x2c8: {  	s2 =	sand.u32 $0x60, s19;
	s3 =	sor.u32 s25, s24;
	[sflag:s28] =	ssyncset.done $0x0  }
0x2c9: {  	s2 =	sor.u32 s2, s3;
	[sflag:s28] =	ssyncadd.s32 $0xFFFFE000  }
0x2ca: {  	v2 =	vld [tilespmem:s2+$0x2200]  }
0x2cb: {  	s11 =	simm.s32 $0x4;
	s6 =	simm.s32 $0x100  }
0x2cc: {  	s15 =	simm.s32 $0x20;
	s25 =	sand.u32 $0x380, s11;
	s3 =	sand.u32 $0x1C00, s6;
	v3 =	vld [tilespmem:s2+$0x2210]  }
0x2cd: {  	s19 =	simm.s32 $0x2;
	s24 =	sand.u32 $0x60, s15;
	s3 =	sor.u32 s25, s3  }
.LBB2_28:
0x2ce: {  	s19 =	sadd.s32 $0x2, s19  }
0x2cf: {  	s3 =	sor.u32 s24, s3;
	[tilespmem:s2+$0xE200] =	vst.add.f32.msk $0xffff, v2;
	p0 =	slt.u32 s19, $0x1FE  }
.Ltmp13:
0x2d0: {  	v2 =	vld [tilespmem:s3+$0x2200];
	(pc) =	sbr.rel @p0 .LBB2_28-.Ltmp13, $4  }
0x2d1: {  	[tilespmem:s2+$0xE210] =	vst.add.f32.msk $0xffff, v3;
	s2 =	smov.u32 s3  }
0x2d2: {  	s6 =	sadd.s32 $0x100, s6;
	s11 =	sadd.s32 $0x4, s11;
	v3 =	vld [tilespmem:s2+$0x2210]  }
0x2d3: {  	s15 =	sadd.s32 $0x20, s15;
	s25 =	sand.u32 $0x380, s11;
	s3 =	sand.u32 $0x1C00, s6  }
0x2d4: {  	s24 =	sand.u32 $0x60, s15;
	s3 =	sor.u32 s25, s3  }
0x2d5: {  	s3 =	sor.u32 s24, s3  }
0x2d6: {  	v4 =	vld [tilespmem:s3+$0x2200]  }
0x2d7: {  	v5 =	vld [tilespmem:s3+$0x2210];
	_ =	sdelay $0x1  }
0x2d8: {  	[tilespmem:s2+$0xE200] =	vst.add.f32.msk $0xffff, v2  }
0x2d9: {  	[tilespmem:s2+$0xE210] =	vst.add.f32.msk $0xffff, v3  }
0x2da: {  	[tilespmem:s3+$0xE200] =	vst.add.f32.msk $0xffff, v4  }
0x2db: {  	[tilespmem:s3+$0xE210] =	vst.add.f32.msk $0xffff, v5  }
0x2dc: {  	s3 =	sld [smem:$0x7EF];
	_ =	sdelay $0x1  }
0x2dd: {  	s19 =	simm.s32 $0x0;
	s6 =	simm.s32 $0xE200  }
0x2de: {  	[hbm4b:s3+s19] =	stream.linear.scatter [tilespmem:s6], [sflag:$0x10], $0x2000, $0x38;
	[tilespmem:$0x14200] =	vst v63  }
0x2df: {  	s24 =	sand.u32 $0x1C00, s19;
	s25 =	sand.u32 $0x380, s19;
	_ =	swait.ge [sflag:s20], $0x2000  }
0x2e0: {  	s2 =	sand.u32 $0x60, s19;
	s3 =	sor.u32 s25, s24;
	[sflag:s20] =	ssyncset.done $0x0  }
0x2e1: {  	s2 =	sor.u32 s2, s3;
	[sflag:s20] =	ssyncadd.s32 $0xFFFFE000  }
0x2e2: {  	v2 =	vld [tilespmem:s2+$0x2200]  }
0x2e3: {  	s11 =	simm.s32 $0x4;
	s6 =	simm.s32 $0x100  }
0x2e4: {  	s15 =	simm.s32 $0x20;
	s25 =	sand.u32 $0x380, s11;
	s3 =	sand.u32 $0x1C00, s6;
	v3 =	vld [tilespmem:s2+$0x2210]  }
0x2e5: {  	s19 =	simm.s32 $0x2;
	s24 =	sand.u32 $0x60, s15;
	s3 =	sor.u32 s25, s3  }
.LBB2_30:
0x2e6: {  	s19 =	sadd.s32 $0x2, s19  }
0x2e7: {  	s3 =	sor.u32 s24, s3;
	[tilespmem:s2+$0x10200] =	vst.add.f32.msk $0xffff, v2;
	p0 =	slt.u32 s19, $0x1FE  }
.Ltmp14:
0x2e8: {  	v2 =	vld [tilespmem:s3+$0x2200];
	(pc) =	sbr.rel @p0 .LBB2_30-.Ltmp14, $4  }
0x2e9: {  	[tilespmem:s2+$0x10210] =	vst.add.f32.msk $0xffff, v3;
	s2 =	smov.u32 s3  }
0x2ea: {  	s6 =	sadd.s32 $0x100, s6;
	s11 =	sadd.s32 $0x4, s11;
	v3 =	vld [tilespmem:s2+$0x2210]  }
0x2eb: {  	s15 =	sadd.s32 $0x20, s15;
	s25 =	sand.u32 $0x380, s11;
	s3 =	sand.u32 $0x1C00, s6  }
0x2ec: {  	s24 =	sand.u32 $0x60, s15;
	s3 =	sor.u32 s25, s3  }
0x2ed: {  	s3 =	sor.u32 s24, s3  }
0x2ee: {  	v4 =	vld [tilespmem:s3+$0x2200]  }
0x2ef: {  	v5 =	vld [tilespmem:s3+$0x2210];
	_ =	sdelay $0x1  }
0x2f0: {  	[tilespmem:s2+$0x10200] =	vst.add.f32.msk $0xffff, v2  }
0x2f1: {  	[tilespmem:s2+$0x10210] =	vst.add.f32.msk $0xffff, v3  }
0x2f2: {  	[tilespmem:s3+$0x10200] =	vst.add.f32.msk $0xffff, v4  }
0x2f3: {  	[tilespmem:s3+$0x10210] =	vst.add.f32.msk $0xffff, v5  }
0x2f4: {  	s3 =	sld [smem:$0x7F0];
	_ =	sdelay $0x1  }
0x2f5: {  	s19 =	simm.s32 $0x0;
	s6 =	simm.s32 $0x10200  }
0x2f6: {  	[hbm4b:s3+s19] =	stream.linear.scatter [tilespmem:s6], [sflag:$0x11], $0x2000, $0x38;
	[tilespmem:$0x14200] =	vst v63  }
0x2f7: {  	s24 =	sand.u32 $0x1C00, s19;
	s25 =	sand.u32 $0x380, s19;
	_ =	swait.ge [sflag:s0], $0x2000  }
0x2f8: {  	s2 =	sand.u32 $0x60, s19;
	s3 =	sor.u32 s25, s24;
	[sflag:s0] =	ssyncset.done $0x0  }
0x2f9: {  	s2 =	sor.u32 s2, s3;
	[sflag:s0] =	ssyncadd.s32 $0xFFFFE000  }
0x2fa: {  	v2 =	vld [tilespmem:s2+$0x2200]  }
0x2fb: {  	s11 =	simm.s32 $0x4;
	s6 =	simm.s32 $0x100  }
0x2fc: {  	s15 =	simm.s32 $0x20;
	s25 =	sand.u32 $0x380, s11;
	s3 =	sand.u32 $0x1C00, s6;
	v3 =	vld [tilespmem:s2+$0x2210]  }
0x2fd: {  	s19 =	simm.s32 $0x2;
	s24 =	sand.u32 $0x60, s15;
	s3 =	sor.u32 s25, s3  }
.LBB2_32:
0x2fe: {  	s19 =	sadd.s32 $0x2, s19  }
0x2ff: {  	s3 =	sor.u32 s24, s3;
	[tilespmem:s2+$0x12200] =	vst.add.f32.msk $0xffff, v2;
	p0 =	slt.u32 s19, $0x1FE  }
.Ltmp15:
0x300: {  	v2 =	vld [tilespmem:s3+$0x2200];
	(pc) =	sbr.rel @p0 .LBB2_32-.Ltmp15, $4  }
0x301: {  	[tilespmem:s2+$0x12210] =	vst.add.f32.msk $0xffff, v3;
	s2 =	smov.u32 s3  }
0x302: {  	s6 =	sadd.s32 $0x100, s6;
	s11 =	sadd.s32 $0x4, s11;
	v3 =	vld [tilespmem:s2+$0x2210]  }
0x303: {  	s15 =	sadd.s32 $0x20, s15;
	s25 =	sand.u32 $0x380, s11;
	s3 =	sand.u32 $0x1C00, s6  }
0x304: {  	s24 =	sand.u32 $0x60, s15;
	s3 =	sor.u32 s25, s3  }
0x305: {  	s3 =	sor.u32 s24, s3  }
0x306: {  	v4 =	vld [tilespmem:s3+$0x2200]  }
0x307: {  	v5 =	vld [tilespmem:s3+$0x2210];
	_ =	sdelay $0x1  }
0x308: {  	[tilespmem:s2+$0x12200] =	vst.add.f32.msk $0xffff, v2  }
0x309: {  	[tilespmem:s2+$0x12210] =	vst.add.f32.msk $0xffff, v3  }
0x30a: {  	[tilespmem:s3+$0x12200] =	vst.add.f32.msk $0xffff, v4  }
0x30b: {  	[tilespmem:s3+$0x12210] =	vst.add.f32.msk $0xffff, v5  }
0x30c: {  	s3 =	sld [smem:$0x7F1];
	_ =	sdelay $0x1  }
0x30d: {  	s2 =	simm.s32 $0x0  }
0x30e: {  	[hbm4b:s3+s2] =	stream.linear.scatter [tilespmem:s12], [sflag:$0x12], $0x2000, $0x38;
	[tilespmem:$0x14200] =	vst v63  }
0x30f: {  	_ =	swait.ge [sflag:s4], $0x2000  }
0x310: {  	[sflag:s4] =	ssyncset.done $0x0  }
0x311: {  	[sflag:s4] =	ssyncadd.s32 $0xFFFFE000  }
0x312: {  	v2 =	vld.msk [tilespmem:$0x28], $0xff;
	_ =	sdelay $0x4  }
0x313: {  	v3 =	vshll.u32 v2, $0x3  }
0x314: {  	v2 =	vand.u32 $0x7, v2;
	v3 =	vand.u32 $0xFFFFFFC0, v3  }
0x315: {  	v2 =	vor.u32 v2, v3  }
0x316: {  	v2 =	vperm.xlane v2, v0;
	_ =	sdelay $0x1  }
0x317: {  	v2 =	vadd.s32 v1, v2;
	_ =	sdelay $0x3  }
0x318: {  	s25 =	simm.s32 $0xC200  }
0x319: {  	[tilespmem:s25], [sflag:$0x7] =	stream.indirect_vreg.gather [hbm4b:s22+s2], $0x80, v2, vm0, $0xb8;
	[tilespmem:$0x14200] =	vst v63  }
0x31a: {  	s6 =	simm.s32 $0xCA00  }
0x31b: {  	[tilespmem:s6], [sflag:$0x7] =	stream.indirect_vreg.gather [hbm4b:s29+s2], $0x80, v2, vm0, $0xb8;
	[tilespmem:$0x14200] =	vst v63  }
0x31c: {  	s11 =	simm.s32 $0xD200  }
0x31d: {  	[tilespmem:s11], [sflag:$0x7] =	stream.indirect_vreg.gather [hbm4b:s30+s2], $0x80, v2, vm0, $0xb8;
	[tilespmem:$0x14200] =	vst v63  }
0x31e: {  	s15 =	simm.s32 $0xDA00  }
0x31f: {  	[tilespmem:s15], [sflag:$0x7] =	stream.indirect_vreg.gather [hbm4b:s31+s2], $0x80, v2, vm0, $0xb8;
	[tilespmem:$0x14200] =	vst v63  }
0x320: {  	_ =	swait.ge [sflag:s5], $0x2000  }
0x321: {  	[sflag:s5] =	ssyncset.done $0x0  }
0x322: {  	[sflag:s5] =	ssyncadd.s32 $0xFFFFE000  }
0x323: {  	v2 =	vld.msk [tilespmem:$0xA8], $0xff;
	_ =	sdelay $0x4  }
0x324: {  	v3 =	vshll.u32 v2, $0x3  }
0x325: {  	v2 =	vand.u32 $0x7, v2;
	v3 =	vand.u32 $0xFFFFFFC0, v3  }
0x326: {  	v2 =	vor.u32 v2, v3  }
0x327: {  	v2 =	vperm.xlane v2, v0;
	_ =	sdelay $0x1  }
0x328: {  	v2 =	vadd.s32 v1, v2;
	_ =	sdelay $0x3  }
0x329: {  	s19 =	simm.s32 $0xE200  }
0x32a: {  	[tilespmem:s19], [sflag:$0x8] =	stream.indirect_vreg.gather [hbm4b:s22+s2], $0x80, v2, vm0, $0xb8;
	[tilespmem:$0x14200] =	vst v63  }
0x32b: {  	s24 =	simm.s32 $0xEA00  }
0x32c: {  	[tilespmem:s24], [sflag:$0x8] =	stream.indirect_vreg.gather [hbm4b:s29+s2], $0x80, v2, vm0, $0xb8;
	[tilespmem:$0x14200] =	vst v63  }
0x32d: {  	s25 =	simm.s32 $0xF200  }
0x32e: {  	[tilespmem:s25], [sflag:$0x8] =	stream.indirect_vreg.gather [hbm4b:s30+s2], $0x80, v2, vm0, $0xb8;
	[tilespmem:$0x14200] =	vst v63  }
0x32f: {  	s6 =	simm.s32 $0xFA00  }
0x330: {  	[tilespmem:s6], [sflag:$0x8] =	stream.indirect_vreg.gather [hbm4b:s31+s2], $0x80, v2, vm0, $0xb8;
	[tilespmem:$0x14200] =	vst v63  }
0x331: {  	_ =	swait.ge [sflag:s7], $0x2000  }
0x332: {  	[sflag:s7] =	ssyncset.done $0x0  }
0x333: {  	[sflag:s7] =	ssyncadd.s32 $0xFFFFE000  }
0x334: {  	v2 =	vld.msk [tilespmem:$0x128], $0xff;
	_ =	sdelay $0x4  }
0x335: {  	v3 =	vshll.u32 v2, $0x3  }
0x336: {  	v2 =	vand.u32 $0x7, v2;
	v3 =	vand.u32 $0xFFFFFFC0, v3  }
0x337: {  	v2 =	vor.u32 v2, v3  }
0x338: {  	v2 =	vperm.xlane v2, v0;
	_ =	sdelay $0x1  }
0x339: {  	v2 =	vadd.s32 v1, v2;
	_ =	sdelay $0x3  }
0x33a: {  	s11 =	simm.s32 $0x10200  }
0x33b: {  	[tilespmem:s11], [sflag:$0x9] =	stream.indirect_vreg.gather [hbm4b:s22+s2], $0x80, v2, vm0, $0xb8;
	[tilespmem:$0x14200] =	vst v63  }
0x33c: {  	s15 =	simm.s32 $0x10A00  }
0x33d: {  	[tilespmem:s15], [sflag:$0x9] =	stream.indirect_vreg.gather [hbm4b:s29+s2], $0x80, v2, vm0, $0xb8;
	[tilespmem:$0x14200] =	vst v63  }
0x33e: {  	s19 =	simm.s32 $0x11200  }
0x33f: {  	[tilespmem:s19], [sflag:$0x9] =	stream.indirect_vreg.gather [hbm4b:s30+s2], $0x80, v2, vm0, $0xb8;
	[tilespmem:$0x14200] =	vst v63  }
0x340: {  	s24 =	simm.s32 $0x11A00  }
0x341: {  	[tilespmem:s24], [sflag:$0x9] =	stream.indirect_vreg.gather [hbm4b:s31+s2], $0x80, v2, vm0, $0xb8;
	[tilespmem:$0x14200] =	vst v63  }
0x342: {  	_ =	swait.ge [sflag:s10], $0x2000  }
0x343: {  	[sflag:s10] =	ssyncset.done $0x0  }
0x344: {  	[sflag:s10] =	ssyncadd.s32 $0xFFFFE000  }
0x345: {  	v2 =	vld.msk [tilespmem:$0x1A8], $0xff;
	_ =	sdelay $0x4  }
0x346: {  	v3 =	vshll.u32 v2, $0x3  }
0x347: {  	v2 =	vand.u32 $0x7, v2;
	v3 =	vand.u32 $0xFFFFFFC0, v3  }
0x348: {  	v2 =	vor.u32 v2, v3  }
0x349: {  	v2 =	vperm.xlane v2, v0;
	_ =	sdelay $0x1  }
0x34a: {  	v2 =	vadd.s32 v1, v2;
	_ =	sdelay $0x4  }
0x34b: {  	[tilespmem:s12], [sflag:$0xA] =	stream.indirect_vreg.gather [hbm4b:s22+s2], $0x80, v2, vm0, $0xb8;
	[tilespmem:$0x14200] =	vst v63  }
0x34c: {  	s25 =	simm.s32 $0x12A00  }
0x34d: {  	[tilespmem:s25], [sflag:$0xA] =	stream.indirect_vreg.gather [hbm4b:s29+s2], $0x80, v2, vm0, $0xb8;
	[tilespmem:$0x14200] =	vst v63  }
0x34e: {  	s6 =	simm.s32 $0x13200  }
0x34f: {  	[tilespmem:s6], [sflag:$0xA] =	stream.indirect_vreg.gather [hbm4b:s30+s2], $0x80, v2, vm0, $0xb8;
	[tilespmem:$0x14200] =	vst v63  }
0x350: {  	s11 =	simm.s32 $0x13A00  }
0x351: {  	[tilespmem:s11], [sflag:$0xA] =	stream.indirect_vreg.gather [hbm4b:s31+s2], $0x80, v2, vm0, $0xb8;
	[tilespmem:$0x14200] =	vst v63  }
0x352: {  	_ =	swait.ge [sflag:s9], $0x2000  }
0x353: {  	s6 =	simm.s32 $0x2200;
	[sflag:s9] =	ssyncset.done $0x0  }
0x354: {  	s11 =	simm.s32 $0x3;
	s12 =	rddreg [dreg:$0x15];
	[sflag:s9] =	ssyncadd.s32 $0xFFFFE000  }
0x355: {  	[tilespmem:s6], [sflag:$0x2] =	stream.linear.gather [hbm4b:s12+s2], $0x2000, $0x38;
	[tilespmem:$0x14200] =	vst v63  }
0x356: {  	s15 =	sand.u32 $0x1C00, s2;
	s19 =	sand.u32 $0x380, s2;
	_ =	swait.ge [sflag:s11], $0x2000  }
0x357: {  	s3 =	sor.u32 s19, s15;
	s2 =	sand.u32 $0x60, s2;
	[sflag:s11] =	ssyncset.done $0x0  }
0x358: {  	s2 =	sor.u32 s2, s3;
	[sflag:s11] =	ssyncadd.s32 $0xFFFFE000  }
0x359: {  	v2 =	vld [tilespmem:s2+$0x200]  }
0x35a: {  	s6 =	simm.s32 $0x100;
	s11 =	simm.s32 $0x4  }
0x35b: {  	s15 =	simm.s32 $0x20;
	s24 =	sand.u32 $0x1C00, s6;
	s25 =	sand.u32 $0x380, s11;
	v3 =	vld [tilespmem:s2+$0x210]  }
0x35c: {  	s19 =	simm.s32 $0x2;
	s3 =	sor.u32 s25, s24;
	s24 =	sand.u32 $0x60, s15  }
.LBB2_34:
0x35d: {  	s19 =	sadd.s32 $0x2, s19  }
0x35e: {  	s3 =	sor.u32 s24, s3;
	[tilespmem:s2+$0x4200] =	vst.add.f32.msk $0xffff, v2;
	p0 =	slt.u32 s19, $0x1FE  }
.Ltmp16:
0x35f: {  	v2 =	vld [tilespmem:s3+$0x200];
	(pc) =	sbr.rel @p0 .LBB2_34-.Ltmp16, $4  }
0x360: {  	[tilespmem:s2+$0x4210] =	vst.add.f32.msk $0xffff, v3;
	s2 =	smov.u32 s3  }
0x361: {  	s6 =	sadd.s32 $0x100, s6;
	s11 =	sadd.s32 $0x4, s11;
	v3 =	vld [tilespmem:s2+$0x210]  }
0x362: {  	s15 =	sadd.s32 $0x20, s15;
	s25 =	sand.u32 $0x380, s11;
	s3 =	sand.u32 $0x1C00, s6  }
0x363: {  	s24 =	sand.u32 $0x60, s15;
	s3 =	sor.u32 s25, s3  }
0x364: {  	s3 =	sor.u32 s24, s3  }
0x365: {  	v4 =	vld [tilespmem:s3+$0x200]  }
0x366: {  	v5 =	vld [tilespmem:s3+$0x210];
	_ =	sdelay $0x1  }
0x367: {  	[tilespmem:s2+$0x4200] =	vst.add.f32.msk $0xffff, v2  }
0x368: {  	[tilespmem:s2+$0x4210] =	vst.add.f32.msk $0xffff, v3  }
0x369: {  	[tilespmem:s3+$0x4200] =	vst.add.f32.msk $0xffff, v4  }
0x36a: {  	[tilespmem:s3+$0x4210] =	vst.add.f32.msk $0xffff, v5  }
0x36b: {  	s25 =	simm.s32 $0x0;
	s6 =	simm.s32 $0x4200;
	s3 =	rddreg [dreg:$0x16]  }
0x36c: {  	[hbm4b:s3+s25] =	stream.linear.scatter [tilespmem:s6], [sflag:$0xB], $0x2000, $0x38;
	[tilespmem:$0x14200] =	vst v63  }
0x36d: {  	s11 =	sand.u32 $0x380, s25;
	s6 =	sand.u32 $0x1C00, s25;
	_ =	swait.ge [sflag:s13], $0x2000  }
0x36e: {  	s2 =	sand.u32 $0x60, s25;
	s3 =	sor.u32 s11, s6;
	[sflag:s13] =	ssyncset.done $0x0  }
0x36f: {  	s2 =	sor.u32 s2, s3;
	[sflag:s13] =	ssyncadd.s32 $0xFFFFE000  }
0x370: {  	v2 =	vld [tilespmem:s2+$0x200]  }
0x371: {  	s6 =	simm.s32 $0x100;
	s11 =	simm.s32 $0x4  }
0x372: {  	s15 =	simm.s32 $0x20;
	s12 =	sand.u32 $0x1C00, s6;
	s25 =	sand.u32 $0x380, s11;
	v3 =	vld [tilespmem:s2+$0x210]  }
0x373: {  	s19 =	simm.s32 $0x2;
	s24 =	sand.u32 $0x60, s15;
	s3 =	sor.u32 s25, s12  }
.LBB2_36:
0x374: {  	s19 =	sadd.s32 $0x2, s19  }
0x375: {  	s3 =	sor.u32 s24, s3;
	[tilespmem:s2+$0x6200] =	vst.add.f32.msk $0xffff, v2;
	p0 =	slt.u32 s19, $0x1FE  }
.Ltmp17:
0x376: {  	v2 =	vld [tilespmem:s3+$0x200];
	(pc) =	sbr.rel @p0 .LBB2_36-.Ltmp17, $4  }
0x377: {  	[tilespmem:s2+$0x6210] =	vst.add.f32.msk $0xffff, v3;
	s2 =	smov.u32 s3  }
0x378: {  	s6 =	sadd.s32 $0x100, s6;
	s11 =	sadd.s32 $0x4, s11;
	v3 =	vld [tilespmem:s2+$0x210]  }
0x379: {  	s15 =	sadd.s32 $0x20, s15;
	s25 =	sand.u32 $0x380, s11;
	s3 =	sand.u32 $0x1C00, s6  }
0x37a: {  	s24 =	sand.u32 $0x60, s15;
	s3 =	sor.u32 s25, s3  }
0x37b: {  	s3 =	sor.u32 s24, s3  }
0x37c: {  	v4 =	vld [tilespmem:s3+$0x200]  }
0x37d: {  	v5 =	vld [tilespmem:s3+$0x210];
	_ =	sdelay $0x1  }
0x37e: {  	[tilespmem:s2+$0x6200] =	vst.add.f32.msk $0xffff, v2  }
0x37f: {  	[tilespmem:s2+$0x6210] =	vst.add.f32.msk $0xffff, v3  }
0x380: {  	[tilespmem:s3+$0x6200] =	vst.add.f32.msk $0xffff, v4  }
0x381: {  	[tilespmem:s3+$0x6210] =	vst.add.f32.msk $0xffff, v5  }
0x382: {  	s3 =	sld [smem:$0x7F2];
	_ =	sdelay $0x1  }
0x383: {  	s25 =	simm.s32 $0x0;
	s6 =	simm.s32 $0x6200  }
0x384: {  	[hbm4b:s3+s25] =	stream.linear.scatter [tilespmem:s6], [sflag:$0xC], $0x2000, $0x38;
	[tilespmem:$0x14200] =	vst v63  }
0x385: {  	s11 =	sand.u32 $0x380, s25;
	s6 =	sand.u32 $0x1C00, s25;
	_ =	swait.ge [sflag:s14], $0x2000  }
0x386: {  	s2 =	sand.u32 $0x60, s25;
	s3 =	sor.u32 s11, s6;
	[sflag:s14] =	ssyncset.done $0x0  }
0x387: {  	s2 =	sor.u32 s2, s3;
	[sflag:s14] =	ssyncadd.s32 $0xFFFFE000  }
0x388: {  	v2 =	vld [tilespmem:s2+$0x200]  }
0x389: {  	s6 =	simm.s32 $0x100;
	s11 =	simm.s32 $0x4  }
0x38a: {  	s15 =	simm.s32 $0x20;
	s12 =	sand.u32 $0x1C00, s6;
	s25 =	sand.u32 $0x380, s11;
	v3 =	vld [tilespmem:s2+$0x210]  }
0x38b: {  	s19 =	simm.s32 $0x2;
	s24 =	sand.u32 $0x60, s15;
	s3 =	sor.u32 s25, s12  }
.LBB2_38:
0x38c: {  	s19 =	sadd.s32 $0x2, s19  }
0x38d: {  	s3 =	sor.u32 s24, s3;
	[tilespmem:s2+$0x8200] =	vst.add.f32.msk $0xffff, v2;
	p0 =	slt.u32 s19, $0x1FE  }
.Ltmp18:
0x38e: {  	v2 =	vld [tilespmem:s3+$0x200];
	(pc) =	sbr.rel @p0 .LBB2_38-.Ltmp18, $4  }
0x38f: {  	[tilespmem:s2+$0x8210] =	vst.add.f32.msk $0xffff, v3;
	s2 =	smov.u32 s3  }
0x390: {  	s6 =	sadd.s32 $0x100, s6;
	s11 =	sadd.s32 $0x4, s11;
	v3 =	vld [tilespmem:s2+$0x210]  }
0x391: {  	s15 =	sadd.s32 $0x20, s15;
	s25 =	sand.u32 $0x380, s11;
	s3 =	sand.u32 $0x1C00, s6  }
0x392: {  	s24 =	sand.u32 $0x60, s15;
	s3 =	sor.u32 s25, s3  }
0x393: {  	s3 =	sor.u32 s24, s3  }
0x394: {  	v4 =	vld [tilespmem:s3+$0x200]  }
0x395: {  	v5 =	vld [tilespmem:s3+$0x210];
	_ =	sdelay $0x1  }
0x396: {  	[tilespmem:s2+$0x8200] =	vst.add.f32.msk $0xffff, v2  }
0x397: {  	[tilespmem:s2+$0x8210] =	vst.add.f32.msk $0xffff, v3  }
0x398: {  	[tilespmem:s3+$0x8200] =	vst.add.f32.msk $0xffff, v4  }
0x399: {  	[tilespmem:s3+$0x8210] =	vst.add.f32.msk $0xffff, v5  }
0x39a: {  	s3 =	sld [smem:$0x7F3];
	_ =	sdelay $0x1  }
0x39b: {  	s25 =	simm.s32 $0x0;
	s6 =	simm.s32 $0x8200  }
0x39c: {  	[hbm4b:s3+s25] =	stream.linear.scatter [tilespmem:s6], [sflag:$0xD], $0x2000, $0x38;
	[tilespmem:$0x14200] =	vst v63  }
0x39d: {  	s11 =	sand.u32 $0x380, s25;
	s6 =	sand.u32 $0x1C00, s25;
	_ =	swait.ge [sflag:s16], $0x2000  }
0x39e: {  	s2 =	sand.u32 $0x60, s25;
	s3 =	sor.u32 s11, s6;
	[sflag:s16] =	ssyncset.done $0x0  }
0x39f: {  	s2 =	sor.u32 s2, s3;
	[sflag:s16] =	ssyncadd.s32 $0xFFFFE000  }
0x3a0: {  	v2 =	vld [tilespmem:s2+$0x200]  }
0x3a1: {  	s6 =	simm.s32 $0x100;
	s11 =	simm.s32 $0x4  }
0x3a2: {  	s15 =	simm.s32 $0x20;
	s12 =	sand.u32 $0x1C00, s6;
	s25 =	sand.u32 $0x380, s11;
	v3 =	vld [tilespmem:s2+$0x210]  }
0x3a3: {  	s19 =	simm.s32 $0x2;
	s24 =	sand.u32 $0x60, s15;
	s3 =	sor.u32 s25, s12  }
.LBB2_40:
0x3a4: {  	s19 =	sadd.s32 $0x2, s19  }
0x3a5: {  	s3 =	sor.u32 s24, s3;
	[tilespmem:s2+$0xA200] =	vst.add.f32.msk $0xffff, v2;
	p0 =	slt.u32 s19, $0x1FE  }
.Ltmp19:
0x3a6: {  	v2 =	vld [tilespmem:s3+$0x200];
	(pc) =	sbr.rel @p0 .LBB2_40-.Ltmp19, $4  }
0x3a7: {  	[tilespmem:s2+$0xA210] =	vst.add.f32.msk $0xffff, v3;
	s2 =	smov.u32 s3  }
0x3a8: {  	s6 =	sadd.s32 $0x100, s6;
	s11 =	sadd.s32 $0x4, s11;
	v3 =	vld [tilespmem:s2+$0x210]  }
0x3a9: {  	s15 =	sadd.s32 $0x20, s15;
	s25 =	sand.u32 $0x380, s11;
	s3 =	sand.u32 $0x1C00, s6  }
0x3aa: {  	s24 =	sand.u32 $0x60, s15;
	s3 =	sor.u32 s25, s3  }
0x3ab: {  	s3 =	sor.u32 s24, s3  }
0x3ac: {  	v4 =	vld [tilespmem:s3+$0x200]  }
0x3ad: {  	v5 =	vld [tilespmem:s3+$0x210];
	_ =	sdelay $0x1  }
0x3ae: {  	[tilespmem:s2+$0xA200] =	vst.add.f32.msk $0xffff, v2  }
0x3af: {  	[tilespmem:s2+$0xA210] =	vst.add.f32.msk $0xffff, v3  }
0x3b0: {  	[tilespmem:s3+$0xA200] =	vst.add.f32.msk $0xffff, v4  }
0x3b1: {  	[tilespmem:s3+$0xA210] =	vst.add.f32.msk $0xffff, v5  }
0x3b2: {  	s3 =	sld [smem:$0x7F4];
	_ =	sdelay $0x1  }
0x3b3: {  	s6 =	simm.s32 $0xA200;
	s2 =	simm.s32 $0x0  }
0x3b4: {  	[hbm4b:s3+s2] =	stream.linear.scatter [tilespmem:s6], [sflag:$0xE], $0x2000, $0x38;
	[tilespmem:$0x14200] =	vst v63  }
0x3b5: {  	_ =	swait.ge [sflag:s17], $0x2000  }
0x3b6: {  	[sflag:s17] =	ssyncset.done $0x0  }
0x3b7: {  	[sflag:s17] =	ssyncadd.s32 $0xFFFFE000  }
0x3b8: {  	v2 =	vld.msk [tilespmem:$0x30], $0xff;
	_ =	sdelay $0x4  }
0x3b9: {  	v3 =	vshll.u32 v2, $0x3  }
0x3ba: {  	v2 =	vand.u32 $0x7, v2;
	v3 =	vand.u32 $0xFFFFFFC0, v3  }
0x3bb: {  	v2 =	vor.u32 v2, v3  }
0x3bc: {  	v2 =	vperm.xlane v2, v0;
	_ =	sdelay $0x1  }
0x3bd: {  	v2 =	vadd.s32 v1, v2;
	_ =	sdelay $0x3  }
0x3be: {  	s19 =	simm.s32 $0x4200  }
0x3bf: {  	[tilespmem:s19], [sflag:$0x3] =	stream.indirect_vreg.gather [hbm4b:s22+s2], $0x80, v2, vm0, $0xb8;
	[tilespmem:$0x14200] =	vst v63  }
0x3c0: {  	s24 =	simm.s32 $0x4A00  }
0x3c1: {  	[tilespmem:s24], [sflag:$0x3] =	stream.indirect_vreg.gather [hbm4b:s29+s2], $0x80, v2, vm0, $0xb8;
	[tilespmem:$0x14200] =	vst v63  }
0x3c2: {  	s25 =	simm.s32 $0x5200  }
0x3c3: {  	[tilespmem:s25], [sflag:$0x3] =	stream.indirect_vreg.gather [hbm4b:s30+s2], $0x80, v2, vm0, $0xb8;
	[tilespmem:$0x14200] =	vst v63  }
0x3c4: {  	s11 =	simm.s32 $0x5A00  }
0x3c5: {  	[tilespmem:s11], [sflag:$0x3] =	stream.indirect_vreg.gather [hbm4b:s31+s2], $0x80, v2, vm0, $0xb8;
	[tilespmem:$0x14200] =	vst v63  }
0x3c6: {  	_ =	swait.ge [sflag:s18], $0x2000  }
0x3c7: {  	[sflag:s18] =	ssyncset.done $0x0  }
0x3c8: {  	[sflag:s18] =	ssyncadd.s32 $0xFFFFE000  }
0x3c9: {  	v2 =	vld.msk [tilespmem:$0xB0], $0xff;
	_ =	sdelay $0x4  }
0x3ca: {  	v3 =	vshll.u32 v2, $0x3  }
0x3cb: {  	v2 =	vand.u32 $0x7, v2;
	v3 =	vand.u32 $0xFFFFFFC0, v3  }
0x3cc: {  	v2 =	vor.u32 v2, v3  }
0x3cd: {  	v2 =	vperm.xlane v2, v0;
	_ =	sdelay $0x1  }
0x3ce: {  	v2 =	vadd.s32 v1, v2;
	_ =	sdelay $0x3  }
0x3cf: {  	s12 =	simm.s32 $0x6200  }
0x3d0: {  	[tilespmem:s12], [sflag:$0x4] =	stream.indirect_vreg.gather [hbm4b:s22+s2], $0x80, v2, vm0, $0xb8;
	[tilespmem:$0x14200] =	vst v63  }
0x3d1: {  	s15 =	simm.s32 $0x6A00  }
0x3d2: {  	[tilespmem:s15], [sflag:$0x4] =	stream.indirect_vreg.gather [hbm4b:s29+s2], $0x80, v2, vm0, $0xb8;
	[tilespmem:$0x14200] =	vst v63  }
0x3d3: {  	s19 =	simm.s32 $0x7200  }
0x3d4: {  	[tilespmem:s19], [sflag:$0x4] =	stream.indirect_vreg.gather [hbm4b:s30+s2], $0x80, v2, vm0, $0xb8;
	[tilespmem:$0x14200] =	vst v63  }
0x3d5: {  	s24 =	simm.s32 $0x7A00  }
0x3d6: {  	[tilespmem:s24], [sflag:$0x4] =	stream.indirect_vreg.gather [hbm4b:s31+s2], $0x80, v2, vm0, $0xb8;
	[tilespmem:$0x14200] =	vst v63  }
0x3d7: {  	_ =	swait.ge [sflag:s21], $0x2000  }
0x3d8: {  	[sflag:s21] =	ssyncset.done $0x0  }
0x3d9: {  	[sflag:s21] =	ssyncadd.s32 $0xFFFFE000  }
0x3da: {  	v2 =	vld.msk [tilespmem:$0x130], $0xff;
	_ =	sdelay $0x4  }
0x3db: {  	v3 =	vshll.u32 v2, $0x3  }
0x3dc: {  	v2 =	vand.u32 $0x7, v2;
	v3 =	vand.u32 $0xFFFFFFC0, v3  }
0x3dd: {  	v2 =	vor.u32 v2, v3  }
0x3de: {  	v2 =	vperm.xlane v2, v0;
	_ =	sdelay $0x1  }
0x3df: {  	v2 =	vadd.s32 v1, v2;
	_ =	sdelay $0x3  }
0x3e0: {  	s25 =	simm.s32 $0x8200  }
0x3e1: {  	[tilespmem:s25], [sflag:$0x5] =	stream.indirect_vreg.gather [hbm4b:s22+s2], $0x80, v2, vm0, $0xb8;
	[tilespmem:$0x14200] =	vst v63  }
0x3e2: {  	s11 =	simm.s32 $0x8A00  }
0x3e3: {  	[tilespmem:s11], [sflag:$0x5] =	stream.indirect_vreg.gather [hbm4b:s29+s2], $0x80, v2, vm0, $0xb8;
	[tilespmem:$0x14200] =	vst v63  }
0x3e4: {  	s12 =	simm.s32 $0x9200  }
0x3e5: {  	[tilespmem:s12], [sflag:$0x5] =	stream.indirect_vreg.gather [hbm4b:s30+s2], $0x80, v2, vm0, $0xb8;
	[tilespmem:$0x14200] =	vst v63  }
0x3e6: {  	s15 =	simm.s32 $0x9A00  }
0x3e7: {  	[tilespmem:s15], [sflag:$0x5] =	stream.indirect_vreg.gather [hbm4b:s31+s2], $0x80, v2, vm0, $0xb8;
	[tilespmem:$0x14200] =	vst v63  }
0x3e8: {  	_ =	swait.ge [sflag:s23], $0x2000  }
0x3e9: {  	[sflag:s23] =	ssyncset.done $0x0  }
0x3ea: {  	[sflag:s23] =	ssyncadd.s32 $0xFFFFE000  }
0x3eb: {  	v2 =	vld.msk [tilespmem:$0x1B0], $0xff;
	_ =	sdelay $0x4  }
0x3ec: {  	v3 =	vshll.u32 v2, $0x3  }
0x3ed: {  	v2 =	vand.u32 $0x7, v2;
	v3 =	vand.u32 $0xFFFFFFC0, v3  }
0x3ee: {  	v2 =	vor.u32 v2, v3  }
0x3ef: {  	v2 =	vperm.xlane v2, v0;
	_ =	sdelay $0x1  }
0x3f0: {  	v2 =	vadd.s32 v1, v2;
	_ =	sdelay $0x4  }
0x3f1: {  	[tilespmem:s6], [sflag:$0x6] =	stream.indirect_vreg.gather [hbm4b:s22+s2], $0x80, v2, vm0, $0xb8;
	[tilespmem:$0x14200] =	vst v63  }
0x3f2: {  	s19 =	simm.s32 $0xAA00  }
0x3f3: {  	[tilespmem:s19], [sflag:$0x6] =	stream.indirect_vreg.gather [hbm4b:s29+s2], $0x80, v2, vm0, $0xb8;
	[tilespmem:$0x14200] =	vst v63  }
0x3f4: {  	s24 =	simm.s32 $0xB200  }
0x3f5: {  	[tilespmem:s24], [sflag:$0x6] =	stream.indirect_vreg.gather [hbm4b:s30+s2], $0x80, v2, vm0, $0xb8;
	[tilespmem:$0x14200] =	vst v63  }
0x3f6: {  	s25 =	simm.s32 $0xBA00  }
0x3f7: {  	[tilespmem:s25], [sflag:$0x6] =	stream.indirect_vreg.gather [hbm4b:s31+s2], $0x80, v2, vm0, $0xb8;
	[tilespmem:$0x14200] =	vst v63  }
0x3f8: {  	_ =	swait.ge [sflag:s9], $0x2000  }
0x3f9: {  	[sflag:s9] =	ssyncset.done $0x0  }
0x3fa: {  	s11 =	simm.s32 $0x200;
	s6 =	rddreg [dreg:$0x18];
	[sflag:s9] =	ssyncadd.s32 $0xFFFFE000  }
0x3fb: {  	[tilespmem:s11], [sflag:$0x2] =	stream.linear.gather [hbm4b:s6+s2], $0x2000, $0x38;
	[tilespmem:$0x14200] =	vst v63  }
0x3fc: {  	s15 =	sand.u32 $0x1C00, s2;
	s19 =	sand.u32 $0x380, s2;
	_ =	swait.ge [sflag:s8], $0x2000  }
0x3fd: {  	s3 =	sor.u32 s19, s15;
	s2 =	sand.u32 $0x60, s2;
	[sflag:s8] =	ssyncset.done $0x0  }
0x3fe: {  	s2 =	sor.u32 s2, s3;
	[sflag:s8] =	ssyncadd.s32 $0xFFFFE000  }
0x3ff: {  	v2 =	vld [tilespmem:s2+$0x2200]  }
0x400: {  	s12 =	simm.s32 $0xA200;
	s6 =	simm.s32 $0x100;
	s11 =	simm.s32 $0x4  }
0x401: {  	s15 =	simm.s32 $0x20;
	s24 =	sand.u32 $0x1C00, s6;
	s25 =	sand.u32 $0x380, s11;
	v3 =	vld [tilespmem:s2+$0x2210]  }
0x402: {  	s19 =	simm.s32 $0x2;
	s3 =	sor.u32 s25, s24;
	s24 =	sand.u32 $0x60, s15  }
.LBB2_42:
0x403: {  	s19 =	sadd.s32 $0x2, s19  }
0x404: {  	s3 =	sor.u32 s24, s3;
	[tilespmem:s2+$0xC200] =	vst.add.f32.msk $0xffff, v2;
	p0 =	slt.u32 s19, $0x1FE  }
.Ltmp20:
0x405: {  	v2 =	vld [tilespmem:s3+$0x2200];
	(pc) =	sbr.rel @p0 .LBB2_42-.Ltmp20, $4  }
0x406: {  	[tilespmem:s2+$0xC210] =	vst.add.f32.msk $0xffff, v3;
	s2 =	smov.u32 s3  }
0x407: {  	s6 =	sadd.s32 $0x100, s6;
	s11 =	sadd.s32 $0x4, s11;
	v3 =	vld [tilespmem:s2+$0x2210]  }
0x408: {  	s15 =	sadd.s32 $0x20, s15;
	s25 =	sand.u32 $0x380, s11;
	s3 =	sand.u32 $0x1C00, s6  }
0x409: {  	s24 =	sand.u32 $0x60, s15;
	s3 =	sor.u32 s25, s3  }
0x40a: {  	s3 =	sor.u32 s24, s3  }
0x40b: {  	v4 =	vld [tilespmem:s3+$0x2200]  }
0x40c: {  	v5 =	vld [tilespmem:s3+$0x2210];
	_ =	sdelay $0x1  }
0x40d: {  	[tilespmem:s2+$0xC200] =	vst.add.f32.msk $0xffff, v2  }
0x40e: {  	[tilespmem:s2+$0xC210] =	vst.add.f32.msk $0xffff, v3  }
0x40f: {  	[tilespmem:s3+$0xC200] =	vst.add.f32.msk $0xffff, v4  }
0x410: {  	[tilespmem:s3+$0xC210] =	vst.add.f32.msk $0xffff, v5  }
0x411: {  	s19 =	simm.s32 $0x0;
	s6 =	simm.s32 $0xC200;
	s3 =	rddreg [dreg:$0x17]  }
0x412: {  	[hbm4b:s3+s19] =	stream.linear.scatter [tilespmem:s6], [sflag:$0xF], $0x2000, $0x38;
	[tilespmem:$0x14200] =	vst v63  }
0x413: {  	s24 =	sand.u32 $0x1C00, s19;
	s25 =	sand.u32 $0x380, s19;
	_ =	swait.ge [sflag:s28], $0x2000  }
0x414: {  	s2 =	sand.u32 $0x60, s19;
	s3 =	sor.u32 s25, s24;
	[sflag:s28] =	ssyncset.done $0x0  }
0x415: {  	s2 =	sor.u32 s2, s3;
	[sflag:s28] =	ssyncadd.s32 $0xFFFFE000  }
0x416: {  	v2 =	vld [tilespmem:s2+$0x2200]  }
0x417: {  	s11 =	simm.s32 $0x4;
	s6 =	simm.s32 $0x100  }
0x418: {  	s15 =	simm.s32 $0x20;
	s25 =	sand.u32 $0x380, s11;
	s3 =	sand.u32 $0x1C00, s6;
	v3 =	vld [tilespmem:s2+$0x2210]  }
0x419: {  	s19 =	simm.s32 $0x2;
	s24 =	sand.u32 $0x60, s15;
	s3 =	sor.u32 s25, s3  }
.LBB2_44:
0x41a: {  	s19 =	sadd.s32 $0x2, s19  }
0x41b: {  	s3 =	sor.u32 s24, s3;
	[tilespmem:s2+$0xE200] =	vst.add.f32.msk $0xffff, v2;
	p0 =	slt.u32 s19, $0x1FE  }
.Ltmp21:
0x41c: {  	v2 =	vld [tilespmem:s3+$0x2200];
	(pc) =	sbr.rel @p0 .LBB2_44-.Ltmp21, $4  }
0x41d: {  	[tilespmem:s2+$0xE210] =	vst.add.f32.msk $0xffff, v3;
	s2 =	smov.u32 s3  }
0x41e: {  	s6 =	sadd.s32 $0x100, s6;
	s11 =	sadd.s32 $0x4, s11;
	v3 =	vld [tilespmem:s2+$0x2210]  }
0x41f: {  	s15 =	sadd.s32 $0x20, s15;
	s25 =	sand.u32 $0x380, s11;
	s3 =	sand.u32 $0x1C00, s6  }
0x420: {  	s24 =	sand.u32 $0x60, s15;
	s3 =	sor.u32 s25, s3  }
0x421: {  	s3 =	sor.u32 s24, s3  }
0x422: {  	v4 =	vld [tilespmem:s3+$0x2200]  }
0x423: {  	v5 =	vld [tilespmem:s3+$0x2210];
	_ =	sdelay $0x1  }
0x424: {  	[tilespmem:s2+$0xE200] =	vst.add.f32.msk $0xffff, v2  }
0x425: {  	[tilespmem:s2+$0xE210] =	vst.add.f32.msk $0xffff, v3  }
0x426: {  	[tilespmem:s3+$0xE200] =	vst.add.f32.msk $0xffff, v4  }
0x427: {  	[tilespmem:s3+$0xE210] =	vst.add.f32.msk $0xffff, v5  }
0x428: {  	s3 =	sld [smem:$0x7F5];
	_ =	sdelay $0x1  }
0x429: {  	s19 =	simm.s32 $0x0;
	s6 =	simm.s32 $0xE200  }
0x42a: {  	[hbm4b:s3+s19] =	stream.linear.scatter [tilespmem:s6], [sflag:$0x10], $0x2000, $0x38;
	[tilespmem:$0x14200] =	vst v63  }
0x42b: {  	s24 =	sand.u32 $0x1C00, s19;
	s25 =	sand.u32 $0x380, s19;
	_ =	swait.ge [sflag:s20], $0x2000  }
0x42c: {  	s2 =	sand.u32 $0x60, s19;
	s3 =	sor.u32 s25, s24;
	[sflag:s20] =	ssyncset.done $0x0  }
0x42d: {  	s2 =	sor.u32 s2, s3;
	[sflag:s20] =	ssyncadd.s32 $0xFFFFE000  }
0x42e: {  	v2 =	vld [tilespmem:s2+$0x2200]  }
0x42f: {  	s11 =	simm.s32 $0x4;
	s6 =	simm.s32 $0x100  }
0x430: {  	s15 =	simm.s32 $0x20;
	s25 =	sand.u32 $0x380, s11;
	s3 =	sand.u32 $0x1C00, s6;
	v3 =	vld [tilespmem:s2+$0x2210]  }
0x431: {  	s19 =	simm.s32 $0x2;
	s24 =	sand.u32 $0x60, s15;
	s3 =	sor.u32 s25, s3  }
.LBB2_46:
0x432: {  	s19 =	sadd.s32 $0x2, s19  }
0x433: {  	s3 =	sor.u32 s24, s3;
	[tilespmem:s2+$0x10200] =	vst.add.f32.msk $0xffff, v2;
	p0 =	slt.u32 s19, $0x1FE  }
.Ltmp22:
0x434: {  	v2 =	vld [tilespmem:s3+$0x2200];
	(pc) =	sbr.rel @p0 .LBB2_46-.Ltmp22, $4  }
0x435: {  	[tilespmem:s2+$0x10210] =	vst.add.f32.msk $0xffff, v3;
	s2 =	smov.u32 s3  }
0x436: {  	s6 =	sadd.s32 $0x100, s6;
	s11 =	sadd.s32 $0x4, s11;
	v3 =	vld [tilespmem:s2+$0x2210]  }
0x437: {  	s15 =	sadd.s32 $0x20, s15;
	s25 =	sand.u32 $0x380, s11;
	s3 =	sand.u32 $0x1C00, s6  }
0x438: {  	s24 =	sand.u32 $0x60, s15;
	s3 =	sor.u32 s25, s3  }
0x439: {  	s3 =	sor.u32 s24, s3  }
0x43a: {  	v4 =	vld [tilespmem:s3+$0x2200]  }
0x43b: {  	v5 =	vld [tilespmem:s3+$0x2210];
	_ =	sdelay $0x1  }
0x43c: {  	[tilespmem:s2+$0x10200] =	vst.add.f32.msk $0xffff, v2  }
0x43d: {  	[tilespmem:s2+$0x10210] =	vst.add.f32.msk $0xffff, v3  }
0x43e: {  	[tilespmem:s3+$0x10200] =	vst.add.f32.msk $0xffff, v4  }
0x43f: {  	[tilespmem:s3+$0x10210] =	vst.add.f32.msk $0xffff, v5  }
0x440: {  	s3 =	sld [smem:$0x7F6];
	_ =	sdelay $0x1  }
0x441: {  	s19 =	simm.s32 $0x0;
	s6 =	simm.s32 $0x10200  }
0x442: {  	[hbm4b:s3+s19] =	stream.linear.scatter [tilespmem:s6], [sflag:$0x11], $0x2000, $0x38;
	[tilespmem:$0x14200] =	vst v63  }
0x443: {  	s24 =	sand.u32 $0x1C00, s19;
	s25 =	sand.u32 $0x380, s19;
	_ =	swait.ge [sflag:s0], $0x2000  }
0x444: {  	s2 =	sand.u32 $0x60, s19;
	s3 =	sor.u32 s25, s24;
	[sflag:s0] =	ssyncset.done $0x0  }
0x445: {  	s2 =	sor.u32 s2, s3;
	[sflag:s0] =	ssyncadd.s32 $0xFFFFE000  }
0x446: {  	v2 =	vld [tilespmem:s2+$0x2200]  }
0x447: {  	s11 =	simm.s32 $0x4;
	s6 =	simm.s32 $0x100  }
0x448: {  	s15 =	simm.s32 $0x20;
	s25 =	sand.u32 $0x380, s11;
	s3 =	sand.u32 $0x1C00, s6;
	v3 =	vld [tilespmem:s2+$0x2210]  }
0x449: {  	s19 =	simm.s32 $0x2;
	s24 =	sand.u32 $0x60, s15;
	s3 =	sor.u32 s25, s3  }
.LBB2_48:
0x44a: {  	s19 =	sadd.s32 $0x2, s19  }
0x44b: {  	s3 =	sor.u32 s24, s3;
	[tilespmem:s2+$0x12200] =	vst.add.f32.msk $0xffff, v2;
	p0 =	slt.u32 s19, $0x1FE  }
.Ltmp23:
0x44c: {  	v2 =	vld [tilespmem:s3+$0x2200];
	(pc) =	sbr.rel @p0 .LBB2_48-.Ltmp23, $4  }
0x44d: {  	[tilespmem:s2+$0x12210] =	vst.add.f32.msk $0xffff, v3;
	s2 =	smov.u32 s3  }
0x44e: {  	s6 =	sadd.s32 $0x100, s6;
	s11 =	sadd.s32 $0x4, s11;
	v3 =	vld [tilespmem:s2+$0x2210]  }
0x44f: {  	s15 =	sadd.s32 $0x20, s15;
	s25 =	sand.u32 $0x380, s11;
	s3 =	sand.u32 $0x1C00, s6  }
0x450: {  	s24 =	sand.u32 $0x60, s15;
	s3 =	sor.u32 s25, s3  }
0x451: {  	s3 =	sor.u32 s24, s3  }
0x452: {  	v4 =	vld [tilespmem:s3+$0x2200]  }
0x453: {  	v5 =	vld [tilespmem:s3+$0x2210];
	_ =	sdelay $0x1  }
0x454: {  	[tilespmem:s2+$0x12200] =	vst.add.f32.msk $0xffff, v2  }
0x455: {  	[tilespmem:s2+$0x12210] =	vst.add.f32.msk $0xffff, v3  }
0x456: {  	[tilespmem:s3+$0x12200] =	vst.add.f32.msk $0xffff, v4  }
0x457: {  	[tilespmem:s3+$0x12210] =	vst.add.f32.msk $0xffff, v5  }
0x458: {  	s3 =	sld [smem:$0x7F7];
	_ =	sdelay $0x1  }
0x459: {  	s6 =	simm.s32 $0x12200;
	s2 =	simm.s32 $0x0  }
0x45a: {  	[hbm4b:s3+s2] =	stream.linear.scatter [tilespmem:s6], [sflag:$0x12], $0x2000, $0x38;
	[tilespmem:$0x14200] =	vst v63  }
0x45b: {  	_ =	swait.ge [sflag:s4], $0x2000  }
0x45c: {  	[sflag:s4] =	ssyncset.done $0x0  }
0x45d: {  	[sflag:s4] =	ssyncadd.s32 $0xFFFFE000  }
0x45e: {  	v2 =	vld.msk [tilespmem:$0x38], $0xff;
	_ =	sdelay $0x4  }
0x45f: {  	v3 =	vshll.u32 v2, $0x3  }
0x460: {  	v2 =	vand.u32 $0x7, v2;
	v3 =	vand.u32 $0xFFFFFFC0, v3  }
0x461: {  	v2 =	vor.u32 v2, v3  }
0x462: {  	v2 =	vperm.xlane v2, v0;
	_ =	sdelay $0x1  }
0x463: {  	v2 =	vadd.s32 v1, v2;
	_ =	sdelay $0x3  }
0x464: {  	s11 =	simm.s32 $0xC200  }
0x465: {  	[tilespmem:s11], [sflag:$0x7] =	stream.indirect_vreg.gather [hbm4b:s22+s2], $0x80, v2, vm0, $0xb8;
	[tilespmem:$0x14200] =	vst v63  }
0x466: {  	s15 =	simm.s32 $0xCA00  }
0x467: {  	[tilespmem:s15], [sflag:$0x7] =	stream.indirect_vreg.gather [hbm4b:s29+s2], $0x80, v2, vm0, $0xb8;
	[tilespmem:$0x14200] =	vst v63  }
0x468: {  	s19 =	simm.s32 $0xD200  }
0x469: {  	[tilespmem:s19], [sflag:$0x7] =	stream.indirect_vreg.gather [hbm4b:s30+s2], $0x80, v2, vm0, $0xb8;
	[tilespmem:$0x14200] =	vst v63  }
0x46a: {  	s24 =	simm.s32 $0xDA00  }
0x46b: {  	[tilespmem:s24], [sflag:$0x7] =	stream.indirect_vreg.gather [hbm4b:s31+s2], $0x80, v2, vm0, $0xb8;
	[tilespmem:$0x14200] =	vst v63  }
0x46c: {  	_ =	swait.ge [sflag:s5], $0x2000  }
0x46d: {  	[sflag:s5] =	ssyncset.done $0x0  }
0x46e: {  	[sflag:s5] =	ssyncadd.s32 $0xFFFFE000  }
0x46f: {  	v2 =	vld.msk [tilespmem:$0xB8], $0xff;
	_ =	sdelay $0x4  }
0x470: {  	v3 =	vshll.u32 v2, $0x3  }
0x471: {  	v2 =	vand.u32 $0x7, v2;
	v3 =	vand.u32 $0xFFFFFFC0, v3  }
0x472: {  	v2 =	vor.u32 v2, v3  }
0x473: {  	v2 =	vperm.xlane v2, v0;
	_ =	sdelay $0x1  }
0x474: {  	v2 =	vadd.s32 v1, v2;
	_ =	sdelay $0x3  }
0x475: {  	s25 =	simm.s32 $0xE200  }
0x476: {  	[tilespmem:s25], [sflag:$0x8] =	stream.indirect_vreg.gather [hbm4b:s22+s2], $0x80, v2, vm0, $0xb8;
	[tilespmem:$0x14200] =	vst v63  }
0x477: {  	s11 =	simm.s32 $0xEA00  }
0x478: {  	[tilespmem:s11], [sflag:$0x8] =	stream.indirect_vreg.gather [hbm4b:s29+s2], $0x80, v2, vm0, $0xb8;
	[tilespmem:$0x14200] =	vst v63  }
0x479: {  	s15 =	simm.s32 $0xF200  }
0x47a: {  	[tilespmem:s15], [sflag:$0x8] =	stream.indirect_vreg.gather [hbm4b:s30+s2], $0x80, v2, vm0, $0xb8;
	[tilespmem:$0x14200] =	vst v63  }
0x47b: {  	s19 =	simm.s32 $0xFA00  }
0x47c: {  	[tilespmem:s19], [sflag:$0x8] =	stream.indirect_vreg.gather [hbm4b:s31+s2], $0x80, v2, vm0, $0xb8;
	[tilespmem:$0x14200] =	vst v63  }
0x47d: {  	_ =	swait.ge [sflag:s7], $0x2000  }
0x47e: {  	[sflag:s7] =	ssyncset.done $0x0  }
0x47f: {  	[sflag:s7] =	ssyncadd.s32 $0xFFFFE000  }
0x480: {  	v2 =	vld.msk [tilespmem:$0x138], $0xff;
	_ =	sdelay $0x4  }
0x481: {  	v3 =	vshll.u32 v2, $0x3  }
0x482: {  	v2 =	vand.u32 $0x7, v2;
	v3 =	vand.u32 $0xFFFFFFC0, v3  }
0x483: {  	v2 =	vor.u32 v2, v3  }
0x484: {  	v2 =	vperm.xlane v2, v0;
	_ =	sdelay $0x1  }
0x485: {  	v2 =	vadd.s32 v1, v2;
	_ =	sdelay $0x3  }
0x486: {  	s24 =	simm.s32 $0x10200  }
0x487: {  	[tilespmem:s24], [sflag:$0x9] =	stream.indirect_vreg.gather [hbm4b:s22+s2], $0x80, v2, vm0, $0xb8;
	[tilespmem:$0x14200] =	vst v63  }
0x488: {  	s25 =	simm.s32 $0x10A00  }
0x489: {  	[tilespmem:s25], [sflag:$0x9] =	stream.indirect_vreg.gather [hbm4b:s29+s2], $0x80, v2, vm0, $0xb8;
	[tilespmem:$0x14200] =	vst v63  }
0x48a: {  	s11 =	simm.s32 $0x11200  }
0x48b: {  	[tilespmem:s11], [sflag:$0x9] =	stream.indirect_vreg.gather [hbm4b:s30+s2], $0x80, v2, vm0, $0xb8;
	[tilespmem:$0x14200] =	vst v63  }
0x48c: {  	s15 =	simm.s32 $0x11A00  }
0x48d: {  	[tilespmem:s15], [sflag:$0x9] =	stream.indirect_vreg.gather [hbm4b:s31+s2], $0x80, v2, vm0, $0xb8;
	[tilespmem:$0x14200] =	vst v63  }
0x48e: {  	_ =	swait.ge [sflag:s10], $0x2000  }
0x48f: {  	[sflag:s10] =	ssyncset.done $0x0  }
0x490: {  	[sflag:s10] =	ssyncadd.s32 $0xFFFFE000  }
0x491: {  	v2 =	vld.msk [tilespmem:$0x1B8], $0xff;
	_ =	sdelay $0x4  }
0x492: {  	v3 =	vshll.u32 v2, $0x3  }
0x493: {  	v2 =	vand.u32 $0x7, v2;
	v3 =	vand.u32 $0xFFFFFFC0, v3  }
0x494: {  	v2 =	vor.u32 v2, v3  }
0x495: {  	v2 =	vperm.xlane v2, v0;
	_ =	sdelay $0x1  }
0x496: {  	v2 =	vadd.s32 v1, v2;
	_ =	sdelay $0x4  }
0x497: {  	[tilespmem:s6], [sflag:$0xA] =	stream.indirect_vreg.gather [hbm4b:s22+s2], $0x80, v2, vm0, $0xb8;
	[tilespmem:$0x14200] =	vst v63  }
0x498: {  	s19 =	simm.s32 $0x12A00  }
0x499: {  	[tilespmem:s19], [sflag:$0xA] =	stream.indirect_vreg.gather [hbm4b:s29+s2], $0x80, v2, vm0, $0xb8;
	[tilespmem:$0x14200] =	vst v63  }
0x49a: {  	s24 =	simm.s32 $0x13200  }
0x49b: {  	[tilespmem:s24], [sflag:$0xA] =	stream.indirect_vreg.gather [hbm4b:s30+s2], $0x80, v2, vm0, $0xb8;
	[tilespmem:$0x14200] =	vst v63  }
0x49c: {  	s25 =	simm.s32 $0x13A00  }
0x49d: {  	[tilespmem:s25], [sflag:$0xA] =	stream.indirect_vreg.gather [hbm4b:s31+s2], $0x80, v2, vm0, $0xb8;
	[tilespmem:$0x14200] =	vst v63  }
0x49e: {  	_ =	swait.ge [sflag:s9], $0x2000  }
0x49f: {  	[sflag:s9] =	ssyncset.done $0x0  }
0x4a0: {  	s11 =	simm.s32 $0x2200;
	s6 =	rddreg [dreg:$0x19];
	[sflag:s9] =	ssyncadd.s32 $0xFFFFE000  }
0x4a1: {  	[tilespmem:s11], [sflag:$0x2] =	stream.linear.gather [hbm4b:s6+s2], $0x2000, $0x38;
	[tilespmem:$0x14200] =	vst v63  }
0x4a2: {  	s11 =	simm.s32 $0x3  }
0x4a3: {  	s15 =	sand.u32 $0x1C00, s2;
	s19 =	sand.u32 $0x380, s2;
	_ =	swait.ge [sflag:s11], $0x2000  }
0x4a4: {  	s3 =	sor.u32 s19, s15;
	s2 =	sand.u32 $0x60, s2;
	[sflag:s11] =	ssyncset.done $0x0  }
0x4a5: {  	s2 =	sor.u32 s2, s3;
	[sflag:s11] =	ssyncadd.s32 $0xFFFFE000  }
0x4a6: {  	v2 =	vld [tilespmem:s2+$0x200]  }
0x4a7: {  	s6 =	simm.s32 $0x100;
	s11 =	simm.s32 $0x4  }
0x4a8: {  	s15 =	simm.s32 $0x20;
	s24 =	sand.u32 $0x1C00, s6;
	s25 =	sand.u32 $0x380, s11;
	v3 =	vld [tilespmem:s2+$0x210]  }
0x4a9: {  	s19 =	simm.s32 $0x2;
	s3 =	sor.u32 s25, s24;
	s24 =	sand.u32 $0x60, s15  }
.LBB2_50:
0x4aa: {  	s19 =	sadd.s32 $0x2, s19  }
0x4ab: {  	s3 =	sor.u32 s24, s3;
	[tilespmem:s2+$0x4200] =	vst.add.f32.msk $0xffff, v2;
	p0 =	slt.u32 s19, $0x1FE  }
.Ltmp24:
0x4ac: {  	v2 =	vld [tilespmem:s3+$0x200];
	(pc) =	sbr.rel @p0 .LBB2_50-.Ltmp24, $4  }
0x4ad: {  	[tilespmem:s2+$0x4210] =	vst.add.f32.msk $0xffff, v3;
	s2 =	smov.u32 s3  }
0x4ae: {  	s6 =	sadd.s32 $0x100, s6;
	s11 =	sadd.s32 $0x4, s11;
	v3 =	vld [tilespmem:s2+$0x210]  }
0x4af: {  	s15 =	sadd.s32 $0x20, s15;
	s25 =	sand.u32 $0x380, s11;
	s3 =	sand.u32 $0x1C00, s6  }
0x4b0: {  	s24 =	sand.u32 $0x60, s15;
	s3 =	sor.u32 s25, s3  }
0x4b1: {  	s3 =	sor.u32 s24, s3  }
0x4b2: {  	v4 =	vld [tilespmem:s3+$0x200]  }
0x4b3: {  	v5 =	vld [tilespmem:s3+$0x210];
	_ =	sdelay $0x1  }
0x4b4: {  	[tilespmem:s2+$0x4200] =	vst.add.f32.msk $0xffff, v2  }
0x4b5: {  	[tilespmem:s2+$0x4210] =	vst.add.f32.msk $0xffff, v3  }
0x4b6: {  	[tilespmem:s3+$0x4200] =	vst.add.f32.msk $0xffff, v4  }
0x4b7: {  	[tilespmem:s3+$0x4210] =	vst.add.f32.msk $0xffff, v5  }
0x4b8: {  	s19 =	simm.s32 $0x0;
	s6 =	simm.s32 $0x4200;
	s3 =	rddreg [dreg:$0x1a]  }
0x4b9: {  	[hbm4b:s3+s19] =	stream.linear.scatter [tilespmem:s6], [sflag:$0xB], $0x2000, $0x38;
	[tilespmem:$0x14200] =	vst v63  }
0x4ba: {  	s24 =	sand.u32 $0x1C00, s19;
	s25 =	sand.u32 $0x380, s19;
	_ =	swait.ge [sflag:s13], $0x2000  }
0x4bb: {  	s2 =	sand.u32 $0x60, s19;
	s3 =	sor.u32 s25, s24;
	[sflag:s13] =	ssyncset.done $0x0  }
0x4bc: {  	s2 =	sor.u32 s2, s3;
	[sflag:s13] =	ssyncadd.s32 $0xFFFFE000  }
0x4bd: {  	v2 =	vld [tilespmem:s2+$0x200]  }
0x4be: {  	s11 =	simm.s32 $0x4;
	s6 =	simm.s32 $0x100  }
0x4bf: {  	s15 =	simm.s32 $0x20;
	s25 =	sand.u32 $0x380, s11;
	s3 =	sand.u32 $0x1C00, s6;
	v3 =	vld [tilespmem:s2+$0x210]  }
0x4c0: {  	s19 =	simm.s32 $0x2;
	s24 =	sand.u32 $0x60, s15;
	s3 =	sor.u32 s25, s3  }
.LBB2_52:
0x4c1: {  	s19 =	sadd.s32 $0x2, s19  }
0x4c2: {  	s3 =	sor.u32 s24, s3;
	[tilespmem:s2+$0x6200] =	vst.add.f32.msk $0xffff, v2;
	p0 =	slt.u32 s19, $0x1FE  }
.Ltmp25:
0x4c3: {  	v2 =	vld [tilespmem:s3+$0x200];
	(pc) =	sbr.rel @p0 .LBB2_52-.Ltmp25, $4  }
0x4c4: {  	[tilespmem:s2+$0x6210] =	vst.add.f32.msk $0xffff, v3;
	s2 =	smov.u32 s3  }
0x4c5: {  	s6 =	sadd.s32 $0x100, s6;
	s11 =	sadd.s32 $0x4, s11;
	v3 =	vld [tilespmem:s2+$0x210]  }
0x4c6: {  	s15 =	sadd.s32 $0x20, s15;
	s25 =	sand.u32 $0x380, s11;
	s3 =	sand.u32 $0x1C00, s6  }
0x4c7: {  	s24 =	sand.u32 $0x60, s15;
	s3 =	sor.u32 s25, s3  }
0x4c8: {  	s3 =	sor.u32 s24, s3  }
0x4c9: {  	v4 =	vld [tilespmem:s3+$0x200]  }
0x4ca: {  	v5 =	vld [tilespmem:s3+$0x210];
	_ =	sdelay $0x1  }
0x4cb: {  	[tilespmem:s2+$0x6200] =	vst.add.f32.msk $0xffff, v2  }
0x4cc: {  	[tilespmem:s2+$0x6210] =	vst.add.f32.msk $0xffff, v3  }
0x4cd: {  	[tilespmem:s3+$0x6200] =	vst.add.f32.msk $0xffff, v4  }
0x4ce: {  	[tilespmem:s3+$0x6210] =	vst.add.f32.msk $0xffff, v5  }
0x4cf: {  	s3 =	sld [smem:$0x7F8];
	_ =	sdelay $0x1  }
0x4d0: {  	s19 =	simm.s32 $0x0;
	s6 =	simm.s32 $0x6200  }
0x4d1: {  	[hbm4b:s3+s19] =	stream.linear.scatter [tilespmem:s6], [sflag:$0xC], $0x2000, $0x38;
	[tilespmem:$0x14200] =	vst v63  }
0x4d2: {  	s24 =	sand.u32 $0x1C00, s19;
	s25 =	sand.u32 $0x380, s19;
	_ =	swait.ge [sflag:s14], $0x2000  }
0x4d3: {  	s2 =	sand.u32 $0x60, s19;
	s3 =	sor.u32 s25, s24;
	[sflag:s14] =	ssyncset.done $0x0  }
0x4d4: {  	s2 =	sor.u32 s2, s3;
	[sflag:s14] =	ssyncadd.s32 $0xFFFFE000  }
0x4d5: {  	v2 =	vld [tilespmem:s2+$0x200]  }
0x4d6: {  	s11 =	simm.s32 $0x4;
	s6 =	simm.s32 $0x100  }
0x4d7: {  	s15 =	simm.s32 $0x20;
	s25 =	sand.u32 $0x380, s11;
	s3 =	sand.u32 $0x1C00, s6;
	v3 =	vld [tilespmem:s2+$0x210]  }
0x4d8: {  	s19 =	simm.s32 $0x2;
	s24 =	sand.u32 $0x60, s15;
	s3 =	sor.u32 s25, s3  }
.LBB2_54:
0x4d9: {  	s19 =	sadd.s32 $0x2, s19  }
0x4da: {  	s3 =	sor.u32 s24, s3;
	[tilespmem:s2+$0x8200] =	vst.add.f32.msk $0xffff, v2;
	p0 =	slt.u32 s19, $0x1FE  }
.Ltmp26:
0x4db: {  	v2 =	vld [tilespmem:s3+$0x200];
	(pc) =	sbr.rel @p0 .LBB2_54-.Ltmp26, $4  }
0x4dc: {  	[tilespmem:s2+$0x8210] =	vst.add.f32.msk $0xffff, v3;
	s2 =	smov.u32 s3  }
0x4dd: {  	s6 =	sadd.s32 $0x100, s6;
	s11 =	sadd.s32 $0x4, s11;
	v3 =	vld [tilespmem:s2+$0x210]  }
0x4de: {  	s15 =	sadd.s32 $0x20, s15;
	s25 =	sand.u32 $0x380, s11;
	s3 =	sand.u32 $0x1C00, s6  }
0x4df: {  	s24 =	sand.u32 $0x60, s15;
	s3 =	sor.u32 s25, s3  }
0x4e0: {  	s3 =	sor.u32 s24, s3  }
0x4e1: {  	v4 =	vld [tilespmem:s3+$0x200]  }
0x4e2: {  	v5 =	vld [tilespmem:s3+$0x210];
	_ =	sdelay $0x1  }
0x4e3: {  	[tilespmem:s2+$0x8200] =	vst.add.f32.msk $0xffff, v2  }
0x4e4: {  	[tilespmem:s2+$0x8210] =	vst.add.f32.msk $0xffff, v3  }
0x4e5: {  	[tilespmem:s3+$0x8200] =	vst.add.f32.msk $0xffff, v4  }
0x4e6: {  	[tilespmem:s3+$0x8210] =	vst.add.f32.msk $0xffff, v5  }
0x4e7: {  	s3 =	sld [smem:$0x7F9];
	_ =	sdelay $0x1  }
0x4e8: {  	s19 =	simm.s32 $0x0;
	s6 =	simm.s32 $0x8200  }
0x4e9: {  	[hbm4b:s3+s19] =	stream.linear.scatter [tilespmem:s6], [sflag:$0xD], $0x2000, $0x38;
	[tilespmem:$0x14200] =	vst v63  }
0x4ea: {  	s24 =	sand.u32 $0x1C00, s19;
	s25 =	sand.u32 $0x380, s19;
	_ =	swait.ge [sflag:s16], $0x2000  }
0x4eb: {  	s2 =	sand.u32 $0x60, s19;
	s3 =	sor.u32 s25, s24;
	[sflag:s16] =	ssyncset.done $0x0  }
0x4ec: {  	s2 =	sor.u32 s2, s3;
	[sflag:s16] =	ssyncadd.s32 $0xFFFFE000  }
0x4ed: {  	v2 =	vld [tilespmem:s2+$0x200]  }
0x4ee: {  	s11 =	simm.s32 $0x4;
	s6 =	simm.s32 $0x100  }
0x4ef: {  	s15 =	simm.s32 $0x20;
	s25 =	sand.u32 $0x380, s11;
	s3 =	sand.u32 $0x1C00, s6;
	v3 =	vld [tilespmem:s2+$0x210]  }
0x4f0: {  	s19 =	simm.s32 $0x2;
	s24 =	sand.u32 $0x60, s15;
	s3 =	sor.u32 s25, s3  }
.LBB2_56:
0x4f1: {  	s19 =	sadd.s32 $0x2, s19  }
0x4f2: {  	s3 =	sor.u32 s24, s3;
	[tilespmem:s2+$0xA200] =	vst.add.f32.msk $0xffff, v2;
	p0 =	slt.u32 s19, $0x1FE  }
.Ltmp27:
0x4f3: {  	v2 =	vld [tilespmem:s3+$0x200];
	(pc) =	sbr.rel @p0 .LBB2_56-.Ltmp27, $4  }
0x4f4: {  	[tilespmem:s2+$0xA210] =	vst.add.f32.msk $0xffff, v3;
	s2 =	smov.u32 s3  }
0x4f5: {  	s6 =	sadd.s32 $0x100, s6;
	s11 =	sadd.s32 $0x4, s11;
	v3 =	vld [tilespmem:s2+$0x210]  }
0x4f6: {  	s15 =	sadd.s32 $0x20, s15;
	s25 =	sand.u32 $0x380, s11;
	s3 =	sand.u32 $0x1C00, s6  }
0x4f7: {  	s24 =	sand.u32 $0x60, s15;
	s3 =	sor.u32 s25, s3  }
0x4f8: {  	s3 =	sor.u32 s24, s3  }
0x4f9: {  	v4 =	vld [tilespmem:s3+$0x200]  }
0x4fa: {  	v5 =	vld [tilespmem:s3+$0x210];
	_ =	sdelay $0x1  }
0x4fb: {  	[tilespmem:s2+$0xA200] =	vst.add.f32.msk $0xffff, v2  }
0x4fc: {  	[tilespmem:s2+$0xA210] =	vst.add.f32.msk $0xffff, v3  }
0x4fd: {  	[tilespmem:s3+$0xA200] =	vst.add.f32.msk $0xffff, v4  }
0x4fe: {  	[tilespmem:s3+$0xA210] =	vst.add.f32.msk $0xffff, v5  }
0x4ff: {  	s3 =	sld [smem:$0x7FA];
	_ =	sdelay $0x1  }
0x500: {  	s24 =	simm.s32 $0x0  }
0x501: {  	[hbm4b:s3+s24] =	stream.linear.scatter [tilespmem:s12], [sflag:$0xE], $0x2000, $0x38;
	[tilespmem:$0x14200] =	vst v63  }
0x502: {  	_ =	swait.ge [sflag:s17], $0x2000  }
0x503: {  	[sflag:s17] =	ssyncset.done $0x0  }
0x504: {  	[sflag:s17] =	ssyncadd.s32 $0xFFFFE000  }
0x505: {  	_ =	swait.ge [sflag:s18], $0x2000  }
0x506: {  	[sflag:s18] =	ssyncset.done $0x0  }
0x507: {  	[sflag:s18] =	ssyncadd.s32 $0xFFFFE000  }
0x508: {  	_ =	swait.ge [sflag:s21], $0x2000  }
0x509: {  	[sflag:s21] =	ssyncset.done $0x0  }
0x50a: {  	[sflag:s21] =	ssyncadd.s32 $0xFFFFE000  }
0x50b: {  	_ =	swait.ge [sflag:s23], $0x2000  }
0x50c: {  	[sflag:s23] =	ssyncset.done $0x0  }
0x50d: {  	[sflag:s23] =	ssyncadd.s32 $0xFFFFE000  }
0x50e: {  	_ =	swait.ge [sflag:s9], $0x2000  }
0x50f: {  	[sflag:s9] =	ssyncset.done $0x0  }
0x510: {  	[sflag:s9] =	ssyncadd.s32 $0xFFFFE000  }
0x511: {  	s25 =	sand.u32 $0x1C00, s24;
	s6 =	sand.u32 $0x380, s24;
	_ =	swait.ge [sflag:s8], $0x2000  }
0x512: {  	s2 =	sand.u32 $0x60, s24;
	s3 =	sor.u32 s6, s25;
	[sflag:s8] =	ssyncset.done $0x0  }
0x513: {  	s2 =	sor.u32 s2, s3;
	[sflag:s8] =	ssyncadd.s32 $0xFFFFE000  }
0x514: {  	v2 =	vld [tilespmem:s2+$0x2200]  }
0x515: {  	s11 =	simm.s32 $0x4;
	s6 =	simm.s32 $0x100  }
0x516: {  	s15 =	simm.s32 $0x20;
	s25 =	sand.u32 $0x380, s11;
	s3 =	sand.u32 $0x1C00, s6;
	v3 =	vld [tilespmem:s2+$0x2210]  }
0x517: {  	s19 =	simm.s32 $0x2;
	s24 =	sand.u32 $0x60, s15;
	s3 =	sor.u32 s25, s3  }
.LBB2_58:
0x518: {  	s19 =	sadd.s32 $0x2, s19  }
0x519: {  	s3 =	sor.u32 s24, s3;
	[tilespmem:s2+$0xC200] =	vst.add.f32.msk $0xffff, v2;
	p0 =	slt.u32 s19, $0x1FE  }
.Ltmp28:
0x51a: {  	v2 =	vld [tilespmem:s3+$0x2200];
	(pc) =	sbr.rel @p0 .LBB2_58-.Ltmp28, $4  }
0x51b: {  	[tilespmem:s2+$0xC210] =	vst.add.f32.msk $0xffff, v3;
	s2 =	smov.u32 s3  }
0x51c: {  	s6 =	sadd.s32 $0x100, s6;
	s11 =	sadd.s32 $0x4, s11;
	v3 =	vld [tilespmem:s2+$0x2210]  }
0x51d: {  	s15 =	sadd.s32 $0x20, s15;
	s25 =	sand.u32 $0x380, s11;
	s3 =	sand.u32 $0x1C00, s6  }
0x51e: {  	s24 =	sand.u32 $0x60, s15;
	s3 =	sor.u32 s25, s3  }
0x51f: {  	s3 =	sor.u32 s24, s3  }
0x520: {  	v4 =	vld [tilespmem:s3+$0x2200]  }
0x521: {  	v5 =	vld [tilespmem:s3+$0x2210];
	_ =	sdelay $0x1  }
0x522: {  	[tilespmem:s2+$0xC200] =	vst.add.f32.msk $0xffff, v2  }
0x523: {  	[tilespmem:s2+$0xC210] =	vst.add.f32.msk $0xffff, v3  }
0x524: {  	[tilespmem:s3+$0xC200] =	vst.add.f32.msk $0xffff, v4  }
0x525: {  	[tilespmem:s3+$0xC210] =	vst.add.f32.msk $0xffff, v5  }
0x526: {  	s19 =	simm.s32 $0x0;
	s6 =	simm.s32 $0xC200;
	s3 =	rddreg [dreg:$0x1b]  }
0x527: {  	[hbm4b:s3+s19] =	stream.linear.scatter [tilespmem:s6], [sflag:$0xF], $0x2000, $0x38;
	[tilespmem:$0x14200] =	vst v63  }
0x528: {  	s24 =	sand.u32 $0x1C00, s19;
	s25 =	sand.u32 $0x380, s19;
	_ =	swait.ge [sflag:s28], $0x2000  }
0x529: {  	s2 =	sand.u32 $0x60, s19;
	s3 =	sor.u32 s25, s24;
	[sflag:s28] =	ssyncset.done $0x0  }
0x52a: {  	s2 =	sor.u32 s2, s3;
	[sflag:s28] =	ssyncadd.s32 $0xFFFFE000  }
0x52b: {  	v2 =	vld [tilespmem:s2+$0x2200]  }
0x52c: {  	s11 =	simm.s32 $0x4;
	s6 =	simm.s32 $0x100  }
0x52d: {  	s15 =	simm.s32 $0x20;
	s25 =	sand.u32 $0x380, s11;
	s3 =	sand.u32 $0x1C00, s6;
	v3 =	vld [tilespmem:s2+$0x2210]  }
0x52e: {  	s19 =	simm.s32 $0x2;
	s24 =	sand.u32 $0x60, s15;
	s3 =	sor.u32 s25, s3  }
.LBB2_60:
0x52f: {  	s19 =	sadd.s32 $0x2, s19  }
0x530: {  	s3 =	sor.u32 s24, s3;
	[tilespmem:s2+$0xE200] =	vst.add.f32.msk $0xffff, v2;
	p0 =	slt.u32 s19, $0x1FE  }
.Ltmp29:
0x531: {  	v2 =	vld [tilespmem:s3+$0x2200];
	(pc) =	sbr.rel @p0 .LBB2_60-.Ltmp29, $4  }
0x532: {  	[tilespmem:s2+$0xE210] =	vst.add.f32.msk $0xffff, v3;
	s2 =	smov.u32 s3  }
0x533: {  	s6 =	sadd.s32 $0x100, s6;
	s11 =	sadd.s32 $0x4, s11;
	v3 =	vld [tilespmem:s2+$0x2210]  }
0x534: {  	s15 =	sadd.s32 $0x20, s15;
	s25 =	sand.u32 $0x380, s11;
	s3 =	sand.u32 $0x1C00, s6  }
0x535: {  	s24 =	sand.u32 $0x60, s15;
	s3 =	sor.u32 s25, s3  }
0x536: {  	s3 =	sor.u32 s24, s3  }
0x537: {  	v4 =	vld [tilespmem:s3+$0x2200]  }
0x538: {  	v5 =	vld [tilespmem:s3+$0x2210];
	_ =	sdelay $0x1  }
0x539: {  	[tilespmem:s2+$0xE200] =	vst.add.f32.msk $0xffff, v2  }
0x53a: {  	[tilespmem:s2+$0xE210] =	vst.add.f32.msk $0xffff, v3  }
0x53b: {  	[tilespmem:s3+$0xE200] =	vst.add.f32.msk $0xffff, v4  }
0x53c: {  	[tilespmem:s3+$0xE210] =	vst.add.f32.msk $0xffff, v5  }
0x53d: {  	s3 =	sld [smem:$0x7FB];
	_ =	sdelay $0x1  }
0x53e: {  	s19 =	simm.s32 $0x0;
	s6 =	simm.s32 $0xE200  }
0x53f: {  	[hbm4b:s3+s19] =	stream.linear.scatter [tilespmem:s6], [sflag:$0x10], $0x2000, $0x38;
	[tilespmem:$0x14200] =	vst v63  }
0x540: {  	s24 =	sand.u32 $0x1C00, s19;
	s25 =	sand.u32 $0x380, s19;
	_ =	swait.ge [sflag:s20], $0x2000  }
0x541: {  	s2 =	sand.u32 $0x60, s19;
	s3 =	sor.u32 s25, s24;
	[sflag:s20] =	ssyncset.done $0x0  }
0x542: {  	s2 =	sor.u32 s2, s3;
	[sflag:s20] =	ssyncadd.s32 $0xFFFFE000  }
0x543: {  	v2 =	vld [tilespmem:s2+$0x2200]  }
0x544: {  	s11 =	simm.s32 $0x4;
	s6 =	simm.s32 $0x100  }
0x545: {  	s15 =	simm.s32 $0x20;
	s25 =	sand.u32 $0x380, s11;
	s3 =	sand.u32 $0x1C00, s6;
	v3 =	vld [tilespmem:s2+$0x2210]  }
0x546: {  	s19 =	simm.s32 $0x2;
	s24 =	sand.u32 $0x60, s15;
	s3 =	sor.u32 s25, s3  }
.LBB2_62:
0x547: {  	s19 =	sadd.s32 $0x2, s19  }
0x548: {  	s3 =	sor.u32 s24, s3;
	[tilespmem:s2+$0x10200] =	vst.add.f32.msk $0xffff, v2;
	p0 =	slt.u32 s19, $0x1FE  }
.Ltmp30:
0x549: {  	v2 =	vld [tilespmem:s3+$0x2200];
	(pc) =	sbr.rel @p0 .LBB2_62-.Ltmp30, $4  }
0x54a: {  	[tilespmem:s2+$0x10210] =	vst.add.f32.msk $0xffff, v3;
	s2 =	smov.u32 s3  }
0x54b: {  	s6 =	sadd.s32 $0x100, s6;
	s11 =	sadd.s32 $0x4, s11;
	v3 =	vld [tilespmem:s2+$0x2210]  }
0x54c: {  	s15 =	sadd.s32 $0x20, s15;
	s25 =	sand.u32 $0x380, s11;
	s3 =	sand.u32 $0x1C00, s6  }
0x54d: {  	s24 =	sand.u32 $0x60, s15;
	s3 =	sor.u32 s25, s3  }
0x54e: {  	s3 =	sor.u32 s24, s3  }
0x54f: {  	v4 =	vld [tilespmem:s3+$0x2200]  }
0x550: {  	v5 =	vld [tilespmem:s3+$0x2210];
	_ =	sdelay $0x1  }
0x551: {  	[tilespmem:s2+$0x10200] =	vst.add.f32.msk $0xffff, v2  }
0x552: {  	[tilespmem:s2+$0x10210] =	vst.add.f32.msk $0xffff, v3  }
0x553: {  	[tilespmem:s3+$0x10200] =	vst.add.f32.msk $0xffff, v4  }
0x554: {  	[tilespmem:s3+$0x10210] =	vst.add.f32.msk $0xffff, v5  }
0x555: {  	s3 =	sld [smem:$0x7FC];
	_ =	sdelay $0x1  }
0x556: {  	s19 =	simm.s32 $0x0;
	s6 =	simm.s32 $0x10200  }
0x557: {  	[hbm4b:s3+s19] =	stream.linear.scatter [tilespmem:s6], [sflag:$0x11], $0x2000, $0x38;
	[tilespmem:$0x14200] =	vst v63  }
0x558: {  	s24 =	sand.u32 $0x1C00, s19;
	s25 =	sand.u32 $0x380, s19;
	_ =	swait.ge [sflag:s0], $0x2000  }
0x559: {  	s2 =	sand.u32 $0x60, s19;
	s3 =	sor.u32 s25, s24;
	[sflag:s0] =	ssyncset.done $0x0  }
0x55a: {  	s2 =	sor.u32 s2, s3;
	[sflag:s0] =	ssyncadd.s32 $0xFFFFE000  }
0x55b: {  	v2 =	vld [tilespmem:s2+$0x2200]  }
0x55c: {  	s11 =	simm.s32 $0x4;
	s6 =	simm.s32 $0x100  }
0x55d: {  	s15 =	simm.s32 $0x20;
	s25 =	sand.u32 $0x380, s11;
	s3 =	sand.u32 $0x1C00, s6;
	v3 =	vld [tilespmem:s2+$0x2210]  }
0x55e: {  	s19 =	simm.s32 $0x2;
	s24 =	sand.u32 $0x60, s15;
	s3 =	sor.u32 s25, s3  }
.LBB2_64:
0x55f: {  	s19 =	sadd.s32 $0x2, s19  }
0x560: {  	s3 =	sor.u32 s24, s3;
	[tilespmem:s2+$0x12200] =	vst.add.f32.msk $0xffff, v2;
	p0 =	slt.u32 s19, $0x1FE  }
.Ltmp31:
0x561: {  	v2 =	vld [tilespmem:s3+$0x2200];
	(pc) =	sbr.rel @p0 .LBB2_64-.Ltmp31, $4  }
0x562: {  	[tilespmem:s2+$0x12210] =	vst.add.f32.msk $0xffff, v3;
	s2 =	smov.u32 s3  }
0x563: {  	s6 =	sadd.s32 $0x100, s6;
	s11 =	sadd.s32 $0x4, s11;
	v3 =	vld [tilespmem:s2+$0x2210]  }
0x564: {  	s15 =	sadd.s32 $0x20, s15;
	s25 =	sand.u32 $0x380, s11;
	s3 =	sand.u32 $0x1C00, s6  }
0x565: {  	s24 =	sand.u32 $0x60, s15;
	s3 =	sor.u32 s25, s3  }
0x566: {  	s3 =	sor.u32 s24, s3  }
0x567: {  	v4 =	vld [tilespmem:s3+$0x2200]  }
0x568: {  	v5 =	vld [tilespmem:s3+$0x2210];
	_ =	sdelay $0x1  }
0x569: {  	[tilespmem:s2+$0x12200] =	vst.add.f32.msk $0xffff, v2  }
0x56a: {  	[tilespmem:s2+$0x12210] =	vst.add.f32.msk $0xffff, v3  }
0x56b: {  	[tilespmem:s3+$0x12200] =	vst.add.f32.msk $0xffff, v4  }
0x56c: {  	[tilespmem:s3+$0x12210] =	vst.add.f32.msk $0xffff, v5  }
0x56d: {  	s2 =	sld [smem:$0x7FD];
	_ =	sdelay $0x1  }
0x56e: {  	s6 =	simm.s32 $0x12200  }
0x56f: {  	[hbm4b:s2+s1] =	stream.linear.scatter [tilespmem:s6], [sflag:$0x12], $0x2000, $0x38;
	[tilespmem:$0x14200] =	vst v63  }
0x570: {  	_ =	swait.ge [sflag:s4], $0x2000  }
0x571: {  	[sflag:s4] =	ssyncset.done $0x0  }
0x572: {  	[sflag:s4] =	ssyncadd.s32 $0xFFFFE000  }
0x573: {  	_ =	swait.ge [sflag:s5], $0x2000  }
0x574: {  	[sflag:s5] =	ssyncset.done $0x0  }
0x575: {  	[sflag:s5] =	ssyncadd.s32 $0xFFFFE000  }
0x576: {  	_ =	swait.ge [sflag:s7], $0x2000  }
0x577: {  	[sflag:s7] =	ssyncset.done $0x0  }
0x578: {  	[sflag:s7] =	ssyncadd.s32 $0xFFFFE000  }
0x579: {  	_ =	swait.ge [sflag:s10], $0x2000  }
0x57a: {  	s26 =	sadd.s32 $0x1, s26;
	s25 =	rddreg [dreg:$0x1c]  }
0x57b: {  	p0 =	sne.s32 s26, s25  }
.Ltmp32:
0x57c: {  	_ = 	snop;
	(pc) =	sbr.rel @p0 .LBB2_1-.Ltmp32, $3  }
0x57d: {  	_ =	sdelay $0x1  }
0x57e: {  	[sflag:s10] =	ssyncset.done $0x0  }
0x57f: {  	[sflag:s10] =	ssyncadd.s32 $0xFFFFE000  }
0x580: {  	_ =	sfence.sel $0x180000  }
0x581: {  	[bflag:$0x0] =	sbarrier.arrive $0xFFFF  }
0x582: {  	_ =	strace $0x90000047  }
0x583: {  	s0 =	stileid.u32;
	[bflag:$0x2] =	sbarrier.arrive $0xFFFF  }
0x584: {  	p0 =	sne.s32 s0, $0x0;
	s0 =	rddreg [dreg:$0x4]  }
0x585: {  	s0 =	sadd.s32 @!p0 $0x100000, s0  }
0x586: {  	[sflag:s0] =	ssyncadd.tile.s32 @!p0 $0x1;
	_ =	shalt  }
.Lfunc_end2:
_tile_overlayer_lowered:
.L_overlay_start_2:
0x587: {  	(tag) =	ssettag $0x2  }
0x588: {  	s0 =	rddreg [dreg:$0x0];
	s2 =	stileid.u32  }
0x589: {  	s1 =	rddreg [dreg:$0x1];
	p0 =	sne.s32 s2, $0x0  }
0x58a: {  	s3 =	rddreg [dreg:$0x2];
	[bflag:$0x3] =	sbarrier.arrive $0xFFFF;
	s2 =	simm.s32 @!p0 $0x1C13  }
0x58b: {  	[timem:s3], [sflag:s2] =	dma.local @!p0 [hbm:s0], s1  }
0x58c: {  	s0 =	simm.s32 @!p0 $0x13  }
0x58d: {  	_ =	swait.ge @!p0 [sflag:s0], s1  }
0x58e: {  	s1 =	ssub.s32 @!p0 $0x0, s1;
	[sflag:s0] =	ssyncset.done @!p0 $0x0  }
0x58f: {  	[sflag:s0] =	ssyncadd.s32 @!p0 s1  }
0x590: {  	[bflag:$0x3] =	sbarrier.arrive $0xFFFF  }
0x591: {  	_ =	shalt  }

</sc_bundles>
